<compile_context>
chip_gen: v7x
topology: tpu7x:2x2x1
jax: 0.10.2.dev20260603
libtpu: 0.0.44.dev20260713+nightly
codegen_flags: <defaults>
</compile_context>

<pallas_src>
import functools
import math

import jax
import jax.numpy as jnp
from jax import lax
from jax.experimental import pallas as pl
from jax.experimental.pallas import tpu as pltpu
from jax.experimental.pallas import tpu_sc as plsc

N = 10000
E = 320000
D = 128
L = 3

NC = 2
NS = 16
NW = NC * NS
EPW = E // NW
CHUNK = 80
NCHUNK = EPW // CHUNK
NRB = 3
NIB = 6
UNIT = 80
NUNITS = N // UNIT
assert EPW % CHUNK == 0 and N % UNIT == 0 and UNIT <= CHUNK

BLK = 1000


def _segment_sum_partials(h, src, dst):
    mesh = plsc.VectorSubcoreMesh(core_axis_name="c", subcore_axis_name="s")

    @functools.partial(
        pl.kernel,
        mesh=mesh,
        out_type=jax.ShapeDtypeStruct((NC, N, D), jnp.float32),
        scratch_types=[
            pltpu.VMEM((NIB, 2, CHUNK), jnp.int32),
            pltpu.VMEM((NRB, CHUNK, D), jnp.float32),
            pltpu.VMEM_SHARED((N, D), jnp.float32),
            [pltpu.SemaphoreType.DMA] * NIB,
            [pltpu.SemaphoreType.DMA] * NRB,
            [pltpu.SemaphoreType.DMA] * NRB,
        ],
    )
    def seg_kernel(h_hbm, src_hbm, dst_hbm, out_hbm,
                   idx_v, rows_v, agg_sh, isems, gsems, ssems):
        c = lax.axis_index("c")
        s = lax.axis_index("s")
        base = (c * NS + s) * EPW
        nu = jnp.where(s < NUNITS - NS * (NUNITS // NS), NUNITS // NS + 1,
                       NUNITS // NS)

        def zfill(i, carry):
            for g in range(D // 16):
                rows_v[0, i, pl.ds(g * 16, 16)] = jnp.zeros((16,), jnp.float32)
            return carry

        lax.fori_loop(0, UNIT, zfill, 0)

        def zcopy(k, carry):
            pltpu.sync_copy(rows_v.at[0, pl.ds(0, UNIT)],
                            agg_sh.at[pl.ds((s + NS * k) * UNIT, UNIT)])
            return carry

        lax.fori_loop(0, nu, zcopy, 0)

        plsc.subcore_barrier()

        def idx_load(j, q):
            off = base + j * CHUNK
            pltpu.async_copy(src_hbm.at[pl.ds(off, CHUNK)],
                             idx_v.at[q, 0], isems[q])
            pltpu.async_copy(dst_hbm.at[pl.ds(off, CHUNK)],
                             idx_v.at[q, 1], isems[q])

        def idx_wait(j, q):
            off = base + j * CHUNK
            pltpu.make_async_copy(src_hbm.at[pl.ds(off, CHUNK)],
                                  idx_v.at[q, 0], isems[q]).wait()
            pltpu.make_async_copy(dst_hbm.at[pl.ds(off, CHUNK)],
                                  idx_v.at[q, 1], isems[q]).wait()

        def gather(q, r):
            pltpu.async_copy(h_hbm.at[idx_v.at[q, 0]], rows_v.at[r],
                             gsems[r])

        def gather_wait(q, r):
            pltpu.make_async_copy(h_hbm.at[idx_v.at[q, 0]], rows_v.at[r],
                                  gsems[r]).wait()

        def scatter(q, r):
            pltpu.async_copy(rows_v.at[r], agg_sh.at[idx_v.at[q, 1]],
                             ssems[r], add=False)

        def scatter_wait(q, r):
            pltpu.make_async_copy(rows_v.at[r], agg_sh.at[idx_v.at[q, 1]],
                                  ssems[r]).wait()

        def step(j, q, r, first=False):
            gather_wait(q, r)

            @pl.when(j + NRB - 1 < NCHUNK)
            def _():
                idx_wait(j + NRB - 1, (q + NRB - 1) % NIB)
                gather((q + NRB - 1) % NIB, (r + NRB - 1) % NRB)

            @pl.when(j + NIB - 2 < NCHUNK)
            def _():
                idx_load(j + NIB - 2, (q + NIB - 2) % NIB)

        for q in range(NIB - 2):
            idx_load(q, q)
        for t in range(NRB - 1):
            idx_wait(t, t)
            gather(t, t)

        JS = NRB - 1
        UNROLL = NRB * NIB // math.gcd(NRB, NIB)
        for j in range(JS):
            step(j, j % NIB, j % NRB, first=(j == 0))

        def main_body(k, carry):
            j0 = JS + UNROLL * k
            for i in range(UNROLL):
                step(j0 + i, (JS + i) % NIB, (JS + i) % NRB)
            return carry

        n_main = (NCHUNK - JS) // UNROLL
        lax.fori_loop(0, n_main, main_body, 0)
        for j in range(JS + UNROLL * n_main, NCHUNK):
            step(j, j % NIB, j % NRB)


        plsc.subcore_barrier()

        def wcopy(k, carry):
            off = (s + NS * k) * UNIT
            pltpu.sync_copy(agg_sh.at[pl.ds(off, UNIT)],
                            out_hbm.at[c, pl.ds(off, UNIT)])
            return carry

        lax.fori_loop(0, nu, wcopy, 0)

    return seg_kernel(h, src, dst)


def _mm_body(x_ref, w_ref, o_ref):
    o_ref[...] = jnp.dot(x_ref[...], w_ref[...],
                         preferred_element_type=jnp.float32)


def _message_mm(x, w):
    return pl.pallas_call(
        _mm_body,
        grid=(N // BLK,),
        in_specs=[
            pl.BlockSpec((BLK, D), lambda i: (i, 0)),
            pl.BlockSpec((D, D), lambda i: (0, 0)),
        ],
        out_specs=pl.BlockSpec((BLK, D), lambda i: (i, 0)),
        out_shape=jax.ShapeDtypeStruct((N, D), jnp.float32),
    )(x, w)


def _gru_body(p_ref, h_ref, wih_ref, whh_ref, bih_ref, bhh_ref, wn_ref,
              hy_ref, mn_ref):
    agg = p_ref[0] + p_ref[1]
    h = h_ref[...]
    cdims = (((1,), (1,)), ((), ()))
    gi = lax.dot_general(agg, wih_ref[...], cdims,
                         preferred_element_type=jnp.float32) + bih_ref[...]
    gh = lax.dot_general(h, whh_ref[...], cdims,
                         preferred_element_type=jnp.float32) + bhh_ref[...]
    r = jax.nn.sigmoid(gi[:, :D] + gh[:, :D])
    z = jax.nn.sigmoid(gi[:, D:2 * D] + gh[:, D:2 * D])
    n = jnp.tanh(gi[:, 2 * D:] + r * gh[:, 2 * D:])
    hy = (1.0 - z) * n + z * h
    hy_ref[...] = hy
    mn_ref[...] = jnp.dot(hy, wn_ref[...], preferred_element_type=jnp.float32)


def _gru_layer(p, h, w_ih, w_hh, bih, bhh, w_next):
    return pl.pallas_call(
        _gru_body,
        grid=(N // BLK,),
        in_specs=[
            pl.BlockSpec((2, BLK, D), lambda i: (0, i, 0)),
            pl.BlockSpec((BLK, D), lambda i: (i, 0)),
            pl.BlockSpec((3 * D, D), lambda i: (0, 0)),
            pl.BlockSpec((3 * D, D), lambda i: (0, 0)),
            pl.BlockSpec((1, 3 * D), lambda i: (0, 0)),
            pl.BlockSpec((1, 3 * D), lambda i: (0, 0)),
            pl.BlockSpec((D, D), lambda i: (0, 0)),
        ],
        out_specs=[
            pl.BlockSpec((BLK, D), lambda i: (i, 0)),
            pl.BlockSpec((BLK, D), lambda i: (i, 0)),
        ],
        out_shape=[
            jax.ShapeDtypeStruct((N, D), jnp.float32),
            jax.ShapeDtypeStruct((N, D), jnp.float32),
        ],
    )(p, h, w_ih, w_hh, bih, bhh, w_next)


def kernel(x_encoded, edge_index, mapping_idx, weight, w_ih, w_hh, b_ih, b_hh):
    del mapping_idx
    bih = b_ih.reshape(1, 3 * D)
    bhh = b_hh.reshape(1, 3 * D)
    src = edge_index[0]
    dst = edge_index[1]

    h = x_encoded
    m = _message_mm(x_encoded, weight[0])
    for i in range(L):
        p = _segment_sum_partials(m, src, dst)
        h, m = _gru_layer(p, h, w_ih, w_hh, bih, bhh, weight[(i + 1) % L])
    return h

# --- scband reference (transcript-rebuilt; emitter-appended) ---
"""Pipeline reference for scband-gloryserver-25494925869146 (READ-ONLY COPY).

The authoritative reference and input builder live on the scoring server;
editing this copy changes nothing except your own understanding.
"""

import jax, jax.numpy as jnp
import numpy as np

N = 10000
E = 320000
D = 128  # news_dim = head_num * head_dim = 16 * 8
L = 3    # GatedGraphConv num_layers


def setup_inputs(seed: int = 0) -> dict:
    key = jax.random.key(seed)
    ks = jax.random.split(key, 8)
    x_encoded = jax.random.normal(ks[0], (N, D), dtype=jnp.float32)
    edge_index = jax.random.randint(ks[1], (2, E), 0, N, dtype=jnp.int32)
    mapping_idx = jax.random.randint(ks[2], (N,), 0, N, dtype=jnp.int32)
    # GatedGraphConv parameters
    weight = jax.random.normal(ks[3], (L, D, D), dtype=jnp.float32) * (1.0 / np.sqrt(D))
    # GRUCell parameters (torch layout: [3*hidden, in] with gate order r, z, n)
    w_ih = jax.random.normal(ks[4], (3 * D, D), dtype=jnp.float32) * (1.0 / np.sqrt(D))
    w_hh = jax.random.normal(ks[5], (3 * D, D), dtype=jnp.float32) * (1.0 / np.sqrt(D))
    b_ih = jnp.zeros((3 * D,), dtype=jnp.float32)
    b_hh = jnp.zeros((3 * D,), dtype=jnp.float32)
    return {
        "x_encoded": x_encoded,
        "edge_index": edge_index,
        "mapping_idx": mapping_idx,
        "weight": weight,
        "w_ih": w_ih,
        "w_hh": w_hh,
        "b_ih": b_ih,
        "b_hh": b_hh,
    }


def _gru_cell(m, h, w_ih, w_hh, b_ih, b_hh):
    gi = m @ w_ih.T + b_ih
    gh = h @ w_hh.T + b_hh
    i_r, i_z, i_n = jnp.split(gi, 3, axis=-1)
    h_r, h_z, h_n = jnp.split(gh, 3, axis=-1)
    r = jax.nn.sigmoid(i_r + h_r)
    z = jax.nn.sigmoid(i_z + h_z)
    n = jnp.tanh(i_n + r * h_n)
    return (1.0 - z) * n + z * h


def reference(x_encoded, edge_index, mapping_idx, weight, w_ih, w_hh, b_ih, b_hh):
    # GatedGraphConv(out_channels=D, num_layers=3, aggr='add')
    # PyG flow source_to_target: x_j = x[edge_index[0]], aggregate at edge_index[1]
    src = edge_index[0]
    dst = edge_index[1]
    h = x_encoded  # in_channels == out_channels, no zero-padding needed
    for i in range(L):
        m = h @ weight[i]
        agg = jax.ops.segment_sum(m[src], dst, num_segments=N)
        h = _gru_cell(agg, h, w_ih, w_hh, b_ih, b_hh)
    graph_emb = h
    return graph_emb

if __name__ == "__main__":
    import jax
    _d = setup_inputs()
    print(jax.jit(kernel)(*tuple(_d.values())))

</pallas_src>

<mosaic_0001>
#map = affine_map<(d0, d1) -> (0, 0)>
#map1 = affine_map<(d0, d1) -> (0)>
#map2 = affine_map<(d0, d1) -> (0, 0, 0)>
module attributes {stable_mosaic.version = 14 : i64} {
  func.func @seg_kernel(%arg0: i32, %arg1: i32, %arg2: memref<10000x128xf32, #tpu.memory_space<hbm>>, %arg3: memref<320000xi32, #tpu.memory_space<hbm>>, %arg4: memref<320000xi32, #tpu.memory_space<hbm>>, %arg5: memref<2x10000x128xf32, #tpu.memory_space<hbm>>, %arg6: memref<6x2x80xi32, #tpu.memory_space<vmem>>, %arg7: memref<3x80x128xf32, #tpu.memory_space<vmem>>, %arg8: memref<10000x128xf32, #tpu.memory_space<vmem_shared>>, %arg9: memref<!tpu.dma_semaphore, #tpu.memory_space<semaphore_mem>>, %arg10: memref<!tpu.dma_semaphore, #tpu.memory_space<semaphore_mem>>, %arg11: memref<!tpu.dma_semaphore, #tpu.memory_space<semaphore_mem>>, %arg12: memref<!tpu.dma_semaphore, #tpu.memory_space<semaphore_mem>>, %arg13: memref<!tpu.dma_semaphore, #tpu.memory_space<semaphore_mem>>, %arg14: memref<!tpu.dma_semaphore, #tpu.memory_space<semaphore_mem>>, %arg15: memref<!tpu.dma_semaphore, #tpu.memory_space<semaphore_mem>>, %arg16: memref<!tpu.dma_semaphore, #tpu.memory_space<semaphore_mem>>, %arg17: memref<!tpu.dma_semaphore, #tpu.memory_space<semaphore_mem>>, %arg18: memref<!tpu.dma_semaphore, #tpu.memory_space<semaphore_mem>>, %arg19: memref<!tpu.dma_semaphore, #tpu.memory_space<semaphore_mem>>, %arg20: memref<!tpu.dma_semaphore, #tpu.memory_space<semaphore_mem>>) attributes {dimension_semantics = [#tpu.dimension_semantics<core_parallel>, #tpu.dimension_semantics<subcore_parallel>], iteration_bounds = array<i64: 2, 16>, scalar_prefetch = 0 : i64, scratch_operands = 15 : i64, tpu.core_type = #tpu.core_type<sc_vector_subcore>, window_params = [{transform_indices = #map}, {transform_indices = #map1}, {transform_indices = #map1}, {transform_indices = #map2}]} {
    %mul3A = arith.constant 16 : i32
    %mul3A_0 = arith.muli %arg0, %mul3A : i32
    %add3A = arith.addi %mul3A_0, %arg1 : i32
    %mul3A_1 = arith.constant 10000 : i32
    %mul3A_2 = arith.muli %add3A, %mul3A_1 : i32
    %lt3A = arith.constant 13 : i32
    %lt3A_3 = arith.cmpi slt, %arg1, %lt3A : i32
    %jit3A = arith.constant 8 : i32
    %jit3A_4 = arith.constant 7 : i32
    %select_n3A = arith.select %lt3A_3, %jit3A, %jit3A_4 : i32
    %scan3A = arith.constant 0 : i32
    %scan3A_5 = arith.constant 0 : i32
    %scan3A_6 = arith.constant 80 : i32
    %scan3A_7 = arith.addi %scan3A_5, %scan3A_6 : i32
    %scan3A_8 = arith.constant 1 : i32
    scf.for %scan3A_406 = %scan3A_5 to %scan3A_7 step %scan3A_8  : i32 {
      %broadcast_in_dim3A = arith.constant 0.000000e+00 : f32
      %broadcast_in_dim3A_407 = vector.broadcast %broadcast_in_dim3A : f32 to vector<16xf32>
      %swap3A = arith.constant 0 : i32
      %swap3A_408 = arith.index_cast %swap3A : i32 to index
      %swap3A_409 = arith.index_cast %scan3A_406 : i32 to index
      %swap3A_410 = arith.constant 0 : index
      %swap3A_411 = tpu.vector_load %arg7[%swap3A_408, %swap3A_409, %swap3A_410] {strides = array<i32>} : memref<3x80x128xf32, #tpu.memory_space<vmem>>, vector<1x1x16xf32>,
      %swap3A_412 = vector.shape_cast %swap3A_411 : vector<1x1x16xf32> to vector<16xf32>
      %swap3A_413 = vector.shape_cast %broadcast_in_dim3A_407 : vector<16xf32> to vector<1x1x16xf32>
      tpu.vector_store %arg7[%swap3A_408, %swap3A_409, %swap3A_410], %swap3A_413 {strides = array<i32>} : memref<3x80x128xf32, #tpu.memory_space<vmem>>, vector<1x1x16xf32>,
      %broadcast_in_dim3A_414 = arith.constant 0.000000e+00 : f32
      %broadcast_in_dim3A_415 = vector.broadcast %broadcast_in_dim3A_414 : f32 to vector<16xf32>
      %swap3A_416 = arith.constant 0 : i32
      %swap3A_417 = arith.index_cast %swap3A_416 : i32 to index
      %swap3A_418 = arith.index_cast %scan3A_406 : i32 to index
      %swap3A_419 = arith.constant 16 : index
      %swap3A_420 = tpu.vector_load %arg7[%swap3A_417, %swap3A_418, %swap3A_419] {strides = array<i32>} : memref<3x80x128xf32, #tpu.memory_space<vmem>>, vector<1x1x16xf32>,
      %swap3A_421 = vector.shape_cast %swap3A_420 : vector<1x1x16xf32> to vector<16xf32>
      %swap3A_422 = vector.shape_cast %broadcast_in_dim3A_415 : vector<16xf32> to vector<1x1x16xf32>
      tpu.vector_store %arg7[%swap3A_417, %swap3A_418, %swap3A_419], %swap3A_422 {strides = array<i32>} : memref<3x80x128xf32, #tpu.memory_space<vmem>>, vector<1x1x16xf32>,
      %broadcast_in_dim3A_423 = arith.constant 0.000000e+00 : f32
      %broadcast_in_dim3A_424 = vector.broadcast %broadcast_in_dim3A_423 : f32 to vector<16xf32>
      %swap3A_425 = arith.constant 0 : i32
      %swap3A_426 = arith.index_cast %swap3A_425 : i32 to index
      %swap3A_427 = arith.index_cast %scan3A_406 : i32 to index
      %swap3A_428 = arith.constant 32 : index
      %swap3A_429 = tpu.vector_load %arg7[%swap3A_426, %swap3A_427, %swap3A_428] {strides = array<i32>} : memref<3x80x128xf32, #tpu.memory_space<vmem>>, vector<1x1x16xf32>,
      %swap3A_430 = vector.shape_cast %swap3A_429 : vector<1x1x16xf32> to vector<16xf32>
      %swap3A_431 = vector.shape_cast %broadcast_in_dim3A_424 : vector<16xf32> to vector<1x1x16xf32>
      tpu.vector_store %arg7[%swap3A_426, %swap3A_427, %swap3A_428], %swap3A_431 {strides = array<i32>} : memref<3x80x128xf32, #tpu.memory_space<vmem>>, vector<1x1x16xf32>,
      %broadcast_in_dim3A_432 = arith.constant 0.000000e+00 : f32
      %broadcast_in_dim3A_433 = vector.broadcast %broadcast_in_dim3A_432 : f32 to vector<16xf32>
      %swap3A_434 = arith.constant 0 : i32
      %swap3A_435 = arith.index_cast %swap3A_434 : i32 to index
      %swap3A_436 = arith.index_cast %scan3A_406 : i32 to index
      %swap3A_437 = arith.constant 48 : index
      %swap3A_438 = tpu.vector_load %arg7[%swap3A_435, %swap3A_436, %swap3A_437] {strides = array<i32>} : memref<3x80x128xf32, #tpu.memory_space<vmem>>, vector<1x1x16xf32>,
      %swap3A_439 = vector.shape_cast %swap3A_438 : vector<1x1x16xf32> to vector<16xf32>
      %swap3A_440 = vector.shape_cast %broadcast_in_dim3A_433 : vector<16xf32> to vector<1x1x16xf32>
      tpu.vector_store %arg7[%swap3A_435, %swap3A_436, %swap3A_437], %swap3A_440 {strides = array<i32>} : memref<3x80x128xf32, #tpu.memory_space<vmem>>, vector<1x1x16xf32>,
      %broadcast_in_dim3A_441 = arith.constant 0.000000e+00 : f32
      %broadcast_in_dim3A_442 = vector.broadcast %broadcast_in_dim3A_441 : f32 to vector<16xf32>
      %swap3A_443 = arith.constant 0 : i32
      %swap3A_444 = arith.index_cast %swap3A_443 : i32 to index
      %swap3A_445 = arith.index_cast %scan3A_406 : i32 to index
      %swap3A_446 = arith.constant 64 : index
      %swap3A_447 = tpu.vector_load %arg7[%swap3A_444, %swap3A_445, %swap3A_446] {strides = array<i32>} : memref<3x80x128xf32, #tpu.memory_space<vmem>>, vector<1x1x16xf32>,
      %swap3A_448 = vector.shape_cast %swap3A_447 : vector<1x1x16xf32> to vector<16xf32>
      %swap3A_449 = vector.shape_cast %broadcast_in_dim3A_442 : vector<16xf32> to vector<1x1x16xf32>
      tpu.vector_store %arg7[%swap3A_444, %swap3A_445, %swap3A_446], %swap3A_449 {strides = array<i32>} : memref<3x80x128xf32, #tpu.memory_space<vmem>>, vector<1x1x16xf32>,
      %broadcast_in_dim3A_450 = arith.constant 0.000000e+00 : f32
      %broadcast_in_dim3A_451 = vector.broadcast %broadcast_in_dim3A_450 : f32 to vector<16xf32>
      %swap3A_452 = arith.constant 0 : i32
      %swap3A_453 = arith.index_cast %swap3A_452 : i32 to index
      %swap3A_454 = arith.index_cast %scan3A_406 : i32 to index
      %swap3A_455 = arith.constant 80 : index
      %swap3A_456 = tpu.vector_load %arg7[%swap3A_453, %swap3A_454, %swap3A_455] {strides = array<i32>} : memref<3x80x128xf32, #tpu.memory_space<vmem>>, vector<1x1x16xf32>,
      %swap3A_457 = vector.shape_cast %swap3A_456 : vector<1x1x16xf32> to vector<16xf32>
      %swap3A_458 = vector.shape_cast %broadcast_in_dim3A_451 : vector<16xf32> to vector<1x1x16xf32>
      tpu.vector_store %arg7[%swap3A_453, %swap3A_454, %swap3A_455], %swap3A_458 {strides = array<i32>} : memref<3x80x128xf32, #tpu.memory_space<vmem>>, vector<1x1x16xf32>,
      %broadcast_in_dim3A_459 = arith.constant 0.000000e+00 : f32
      %broadcast_in_dim3A_460 = vector.broadcast %broadcast_in_dim3A_459 : f32 to vector<16xf32>
      %swap3A_461 = arith.constant 0 : i32
      %swap3A_462 = arith.index_cast %swap3A_461 : i32 to index
      %swap3A_463 = arith.index_cast %scan3A_406 : i32 to index
      %swap3A_464 = arith.constant 96 : index
      %swap3A_465 = tpu.vector_load %arg7[%swap3A_462, %swap3A_463, %swap3A_464] {strides = array<i32>} : memref<3x80x128xf32, #tpu.memory_space<vmem>>, vector<1x1x16xf32>,
      %swap3A_466 = vector.shape_cast %swap3A_465 : vector<1x1x16xf32> to vector<16xf32>
      %swap3A_467 = vector.shape_cast %broadcast_in_dim3A_460 : vector<16xf32> to vector<1x1x16xf32>
      tpu.vector_store %arg7[%swap3A_462, %swap3A_463, %swap3A_464], %swap3A_467 {strides = array<i32>} : memref<3x80x128xf32, #tpu.memory_space<vmem>>, vector<1x1x16xf32>,
      %broadcast_in_dim3A_468 = arith.constant 0.000000e+00 : f32
      %broadcast_in_dim3A_469 = vector.broadcast %broadcast_in_dim3A_468 : f32 to vector<16xf32>
      %swap3A_470 = arith.constant 0 : i32
      %swap3A_471 = arith.index_cast %swap3A_470 : i32 to index
      %swap3A_472 = arith.index_cast %scan3A_406 : i32 to index
      %swap3A_473 = arith.constant 112 : index
      %swap3A_474 = tpu.vector_load %arg7[%swap3A_471, %swap3A_472, %swap3A_473] {strides = array<i32>} : memref<3x80x128xf32, #tpu.memory_space<vmem>>, vector<1x1x16xf32>,
      %swap3A_475 = vector.shape_cast %swap3A_474 : vector<1x1x16xf32> to vector<16xf32>
      %swap3A_476 = vector.shape_cast %broadcast_in_dim3A_469 : vector<16xf32> to vector<1x1x16xf32>
      tpu.vector_store %arg7[%swap3A_471, %swap3A_472, %swap3A_473], %swap3A_476 {strides = array<i32>} : memref<3x80x128xf32, #tpu.memory_space<vmem>>, vector<1x1x16xf32>,
    }
    %scan3A_9 = arith.constant 80 : i32
    %while3A = arith.constant 0 : i32
    %while3A_10 = arith.constant 0 : i32
    %while3A_11 = arith.subi %select_n3A, %while3A_10 : i32
    %while3A_12 = arith.addi %while3A_10, %while3A_11 : i32
    %while3A_13 = arith.constant 1 : i32
    %while3A_14 = arith.divsi %while3A_11, %while3A_13 : i32
    %while3A_15 = arith.muli %while3A_14, %while3A_13 : i32
    %while3A_16 = arith.addi %while3A_10, %while3A_15 : i32
    %while3A_17 = arith.constant 1 : i32
    scf.for %while3A_406 = %while3A_10 to %while3A_16 step %while3A_17  : i32 {
      %mul3A_407 = arith.constant 16 : i32
      %mul3A_408 = arith.muli %mul3A_407, %while3A_406 : i32
      %add3A_409 = arith.addi %arg1, %mul3A_408 : i32
      %mul3A_410 = arith.constant 80 : i32
      %mul3A_411 = arith.muli %add3A_409, %mul3A_410 : i32
      %run_scoped3A = arith.constant 0 : i32
      "tpu.region"() ({
        %run_scoped3A_412 = tpu.sem_alloc : memref<!tpu.dma_semaphore, #tpu.memory_space<semaphore_mem>>
        %dma_start3A_413 = arith.constant 0 : i32
        %dma_start3A_414 = arith.constant 0 : i32
        %dma_start3A_415 = tpu.memref_slice %arg7[%run_scoped3A, %dma_start3A_413, %dma_start3A_414] : memref<3x80x128xf32, #tpu.memory_space<vmem>> -> memref<1x80x128xf32, #tpu.memory_space<vmem>>
        %dma_start3A_416 = tpu.memref_squeeze %dma_start3A_415 : memref<1x80x128xf32, #tpu.memory_space<vmem>> -> memref<80x128xf32, #tpu.memory_space<vmem>>
        %dma_start3A_417 = arith.constant 0 : i32
        %dma_start3A_418 = tpu.memref_slice %arg8[%mul3A_411, %dma_start3A_417] : memref<10000x128xf32, #tpu.memory_space<vmem_shared>> -> memref<80x128xf32, #tpu.memory_space<vmem_shared>>
        %dma_start3A_419 = arith.constant 0 : i32
        %dma_start3A_420 = tpu.memref_slice %arg8[%mul3A_411, %dma_start3A_419] : memref<10000x128xf32, #tpu.memory_space<vmem_shared>> -> memref<80x128xf32, #tpu.memory_space<vmem_shared>>
        %dma_start3A_421 = arith.constant 0 : i32
        %dma_start3A_422 = arith.constant 0 : i32
        %dma_start3A_423 = tpu.memref_slice %arg7[%run_scoped3A, %dma_start3A_421, %dma_start3A_422] : memref<3x80x128xf32, #tpu.memory_space<vmem>> -> memref<1x80x128xf32, #tpu.memory_space<vmem>>
        %dma_start3A_424 = tpu.memref_squeeze %dma_start3A_423 : memref<1x80x128xf32, #tpu.memory_space<vmem>> -> memref<80x128xf32, #tpu.memory_space<vmem>>
        tpu.enqueue_dma source(%dma_start3A_424 : memref<80x128xf32, #tpu.memory_space<vmem>>) target(%dma_start3A_420 : memref<80x128xf32, #tpu.memory_space<vmem_shared>>) target_semaphore(%run_scoped3A_412 : memref<!tpu.dma_semaphore, #tpu.memory_space<semaphore_mem>>)
        %dma_wait3A_425 = arith.constant 0 : i32
        %dma_wait3A_426 = arith.constant 0 : i32
        %dma_wait3A_427 = tpu.memref_slice %arg7[%run_scoped3A, %dma_wait3A_425, %dma_wait3A_426] : memref<3x80x128xf32, #tpu.memory_space<vmem>> -> memref<1x80x128xf32, #tpu.memory_space<vmem>>
        %dma_wait3A_428 = tpu.memref_squeeze %dma_wait3A_427 : memref<1x80x128xf32, #tpu.memory_space<vmem>> -> memref<80x128xf32, #tpu.memory_space<vmem>>
        %dma_wait3A_429 = arith.constant 0 : i32
        %dma_wait3A_430 = tpu.memref_slice %arg8[%mul3A_411, %dma_wait3A_429] : memref<10000x128xf32, #tpu.memory_space<vmem_shared>> -> memref<80x128xf32, #tpu.memory_space<vmem_shared>>
        %dma_wait3A_431 = arith.constant 0 : i32
        %dma_wait3A_432 = tpu.memref_slice %arg8[%mul3A_411, %dma_wait3A_431] : memref<10000x128xf32, #tpu.memory_space<vmem_shared>> -> memref<80x128xf32, #tpu.memory_space<vmem_shared>>
        %dma_wait3A_433 = arith.constant 0 : i32
        %dma_wait3A_434 = arith.constant 0 : i32
        %dma_wait3A_435 = tpu.memref_slice %arg7[%run_scoped3A, %dma_wait3A_433, %dma_wait3A_434] : memref<3x80x128xf32, #tpu.memory_space<vmem>> -> memref<1x80x128xf32, #tpu.memory_space<vmem>>
        %dma_wait3A_436 = tpu.memref_squeeze %dma_wait3A_435 : memref<1x80x128xf32, #tpu.memory_space<vmem>> -> memref<80x128xf32, #tpu.memory_space<vmem>>
        tpu.wait_dma2 semaphore(%run_scoped3A_412 : memref<!tpu.dma_semaphore, #tpu.memory_space<semaphore_mem>>) src(%dma_wait3A_436 : memref<80x128xf32, #tpu.memory_space<vmem>>) dst(%dma_wait3A_432 : memref<80x128xf32, #tpu.memory_space<vmem_shared>>)
        tpu.yield
      }) : () -> ()
    }
    %while3A_18 = arith.constant 1 : i32
    scf.for %while3A_406 = %while3A_16 to %while3A_12 step %while3A_18  : i32 {
      %mul3A_407 = arith.constant 16 : i32
      %mul3A_408 = arith.muli %mul3A_407, %while3A_406 : i32
      %add3A_409 = arith.addi %arg1, %mul3A_408 : i32
      %mul3A_410 = arith.constant 80 : i32
      %mul3A_411 = arith.muli %add3A_409, %mul3A_410 : i32
      %run_scoped3A = arith.constant 0 : i32
      "tpu.region"() ({
        %run_scoped3A_412 = tpu.sem_alloc : memref<!tpu.dma_semaphore, #tpu.memory_space<semaphore_mem>>
        %dma_start3A_413 = arith.constant 0 : i32
        %dma_start3A_414 = arith.constant 0 : i32
        %dma_start3A_415 = tpu.memref_slice %arg7[%run_scoped3A, %dma_start3A_413, %dma_start3A_414] : memref<3x80x128xf32, #tpu.memory_space<vmem>> -> memref<1x80x128xf32, #tpu.memory_space<vmem>>
        %dma_start3A_416 = tpu.memref_squeeze %dma_start3A_415 : memref<1x80x128xf32, #tpu.memory_space<vmem>> -> memref<80x128xf32, #tpu.memory_space<vmem>>
        %dma_start3A_417 = arith.constant 0 : i32
        %dma_start3A_418 = tpu.memref_slice %arg8[%mul3A_411, %dma_start3A_417] : memref<10000x128xf32, #tpu.memory_space<vmem_shared>> -> memref<80x128xf32, #tpu.memory_space<vmem_shared>>
        %dma_start3A_419 = arith.constant 0 : i32
        %dma_start3A_420 = tpu.memref_slice %arg8[%mul3A_411, %dma_start3A_419] : memref<10000x128xf32, #tpu.memory_space<vmem_shared>> -> memref<80x128xf32, #tpu.memory_space<vmem_shared>>
        %dma_start3A_421 = arith.constant 0 : i32
        %dma_start3A_422 = arith.constant 0 : i32
        %dma_start3A_423 = tpu.memref_slice %arg7[%run_scoped3A, %dma_start3A_421, %dma_start3A_422] : memref<3x80x128xf32, #tpu.memory_space<vmem>> -> memref<1x80x128xf32, #tpu.memory_space<vmem>>
        %dma_start3A_424 = tpu.memref_squeeze %dma_start3A_423 : memref<1x80x128xf32, #tpu.memory_space<vmem>> -> memref<80x128xf32, #tpu.memory_space<vmem>>
        tpu.enqueue_dma source(%dma_start3A_424 : memref<80x128xf32, #tpu.memory_space<vmem>>) target(%dma_start3A_420 : memref<80x128xf32, #tpu.memory_space<vmem_shared>>) target_semaphore(%run_scoped3A_412 : memref<!tpu.dma_semaphore, #tpu.memory_space<semaphore_mem>>)
        %dma_wait3A_425 = arith.constant 0 : i32
        %dma_wait3A_426 = arith.constant 0 : i32
        %dma_wait3A_427 = tpu.memref_slice %arg7[%run_scoped3A, %dma_wait3A_425, %dma_wait3A_426] : memref<3x80x128xf32, #tpu.memory_space<vmem>> -> memref<1x80x128xf32, #tpu.memory_space<vmem>>
        %dma_wait3A_428 = tpu.memref_squeeze %dma_wait3A_427 : memref<1x80x128xf32, #tpu.memory_space<vmem>> -> memref<80x128xf32, #tpu.memory_space<vmem>>
        %dma_wait3A_429 = arith.constant 0 : i32
        %dma_wait3A_430 = tpu.memref_slice %arg8[%mul3A_411, %dma_wait3A_429] : memref<10000x128xf32, #tpu.memory_space<vmem_shared>> -> memref<80x128xf32, #tpu.memory_space<vmem_shared>>
        %dma_wait3A_431 = arith.constant 0 : i32
        %dma_wait3A_432 = tpu.memref_slice %arg8[%mul3A_411, %dma_wait3A_431] : memref<10000x128xf32, #tpu.memory_space<vmem_shared>> -> memref<80x128xf32, #tpu.memory_space<vmem_shared>>
        %dma_wait3A_433 = arith.constant 0 : i32
        %dma_wait3A_434 = arith.constant 0 : i32
        %dma_wait3A_435 = tpu.memref_slice %arg7[%run_scoped3A, %dma_wait3A_433, %dma_wait3A_434] : memref<3x80x128xf32, #tpu.memory_space<vmem>> -> memref<1x80x128xf32, #tpu.memory_space<vmem>>
        %dma_wait3A_436 = tpu.memref_squeeze %dma_wait3A_435 : memref<1x80x128xf32, #tpu.memory_space<vmem>> -> memref<80x128xf32, #tpu.memory_space<vmem>>
        tpu.wait_dma2 semaphore(%run_scoped3A_412 : memref<!tpu.dma_semaphore, #tpu.memory_space<semaphore_mem>>) src(%dma_wait3A_436 : memref<80x128xf32, #tpu.memory_space<vmem>>) dst(%dma_wait3A_432 : memref<80x128xf32, #tpu.memory_space<vmem_shared>>)
        tpu.yield
      }) : () -> ()
    }
    %barrier3A = arith.constant 0 : index
    tpu.barrier barrier_id(%barrier3A)
    %add3A_19 = arith.constant 0 : i32
    %add3A_20 = arith.addi %mul3A_2, %add3A_19 : i32
    %dma_start3A = arith.constant 0 : i32
    %dma_start3A_21 = arith.constant 0 : i32
    %dma_start3A_22 = arith.constant 0 : i32
    %dma_start3A_23 = tpu.memref_slice %arg6[%dma_start3A, %dma_start3A_21, %dma_start3A_22] : memref<6x2x80xi32, #tpu.memory_space<vmem>> -> memref<1x1x80xi32, #tpu.memory_space<vmem>>
    %dma_start3A_24 = tpu.memref_squeeze %dma_start3A_23 : memref<1x1x80xi32, #tpu.memory_space<vmem>> -> memref<80xi32, #tpu.memory_space<vmem>>
    %dma_start3A_25 = tpu.memref_slice %arg3[%add3A_20] : memref<320000xi32, #tpu.memory_space<hbm>> -> memref<80xi32, #tpu.memory_space<hbm>>
    %dma_start3A_26 = arith.constant 0 : i32
    %dma_start3A_27 = tpu.memref_slice %arg6[%dma_start3A, %dma_start3A_21, %dma_start3A_26] : memref<6x2x80xi32, #tpu.memory_space<vmem>> -> memref<1x1x80xi32, #tpu.memory_space<vmem>>
    %dma_start3A_28 = tpu.memref_squeeze %dma_start3A_27 : memref<1x1x80xi32, #tpu.memory_space<vmem>> -> memref<80xi32, #tpu.memory_space<vmem>>
    %dma_start3A_29 = tpu.memref_slice %arg3[%add3A_20] : memref<320000xi32, #tpu.memory_space<hbm>> -> memref<80xi32, #tpu.memory_space<hbm>>
    tpu.enqueue_dma source(%dma_start3A_29 : memref<80xi32, #tpu.memory_space<hbm>>) target(%dma_start3A_28 : memref<80xi32, #tpu.memory_space<vmem>>) target_semaphore(%arg9 : memref<!tpu.dma_semaphore, #tpu.memory_space<semaphore_mem>>)
    %dma_start3A_30 = arith.constant 0 : i32
    %dma_start3A_31 = arith.constant 1 : i32
    %dma_start3A_32 = arith.constant 0 : i32
    %dma_start3A_33 = tpu.memref_slice %arg6[%dma_start3A_30, %dma_start3A_31, %dma_start3A_32] : memref<6x2x80xi32, #tpu.memory_space<vmem>> -> memref<1x1x80xi32, #tpu.memory_space<vmem>>
    %dma_start3A_34 = tpu.memref_squeeze %dma_start3A_33 : memref<1x1x80xi32, #tpu.memory_space<vmem>> -> memref<80xi32, #tpu.memory_space<vmem>>
    %dma_start3A_35 = tpu.memref_slice %arg4[%add3A_20] : memref<320000xi32, #tpu.memory_space<hbm>> -> memref<80xi32, #tpu.memory_space<hbm>>
    %dma_start3A_36 = arith.constant 0 : i32
    %dma_start3A_37 = tpu.memref_slice %arg6[%dma_start3A_30, %dma_start3A_31, %dma_start3A_36] : memref<6x2x80xi32, #tpu.memory_space<vmem>> -> memref<1x1x80xi32, #tpu.memory_space<vmem>>
    %dma_start3A_38 = tpu.memref_squeeze %dma_start3A_37 : memref<1x1x80xi32, #tpu.memory_space<vmem>> -> memref<80xi32, #tpu.memory_space<vmem>>
    %dma_start3A_39 = tpu.memref_slice %arg4[%add3A_20] : memref<320000xi32, #tpu.memory_space<hbm>> -> memref<80xi32, #tpu.memory_space<hbm>>
    tpu.enqueue_dma source(%dma_start3A_39 : memref<80xi32, #tpu.memory_space<hbm>>) target(%dma_start3A_38 : memref<80xi32, #tpu.memory_space<vmem>>) target_semaphore(%arg9 : memref<!tpu.dma_semaphore, #tpu.memory_space<semaphore_mem>>)
    %add3A_40 = arith.constant 80 : i32
    %add3A_41 = arith.addi %mul3A_2, %add3A_40 : i32
    %dma_start3A_42 = arith.constant 1 : i32
    %dma_start3A_43 = arith.constant 0 : i32
    %dma_start3A_44 = arith.constant 0 : i32
    %dma_start3A_45 = tpu.memref_slice %arg6[%dma_start3A_42, %dma_start3A_43, %dma_start3A_44] : memref<6x2x80xi32, #tpu.memory_space<vmem>> -> memref<1x1x80xi32, #tpu.memory_space<vmem>>
    %dma_start3A_46 = tpu.memref_squeeze %dma_start3A_45 : memref<1x1x80xi32, #tpu.memory_space<vmem>> -> memref<80xi32, #tpu.memory_space<vmem>>
    %dma_start3A_47 = tpu.memref_slice %arg3[%add3A_41] : memref<320000xi32, #tpu.memory_space<hbm>> -> memref<80xi32, #tpu.memory_space<hbm>>
    %dma_start3A_48 = arith.constant 0 : i32
    %dma_start3A_49 = tpu.memref_slice %arg6[%dma_start3A_42, %dma_start3A_43, %dma_start3A_48] : memref<6x2x80xi32, #tpu.memory_space<vmem>> -> memref<1x1x80xi32, #tpu.memory_space<vmem>>
    %dma_start3A_50 = tpu.memref_squeeze %dma_start3A_49 : memref<1x1x80xi32, #tpu.memory_space<vmem>> -> memref<80xi32, #tpu.memory_space<vmem>>
    %dma_start3A_51 = tpu.memref_slice %arg3[%add3A_41] : memref<320000xi32, #tpu.memory_space<hbm>> -> memref<80xi32, #tpu.memory_space<hbm>>
    tpu.enqueue_dma source(%dma_start3A_51 : memref<80xi32, #tpu.memory_space<hbm>>) target(%dma_start3A_50 : memref<80xi32, #tpu.memory_space<vmem>>) target_semaphore(%arg10 : memref<!tpu.dma_semaphore, #tpu.memory_space<semaphore_mem>>)
    %dma_start3A_52 = arith.constant 1 : i32
    %dma_start3A_53 = arith.constant 1 : i32
    %dma_start3A_54 = arith.constant 0 : i32
    %dma_start3A_55 = tpu.memref_slice %arg6[%dma_start3A_52, %dma_start3A_53, %dma_start3A_54] : memref<6x2x80xi32, #tpu.memory_space<vmem>> -> memref<1x1x80xi32, #tpu.memory_space<vmem>>
    %dma_start3A_56 = tpu.memref_squeeze %dma_start3A_55 : memref<1x1x80xi32, #tpu.memory_space<vmem>> -> memref<80xi32, #tpu.memory_space<vmem>>
    %dma_start3A_57 = tpu.memref_slice %arg4[%add3A_41] : memref<320000xi32, #tpu.memory_space<hbm>> -> memref<80xi32, #tpu.memory_space<hbm>>
    %dma_start3A_58 = arith.constant 0 : i32
    %dma_start3A_59 = tpu.memref_slice %arg6[%dma_start3A_52, %dma_start3A_53, %dma_start3A_58] : memref<6x2x80xi32, #tpu.memory_space<vmem>> -> memref<1x1x80xi32, #tpu.memory_space<vmem>>
    %dma_start3A_60 = tpu.memref_squeeze %dma_start3A_59 : memref<1x1x80xi32, #tpu.memory_space<vmem>> -> memref<80xi32, #tpu.memory_space<vmem>>
    %dma_start3A_61 = tpu.memref_slice %arg4[%add3A_41] : memref<320000xi32, #tpu.memory_space<hbm>> -> memref<80xi32, #tpu.memory_space<hbm>>
    tpu.enqueue_dma source(%dma_start3A_61 : memref<80xi32, #tpu.memory_space<hbm>>) target(%dma_start3A_60 : memref<80xi32, #tpu.memory_space<vmem>>) target_semaphore(%arg10 : memref<!tpu.dma_semaphore, #tpu.memory_space<semaphore_mem>>)
    %add3A_62 = arith.constant 160 : i32
    %add3A_63 = arith.addi %mul3A_2, %add3A_62 : i32
    %dma_start3A_64 = arith.constant 2 : i32
    %dma_start3A_65 = arith.constant 0 : i32
    %dma_start3A_66 = arith.constant 0 : i32
    %dma_start3A_67 = tpu.memref_slice %arg6[%dma_start3A_64, %dma_start3A_65, %dma_start3A_66] : memref<6x2x80xi32, #tpu.memory_space<vmem>> -> memref<1x1x80xi32, #tpu.memory_space<vmem>>
    %dma_start3A_68 = tpu.memref_squeeze %dma_start3A_67 : memref<1x1x80xi32, #tpu.memory_space<vmem>> -> memref<80xi32, #tpu.memory_space<vmem>>
    %dma_start3A_69 = tpu.memref_slice %arg3[%add3A_63] : memref<320000xi32, #tpu.memory_space<hbm>> -> memref<80xi32, #tpu.memory_space<hbm>>
    %dma_start3A_70 = arith.constant 0 : i32
    %dma_start3A_71 = tpu.memref_slice %arg6[%dma_start3A_64, %dma_start3A_65, %dma_start3A_70] : memref<6x2x80xi32, #tpu.memory_space<vmem>> -> memref<1x1x80xi32, #tpu.memory_space<vmem>>
    %dma_start3A_72 = tpu.memref_squeeze %dma_start3A_71 : memref<1x1x80xi32, #tpu.memory_space<vmem>> -> memref<80xi32, #tpu.memory_space<vmem>>
    %dma_start3A_73 = tpu.memref_slice %arg3[%add3A_63] : memref<320000xi32, #tpu.memory_space<hbm>> -> memref<80xi32, #tpu.memory_space<hbm>>
    tpu.enqueue_dma source(%dma_start3A_73 : memref<80xi32, #tpu.memory_space<hbm>>) target(%dma_start3A_72 : memref<80xi32, #tpu.memory_space<vmem>>) target_semaphore(%arg11 : memref<!tpu.dma_semaphore, #tpu.memory_space<semaphore_mem>>)
    %dma_start3A_74 = arith.constant 2 : i32
    %dma_start3A_75 = arith.constant 1 : i32
    %dma_start3A_76 = arith.constant 0 : i32
    %dma_start3A_77 = tpu.memref_slice %arg6[%dma_start3A_74, %dma_start3A_75, %dma_start3A_76] : memref<6x2x80xi32, #tpu.memory_space<vmem>> -> memref<1x1x80xi32, #tpu.memory_space<vmem>>
    %dma_start3A_78 = tpu.memref_squeeze %dma_start3A_77 : memref<1x1x80xi32, #tpu.memory_space<vmem>> -> memref<80xi32, #tpu.memory_space<vmem>>
    %dma_start3A_79 = tpu.memref_slice %arg4[%add3A_63] : memref<320000xi32, #tpu.memory_space<hbm>> -> memref<80xi32, #tpu.memory_space<hbm>>
    %dma_start3A_80 = arith.constant 0 : i32
    %dma_start3A_81 = tpu.memref_slice %arg6[%dma_start3A_74, %dma_start3A_75, %dma_start3A_80] : memref<6x2x80xi32, #tpu.memory_space<vmem>> -> memref<1x1x80xi32, #tpu.memory_space<vmem>>
    %dma_start3A_82 = tpu.memref_squeeze %dma_start3A_81 : memref<1x1x80xi32, #tpu.memory_space<vmem>> -> memref<80xi32, #tpu.memory_space<vmem>>
    %dma_start3A_83 = tpu.memref_slice %arg4[%add3A_63] : memref<320000xi32, #tpu.memory_space<hbm>> -> memref<80xi32, #tpu.memory_space<hbm>>
    tpu.enqueue_dma source(%dma_start3A_83 : memref<80xi32, #tpu.memory_space<hbm>>) target(%dma_start3A_82 : memref<80xi32, #tpu.memory_space<vmem>>) target_semaphore(%arg11 : memref<!tpu.dma_semaphore, #tpu.memory_space<semaphore_mem>>)
    %add3A_84 = arith.constant 240 : i32
    %add3A_85 = arith.addi %mul3A_2, %add3A_84 : i32
    %dma_start3A_86 = arith.constant 3 : i32
    %dma_start3A_87 = arith.constant 0 : i32
    %dma_start3A_88 = arith.constant 0 : i32
    %dma_start3A_89 = tpu.memref_slice %arg6[%dma_start3A_86, %dma_start3A_87, %dma_start3A_88] : memref<6x2x80xi32, #tpu.memory_space<vmem>> -> memref<1x1x80xi32, #tpu.memory_space<vmem>>
    %dma_start3A_90 = tpu.memref_squeeze %dma_start3A_89 : memref<1x1x80xi32, #tpu.memory_space<vmem>> -> memref<80xi32, #tpu.memory_space<vmem>>
    %dma_start3A_91 = tpu.memref_slice %arg3[%add3A_85] : memref<320000xi32, #tpu.memory_space<hbm>> -> memref<80xi32, #tpu.memory_space<hbm>>
    %dma_start3A_92 = arith.constant 0 : i32
    %dma_start3A_93 = tpu.memref_slice %arg6[%dma_start3A_86, %dma_start3A_87, %dma_start3A_92] : memref<6x2x80xi32, #tpu.memory_space<vmem>> -> memref<1x1x80xi32, #tpu.memory_space<vmem>>
    %dma_start3A_94 = tpu.memref_squeeze %dma_start3A_93 : memref<1x1x80xi32, #tpu.memory_space<vmem>> -> memref<80xi32, #tpu.memory_space<vmem>>
    %dma_start3A_95 = tpu.memref_slice %arg3[%add3A_85] : memref<320000xi32, #tpu.memory_space<hbm>> -> memref<80xi32, #tpu.memory_space<hbm>>
    tpu.enqueue_dma source(%dma_start3A_95 : memref<80xi32, #tpu.memory_space<hbm>>) target(%dma_start3A_94 : memref<80xi32, #tpu.memory_space<vmem>>) target_semaphore(%arg12 : memref<!tpu.dma_semaphore, #tpu.memory_space<semaphore_mem>>)
    %dma_start3A_96 = arith.constant 3 : i32
    %dma_start3A_97 = arith.constant 1 : i32
    %dma_start3A_98 = arith.constant 0 : i32
    %dma_start3A_99 = tpu.memref_slice %arg6[%dma_start3A_96, %dma_start3A_97, %dma_start3A_98] : memref<6x2x80xi32, #tpu.memory_space<vmem>> -> memref<1x1x80xi32, #tpu.memory_space<vmem>>
    %dma_start3A_100 = tpu.memref_squeeze %dma_start3A_99 : memref<1x1x80xi32, #tpu.memory_space<vmem>> -> memref<80xi32, #tpu.memory_space<vmem>>
    %dma_start3A_101 = tpu.memref_slice %arg4[%add3A_85] : memref<320000xi32, #tpu.memory_space<hbm>> -> memref<80xi32, #tpu.memory_space<hbm>>
    %dma_start3A_102 = arith.constant 0 : i32
    %dma_start3A_103 = tpu.memref_slice %arg6[%dma_start3A_96, %dma_start3A_97, %dma_start3A_102] : memref<6x2x80xi32, #tpu.memory_space<vmem>> -> memref<1x1x80xi32, #tpu.memory_space<vmem>>
    %dma_start3A_104 = tpu.memref_squeeze %dma_start3A_103 : memref<1x1x80xi32, #tpu.memory_space<vmem>> -> memref<80xi32, #tpu.memory_space<vmem>>
    %dma_start3A_105 = tpu.memref_slice %arg4[%add3A_85] : memref<320000xi32, #tpu.memory_space<hbm>> -> memref<80xi32, #tpu.memory_space<hbm>>
    tpu.enqueue_dma source(%dma_start3A_105 : memref<80xi32, #tpu.memory_space<hbm>>) target(%dma_start3A_104 : memref<80xi32, #tpu.memory_space<vmem>>) target_semaphore(%arg12 : memref<!tpu.dma_semaphore, #tpu.memory_space<semaphore_mem>>)
    %add3A_106 = arith.constant 0 : i32
    %add3A_107 = arith.addi %mul3A_2, %add3A_106 : i32
    %dma_wait3A = arith.constant 0 : i32
    %dma_wait3A_108 = arith.constant 0 : i32
    %dma_wait3A_109 = arith.constant 0 : i32
    %dma_wait3A_110 = tpu.memref_slice %arg6[%dma_wait3A, %dma_wait3A_108, %dma_wait3A_109] : memref<6x2x80xi32, #tpu.memory_space<vmem>> -> memref<1x1x80xi32, #tpu.memory_space<vmem>>
    %dma_wait3A_111 = tpu.memref_squeeze %dma_wait3A_110 : memref<1x1x80xi32, #tpu.memory_space<vmem>> -> memref<80xi32, #tpu.memory_space<vmem>>
    %dma_wait3A_112 = tpu.memref_slice %arg3[%add3A_107] : memref<320000xi32, #tpu.memory_space<hbm>> -> memref<80xi32, #tpu.memory_space<hbm>>
    %dma_wait3A_113 = arith.constant 0 : i32
    %dma_wait3A_114 = tpu.memref_slice %arg6[%dma_wait3A, %dma_wait3A_108, %dma_wait3A_113] : memref<6x2x80xi32, #tpu.memory_space<vmem>> -> memref<1x1x80xi32, #tpu.memory_space<vmem>>
    %dma_wait3A_115 = tpu.memref_squeeze %dma_wait3A_114 : memref<1x1x80xi32, #tpu.memory_space<vmem>> -> memref<80xi32, #tpu.memory_space<vmem>>
    %dma_wait3A_116 = tpu.memref_slice %arg3[%add3A_107] : memref<320000xi32, #tpu.memory_space<hbm>> -> memref<80xi32, #tpu.memory_space<hbm>>
    tpu.wait_dma2 semaphore(%arg9 : memref<!tpu.dma_semaphore, #tpu.memory_space<semaphore_mem>>) src(%dma_wait3A_116 : memref<80xi32, #tpu.memory_space<hbm>>) dst(%dma_wait3A_115 : memref<80xi32, #tpu.memory_space<vmem>>)
    %dma_wait3A_117 = arith.constant 0 : i32
    %dma_wait3A_118 = arith.constant 1 : i32
    %dma_wait3A_119 = arith.constant 0 : i32
    %dma_wait3A_120 = tpu.memref_slice %arg6[%dma_wait3A_117, %dma_wait3A_118, %dma_wait3A_119] : memref<6x2x80xi32, #tpu.memory_space<vmem>> -> memref<1x1x80xi32, #tpu.memory_space<vmem>>
    %dma_wait3A_121 = tpu.memref_squeeze %dma_wait3A_120 : memref<1x1x80xi32, #tpu.memory_space<vmem>> -> memref<80xi32, #tpu.memory_space<vmem>>
    %dma_wait3A_122 = tpu.memref_slice %arg4[%add3A_107] : memref<320000xi32, #tpu.memory_space<hbm>> -> memref<80xi32, #tpu.memory_space<hbm>>
    %dma_wait3A_123 = arith.constant 0 : i32
    %dma_wait3A_124 = tpu.memref_slice %arg6[%dma_wait3A_117, %dma_wait3A_118, %dma_wait3A_123] : memref<6x2x80xi32, #tpu.memory_space<vmem>> -> memref<1x1x80xi32, #tpu.memory_space<vmem>>
    %dma_wait3A_125 = tpu.memref_squeeze %dma_wait3A_124 : memref<1x1x80xi32, #tpu.memory_space<vmem>> -> memref<80xi32, #tpu.memory_space<vmem>>
    %dma_wait3A_126 = tpu.memref_slice %arg4[%add3A_107] : memref<320000xi32, #tpu.memory_space<hbm>> -> memref<80xi32, #tpu.memory_space<hbm>>
    tpu.wait_dma2 semaphore(%arg9 : memref<!tpu.dma_semaphore, #tpu.memory_space<semaphore_mem>>) src(%dma_wait3A_126 : memref<80xi32, #tpu.memory_space<hbm>>) dst(%dma_wait3A_125 : memref<80xi32, #tpu.memory_space<vmem>>)
    %dma_start3A_127 = arith.constant 0 : i32
    %dma_start3A_128 = arith.constant 0 : i32
    %dma_start3A_129 = arith.constant 0 : i32
    %dma_start3A_130 = arith.constant 0 : i32
    %dma_start3A_131 = arith.constant 0 : i32
    %dma_start3A_132 = tpu.memref_slice %arg7[%dma_start3A_129, %dma_start3A_130, %dma_start3A_131] : memref<3x80x128xf32, #tpu.memory_space<vmem>> -> memref<1x80x128xf32, #tpu.memory_space<vmem>>
    %dma_start3A_133 = tpu.memref_squeeze %dma_start3A_132 : memref<1x80x128xf32, #tpu.memory_space<vmem>> -> memref<80x128xf32, #tpu.memory_space<vmem>>
    %dma_start3A_134 = arith.constant 0 : i32
    %dma_start3A_135 = tpu.memref_slice %arg6[%dma_start3A_127, %dma_start3A_128, %dma_start3A_134] : memref<6x2x80xi32, #tpu.memory_space<vmem>> -> memref<1x1x80xi32, #tpu.memory_space<vmem>>
    %dma_start3A_136 = tpu.memref_squeeze %dma_start3A_135 : memref<1x1x80xi32, #tpu.memory_space<vmem>> -> memref<80xi32, #tpu.memory_space<vmem>>
    %dma_start3A_137 = arith.constant 0 : i32
    %dma_start3A_138 = arith.constant 0 : i32
    %dma_start3A_139 = tpu.memref_slice %arg2[%dma_start3A_137, %dma_start3A_138] : memref<10000x128xf32, #tpu.memory_space<hbm>> -> memref<10000x128xf32, #tpu.memory_space<hbm>>
    tpu.enqueue_indirect_dma source(%dma_start3A_139 : memref<10000x128xf32, #tpu.memory_space<hbm>>) target(%dma_start3A_133 : memref<80x128xf32, #tpu.memory_space<vmem>>) offsets(%dma_start3A_136 : memref<80xi32, #tpu.memory_space<vmem>>) semaphore(%arg15 : memref<!tpu.dma_semaphore, #tpu.memory_space<semaphore_mem>>)
    %add3A_140 = arith.constant 80 : i32
    %add3A_141 = arith.addi %mul3A_2, %add3A_140 : i32
    %dma_wait3A_142 = arith.constant 1 : i32
    %dma_wait3A_143 = arith.constant 0 : i32
    %dma_wait3A_144 = arith.constant 0 : i32
    %dma_wait3A_145 = tpu.memref_slice %arg6[%dma_wait3A_142, %dma_wait3A_143, %dma_wait3A_144] : memref<6x2x80xi32, #tpu.memory_space<vmem>> -> memref<1x1x80xi32, #tpu.memory_space<vmem>>
    %dma_wait3A_146 = tpu.memref_squeeze %dma_wait3A_145 : memref<1x1x80xi32, #tpu.memory_space<vmem>> -> memref<80xi32, #tpu.memory_space<vmem>>
    %dma_wait3A_147 = tpu.memref_slice %arg3[%add3A_141] : memref<320000xi32, #tpu.memory_space<hbm>> -> memref<80xi32, #tpu.memory_space<hbm>>
    %dma_wait3A_148 = arith.constant 0 : i32
    %dma_wait3A_149 = tpu.memref_slice %arg6[%dma_wait3A_142, %dma_wait3A_143, %dma_wait3A_148] : memref<6x2x80xi32, #tpu.memory_space<vmem>> -> memref<1x1x80xi32, #tpu.memory_space<vmem>>
    %dma_wait3A_150 = tpu.memref_squeeze %dma_wait3A_149 : memref<1x1x80xi32, #tpu.memory_space<vmem>> -> memref<80xi32, #tpu.memory_space<vmem>>
    %dma_wait3A_151 = tpu.memref_slice %arg3[%add3A_141] : memref<320000xi32, #tpu.memory_space<hbm>> -> memref<80xi32, #tpu.memory_space<hbm>>
    tpu.wait_dma2 semaphore(%arg10 : memref<!tpu.dma_semaphore, #tpu.memory_space<semaphore_mem>>) src(%dma_wait3A_151 : memref<80xi32, #tpu.memory_space<hbm>>) dst(%dma_wait3A_150 : memref<80xi32, #tpu.memory_space<vmem>>)
    %dma_wait3A_152 = arith.constant 1 : i32
    %dma_wait3A_153 = arith.constant 1 : i32
    %dma_wait3A_154 = arith.constant 0 : i32
    %dma_wait3A_155 = tpu.memref_slice %arg6[%dma_wait3A_152, %dma_wait3A_153, %dma_wait3A_154] : memref<6x2x80xi32, #tpu.memory_space<vmem>> -> memref<1x1x80xi32, #tpu.memory_space<vmem>>
    %dma_wait3A_156 = tpu.memref_squeeze %dma_wait3A_155 : memref<1x1x80xi32, #tpu.memory_space<vmem>> -> memref<80xi32, #tpu.memory_space<vmem>>
    %dma_wait3A_157 = tpu.memref_slice %arg4[%add3A_141] : memref<320000xi32, #tpu.memory_space<hbm>> -> memref<80xi32, #tpu.memory_space<hbm>>
    %dma_wait3A_158 = arith.constant 0 : i32
    %dma_wait3A_159 = tpu.memref_slice %arg6[%dma_wait3A_152, %dma_wait3A_153, %dma_wait3A_158] : memref<6x2x80xi32, #tpu.memory_space<vmem>> -> memref<1x1x80xi32, #tpu.memory_space<vmem>>
    %dma_wait3A_160 = tpu.memref_squeeze %dma_wait3A_159 : memref<1x1x80xi32, #tpu.memory_space<vmem>> -> memref<80xi32, #tpu.memory_space<vmem>>
    %dma_wait3A_161 = tpu.memref_slice %arg4[%add3A_141] : memref<320000xi32, #tpu.memory_space<hbm>> -> memref<80xi32, #tpu.memory_space<hbm>>
    tpu.wait_dma2 semaphore(%arg10 : memref<!tpu.dma_semaphore, #tpu.memory_space<semaphore_mem>>) src(%dma_wait3A_161 : memref<80xi32, #tpu.memory_space<hbm>>) dst(%dma_wait3A_160 : memref<80xi32, #tpu.memory_space<vmem>>)
    %dma_start3A_162 = arith.constant 1 : i32
    %dma_start3A_163 = arith.constant 0 : i32
    %dma_start3A_164 = arith.constant 1 : i32
    %dma_start3A_165 = arith.constant 0 : i32
    %dma_start3A_166 = arith.constant 0 : i32
    %dma_start3A_167 = tpu.memref_slice %arg7[%dma_start3A_164, %dma_start3A_165, %dma_start3A_166] : memref<3x80x128xf32, #tpu.memory_space<vmem>> -> memref<1x80x128xf32, #tpu.memory_space<vmem>>
    %dma_start3A_168 = tpu.memref_squeeze %dma_start3A_167 : memref<1x80x128xf32, #tpu.memory_space<vmem>> -> memref<80x128xf32, #tpu.memory_space<vmem>>
    %dma_start3A_169 = arith.constant 0 : i32
    %dma_start3A_170 = tpu.memref_slice %arg6[%dma_start3A_162, %dma_start3A_163, %dma_start3A_169] : memref<6x2x80xi32, #tpu.memory_space<vmem>> -> memref<1x1x80xi32, #tpu.memory_space<vmem>>
    %dma_start3A_171 = tpu.memref_squeeze %dma_start3A_170 : memref<1x1x80xi32, #tpu.memory_space<vmem>> -> memref<80xi32, #tpu.memory_space<vmem>>
    %dma_start3A_172 = arith.constant 0 : i32
    %dma_start3A_173 = arith.constant 0 : i32
    %dma_start3A_174 = tpu.memref_slice %arg2[%dma_start3A_172, %dma_start3A_173] : memref<10000x128xf32, #tpu.memory_space<hbm>> -> memref<10000x128xf32, #tpu.memory_space<hbm>>
    tpu.enqueue_indirect_dma source(%dma_start3A_174 : memref<10000x128xf32, #tpu.memory_space<hbm>>) target(%dma_start3A_168 : memref<80x128xf32, #tpu.memory_space<vmem>>) offsets(%dma_start3A_171 : memref<80xi32, #tpu.memory_space<vmem>>) semaphore(%arg16 : memref<!tpu.dma_semaphore, #tpu.memory_space<semaphore_mem>>)
    %dma_wait3A_175 = arith.constant 0 : i32
    %dma_wait3A_176 = arith.constant 0 : i32
    %dma_wait3A_177 = arith.constant 0 : i32
    %dma_wait3A_178 = arith.constant 0 : i32
    %dma_wait3A_179 = arith.constant 0 : i32
    %dma_wait3A_180 = tpu.memref_slice %arg7[%dma_wait3A_177, %dma_wait3A_178, %dma_wait3A_179] : memref<3x80x128xf32, #tpu.memory_space<vmem>> -> memref<1x80x128xf32, #tpu.memory_space<vmem>>
    %dma_wait3A_181 = tpu.memref_squeeze %dma_wait3A_180 : memref<1x80x128xf32, #tpu.memory_space<vmem>> -> memref<80x128xf32, #tpu.memory_space<vmem>>
    %dma_wait3A_182 = arith.constant 0 : i32
    %dma_wait3A_183 = tpu.memref_slice %arg6[%dma_wait3A_175, %dma_wait3A_176, %dma_wait3A_182] : memref<6x2x80xi32, #tpu.memory_space<vmem>> -> memref<1x1x80xi32, #tpu.memory_space<vmem>>
    %dma_wait3A_184 = tpu.memref_squeeze %dma_wait3A_183 : memref<1x1x80xi32, #tpu.memory_space<vmem>> -> memref<80xi32, #tpu.memory_space<vmem>>
    %dma_wait3A_185 = arith.constant 0 : i32
    %dma_wait3A_186 = arith.constant 0 : i32
    %dma_wait3A_187 = tpu.memref_slice %arg2[%dma_wait3A_185, %dma_wait3A_186] : memref<10000x128xf32, #tpu.memory_space<hbm>> -> memref<10000x128xf32, #tpu.memory_space<hbm>>
    tpu.wait_indirect_dma semaphore(%arg15 : memref<!tpu.dma_semaphore, #tpu.memory_space<semaphore_mem>>) src(%dma_wait3A_187 : memref<10000x128xf32, #tpu.memory_space<hbm>>) dst(%dma_wait3A_181 : memref<80x128xf32, #tpu.memory_space<vmem>>)
    %add3A_188 = arith.constant 160 : i32
    %add3A_189 = arith.addi %mul3A_2, %add3A_188 : i32
    %dma_wait3A_190 = arith.constant 2 : i32
    %dma_wait3A_191 = arith.constant 0 : i32
    %dma_wait3A_192 = arith.constant 0 : i32
    %dma_wait3A_193 = tpu.memref_slice %arg6[%dma_wait3A_190, %dma_wait3A_191, %dma_wait3A_192] : memref<6x2x80xi32, #tpu.memory_space<vmem>> -> memref<1x1x80xi32, #tpu.memory_space<vmem>>
    %dma_wait3A_194 = tpu.memref_squeeze %dma_wait3A_193 : memref<1x1x80xi32, #tpu.memory_space<vmem>> -> memref<80xi32, #tpu.memory_space<vmem>>
    %dma_wait3A_195 = tpu.memref_slice %arg3[%add3A_189] : memref<320000xi32, #tpu.memory_space<hbm>> -> memref<80xi32, #tpu.memory_space<hbm>>
    %dma_wait3A_196 = arith.constant 0 : i32
    %dma_wait3A_197 = tpu.memref_slice %arg6[%dma_wait3A_190, %dma_wait3A_191, %dma_wait3A_196] : memref<6x2x80xi32, #tpu.memory_space<vmem>> -> memref<1x1x80xi32, #tpu.memory_space<vmem>>
    %dma_wait3A_198 = tpu.memref_squeeze %dma_wait3A_197 : memref<1x1x80xi32, #tpu.memory_space<vmem>> -> memref<80xi32, #tpu.memory_space<vmem>>
    %dma_wait3A_199 = tpu.memref_slice %arg3[%add3A_189] : memref<320000xi32, #tpu.memory_space<hbm>> -> memref<80xi32, #tpu.memory_space<hbm>>
    tpu.wait_dma2 semaphore(%arg11 : memref<!tpu.dma_semaphore, #tpu.memory_space<semaphore_mem>>) src(%dma_wait3A_199 : memref<80xi32, #tpu.memory_space<hbm>>) dst(%dma_wait3A_198 : memref<80xi32, #tpu.memory_space<vmem>>)
    %dma_wait3A_200 = arith.constant 2 : i32
    %dma_wait3A_201 = arith.constant 1 : i32
    %dma_wait3A_202 = arith.constant 0 : i32
    %dma_wait3A_203 = tpu.memref_slice %arg6[%dma_wait3A_200, %dma_wait3A_201, %dma_wait3A_202] : memref<6x2x80xi32, #tpu.memory_space<vmem>> -> memref<1x1x80xi32, #tpu.memory_space<vmem>>
    %dma_wait3A_204 = tpu.memref_squeeze %dma_wait3A_203 : memref<1x1x80xi32, #tpu.memory_space<vmem>> -> memref<80xi32, #tpu.memory_space<vmem>>
    %dma_wait3A_205 = tpu.memref_slice %arg4[%add3A_189] : memref<320000xi32, #tpu.memory_space<hbm>> -> memref<80xi32, #tpu.memory_space<hbm>>
    %dma_wait3A_206 = arith.constant 0 : i32
    %dma_wait3A_207 = tpu.memref_slice %arg6[%dma_wait3A_200, %dma_wait3A_201, %dma_wait3A_206] : memref<6x2x80xi32, #tpu.memory_space<vmem>> -> memref<1x1x80xi32, #tpu.memory_space<vmem>>
    %dma_wait3A_208 = tpu.memref_squeeze %dma_wait3A_207 : memref<1x1x80xi32, #tpu.memory_space<vmem>> -> memref<80xi32, #tpu.memory_space<vmem>>
    %dma_wait3A_209 = tpu.memref_slice %arg4[%add3A_189] : memref<320000xi32, #tpu.memory_space<hbm>> -> memref<80xi32, #tpu.memory_space<hbm>>
    tpu.wait_dma2 semaphore(%arg11 : memref<!tpu.dma_semaphore, #tpu.memory_space<semaphore_mem>>) src(%dma_wait3A_209 : memref<80xi32, #tpu.memory_space<hbm>>) dst(%dma_wait3A_208 : memref<80xi32, #tpu.memory_space<vmem>>)
    %dma_start3A_210 = arith.constant 2 : i32
    %dma_start3A_211 = arith.constant 0 : i32
    %dma_start3A_212 = arith.constant 2 : i32
    %dma_start3A_213 = arith.constant 0 : i32
    %dma_start3A_214 = arith.constant 0 : i32
    %dma_start3A_215 = tpu.memref_slice %arg7[%dma_start3A_212, %dma_start3A_213, %dma_start3A_214] : memref<3x80x128xf32, #tpu.memory_space<vmem>> -> memref<1x80x128xf32, #tpu.memory_space<vmem>>
    %dma_start3A_216 = tpu.memref_squeeze %dma_start3A_215 : memref<1x80x128xf32, #tpu.memory_space<vmem>> -> memref<80x128xf32, #tpu.memory_space<vmem>>
    %dma_start3A_217 = arith.constant 0 : i32
    %dma_start3A_218 = tpu.memref_slice %arg6[%dma_start3A_210, %dma_start3A_211, %dma_start3A_217] : memref<6x2x80xi32, #tpu.memory_space<vmem>> -> memref<1x1x80xi32, #tpu.memory_space<vmem>>
    %dma_start3A_219 = tpu.memref_squeeze %dma_start3A_218 : memref<1x1x80xi32, #tpu.memory_space<vmem>> -> memref<80xi32, #tpu.memory_space<vmem>>
    %dma_start3A_220 = arith.constant 0 : i32
    %dma_start3A_221 = arith.constant 0 : i32
    %dma_start3A_222 = tpu.memref_slice %arg2[%dma_start3A_220, %dma_start3A_221] : memref<10000x128xf32, #tpu.memory_space<hbm>> -> memref<10000x128xf32, #tpu.memory_space<hbm>>
    tpu.enqueue_indirect_dma source(%dma_start3A_222 : memref<10000x128xf32, #tpu.memory_space<hbm>>) target(%dma_start3A_216 : memref<80x128xf32, #tpu.memory_space<vmem>>) offsets(%dma_start3A_219 : memref<80xi32, #tpu.memory_space<vmem>>) semaphore(%arg17 : memref<!tpu.dma_semaphore, #tpu.memory_space<semaphore_mem>>)
    %add3A_223 = arith.constant 320 : i32
    %add3A_224 = arith.addi %mul3A_2, %add3A_223 : i32
    %dma_start3A_225 = arith.constant 4 : i32
    %dma_start3A_226 = arith.constant 0 : i32
    %dma_start3A_227 = arith.constant 0 : i32
    %dma_start3A_228 = tpu.memref_slice %arg6[%dma_start3A_225, %dma_start3A_226, %dma_start3A_227] : memref<6x2x80xi32, #tpu.memory_space<vmem>> -> memref<1x1x80xi32, #tpu.memory_space<vmem>>
    %dma_start3A_229 = tpu.memref_squeeze %dma_start3A_228 : memref<1x1x80xi32, #tpu.memory_space<vmem>> -> memref<80xi32, #tpu.memory_space<vmem>>
    %dma_start3A_230 = tpu.memref_slice %arg3[%add3A_224] : memref<320000xi32, #tpu.memory_space<hbm>> -> memref<80xi32, #tpu.memory_space<hbm>>
    %dma_start3A_231 = arith.constant 0 : i32
    %dma_start3A_232 = tpu.memref_slice %arg6[%dma_start3A_225, %dma_start3A_226, %dma_start3A_231] : memref<6x2x80xi32, #tpu.memory_space<vmem>> -> memref<1x1x80xi32, #tpu.memory_space<vmem>>
    %dma_start3A_233 = tpu.memref_squeeze %dma_start3A_232 : memref<1x1x80xi32, #tpu.memory_space<vmem>> -> memref<80xi32, #tpu.memory_space<vmem>>
    %dma_start3A_234 = tpu.memref_slice %arg3[%add3A_224] : memref<320000xi32, #tpu.memory_space<hbm>> -> memref<80xi32, #tpu.memory_space<hbm>>
    tpu.enqueue_dma source(%dma_start3A_234 : memref<80xi32, #tpu.memory_space<hbm>>) target(%dma_start3A_233 : memref<80xi32, #tpu.memory_space<vmem>>) target_semaphore(%arg13 : memref<!tpu.dma_semaphore, #tpu.memory_space<semaphore_mem>>)
    %dma_start3A_235 = arith.constant 4 : i32
    %dma_start3A_236 = arith.constant 1 : i32
    %dma_start3A_237 = arith.constant 0 : i32
    %dma_start3A_238 = tpu.memref_slice %arg6[%dma_start3A_235, %dma_start3A_236, %dma_start3A_237] : memref<6x2x80xi32, #tpu.memory_space<vmem>> -> memref<1x1x80xi32, #tpu.memory_space<vmem>>
    %dma_start3A_239 = tpu.memref_squeeze %dma_start3A_238 : memref<1x1x80xi32, #tpu.memory_space<vmem>> -> memref<80xi32, #tpu.memory_space<vmem>>
    %dma_start3A_240 = tpu.memref_slice %arg4[%add3A_224] : memref<320000xi32, #tpu.memory_space<hbm>> -> memref<80xi32, #tpu.memory_space<hbm>>
    %dma_start3A_241 = arith.constant 0 : i32
    %dma_start3A_242 = tpu.memref_slice %arg6[%dma_start3A_235, %dma_start3A_236, %dma_start3A_241] : memref<6x2x80xi32, #tpu.memory_space<vmem>> -> memref<1x1x80xi32, #tpu.memory_space<vmem>>
    %dma_start3A_243 = tpu.memref_squeeze %dma_start3A_242 : memref<1x1x80xi32, #tpu.memory_space<vmem>> -> memref<80xi32, #tpu.memory_space<vmem>>
    %dma_start3A_244 = tpu.memref_slice %arg4[%add3A_224] : memref<320000xi32, #tpu.memory_space<hbm>> -> memref<80xi32, #tpu.memory_space<hbm>>
    tpu.enqueue_dma source(%dma_start3A_244 : memref<80xi32, #tpu.memory_space<hbm>>) target(%dma_start3A_243 : memref<80xi32, #tpu.memory_space<vmem>>) target_semaphore(%arg13 : memref<!tpu.dma_semaphore, #tpu.memory_space<semaphore_mem>>)
    %dma_wait3A_245 = arith.constant 1 : i32
    %dma_wait3A_246 = arith.constant 0 : i32
    %dma_wait3A_247 = arith.constant 1 : i32
    %dma_wait3A_248 = arith.constant 0 : i32
    %dma_wait3A_249 = arith.constant 0 : i32
    %dma_wait3A_250 = tpu.memref_slice %arg7[%dma_wait3A_247, %dma_wait3A_248, %dma_wait3A_249] : memref<3x80x128xf32, #tpu.memory_space<vmem>> -> memref<1x80x128xf32, #tpu.memory_space<vmem>>
    %dma_wait3A_251 = tpu.memref_squeeze %dma_wait3A_250 : memref<1x80x128xf32, #tpu.memory_space<vmem>> -> memref<80x128xf32, #tpu.memory_space<vmem>>
    %dma_wait3A_252 = arith.constant 0 : i32
    %dma_wait3A_253 = tpu.memref_slice %arg6[%dma_wait3A_245, %dma_wait3A_246, %dma_wait3A_252] : memref<6x2x80xi32, #tpu.memory_space<vmem>> -> memref<1x1x80xi32, #tpu.memory_space<vmem>>
    %dma_wait3A_254 = tpu.memref_squeeze %dma_wait3A_253 : memref<1x1x80xi32, #tpu.memory_space<vmem>> -> memref<80xi32, #tpu.memory_space<vmem>>
    %dma_wait3A_255 = arith.constant 0 : i32
    %dma_wait3A_256 = arith.constant 0 : i32
    %dma_wait3A_257 = tpu.memref_slice %arg2[%dma_wait3A_255, %dma_wait3A_256] : memref<10000x128xf32, #tpu.memory_space<hbm>> -> memref<10000x128xf32, #tpu.memory_space<hbm>>
    tpu.wait_indirect_dma semaphore(%arg16 : memref<!tpu.dma_semaphore, #tpu.memory_space<semaphore_mem>>) src(%dma_wait3A_257 : memref<10000x128xf32, #tpu.memory_space<hbm>>) dst(%dma_wait3A_251 : memref<80x128xf32, #tpu.memory_space<vmem>>)
    %add3A_258 = arith.constant 240 : i32
    %add3A_259 = arith.addi %mul3A_2, %add3A_258 : i32
    %dma_wait3A_260 = arith.constant 3 : i32
    %dma_wait3A_261 = arith.constant 0 : i32
    %dma_wait3A_262 = arith.constant 0 : i32
    %dma_wait3A_263 = tpu.memref_slice %arg6[%dma_wait3A_260, %dma_wait3A_261, %dma_wait3A_262] : memref<6x2x80xi32, #tpu.memory_space<vmem>> -> memref<1x1x80xi32, #tpu.memory_space<vmem>>
    %dma_wait3A_264 = tpu.memref_squeeze %dma_wait3A_263 : memref<1x1x80xi32, #tpu.memory_space<vmem>> -> memref<80xi32, #tpu.memory_space<vmem>>
    %dma_wait3A_265 = tpu.memref_slice %arg3[%add3A_259] : memref<320000xi32, #tpu.memory_space<hbm>> -> memref<80xi32, #tpu.memory_space<hbm>>
    %dma_wait3A_266 = arith.constant 0 : i32
    %dma_wait3A_267 = tpu.memref_slice %arg6[%dma_wait3A_260, %dma_wait3A_261, %dma_wait3A_266] : memref<6x2x80xi32, #tpu.memory_space<vmem>> -> memref<1x1x80xi32, #tpu.memory_space<vmem>>
    %dma_wait3A_268 = tpu.memref_squeeze %dma_wait3A_267 : memref<1x1x80xi32, #tpu.memory_space<vmem>> -> memref<80xi32, #tpu.memory_space<vmem>>
    %dma_wait3A_269 = tpu.memref_slice %arg3[%add3A_259] : memref<320000xi32, #tpu.memory_space<hbm>> -> memref<80xi32, #tpu.memory_space<hbm>>
    tpu.wait_dma2 semaphore(%arg12 : memref<!tpu.dma_semaphore, #tpu.memory_space<semaphore_mem>>) src(%dma_wait3A_269 : memref<80xi32, #tpu.memory_space<hbm>>) dst(%dma_wait3A_268 : memref<80xi32, #tpu.memory_space<vmem>>)
    %dma_wait3A_270 = arith.constant 3 : i32
    %dma_wait3A_271 = arith.constant 1 : i32
    %dma_wait3A_272 = arith.constant 0 : i32
    %dma_wait3A_273 = tpu.memref_slice %arg6[%dma_wait3A_270, %dma_wait3A_271, %dma_wait3A_272] : memref<6x2x80xi32, #tpu.memory_space<vmem>> -> memref<1x1x80xi32, #tpu.memory_space<vmem>>
    %dma_wait3A_274 = tpu.memref_squeeze %dma_wait3A_273 : memref<1x1x80xi32, #tpu.memory_space<vmem>> -> memref<80xi32, #tpu.memory_space<vmem>>
    %dma_wait3A_275 = tpu.memref_slice %arg4[%add3A_259] : memref<320000xi32, #tpu.memory_space<hbm>> -> memref<80xi32, #tpu.memory_space<hbm>>
    %dma_wait3A_276 = arith.constant 0 : i32
    %dma_wait3A_277 = tpu.memref_slice %arg6[%dma_wait3A_270, %dma_wait3A_271, %dma_wait3A_276] : memref<6x2x80xi32, #tpu.memory_space<vmem>> -> memref<1x1x80xi32, #tpu.memory_space<vmem>>
    %dma_wait3A_278 = tpu.memref_squeeze %dma_wait3A_277 : memref<1x1x80xi32, #tpu.memory_space<vmem>> -> memref<80xi32, #tpu.memory_space<vmem>>
    %dma_wait3A_279 = tpu.memref_slice %arg4[%add3A_259] : memref<320000xi32, #tpu.memory_space<hbm>> -> memref<80xi32, #tpu.memory_space<hbm>>
    tpu.wait_dma2 semaphore(%arg12 : memref<!tpu.dma_semaphore, #tpu.memory_space<semaphore_mem>>) src(%dma_wait3A_279 : memref<80xi32, #tpu.memory_space<hbm>>) dst(%dma_wait3A_278 : memref<80xi32, #tpu.memory_space<vmem>>)
    %dma_start3A_280 = arith.constant 3 : i32
    %dma_start3A_281 = arith.constant 0 : i32
    %dma_start3A_282 = arith.constant 0 : i32
    %dma_start3A_283 = arith.constant 0 : i32
    %dma_start3A_284 = arith.constant 0 : i32
    %dma_start3A_285 = tpu.memref_slice %arg7[%dma_start3A_282, %dma_start3A_283, %dma_start3A_284] : memref<3x80x128xf32, #tpu.memory_space<vmem>> -> memref<1x80x128xf32, #tpu.memory_space<vmem>>
    %dma_start3A_286 = tpu.memref_squeeze %dma_start3A_285 : memref<1x80x128xf32, #tpu.memory_space<vmem>> -> memref<80x128xf32, #tpu.memory_space<vmem>>
    %dma_start3A_287 = arith.constant 0 : i32
    %dma_start3A_288 = tpu.memref_slice %arg6[%dma_start3A_280, %dma_start3A_281, %dma_start3A_287] : memref<6x2x80xi32, #tpu.memory_space<vmem>> -> memref<1x1x80xi32, #tpu.memory_space<vmem>>
    %dma_start3A_289 = tpu.memref_squeeze %dma_start3A_288 : memref<1x1x80xi32, #tpu.memory_space<vmem>> -> memref<80xi32, #tpu.memory_space<vmem>>
    %dma_start3A_290 = arith.constant 0 : i32
    %dma_start3A_291 = arith.constant 0 : i32
    %dma_start3A_292 = tpu.memref_slice %arg2[%dma_start3A_290, %dma_start3A_291] : memref<10000x128xf32, #tpu.memory_space<hbm>> -> memref<10000x128xf32, #tpu.memory_space<hbm>>
    tpu.enqueue_indirect_dma source(%dma_start3A_292 : memref<10000x128xf32, #tpu.memory_space<hbm>>) target(%dma_start3A_286 : memref<80x128xf32, #tpu.memory_space<vmem>>) offsets(%dma_start3A_289 : memref<80xi32, #tpu.memory_space<vmem>>) semaphore(%arg15 : memref<!tpu.dma_semaphore, #tpu.memory_space<semaphore_mem>>)
    %add3A_293 = arith.constant 400 : i32
    %add3A_294 = arith.addi %mul3A_2, %add3A_293 : i32
    %dma_start3A_295 = arith.constant 5 : i32
    %dma_start3A_296 = arith.constant 0 : i32
    %dma_start3A_297 = arith.constant 0 : i32
    %dma_start3A_298 = tpu.memref_slice %arg6[%dma_start3A_295, %dma_start3A_296, %dma_start3A_297] : memref<6x2x80xi32, #tpu.memory_space<vmem>> -> memref<1x1x80xi32, #tpu.memory_space<vmem>>
    %dma_start3A_299 = tpu.memref_squeeze %dma_start3A_298 : memref<1x1x80xi32, #tpu.memory_space<vmem>> -> memref<80xi32, #tpu.memory_space<vmem>>
    %dma_start3A_300 = tpu.memref_slice %arg3[%add3A_294] : memref<320000xi32, #tpu.memory_space<hbm>> -> memref<80xi32, #tpu.memory_space<hbm>>
    %dma_start3A_301 = arith.constant 0 : i32
    %dma_start3A_302 = tpu.memref_slice %arg6[%dma_start3A_295, %dma_start3A_296, %dma_start3A_301] : memref<6x2x80xi32, #tpu.memory_space<vmem>> -> memref<1x1x80xi32, #tpu.memory_space<vmem>>
    %dma_start3A_303 = tpu.memref_squeeze %dma_start3A_302 : memref<1x1x80xi32, #tpu.memory_space<vmem>> -> memref<80xi32, #tpu.memory_space<vmem>>
    %dma_start3A_304 = tpu.memref_slice %arg3[%add3A_294] : memref<320000xi32, #tpu.memory_space<hbm>> -> memref<80xi32, #tpu.memory_space<hbm>>
    tpu.enqueue_dma source(%dma_start3A_304 : memref<80xi32, #tpu.memory_space<hbm>>) target(%dma_start3A_303 : memref<80xi32, #tpu.memory_space<vmem>>) target_semaphore(%arg14 : memref<!tpu.dma_semaphore, #tpu.memory_space<semaphore_mem>>)
    %dma_start3A_305 = arith.constant 5 : i32
    %dma_start3A_306 = arith.constant 1 : i32
    %dma_start3A_307 = arith.constant 0 : i32
    %dma_start3A_308 = tpu.memref_slice %arg6[%dma_start3A_305, %dma_start3A_306, %dma_start3A_307] : memref<6x2x80xi32, #tpu.memory_space<vmem>> -> memref<1x1x80xi32, #tpu.memory_space<vmem>>
    %dma_start3A_309 = tpu.memref_squeeze %dma_start3A_308 : memref<1x1x80xi32, #tpu.memory_space<vmem>> -> memref<80xi32, #tpu.memory_space<vmem>>
    %dma_start3A_310 = tpu.memref_slice %arg4[%add3A_294] : memref<320000xi32, #tpu.memory_space<hbm>> -> memref<80xi32, #tpu.memory_space<hbm>>
    %dma_start3A_311 = arith.constant 0 : i32
    %dma_start3A_312 = tpu.memref_slice %arg6[%dma_start3A_305, %dma_start3A_306, %dma_start3A_311] : memref<6x2x80xi32, #tpu.memory_space<vmem>> -> memref<1x1x80xi32, #tpu.memory_space<vmem>>
    %dma_start3A_313 = tpu.memref_squeeze %dma_start3A_312 : memref<1x1x80xi32, #tpu.memory_space<vmem>> -> memref<80xi32, #tpu.memory_space<vmem>>
    %dma_start3A_314 = tpu.memref_slice %arg4[%add3A_294] : memref<320000xi32, #tpu.memory_space<hbm>> -> memref<80xi32, #tpu.memory_space<hbm>>
    tpu.enqueue_dma source(%dma_start3A_314 : memref<80xi32, #tpu.memory_space<hbm>>) target(%dma_start3A_313 : memref<80xi32, #tpu.memory_space<vmem>>) target_semaphore(%arg14 : memref<!tpu.dma_semaphore, #tpu.memory_space<semaphore_mem>>)
    %scan3A_315 = arith.constant 0 : i32
    %scan3A_316 = arith.constant 0 : i32
    %scan3A_317 = arith.constant 20 : i32
    %scan3A_318 = arith.addi %scan3A_316, %scan3A_317 : i32
    %scan3A_319 = arith.constant 1 : i32
    scf.for %scan3A_406 = %scan3A_316 to %scan3A_318 step %scan3A_319  : i32 {
      %mul3A_407 = arith.constant 6 : i32
      %mul3A_408 = arith.muli %mul3A_407, %scan3A_406 : i32
      %add3A_409 = arith.constant 2 : i32
      %add3A_410 = arith.addi %add3A_409, %mul3A_408 : i32
      %add3A_411 = arith.constant 0 : i32
      %add3A_412 = arith.addi %add3A_410, %add3A_411 : i32
      %dma_wait3A_413 = arith.constant 2 : i32
      %dma_wait3A_414 = arith.constant 0 : i32
      %dma_wait3A_415 = arith.constant 2 : i32
      %dma_wait3A_416 = arith.constant 0 : i32
      %dma_wait3A_417 = arith.constant 0 : i32
      %dma_wait3A_418 = tpu.memref_slice %arg7[%dma_wait3A_415, %dma_wait3A_416, %dma_wait3A_417] : memref<3x80x128xf32, #tpu.memory_space<vmem>> -> memref<1x80x128xf32, #tpu.memory_space<vmem>>
      %dma_wait3A_419 = tpu.memref_squeeze %dma_wait3A_418 : memref<1x80x128xf32, #tpu.memory_space<vmem>> -> memref<80x128xf32, #tpu.memory_space<vmem>>
      %dma_wait3A_420 = arith.constant 0 : i32
      %dma_wait3A_421 = tpu.memref_slice %arg6[%dma_wait3A_413, %dma_wait3A_414, %dma_wait3A_420] : memref<6x2x80xi32, #tpu.memory_space<vmem>> -> memref<1x1x80xi32, #tpu.memory_space<vmem>>
      %dma_wait3A_422 = tpu.memref_squeeze %dma_wait3A_421 : memref<1x1x80xi32, #tpu.memory_space<vmem>> -> memref<80xi32, #tpu.memory_space<vmem>>
      %dma_wait3A_423 = arith.constant 0 : i32
      %dma_wait3A_424 = arith.constant 0 : i32
      %dma_wait3A_425 = tpu.memref_slice %arg2[%dma_wait3A_423, %dma_wait3A_424] : memref<10000x128xf32, #tpu.memory_space<hbm>> -> memref<10000x128xf32, #tpu.memory_space<hbm>>
      tpu.wait_indirect_dma semaphore(%arg17 : memref<!tpu.dma_semaphore, #tpu.memory_space<semaphore_mem>>) src(%dma_wait3A_425 : memref<10000x128xf32, #tpu.memory_space<hbm>>) dst(%dma_wait3A_419 : memref<80x128xf32, #tpu.memory_space<vmem>>)
      %add3A_426 = arith.constant 3 : i32
      %add3A_427 = arith.addi %add3A_412, %add3A_426 : i32
      %sub3A = arith.constant 1 : i32
      %sub3A_428 = arith.subi %add3A_427, %sub3A : i32
      %lt3A_429 = arith.constant 125 : i32
      %lt3A_430 = arith.cmpi slt, %sub3A_428, %lt3A_429 : i32
      %convert_element_type3A = arith.extui %lt3A_430 : i1 to i32
      %cond3A = arith.constant 0 : i32
      %cond3A_431 = arith.cmpi ne, %convert_element_type3A, %cond3A : i32
      scf.if %cond3A_431 {
        %add3A_606 = arith.constant 3 : i32
        %add3A_607 = arith.addi %add3A_412, %add3A_606 : i32
        %sub3A_608 = arith.constant 1 : i32
        %sub3A_609 = arith.subi %add3A_607, %sub3A_608 : i32
        %mul3A_610 = arith.constant 80 : i32
        %mul3A_611 = arith.muli %sub3A_609, %mul3A_610 : i32
        %add3A_612 = arith.addi %mul3A_2, %mul3A_611 : i32
        %dma_wait3A_613 = arith.constant 4 : i32
        %dma_wait3A_614 = arith.constant 0 : i32
        %dma_wait3A_615 = arith.constant 0 : i32
        %dma_wait3A_616 = tpu.memref_slice %arg6[%dma_wait3A_613, %dma_wait3A_614, %dma_wait3A_615] : memref<6x2x80xi32, #tpu.memory_space<vmem>> -> memref<1x1x80xi32, #tpu.memory_space<vmem>>
        %dma_wait3A_617 = tpu.memref_squeeze %dma_wait3A_616 : memref<1x1x80xi32, #tpu.memory_space<vmem>> -> memref<80xi32, #tpu.memory_space<vmem>>
        %dma_wait3A_618 = tpu.memref_slice %arg3[%add3A_612] : memref<320000xi32, #tpu.memory_space<hbm>> -> memref<80xi32, #tpu.memory_space<hbm>>
        %dma_wait3A_619 = arith.constant 0 : i32
        %dma_wait3A_620 = tpu.memref_slice %arg6[%dma_wait3A_613, %dma_wait3A_614, %dma_wait3A_619] : memref<6x2x80xi32, #tpu.memory_space<vmem>> -> memref<1x1x80xi32, #tpu.memory_space<vmem>>
        %dma_wait3A_621 = tpu.memref_squeeze %dma_wait3A_620 : memref<1x1x80xi32, #tpu.memory_space<vmem>> -> memref<80xi32, #tpu.memory_space<vmem>>
        %dma_wait3A_622 = tpu.memref_slice %arg3[%add3A_612] : memref<320000xi32, #tpu.memory_space<hbm>> -> memref<80xi32, #tpu.memory_space<hbm>>
        tpu.wait_dma2 semaphore(%arg13 : memref<!tpu.dma_semaphore, #tpu.memory_space<semaphore_mem>>) src(%dma_wait3A_622 : memref<80xi32, #tpu.memory_space<hbm>>) dst(%dma_wait3A_621 : memref<80xi32, #tpu.memory_space<vmem>>)
        %dma_wait3A_623 = arith.constant 4 : i32
        %dma_wait3A_624 = arith.constant 1 : i32
        %dma_wait3A_625 = arith.constant 0 : i32
        %dma_wait3A_626 = tpu.memref_slice %arg6[%dma_wait3A_623, %dma_wait3A_624, %dma_wait3A_625] : memref<6x2x80xi32, #tpu.memory_space<vmem>> -> memref<1x1x80xi32, #tpu.memory_space<vmem>>
        %dma_wait3A_627 = tpu.memref_squeeze %dma_wait3A_626 : memref<1x1x80xi32, #tpu.memory_space<vmem>> -> memref<80xi32, #tpu.memory_space<vmem>>
        %dma_wait3A_628 = tpu.memref_slice %arg4[%add3A_612] : memref<320000xi32, #tpu.memory_space<hbm>> -> memref<80xi32, #tpu.memory_space<hbm>>
        %dma_wait3A_629 = arith.constant 0 : i32
        %dma_wait3A_630 = tpu.memref_slice %arg6[%dma_wait3A_623, %dma_wait3A_624, %dma_wait3A_629] : memref<6x2x80xi32, #tpu.memory_space<vmem>> -> memref<1x1x80xi32, #tpu.memory_space<vmem>>
        %dma_wait3A_631 = tpu.memref_squeeze %dma_wait3A_630 : memref<1x1x80xi32, #tpu.memory_space<vmem>> -> memref<80xi32, #tpu.memory_space<vmem>>
        %dma_wait3A_632 = tpu.memref_slice %arg4[%add3A_612] : memref<320000xi32, #tpu.memory_space<hbm>> -> memref<80xi32, #tpu.memory_space<hbm>>
        tpu.wait_dma2 semaphore(%arg13 : memref<!tpu.dma_semaphore, #tpu.memory_space<semaphore_mem>>) src(%dma_wait3A_632 : memref<80xi32, #tpu.memory_space<hbm>>) dst(%dma_wait3A_631 : memref<80xi32, #tpu.memory_space<vmem>>)
        %dma_start3A_633 = arith.constant 4 : i32
        %dma_start3A_634 = arith.constant 0 : i32
        %dma_start3A_635 = arith.constant 1 : i32
        %dma_start3A_636 = arith.constant 0 : i32
        %dma_start3A_637 = arith.constant 0 : i32
        %dma_start3A_638 = tpu.memref_slice %arg7[%dma_start3A_635, %dma_start3A_636, %dma_start3A_637] : memref<3x80x128xf32, #tpu.memory_space<vmem>> -> memref<1x80x128xf32, #tpu.memory_space<vmem>>
        %dma_start3A_639 = tpu.memref_squeeze %dma_start3A_638 : memref<1x80x128xf32, #tpu.memory_space<vmem>> -> memref<80x128xf32, #tpu.memory_space<vmem>>
        %dma_start3A_640 = arith.constant 0 : i32
        %dma_start3A_641 = tpu.memref_slice %arg6[%dma_start3A_633, %dma_start3A_634, %dma_start3A_640] : memref<6x2x80xi32, #tpu.memory_space<vmem>> -> memref<1x1x80xi32, #tpu.memory_space<vmem>>
        %dma_start3A_642 = tpu.memref_squeeze %dma_start3A_641 : memref<1x1x80xi32, #tpu.memory_space<vmem>> -> memref<80xi32, #tpu.memory_space<vmem>>
        %dma_start3A_643 = arith.constant 0 : i32
        %dma_start3A_644 = arith.constant 0 : i32
        %dma_start3A_645 = tpu.memref_slice %arg2[%dma_start3A_643, %dma_start3A_644] : memref<10000x128xf32, #tpu.memory_space<hbm>> -> memref<10000x128xf32, #tpu.memory_space<hbm>>
        tpu.enqueue_indirect_dma source(%dma_start3A_645 : memref<10000x128xf32, #tpu.memory_space<hbm>>) target(%dma_start3A_639 : memref<80x128xf32, #tpu.memory_space<vmem>>) offsets(%dma_start3A_642 : memref<80xi32, #tpu.memory_space<vmem>>) semaphore(%arg16 : memref<!tpu.dma_semaphore, #tpu.memory_space<semaphore_mem>>)
      } else {
      }
      %add3A_432 = arith.constant 6 : i32
      %add3A_433 = arith.addi %add3A_412, %add3A_432 : i32
      %sub3A_434 = arith.constant 2 : i32
      %sub3A_435 = arith.subi %add3A_433, %sub3A_434 : i32
      %lt3A_436 = arith.constant 125 : i32
      %lt3A_437 = arith.cmpi slt, %sub3A_435, %lt3A_436 : i32
      %convert_element_type3A_438 = arith.extui %lt3A_437 : i1 to i32
      %cond3A_439 = arith.constant 0 : i32
      %cond3A_440 = arith.cmpi ne, %convert_element_type3A_438, %cond3A_439 : i32
      scf.if %cond3A_440 {
        %add3A_606 = arith.constant 6 : i32
        %add3A_607 = arith.addi %add3A_412, %add3A_606 : i32
        %sub3A_608 = arith.constant 2 : i32
        %sub3A_609 = arith.subi %add3A_607, %sub3A_608 : i32
        %mul3A_610 = arith.constant 80 : i32
        %mul3A_611 = arith.muli %sub3A_609, %mul3A_610 : i32
        %add3A_612 = arith.addi %mul3A_2, %mul3A_611 : i32
        %dma_start3A_613 = arith.constant 0 : i32
        %dma_start3A_614 = arith.constant 0 : i32
        %dma_start3A_615 = arith.constant 0 : i32
        %dma_start3A_616 = tpu.memref_slice %arg6[%dma_start3A_613, %dma_start3A_614, %dma_start3A_615] : memref<6x2x80xi32, #tpu.memory_space<vmem>> -> memref<1x1x80xi32, #tpu.memory_space<vmem>>
        %dma_start3A_617 = tpu.memref_squeeze %dma_start3A_616 : memref<1x1x80xi32, #tpu.memory_space<vmem>> -> memref<80xi32, #tpu.memory_space<vmem>>
        %dma_start3A_618 = tpu.memref_slice %arg3[%add3A_612] : memref<320000xi32, #tpu.memory_space<hbm>> -> memref<80xi32, #tpu.memory_space<hbm>>
        %dma_start3A_619 = arith.constant 0 : i32
        %dma_start3A_620 = tpu.memref_slice %arg6[%dma_start3A_613, %dma_start3A_614, %dma_start3A_619] : memref<6x2x80xi32, #tpu.memory_space<vmem>> -> memref<1x1x80xi32, #tpu.memory_space<vmem>>
        %dma_start3A_621 = tpu.memref_squeeze %dma_start3A_620 : memref<1x1x80xi32, #tpu.memory_space<vmem>> -> memref<80xi32, #tpu.memory_space<vmem>>
        %dma_start3A_622 = tpu.memref_slice %arg3[%add3A_612] : memref<320000xi32, #tpu.memory_space<hbm>> -> memref<80xi32, #tpu.memory_space<hbm>>
        tpu.enqueue_dma source(%dma_start3A_622 : memref<80xi32, #tpu.memory_space<hbm>>) target(%dma_start3A_621 : memref<80xi32, #tpu.memory_space<vmem>>) target_semaphore(%arg9 : memref<!tpu.dma_semaphore, #tpu.memory_space<semaphore_mem>>)
        %dma_start3A_623 = arith.constant 0 : i32
        %dma_start3A_624 = arith.constant 1 : i32
        %dma_start3A_625 = arith.constant 0 : i32
        %dma_start3A_626 = tpu.memref_slice %arg6[%dma_start3A_623, %dma_start3A_624, %dma_start3A_625] : memref<6x2x80xi32, #tpu.memory_space<vmem>> -> memref<1x1x80xi32, #tpu.memory_space<vmem>>
        %dma_start3A_627 = tpu.memref_squeeze %dma_start3A_626 : memref<1x1x80xi32, #tpu.memory_space<vmem>> -> memref<80xi32, #tpu.memory_space<vmem>>
        %dma_start3A_628 = tpu.memref_slice %arg4[%add3A_612] : memref<320000xi32, #tpu.memory_space<hbm>> -> memref<80xi32, #tpu.memory_space<hbm>>
        %dma_start3A_629 = arith.constant 0 : i32
        %dma_start3A_630 = tpu.memref_slice %arg6[%dma_start3A_623, %dma_start3A_624, %dma_start3A_629] : memref<6x2x80xi32, #tpu.memory_space<vmem>> -> memref<1x1x80xi32, #tpu.memory_space<vmem>>
        %dma_start3A_631 = tpu.memref_squeeze %dma_start3A_630 : memref<1x1x80xi32, #tpu.memory_space<vmem>> -> memref<80xi32, #tpu.memory_space<vmem>>
        %dma_start3A_632 = tpu.memref_slice %arg4[%add3A_612] : memref<320000xi32, #tpu.memory_space<hbm>> -> memref<80xi32, #tpu.memory_space<hbm>>
        tpu.enqueue_dma source(%dma_start3A_632 : memref<80xi32, #tpu.memory_space<hbm>>) target(%dma_start3A_631 : memref<80xi32, #tpu.memory_space<vmem>>) target_semaphore(%arg9 : memref<!tpu.dma_semaphore, #tpu.memory_space<semaphore_mem>>)
      } else {
      }
      %add3A_441 = arith.constant 1 : i32
      %add3A_442 = arith.addi %add3A_410, %add3A_441 : i32
      %dma_wait3A_443 = arith.constant 3 : i32
      %dma_wait3A_444 = arith.constant 0 : i32
      %dma_wait3A_445 = arith.constant 0 : i32
      %dma_wait3A_446 = arith.constant 0 : i32
      %dma_wait3A_447 = arith.constant 0 : i32
      %dma_wait3A_448 = tpu.memref_slice %arg7[%dma_wait3A_445, %dma_wait3A_446, %dma_wait3A_447] : memref<3x80x128xf32, #tpu.memory_space<vmem>> -> memref<1x80x128xf32, #tpu.memory_space<vmem>>
      %dma_wait3A_449 = tpu.memref_squeeze %dma_wait3A_448 : memref<1x80x128xf32, #tpu.memory_space<vmem>> -> memref<80x128xf32, #tpu.memory_space<vmem>>
      %dma_wait3A_450 = arith.constant 0 : i32
      %dma_wait3A_451 = tpu.memref_slice %arg6[%dma_wait3A_443, %dma_wait3A_444, %dma_wait3A_450] : memref<6x2x80xi32, #tpu.memory_space<vmem>> -> memref<1x1x80xi32, #tpu.memory_space<vmem>>
      %dma_wait3A_452 = tpu.memref_squeeze %dma_wait3A_451 : memref<1x1x80xi32, #tpu.memory_space<vmem>> -> memref<80xi32, #tpu.memory_space<vmem>>
      %dma_wait3A_453 = arith.constant 0 : i32
      %dma_wait3A_454 = arith.constant 0 : i32
      %dma_wait3A_455 = tpu.memref_slice %arg2[%dma_wait3A_453, %dma_wait3A_454] : memref<10000x128xf32, #tpu.memory_space<hbm>> -> memref<10000x128xf32, #tpu.memory_space<hbm>>
      tpu.wait_indirect_dma semaphore(%arg15 : memref<!tpu.dma_semaphore, #tpu.memory_space<semaphore_mem>>) src(%dma_wait3A_455 : memref<10000x128xf32, #tpu.memory_space<hbm>>) dst(%dma_wait3A_449 : memref<80x128xf32, #tpu.memory_space<vmem>>)
      %add3A_456 = arith.constant 3 : i32
      %add3A_457 = arith.addi %add3A_442, %add3A_456 : i32
      %sub3A_458 = arith.constant 1 : i32
      %sub3A_459 = arith.subi %add3A_457, %sub3A_458 : i32
      %lt3A_460 = arith.constant 125 : i32
      %lt3A_461 = arith.cmpi slt, %sub3A_459, %lt3A_460 : i32
      %convert_element_type3A_462 = arith.extui %lt3A_461 : i1 to i32
      %cond3A_463 = arith.constant 0 : i32
      %cond3A_464 = arith.cmpi ne, %convert_element_type3A_462, %cond3A_463 : i32
      scf.if %cond3A_464 {
        %add3A_606 = arith.constant 3 : i32
        %add3A_607 = arith.addi %add3A_442, %add3A_606 : i32
        %sub3A_608 = arith.constant 1 : i32
        %sub3A_609 = arith.subi %add3A_607, %sub3A_608 : i32
        %mul3A_610 = arith.constant 80 : i32
        %mul3A_611 = arith.muli %sub3A_609, %mul3A_610 : i32
        %add3A_612 = arith.addi %mul3A_2, %mul3A_611 : i32
        %dma_wait3A_613 = arith.constant 5 : i32
        %dma_wait3A_614 = arith.constant 0 : i32
        %dma_wait3A_615 = arith.constant 0 : i32
        %dma_wait3A_616 = tpu.memref_slice %arg6[%dma_wait3A_613, %dma_wait3A_614, %dma_wait3A_615] : memref<6x2x80xi32, #tpu.memory_space<vmem>> -> memref<1x1x80xi32, #tpu.memory_space<vmem>>
        %dma_wait3A_617 = tpu.memref_squeeze %dma_wait3A_616 : memref<1x1x80xi32, #tpu.memory_space<vmem>> -> memref<80xi32, #tpu.memory_space<vmem>>
        %dma_wait3A_618 = tpu.memref_slice %arg3[%add3A_612] : memref<320000xi32, #tpu.memory_space<hbm>> -> memref<80xi32, #tpu.memory_space<hbm>>
        %dma_wait3A_619 = arith.constant 0 : i32
        %dma_wait3A_620 = tpu.memref_slice %arg6[%dma_wait3A_613, %dma_wait3A_614, %dma_wait3A_619] : memref<6x2x80xi32, #tpu.memory_space<vmem>> -> memref<1x1x80xi32, #tpu.memory_space<vmem>>
        %dma_wait3A_621 = tpu.memref_squeeze %dma_wait3A_620 : memref<1x1x80xi32, #tpu.memory_space<vmem>> -> memref<80xi32, #tpu.memory_space<vmem>>
        %dma_wait3A_622 = tpu.memref_slice %arg3[%add3A_612] : memref<320000xi32, #tpu.memory_space<hbm>> -> memref<80xi32, #tpu.memory_space<hbm>>
        tpu.wait_dma2 semaphore(%arg14 : memref<!tpu.dma_semaphore, #tpu.memory_space<semaphore_mem>>) src(%dma_wait3A_622 : memref<80xi32, #tpu.memory_space<hbm>>) dst(%dma_wait3A_621 : memref<80xi32, #tpu.memory_space<vmem>>)
        %dma_wait3A_623 = arith.constant 5 : i32
        %dma_wait3A_624 = arith.constant 1 : i32
        %dma_wait3A_625 = arith.constant 0 : i32
        %dma_wait3A_626 = tpu.memref_slice %arg6[%dma_wait3A_623, %dma_wait3A_624, %dma_wait3A_625] : memref<6x2x80xi32, #tpu.memory_space<vmem>> -> memref<1x1x80xi32, #tpu.memory_space<vmem>>
        %dma_wait3A_627 = tpu.memref_squeeze %dma_wait3A_626 : memref<1x1x80xi32, #tpu.memory_space<vmem>> -> memref<80xi32, #tpu.memory_space<vmem>>
        %dma_wait3A_628 = tpu.memref_slice %arg4[%add3A_612] : memref<320000xi32, #tpu.memory_space<hbm>> -> memref<80xi32, #tpu.memory_space<hbm>>
        %dma_wait3A_629 = arith.constant 0 : i32
        %dma_wait3A_630 = tpu.memref_slice %arg6[%dma_wait3A_623, %dma_wait3A_624, %dma_wait3A_629] : memref<6x2x80xi32, #tpu.memory_space<vmem>> -> memref<1x1x80xi32, #tpu.memory_space<vmem>>
        %dma_wait3A_631 = tpu.memref_squeeze %dma_wait3A_630 : memref<1x1x80xi32, #tpu.memory_space<vmem>> -> memref<80xi32, #tpu.memory_space<vmem>>
        %dma_wait3A_632 = tpu.memref_slice %arg4[%add3A_612] : memref<320000xi32, #tpu.memory_space<hbm>> -> memref<80xi32, #tpu.memory_space<hbm>>
        tpu.wait_dma2 semaphore(%arg14 : memref<!tpu.dma_semaphore, #tpu.memory_space<semaphore_mem>>) src(%dma_wait3A_632 : memref<80xi32, #tpu.memory_space<hbm>>) dst(%dma_wait3A_631 : memref<80xi32, #tpu.memory_space<vmem>>)
        %dma_start3A_633 = arith.constant 5 : i32
        %dma_start3A_634 = arith.constant 0 : i32
        %dma_start3A_635 = arith.constant 2 : i32
        %dma_start3A_636 = arith.constant 0 : i32
        %dma_start3A_637 = arith.constant 0 : i32
        %dma_start3A_638 = tpu.memref_slice %arg7[%dma_start3A_635, %dma_start3A_636, %dma_start3A_637] : memref<3x80x128xf32, #tpu.memory_space<vmem>> -> memref<1x80x128xf32, #tpu.memory_space<vmem>>
        %dma_start3A_639 = tpu.memref_squeeze %dma_start3A_638 : memref<1x80x128xf32, #tpu.memory_space<vmem>> -> memref<80x128xf32, #tpu.memory_space<vmem>>
        %dma_start3A_640 = arith.constant 0 : i32
        %dma_start3A_641 = tpu.memref_slice %arg6[%dma_start3A_633, %dma_start3A_634, %dma_start3A_640] : memref<6x2x80xi32, #tpu.memory_space<vmem>> -> memref<1x1x80xi32, #tpu.memory_space<vmem>>
        %dma_start3A_642 = tpu.memref_squeeze %dma_start3A_641 : memref<1x1x80xi32, #tpu.memory_space<vmem>> -> memref<80xi32, #tpu.memory_space<vmem>>
        %dma_start3A_643 = arith.constant 0 : i32
        %dma_start3A_644 = arith.constant 0 : i32
        %dma_start3A_645 = tpu.memref_slice %arg2[%dma_start3A_643, %dma_start3A_644] : memref<10000x128xf32, #tpu.memory_space<hbm>> -> memref<10000x128xf32, #tpu.memory_space<hbm>>
        tpu.enqueue_indirect_dma source(%dma_start3A_645 : memref<10000x128xf32, #tpu.memory_space<hbm>>) target(%dma_start3A_639 : memref<80x128xf32, #tpu.memory_space<vmem>>) offsets(%dma_start3A_642 : memref<80xi32, #tpu.memory_space<vmem>>) semaphore(%arg17 : memref<!tpu.dma_semaphore, #tpu.memory_space<semaphore_mem>>)
      } else {
      }
      %add3A_465 = arith.constant 6 : i32
      %add3A_466 = arith.addi %add3A_442, %add3A_465 : i32
      %sub3A_467 = arith.constant 2 : i32
      %sub3A_468 = arith.subi %add3A_466, %sub3A_467 : i32
      %lt3A_469 = arith.constant 125 : i32
      %lt3A_470 = arith.cmpi slt, %sub3A_468, %lt3A_469 : i32
      %convert_element_type3A_471 = arith.extui %lt3A_470 : i1 to i32
      %cond3A_472 = arith.constant 0 : i32
      %cond3A_473 = arith.cmpi ne, %convert_element_type3A_471, %cond3A_472 : i32
      scf.if %cond3A_473 {
        %add3A_606 = arith.constant 6 : i32
        %add3A_607 = arith.addi %add3A_442, %add3A_606 : i32
        %sub3A_608 = arith.constant 2 : i32
        %sub3A_609 = arith.subi %add3A_607, %sub3A_608 : i32
        %mul3A_610 = arith.constant 80 : i32
        %mul3A_611 = arith.muli %sub3A_609, %mul3A_610 : i32
        %add3A_612 = arith.addi %mul3A_2, %mul3A_611 : i32
        %dma_start3A_613 = arith.constant 1 : i32
        %dma_start3A_614 = arith.constant 0 : i32
        %dma_start3A_615 = arith.constant 0 : i32
        %dma_start3A_616 = tpu.memref_slice %arg6[%dma_start3A_613, %dma_start3A_614, %dma_start3A_615] : memref<6x2x80xi32, #tpu.memory_space<vmem>> -> memref<1x1x80xi32, #tpu.memory_space<vmem>>
        %dma_start3A_617 = tpu.memref_squeeze %dma_start3A_616 : memref<1x1x80xi32, #tpu.memory_space<vmem>> -> memref<80xi32, #tpu.memory_space<vmem>>
        %dma_start3A_618 = tpu.memref_slice %arg3[%add3A_612] : memref<320000xi32, #tpu.memory_space<hbm>> -> memref<80xi32, #tpu.memory_space<hbm>>
        %dma_start3A_619 = arith.constant 0 : i32
        %dma_start3A_620 = tpu.memref_slice %arg6[%dma_start3A_613, %dma_start3A_614, %dma_start3A_619] : memref<6x2x80xi32, #tpu.memory_space<vmem>> -> memref<1x1x80xi32, #tpu.memory_space<vmem>>
        %dma_start3A_621 = tpu.memref_squeeze %dma_start3A_620 : memref<1x1x80xi32, #tpu.memory_space<vmem>> -> memref<80xi32, #tpu.memory_space<vmem>>
        %dma_start3A_622 = tpu.memref_slice %arg3[%add3A_612] : memref<320000xi32, #tpu.memory_space<hbm>> -> memref<80xi32, #tpu.memory_space<hbm>>
        tpu.enqueue_dma source(%dma_start3A_622 : memref<80xi32, #tpu.memory_space<hbm>>) target(%dma_start3A_621 : memref<80xi32, #tpu.memory_space<vmem>>) target_semaphore(%arg10 : memref<!tpu.dma_semaphore, #tpu.memory_space<semaphore_mem>>)
        %dma_start3A_623 = arith.constant 1 : i32
        %dma_start3A_624 = arith.constant 1 : i32
        %dma_start3A_625 = arith.constant 0 : i32
        %dma_start3A_626 = tpu.memref_slice %arg6[%dma_start3A_623, %dma_start3A_624, %dma_start3A_625] : memref<6x2x80xi32, #tpu.memory_space<vmem>> -> memref<1x1x80xi32, #tpu.memory_space<vmem>>
        %dma_start3A_627 = tpu.memref_squeeze %dma_start3A_626 : memref<1x1x80xi32, #tpu.memory_space<vmem>> -> memref<80xi32, #tpu.memory_space<vmem>>
        %dma_start3A_628 = tpu.memref_slice %arg4[%add3A_612] : memref<320000xi32, #tpu.memory_space<hbm>> -> memref<80xi32, #tpu.memory_space<hbm>>
        %dma_start3A_629 = arith.constant 0 : i32
        %dma_start3A_630 = tpu.memref_slice %arg6[%dma_start3A_623, %dma_start3A_624, %dma_start3A_629] : memref<6x2x80xi32, #tpu.memory_space<vmem>> -> memref<1x1x80xi32, #tpu.memory_space<vmem>>
        %dma_start3A_631 = tpu.memref_squeeze %dma_start3A_630 : memref<1x1x80xi32, #tpu.memory_space<vmem>> -> memref<80xi32, #tpu.memory_space<vmem>>
        %dma_start3A_632 = tpu.memref_slice %arg4[%add3A_612] : memref<320000xi32, #tpu.memory_space<hbm>> -> memref<80xi32, #tpu.memory_space<hbm>>
        tpu.enqueue_dma source(%dma_start3A_632 : memref<80xi32, #tpu.memory_space<hbm>>) target(%dma_start3A_631 : memref<80xi32, #tpu.memory_space<vmem>>) target_semaphore(%arg10 : memref<!tpu.dma_semaphore, #tpu.memory_space<semaphore_mem>>)
      } else {
      }
      %add3A_474 = arith.constant 2 : i32
      %add3A_475 = arith.addi %add3A_410, %add3A_474 : i32
      %dma_wait3A_476 = arith.constant 4 : i32
      %dma_wait3A_477 = arith.constant 0 : i32
      %dma_wait3A_478 = arith.constant 1 : i32
      %dma_wait3A_479 = arith.constant 0 : i32
      %dma_wait3A_480 = arith.constant 0 : i32
      %dma_wait3A_481 = tpu.memref_slice %arg7[%dma_wait3A_478, %dma_wait3A_479, %dma_wait3A_480] : memref<3x80x128xf32, #tpu.memory_space<vmem>> -> memref<1x80x128xf32, #tpu.memory_space<vmem>>
      %dma_wait3A_482 = tpu.memref_squeeze %dma_wait3A_481 : memref<1x80x128xf32, #tpu.memory_space<vmem>> -> memref<80x128xf32, #tpu.memory_space<vmem>>
      %dma_wait3A_483 = arith.constant 0 : i32
      %dma_wait3A_484 = tpu.memref_slice %arg6[%dma_wait3A_476, %dma_wait3A_477, %dma_wait3A_483] : memref<6x2x80xi32, #tpu.memory_space<vmem>> -> memref<1x1x80xi32, #tpu.memory_space<vmem>>
      %dma_wait3A_485 = tpu.memref_squeeze %dma_wait3A_484 : memref<1x1x80xi32, #tpu.memory_space<vmem>> -> memref<80xi32, #tpu.memory_space<vmem>>
      %dma_wait3A_486 = arith.constant 0 : i32
      %dma_wait3A_487 = arith.constant 0 : i32
      %dma_wait3A_488 = tpu.memref_slice %arg2[%dma_wait3A_486, %dma_wait3A_487] : memref<10000x128xf32, #tpu.memory_space<hbm>> -> memref<10000x128xf32, #tpu.memory_space<hbm>>
      tpu.wait_indirect_dma semaphore(%arg16 : memref<!tpu.dma_semaphore, #tpu.memory_space<semaphore_mem>>) src(%dma_wait3A_488 : memref<10000x128xf32, #tpu.memory_space<hbm>>) dst(%dma_wait3A_482 : memref<80x128xf32, #tpu.memory_space<vmem>>)
      %add3A_489 = arith.constant 3 : i32
      %add3A_490 = arith.addi %add3A_475, %add3A_489 : i32
      %sub3A_491 = arith.constant 1 : i32
      %sub3A_492 = arith.subi %add3A_490, %sub3A_491 : i32
      %lt3A_493 = arith.constant 125 : i32
      %lt3A_494 = arith.cmpi slt, %sub3A_492, %lt3A_493 : i32
      %convert_element_type3A_495 = arith.extui %lt3A_494 : i1 to i32
      %cond3A_496 = arith.constant 0 : i32
      %cond3A_497 = arith.cmpi ne, %convert_element_type3A_495, %cond3A_496 : i32
      scf.if %cond3A_497 {
        %add3A_606 = arith.constant 3 : i32
        %add3A_607 = arith.addi %add3A_475, %add3A_606 : i32
        %sub3A_608 = arith.constant 1 : i32
        %sub3A_609 = arith.subi %add3A_607, %sub3A_608 : i32
        %mul3A_610 = arith.constant 80 : i32
        %mul3A_611 = arith.muli %sub3A_609, %mul3A_610 : i32
        %add3A_612 = arith.addi %mul3A_2, %mul3A_611 : i32
        %dma_wait3A_613 = arith.constant 0 : i32
        %dma_wait3A_614 = arith.constant 0 : i32
        %dma_wait3A_615 = arith.constant 0 : i32
        %dma_wait3A_616 = tpu.memref_slice %arg6[%dma_wait3A_613, %dma_wait3A_614, %dma_wait3A_615] : memref<6x2x80xi32, #tpu.memory_space<vmem>> -> memref<1x1x80xi32, #tpu.memory_space<vmem>>
        %dma_wait3A_617 = tpu.memref_squeeze %dma_wait3A_616 : memref<1x1x80xi32, #tpu.memory_space<vmem>> -> memref<80xi32, #tpu.memory_space<vmem>>
        %dma_wait3A_618 = tpu.memref_slice %arg3[%add3A_612] : memref<320000xi32, #tpu.memory_space<hbm>> -> memref<80xi32, #tpu.memory_space<hbm>>
        %dma_wait3A_619 = arith.constant 0 : i32
        %dma_wait3A_620 = tpu.memref_slice %arg6[%dma_wait3A_613, %dma_wait3A_614, %dma_wait3A_619] : memref<6x2x80xi32, #tpu.memory_space<vmem>> -> memref<1x1x80xi32, #tpu.memory_space<vmem>>
        %dma_wait3A_621 = tpu.memref_squeeze %dma_wait3A_620 : memref<1x1x80xi32, #tpu.memory_space<vmem>> -> memref<80xi32, #tpu.memory_space<vmem>>
        %dma_wait3A_622 = tpu.memref_slice %arg3[%add3A_612] : memref<320000xi32, #tpu.memory_space<hbm>> -> memref<80xi32, #tpu.memory_space<hbm>>
        tpu.wait_dma2 semaphore(%arg9 : memref<!tpu.dma_semaphore, #tpu.memory_space<semaphore_mem>>) src(%dma_wait3A_622 : memref<80xi32, #tpu.memory_space<hbm>>) dst(%dma_wait3A_621 : memref<80xi32, #tpu.memory_space<vmem>>)
        %dma_wait3A_623 = arith.constant 0 : i32
        %dma_wait3A_624 = arith.constant 1 : i32
        %dma_wait3A_625 = arith.constant 0 : i32
        %dma_wait3A_626 = tpu.memref_slice %arg6[%dma_wait3A_623, %dma_wait3A_624, %dma_wait3A_625] : memref<6x2x80xi32, #tpu.memory_space<vmem>> -> memref<1x1x80xi32, #tpu.memory_space<vmem>>
        %dma_wait3A_627 = tpu.memref_squeeze %dma_wait3A_626 : memref<1x1x80xi32, #tpu.memory_space<vmem>> -> memref<80xi32, #tpu.memory_space<vmem>>
        %dma_wait3A_628 = tpu.memref_slice %arg4[%add3A_612] : memref<320000xi32, #tpu.memory_space<hbm>> -> memref<80xi32, #tpu.memory_space<hbm>>
        %dma_wait3A_629 = arith.constant 0 : i32
        %dma_wait3A_630 = tpu.memref_slice %arg6[%dma_wait3A_623, %dma_wait3A_624, %dma_wait3A_629] : memref<6x2x80xi32, #tpu.memory_space<vmem>> -> memref<1x1x80xi32, #tpu.memory_space<vmem>>
        %dma_wait3A_631 = tpu.memref_squeeze %dma_wait3A_630 : memref<1x1x80xi32, #tpu.memory_space<vmem>> -> memref<80xi32, #tpu.memory_space<vmem>>
        %dma_wait3A_632 = tpu.memref_slice %arg4[%add3A_612] : memref<320000xi32, #tpu.memory_space<hbm>> -> memref<80xi32, #tpu.memory_space<hbm>>
        tpu.wait_dma2 semaphore(%arg9 : memref<!tpu.dma_semaphore, #tpu.memory_space<semaphore_mem>>) src(%dma_wait3A_632 : memref<80xi32, #tpu.memory_space<hbm>>) dst(%dma_wait3A_631 : memref<80xi32, #tpu.memory_space<vmem>>)
        %dma_start3A_633 = arith.constant 0 : i32
        %dma_start3A_634 = arith.constant 0 : i32
        %dma_start3A_635 = arith.constant 0 : i32
        %dma_start3A_636 = arith.constant 0 : i32
        %dma_start3A_637 = arith.constant 0 : i32
        %dma_start3A_638 = tpu.memref_slice %arg7[%dma_start3A_635, %dma_start3A_636, %dma_start3A_637] : memref<3x80x128xf32, #tpu.memory_space<vmem>> -> memref<1x80x128xf32, #tpu.memory_space<vmem>>
        %dma_start3A_639 = tpu.memref_squeeze %dma_start3A_638 : memref<1x80x128xf32, #tpu.memory_space<vmem>> -> memref<80x128xf32, #tpu.memory_space<vmem>>
        %dma_start3A_640 = arith.constant 0 : i32
        %dma_start3A_641 = tpu.memref_slice %arg6[%dma_start3A_633, %dma_start3A_634, %dma_start3A_640] : memref<6x2x80xi32, #tpu.memory_space<vmem>> -> memref<1x1x80xi32, #tpu.memory_space<vmem>>
        %dma_start3A_642 = tpu.memref_squeeze %dma_start3A_641 : memref<1x1x80xi32, #tpu.memory_space<vmem>> -> memref<80xi32, #tpu.memory_space<vmem>>
        %dma_start3A_643 = arith.constant 0 : i32
        %dma_start3A_644 = arith.constant 0 : i32
        %dma_start3A_645 = tpu.memref_slice %arg2[%dma_start3A_643, %dma_start3A_644] : memref<10000x128xf32, #tpu.memory_space<hbm>> -> memref<10000x128xf32, #tpu.memory_space<hbm>>
        tpu.enqueue_indirect_dma source(%dma_start3A_645 : memref<10000x128xf32, #tpu.memory_space<hbm>>) target(%dma_start3A_639 : memref<80x128xf32, #tpu.memory_space<vmem>>) offsets(%dma_start3A_642 : memref<80xi32, #tpu.memory_space<vmem>>) semaphore(%arg15 : memref<!tpu.dma_semaphore, #tpu.memory_space<semaphore_mem>>)
      } else {
      }
      %add3A_498 = arith.constant 6 : i32
      %add3A_499 = arith.addi %add3A_475, %add3A_498 : i32
      %sub3A_500 = arith.constant 2 : i32
      %sub3A_501 = arith.subi %add3A_499, %sub3A_500 : i32
      %lt3A_502 = arith.constant 125 : i32
      %lt3A_503 = arith.cmpi slt, %sub3A_501, %lt3A_502 : i32
      %convert_element_type3A_504 = arith.extui %lt3A_503 : i1 to i32
      %cond3A_505 = arith.constant 0 : i32
      %cond3A_506 = arith.cmpi ne, %convert_element_type3A_504, %cond3A_505 : i32
      scf.if %cond3A_506 {
        %add3A_606 = arith.constant 6 : i32
        %add3A_607 = arith.addi %add3A_475, %add3A_606 : i32
        %sub3A_608 = arith.constant 2 : i32
        %sub3A_609 = arith.subi %add3A_607, %sub3A_608 : i32
        %mul3A_610 = arith.constant 80 : i32
        %mul3A_611 = arith.muli %sub3A_609, %mul3A_610 : i32
        %add3A_612 = arith.addi %mul3A_2, %mul3A_611 : i32
        %dma_start3A_613 = arith.constant 2 : i32
        %dma_start3A_614 = arith.constant 0 : i32
        %dma_start3A_615 = arith.constant 0 : i32
        %dma_start3A_616 = tpu.memref_slice %arg6[%dma_start3A_613, %dma_start3A_614, %dma_start3A_615] : memref<6x2x80xi32, #tpu.memory_space<vmem>> -> memref<1x1x80xi32, #tpu.memory_space<vmem>>
        %dma_start3A_617 = tpu.memref_squeeze %dma_start3A_616 : memref<1x1x80xi32, #tpu.memory_space<vmem>> -> memref<80xi32, #tpu.memory_space<vmem>>
        %dma_start3A_618 = tpu.memref_slice %arg3[%add3A_612] : memref<320000xi32, #tpu.memory_space<hbm>> -> memref<80xi32, #tpu.memory_space<hbm>>
        %dma_start3A_619 = arith.constant 0 : i32
        %dma_start3A_620 = tpu.memref_slice %arg6[%dma_start3A_613, %dma_start3A_614, %dma_start3A_619] : memref<6x2x80xi32, #tpu.memory_space<vmem>> -> memref<1x1x80xi32, #tpu.memory_space<vmem>>
        %dma_start3A_621 = tpu.memref_squeeze %dma_start3A_620 : memref<1x1x80xi32, #tpu.memory_space<vmem>> -> memref<80xi32, #tpu.memory_space<vmem>>
        %dma_start3A_622 = tpu.memref_slice %arg3[%add3A_612] : memref<320000xi32, #tpu.memory_space<hbm>> -> memref<80xi32, #tpu.memory_space<hbm>>
        tpu.enqueue_dma source(%dma_start3A_622 : memref<80xi32, #tpu.memory_space<hbm>>) target(%dma_start3A_621 : memref<80xi32, #tpu.memory_space<vmem>>) target_semaphore(%arg11 : memref<!tpu.dma_semaphore, #tpu.memory_space<semaphore_mem>>)
        %dma_start3A_623 = arith.constant 2 : i32
        %dma_start3A_624 = arith.constant 1 : i32
        %dma_start3A_625 = arith.constant 0 : i32
        %dma_start3A_626 = tpu.memref_slice %arg6[%dma_start3A_623, %dma_start3A_624, %dma_start3A_625] : memref<6x2x80xi32, #tpu.memory_space<vmem>> -> memref<1x1x80xi32, #tpu.memory_space<vmem>>
        %dma_start3A_627 = tpu.memref_squeeze %dma_start3A_626 : memref<1x1x80xi32, #tpu.memory_space<vmem>> -> memref<80xi32, #tpu.memory_space<vmem>>
        %dma_start3A_628 = tpu.memref_slice %arg4[%add3A_612] : memref<320000xi32, #tpu.memory_space<hbm>> -> memref<80xi32, #tpu.memory_space<hbm>>
        %dma_start3A_629 = arith.constant 0 : i32
        %dma_start3A_630 = tpu.memref_slice %arg6[%dma_start3A_623, %dma_start3A_624, %dma_start3A_629] : memref<6x2x80xi32, #tpu.memory_space<vmem>> -> memref<1x1x80xi32, #tpu.memory_space<vmem>>
        %dma_start3A_631 = tpu.memref_squeeze %dma_start3A_630 : memref<1x1x80xi32, #tpu.memory_space<vmem>> -> memref<80xi32, #tpu.memory_space<vmem>>
        %dma_start3A_632 = tpu.memref_slice %arg4[%add3A_612] : memref<320000xi32, #tpu.memory_space<hbm>> -> memref<80xi32, #tpu.memory_space<hbm>>
        tpu.enqueue_dma source(%dma_start3A_632 : memref<80xi32, #tpu.memory_space<hbm>>) target(%dma_start3A_631 : memref<80xi32, #tpu.memory_space<vmem>>) target_semaphore(%arg11 : memref<!tpu.dma_semaphore, #tpu.memory_space<semaphore_mem>>)
      } else {
      }
      %add3A_507 = arith.constant 3 : i32
      %add3A_508 = arith.addi %add3A_410, %add3A_507 : i32
      %dma_wait3A_509 = arith.constant 5 : i32
      %dma_wait3A_510 = arith.constant 0 : i32
      %dma_wait3A_511 = arith.constant 2 : i32
      %dma_wait3A_512 = arith.constant 0 : i32
      %dma_wait3A_513 = arith.constant 0 : i32
      %dma_wait3A_514 = tpu.memref_slice %arg7[%dma_wait3A_511, %dma_wait3A_512, %dma_wait3A_513] : memref<3x80x128xf32, #tpu.memory_space<vmem>> -> memref<1x80x128xf32, #tpu.memory_space<vmem>>
      %dma_wait3A_515 = tpu.memref_squeeze %dma_wait3A_514 : memref<1x80x128xf32, #tpu.memory_space<vmem>> -> memref<80x128xf32, #tpu.memory_space<vmem>>
      %dma_wait3A_516 = arith.constant 0 : i32
      %dma_wait3A_517 = tpu.memref_slice %arg6[%dma_wait3A_509, %dma_wait3A_510, %dma_wait3A_516] : memref<6x2x80xi32, #tpu.memory_space<vmem>> -> memref<1x1x80xi32, #tpu.memory_space<vmem>>
      %dma_wait3A_518 = tpu.memref_squeeze %dma_wait3A_517 : memref<1x1x80xi32, #tpu.memory_space<vmem>> -> memref<80xi32, #tpu.memory_space<vmem>>
      %dma_wait3A_519 = arith.constant 0 : i32
      %dma_wait3A_520 = arith.constant 0 : i32
      %dma_wait3A_521 = tpu.memref_slice %arg2[%dma_wait3A_519, %dma_wait3A_520] : memref<10000x128xf32, #tpu.memory_space<hbm>> -> memref<10000x128xf32, #tpu.memory_space<hbm>>
      tpu.wait_indirect_dma semaphore(%arg17 : memref<!tpu.dma_semaphore, #tpu.memory_space<semaphore_mem>>) src(%dma_wait3A_521 : memref<10000x128xf32, #tpu.memory_space<hbm>>) dst(%dma_wait3A_515 : memref<80x128xf32, #tpu.memory_space<vmem>>)
      %add3A_522 = arith.constant 3 : i32
      %add3A_523 = arith.addi %add3A_508, %add3A_522 : i32
      %sub3A_524 = arith.constant 1 : i32
      %sub3A_525 = arith.subi %add3A_523, %sub3A_524 : i32
      %lt3A_526 = arith.constant 125 : i32
      %lt3A_527 = arith.cmpi slt, %sub3A_525, %lt3A_526 : i32
      %convert_element_type3A_528 = arith.extui %lt3A_527 : i1 to i32
      %cond3A_529 = arith.constant 0 : i32
      %cond3A_530 = arith.cmpi ne, %convert_element_type3A_528, %cond3A_529 : i32
      scf.if %cond3A_530 {
        %add3A_606 = arith.constant 3 : i32
        %add3A_607 = arith.addi %add3A_508, %add3A_606 : i32
        %sub3A_608 = arith.constant 1 : i32
        %sub3A_609 = arith.subi %add3A_607, %sub3A_608 : i32
        %mul3A_610 = arith.constant 80 : i32
        %mul3A_611 = arith.muli %sub3A_609, %mul3A_610 : i32
        %add3A_612 = arith.addi %mul3A_2, %mul3A_611 : i32
        %dma_wait3A_613 = arith.constant 1 : i32
        %dma_wait3A_614 = arith.constant 0 : i32
        %dma_wait3A_615 = arith.constant 0 : i32
        %dma_wait3A_616 = tpu.memref_slice %arg6[%dma_wait3A_613, %dma_wait3A_614, %dma_wait3A_615] : memref<6x2x80xi32, #tpu.memory_space<vmem>> -> memref<1x1x80xi32, #tpu.memory_space<vmem>>
        %dma_wait3A_617 = tpu.memref_squeeze %dma_wait3A_616 : memref<1x1x80xi32, #tpu.memory_space<vmem>> -> memref<80xi32, #tpu.memory_space<vmem>>
        %dma_wait3A_618 = tpu.memref_slice %arg3[%add3A_612] : memref<320000xi32, #tpu.memory_space<hbm>> -> memref<80xi32, #tpu.memory_space<hbm>>
        %dma_wait3A_619 = arith.constant 0 : i32
        %dma_wait3A_620 = tpu.memref_slice %arg6[%dma_wait3A_613, %dma_wait3A_614, %dma_wait3A_619] : memref<6x2x80xi32, #tpu.memory_space<vmem>> -> memref<1x1x80xi32, #tpu.memory_space<vmem>>
        %dma_wait3A_621 = tpu.memref_squeeze %dma_wait3A_620 : memref<1x1x80xi32, #tpu.memory_space<vmem>> -> memref<80xi32, #tpu.memory_space<vmem>>
        %dma_wait3A_622 = tpu.memref_slice %arg3[%add3A_612] : memref<320000xi32, #tpu.memory_space<hbm>> -> memref<80xi32, #tpu.memory_space<hbm>>
        tpu.wait_dma2 semaphore(%arg10 : memref<!tpu.dma_semaphore, #tpu.memory_space<semaphore_mem>>) src(%dma_wait3A_622 : memref<80xi32, #tpu.memory_space<hbm>>) dst(%dma_wait3A_621 : memref<80xi32, #tpu.memory_space<vmem>>)
        %dma_wait3A_623 = arith.constant 1 : i32
        %dma_wait3A_624 = arith.constant 1 : i32
        %dma_wait3A_625 = arith.constant 0 : i32
        %dma_wait3A_626 = tpu.memref_slice %arg6[%dma_wait3A_623, %dma_wait3A_624, %dma_wait3A_625] : memref<6x2x80xi32, #tpu.memory_space<vmem>> -> memref<1x1x80xi32, #tpu.memory_space<vmem>>
        %dma_wait3A_627 = tpu.memref_squeeze %dma_wait3A_626 : memref<1x1x80xi32, #tpu.memory_space<vmem>> -> memref<80xi32, #tpu.memory_space<vmem>>
        %dma_wait3A_628 = tpu.memref_slice %arg4[%add3A_612] : memref<320000xi32, #tpu.memory_space<hbm>> -> memref<80xi32, #tpu.memory_space<hbm>>
        %dma_wait3A_629 = arith.constant 0 : i32
        %dma_wait3A_630 = tpu.memref_slice %arg6[%dma_wait3A_623, %dma_wait3A_624, %dma_wait3A_629] : memref<6x2x80xi32, #tpu.memory_space<vmem>> -> memref<1x1x80xi32, #tpu.memory_space<vmem>>
        %dma_wait3A_631 = tpu.memref_squeeze %dma_wait3A_630 : memref<1x1x80xi32, #tpu.memory_space<vmem>> -> memref<80xi32, #tpu.memory_space<vmem>>
        %dma_wait3A_632 = tpu.memref_slice %arg4[%add3A_612] : memref<320000xi32, #tpu.memory_space<hbm>> -> memref<80xi32, #tpu.memory_space<hbm>>
        tpu.wait_dma2 semaphore(%arg10 : memref<!tpu.dma_semaphore, #tpu.memory_space<semaphore_mem>>) src(%dma_wait3A_632 : memref<80xi32, #tpu.memory_space<hbm>>) dst(%dma_wait3A_631 : memref<80xi32, #tpu.memory_space<vmem>>)
        %dma_start3A_633 = arith.constant 1 : i32
        %dma_start3A_634 = arith.constant 0 : i32
        %dma_start3A_635 = arith.constant 1 : i32
        %dma_start3A_636 = arith.constant 0 : i32
        %dma_start3A_637 = arith.constant 0 : i32
        %dma_start3A_638 = tpu.memref_slice %arg7[%dma_start3A_635, %dma_start3A_636, %dma_start3A_637] : memref<3x80x128xf32, #tpu.memory_space<vmem>> -> memref<1x80x128xf32, #tpu.memory_space<vmem>>
        %dma_start3A_639 = tpu.memref_squeeze %dma_start3A_638 : memref<1x80x128xf32, #tpu.memory_space<vmem>> -> memref<80x128xf32, #tpu.memory_space<vmem>>
        %dma_start3A_640 = arith.constant 0 : i32
        %dma_start3A_641 = tpu.memref_slice %arg6[%dma_start3A_633, %dma_start3A_634, %dma_start3A_640] : memref<6x2x80xi32, #tpu.memory_space<vmem>> -> memref<1x1x80xi32, #tpu.memory_space<vmem>>
        %dma_start3A_642 = tpu.memref_squeeze %dma_start3A_641 : memref<1x1x80xi32, #tpu.memory_space<vmem>> -> memref<80xi32, #tpu.memory_space<vmem>>
        %dma_start3A_643 = arith.constant 0 : i32
        %dma_start3A_644 = arith.constant 0 : i32
        %dma_start3A_645 = tpu.memref_slice %arg2[%dma_start3A_643, %dma_start3A_644] : memref<10000x128xf32, #tpu.memory_space<hbm>> -> memref<10000x128xf32, #tpu.memory_space<hbm>>
        tpu.enqueue_indirect_dma source(%dma_start3A_645 : memref<10000x128xf32, #tpu.memory_space<hbm>>) target(%dma_start3A_639 : memref<80x128xf32, #tpu.memory_space<vmem>>) offsets(%dma_start3A_642 : memref<80xi32, #tpu.memory_space<vmem>>) semaphore(%arg16 : memref<!tpu.dma_semaphore, #tpu.memory_space<semaphore_mem>>)
      } else {
      }
      %add3A_531 = arith.constant 6 : i32
      %add3A_532 = arith.addi %add3A_508, %add3A_531 : i32
      %sub3A_533 = arith.constant 2 : i32
      %sub3A_534 = arith.subi %add3A_532, %sub3A_533 : i32
      %lt3A_535 = arith.constant 125 : i32
      %lt3A_536 = arith.cmpi slt, %sub3A_534, %lt3A_535 : i32
      %convert_element_type3A_537 = arith.extui %lt3A_536 : i1 to i32
      %cond3A_538 = arith.constant 0 : i32
      %cond3A_539 = arith.cmpi ne, %convert_element_type3A_537, %cond3A_538 : i32
      scf.if %cond3A_539 {
        %add3A_606 = arith.constant 6 : i32
        %add3A_607 = arith.addi %add3A_508, %add3A_606 : i32
        %sub3A_608 = arith.constant 2 : i32
        %sub3A_609 = arith.subi %add3A_607, %sub3A_608 : i32
        %mul3A_610 = arith.constant 80 : i32
        %mul3A_611 = arith.muli %sub3A_609, %mul3A_610 : i32
        %add3A_612 = arith.addi %mul3A_2, %mul3A_611 : i32
        %dma_start3A_613 = arith.constant 3 : i32
        %dma_start3A_614 = arith.constant 0 : i32
        %dma_start3A_615 = arith.constant 0 : i32
        %dma_start3A_616 = tpu.memref_slice %arg6[%dma_start3A_613, %dma_start3A_614, %dma_start3A_615] : memref<6x2x80xi32, #tpu.memory_space<vmem>> -> memref<1x1x80xi32, #tpu.memory_space<vmem>>
        %dma_start3A_617 = tpu.memref_squeeze %dma_start3A_616 : memref<1x1x80xi32, #tpu.memory_space<vmem>> -> memref<80xi32, #tpu.memory_space<vmem>>
        %dma_start3A_618 = tpu.memref_slice %arg3[%add3A_612] : memref<320000xi32, #tpu.memory_space<hbm>> -> memref<80xi32, #tpu.memory_space<hbm>>
        %dma_start3A_619 = arith.constant 0 : i32
        %dma_start3A_620 = tpu.memref_slice %arg6[%dma_start3A_613, %dma_start3A_614, %dma_start3A_619] : memref<6x2x80xi32, #tpu.memory_space<vmem>> -> memref<1x1x80xi32, #tpu.memory_space<vmem>>
        %dma_start3A_621 = tpu.memref_squeeze %dma_start3A_620 : memref<1x1x80xi32, #tpu.memory_space<vmem>> -> memref<80xi32, #tpu.memory_space<vmem>>
        %dma_start3A_622 = tpu.memref_slice %arg3[%add3A_612] : memref<320000xi32, #tpu.memory_space<hbm>> -> memref<80xi32, #tpu.memory_space<hbm>>
        tpu.enqueue_dma source(%dma_start3A_622 : memref<80xi32, #tpu.memory_space<hbm>>) target(%dma_start3A_621 : memref<80xi32, #tpu.memory_space<vmem>>) target_semaphore(%arg12 : memref<!tpu.dma_semaphore, #tpu.memory_space<semaphore_mem>>)
        %dma_start3A_623 = arith.constant 3 : i32
        %dma_start3A_624 = arith.constant 1 : i32
        %dma_start3A_625 = arith.constant 0 : i32
        %dma_start3A_626 = tpu.memref_slice %arg6[%dma_start3A_623, %dma_start3A_624, %dma_start3A_625] : memref<6x2x80xi32, #tpu.memory_space<vmem>> -> memref<1x1x80xi32, #tpu.memory_space<vmem>>
        %dma_start3A_627 = tpu.memref_squeeze %dma_start3A_626 : memref<1x1x80xi32, #tpu.memory_space<vmem>> -> memref<80xi32, #tpu.memory_space<vmem>>
        %dma_start3A_628 = tpu.memref_slice %arg4[%add3A_612] : memref<320000xi32, #tpu.memory_space<hbm>> -> memref<80xi32, #tpu.memory_space<hbm>>
        %dma_start3A_629 = arith.constant 0 : i32
        %dma_start3A_630 = tpu.memref_slice %arg6[%dma_start3A_623, %dma_start3A_624, %dma_start3A_629] : memref<6x2x80xi32, #tpu.memory_space<vmem>> -> memref<1x1x80xi32, #tpu.memory_space<vmem>>
        %dma_start3A_631 = tpu.memref_squeeze %dma_start3A_630 : memref<1x1x80xi32, #tpu.memory_space<vmem>> -> memref<80xi32, #tpu.memory_space<vmem>>
        %dma_start3A_632 = tpu.memref_slice %arg4[%add3A_612] : memref<320000xi32, #tpu.memory_space<hbm>> -> memref<80xi32, #tpu.memory_space<hbm>>
        tpu.enqueue_dma source(%dma_start3A_632 : memref<80xi32, #tpu.memory_space<hbm>>) target(%dma_start3A_631 : memref<80xi32, #tpu.memory_space<vmem>>) target_semaphore(%arg12 : memref<!tpu.dma_semaphore, #tpu.memory_space<semaphore_mem>>)
      } else {
      }
      %add3A_540 = arith.constant 4 : i32
      %add3A_541 = arith.addi %add3A_410, %add3A_540 : i32
      %dma_wait3A_542 = arith.constant 0 : i32
      %dma_wait3A_543 = arith.constant 0 : i32
      %dma_wait3A_544 = arith.constant 0 : i32
      %dma_wait3A_545 = arith.constant 0 : i32
      %dma_wait3A_546 = arith.constant 0 : i32
      %dma_wait3A_547 = tpu.memref_slice %arg7[%dma_wait3A_544, %dma_wait3A_545, %dma_wait3A_546] : memref<3x80x128xf32, #tpu.memory_space<vmem>> -> memref<1x80x128xf32, #tpu.memory_space<vmem>>
      %dma_wait3A_548 = tpu.memref_squeeze %dma_wait3A_547 : memref<1x80x128xf32, #tpu.memory_space<vmem>> -> memref<80x128xf32, #tpu.memory_space<vmem>>
      %dma_wait3A_549 = arith.constant 0 : i32
      %dma_wait3A_550 = tpu.memref_slice %arg6[%dma_wait3A_542, %dma_wait3A_543, %dma_wait3A_549] : memref<6x2x80xi32, #tpu.memory_space<vmem>> -> memref<1x1x80xi32, #tpu.memory_space<vmem>>
      %dma_wait3A_551 = tpu.memref_squeeze %dma_wait3A_550 : memref<1x1x80xi32, #tpu.memory_space<vmem>> -> memref<80xi32, #tpu.memory_space<vmem>>
      %dma_wait3A_552 = arith.constant 0 : i32
      %dma_wait3A_553 = arith.constant 0 : i32
      %dma_wait3A_554 = tpu.memref_slice %arg2[%dma_wait3A_552, %dma_wait3A_553] : memref<10000x128xf32, #tpu.memory_space<hbm>> -> memref<10000x128xf32, #tpu.memory_space<hbm>>
      tpu.wait_indirect_dma semaphore(%arg15 : memref<!tpu.dma_semaphore, #tpu.memory_space<semaphore_mem>>) src(%dma_wait3A_554 : memref<10000x128xf32, #tpu.memory_space<hbm>>) dst(%dma_wait3A_548 : memref<80x128xf32, #tpu.memory_space<vmem>>)
      %add3A_555 = arith.constant 3 : i32
      %add3A_556 = arith.addi %add3A_541, %add3A_555 : i32
      %sub3A_557 = arith.constant 1 : i32
      %sub3A_558 = arith.subi %add3A_556, %sub3A_557 : i32
      %lt3A_559 = arith.constant 125 : i32
      %lt3A_560 = arith.cmpi slt, %sub3A_558, %lt3A_559 : i32
      %convert_element_type3A_561 = arith.extui %lt3A_560 : i1 to i32
      %cond3A_562 = arith.constant 0 : i32
      %cond3A_563 = arith.cmpi ne, %convert_element_type3A_561, %cond3A_562 : i32
      scf.if %cond3A_563 {
        %add3A_606 = arith.constant 3 : i32
        %add3A_607 = arith.addi %add3A_541, %add3A_606 : i32
        %sub3A_608 = arith.constant 1 : i32
        %sub3A_609 = arith.subi %add3A_607, %sub3A_608 : i32
        %mul3A_610 = arith.constant 80 : i32
        %mul3A_611 = arith.muli %sub3A_609, %mul3A_610 : i32
        %add3A_612 = arith.addi %mul3A_2, %mul3A_611 : i32
        %dma_wait3A_613 = arith.constant 2 : i32
        %dma_wait3A_614 = arith.constant 0 : i32
        %dma_wait3A_615 = arith.constant 0 : i32
        %dma_wait3A_616 = tpu.memref_slice %arg6[%dma_wait3A_613, %dma_wait3A_614, %dma_wait3A_615] : memref<6x2x80xi32, #tpu.memory_space<vmem>> -> memref<1x1x80xi32, #tpu.memory_space<vmem>>
        %dma_wait3A_617 = tpu.memref_squeeze %dma_wait3A_616 : memref<1x1x80xi32, #tpu.memory_space<vmem>> -> memref<80xi32, #tpu.memory_space<vmem>>
        %dma_wait3A_618 = tpu.memref_slice %arg3[%add3A_612] : memref<320000xi32, #tpu.memory_space<hbm>> -> memref<80xi32, #tpu.memory_space<hbm>>
        %dma_wait3A_619 = arith.constant 0 : i32
        %dma_wait3A_620 = tpu.memref_slice %arg6[%dma_wait3A_613, %dma_wait3A_614, %dma_wait3A_619] : memref<6x2x80xi32, #tpu.memory_space<vmem>> -> memref<1x1x80xi32, #tpu.memory_space<vmem>>
        %dma_wait3A_621 = tpu.memref_squeeze %dma_wait3A_620 : memref<1x1x80xi32, #tpu.memory_space<vmem>> -> memref<80xi32, #tpu.memory_space<vmem>>
        %dma_wait3A_622 = tpu.memref_slice %arg3[%add3A_612] : memref<320000xi32, #tpu.memory_space<hbm>> -> memref<80xi32, #tpu.memory_space<hbm>>
        tpu.wait_dma2 semaphore(%arg11 : memref<!tpu.dma_semaphore, #tpu.memory_space<semaphore_mem>>) src(%dma_wait3A_622 : memref<80xi32, #tpu.memory_space<hbm>>) dst(%dma_wait3A_621 : memref<80xi32, #tpu.memory_space<vmem>>)
        %dma_wait3A_623 = arith.constant 2 : i32
        %dma_wait3A_624 = arith.constant 1 : i32
        %dma_wait3A_625 = arith.constant 0 : i32
        %dma_wait3A_626 = tpu.memref_slice %arg6[%dma_wait3A_623, %dma_wait3A_624, %dma_wait3A_625] : memref<6x2x80xi32, #tpu.memory_space<vmem>> -> memref<1x1x80xi32, #tpu.memory_space<vmem>>
        %dma_wait3A_627 = tpu.memref_squeeze %dma_wait3A_626 : memref<1x1x80xi32, #tpu.memory_space<vmem>> -> memref<80xi32, #tpu.memory_space<vmem>>
        %dma_wait3A_628 = tpu.memref_slice %arg4[%add3A_612] : memref<320000xi32, #tpu.memory_space<hbm>> -> memref<80xi32, #tpu.memory_space<hbm>>
        %dma_wait3A_629 = arith.constant 0 : i32
        %dma_wait3A_630 = tpu.memref_slice %arg6[%dma_wait3A_623, %dma_wait3A_624, %dma_wait3A_629] : memref<6x2x80xi32, #tpu.memory_space<vmem>> -> memref<1x1x80xi32, #tpu.memory_space<vmem>>
        %dma_wait3A_631 = tpu.memref_squeeze %dma_wait3A_630 : memref<1x1x80xi32, #tpu.memory_space<vmem>> -> memref<80xi32, #tpu.memory_space<vmem>>
        %dma_wait3A_632 = tpu.memref_slice %arg4[%add3A_612] : memref<320000xi32, #tpu.memory_space<hbm>> -> memref<80xi32, #tpu.memory_space<hbm>>
        tpu.wait_dma2 semaphore(%arg11 : memref<!tpu.dma_semaphore, #tpu.memory_space<semaphore_mem>>) src(%dma_wait3A_632 : memref<80xi32, #tpu.memory_space<hbm>>) dst(%dma_wait3A_631 : memref<80xi32, #tpu.memory_space<vmem>>)
        %dma_start3A_633 = arith.constant 2 : i32
        %dma_start3A_634 = arith.constant 0 : i32
        %dma_start3A_635 = arith.constant 2 : i32
        %dma_start3A_636 = arith.constant 0 : i32
        %dma_start3A_637 = arith.constant 0 : i32
        %dma_start3A_638 = tpu.memref_slice %arg7[%dma_start3A_635, %dma_start3A_636, %dma_start3A_637] : memref<3x80x128xf32, #tpu.memory_space<vmem>> -> memref<1x80x128xf32, #tpu.memory_space<vmem>>
        %dma_start3A_639 = tpu.memref_squeeze %dma_start3A_638 : memref<1x80x128xf32, #tpu.memory_space<vmem>> -> memref<80x128xf32, #tpu.memory_space<vmem>>
        %dma_start3A_640 = arith.constant 0 : i32
        %dma_start3A_641 = tpu.memref_slice %arg6[%dma_start3A_633, %dma_start3A_634, %dma_start3A_640] : memref<6x2x80xi32, #tpu.memory_space<vmem>> -> memref<1x1x80xi32, #tpu.memory_space<vmem>>
        %dma_start3A_642 = tpu.memref_squeeze %dma_start3A_641 : memref<1x1x80xi32, #tpu.memory_space<vmem>> -> memref<80xi32, #tpu.memory_space<vmem>>
        %dma_start3A_643 = arith.constant 0 : i32
        %dma_start3A_644 = arith.constant 0 : i32
        %dma_start3A_645 = tpu.memref_slice %arg2[%dma_start3A_643, %dma_start3A_644] : memref<10000x128xf32, #tpu.memory_space<hbm>> -> memref<10000x128xf32, #tpu.memory_space<hbm>>
        tpu.enqueue_indirect_dma source(%dma_start3A_645 : memref<10000x128xf32, #tpu.memory_space<hbm>>) target(%dma_start3A_639 : memref<80x128xf32, #tpu.memory_space<vmem>>) offsets(%dma_start3A_642 : memref<80xi32, #tpu.memory_space<vmem>>) semaphore(%arg17 : memref<!tpu.dma_semaphore, #tpu.memory_space<semaphore_mem>>)
      } else {
      }
      %add3A_564 = arith.constant 6 : i32
      %add3A_565 = arith.addi %add3A_541, %add3A_564 : i32
      %sub3A_566 = arith.constant 2 : i32
      %sub3A_567 = arith.subi %add3A_565, %sub3A_566 : i32
      %lt3A_568 = arith.constant 125 : i32
      %lt3A_569 = arith.cmpi slt, %sub3A_567, %lt3A_568 : i32
      %convert_element_type3A_570 = arith.extui %lt3A_569 : i1 to i32
      %cond3A_571 = arith.constant 0 : i32
      %cond3A_572 = arith.cmpi ne, %convert_element_type3A_570, %cond3A_571 : i32
      scf.if %cond3A_572 {
        %add3A_606 = arith.constant 6 : i32
        %add3A_607 = arith.addi %add3A_541, %add3A_606 : i32
        %sub3A_608 = arith.constant 2 : i32
        %sub3A_609 = arith.subi %add3A_607, %sub3A_608 : i32
        %mul3A_610 = arith.constant 80 : i32
        %mul3A_611 = arith.muli %sub3A_609, %mul3A_610 : i32
        %add3A_612 = arith.addi %mul3A_2, %mul3A_611 : i32
        %dma_start3A_613 = arith.constant 4 : i32
        %dma_start3A_614 = arith.constant 0 : i32
        %dma_start3A_615 = arith.constant 0 : i32
        %dma_start3A_616 = tpu.memref_slice %arg6[%dma_start3A_613, %dma_start3A_614, %dma_start3A_615] : memref<6x2x80xi32, #tpu.memory_space<vmem>> -> memref<1x1x80xi32, #tpu.memory_space<vmem>>
        %dma_start3A_617 = tpu.memref_squeeze %dma_start3A_616 : memref<1x1x80xi32, #tpu.memory_space<vmem>> -> memref<80xi32, #tpu.memory_space<vmem>>
        %dma_start3A_618 = tpu.memref_slice %arg3[%add3A_612] : memref<320000xi32, #tpu.memory_space<hbm>> -> memref<80xi32, #tpu.memory_space<hbm>>
        %dma_start3A_619 = arith.constant 0 : i32
        %dma_start3A_620 = tpu.memref_slice %arg6[%dma_start3A_613, %dma_start3A_614, %dma_start3A_619] : memref<6x2x80xi32, #tpu.memory_space<vmem>> -> memref<1x1x80xi32, #tpu.memory_space<vmem>>
        %dma_start3A_621 = tpu.memref_squeeze %dma_start3A_620 : memref<1x1x80xi32, #tpu.memory_space<vmem>> -> memref<80xi32, #tpu.memory_space<vmem>>
        %dma_start3A_622 = tpu.memref_slice %arg3[%add3A_612] : memref<320000xi32, #tpu.memory_space<hbm>> -> memref<80xi32, #tpu.memory_space<hbm>>
        tpu.enqueue_dma source(%dma_start3A_622 : memref<80xi32, #tpu.memory_space<hbm>>) target(%dma_start3A_621 : memref<80xi32, #tpu.memory_space<vmem>>) target_semaphore(%arg13 : memref<!tpu.dma_semaphore, #tpu.memory_space<semaphore_mem>>)
        %dma_start3A_623 = arith.constant 4 : i32
        %dma_start3A_624 = arith.constant 1 : i32
        %dma_start3A_625 = arith.constant 0 : i32
        %dma_start3A_626 = tpu.memref_slice %arg6[%dma_start3A_623, %dma_start3A_624, %dma_start3A_625] : memref<6x2x80xi32, #tpu.memory_space<vmem>> -> memref<1x1x80xi32, #tpu.memory_space<vmem>>
        %dma_start3A_627 = tpu.memref_squeeze %dma_start3A_626 : memref<1x1x80xi32, #tpu.memory_space<vmem>> -> memref<80xi32, #tpu.memory_space<vmem>>
        %dma_start3A_628 = tpu.memref_slice %arg4[%add3A_612] : memref<320000xi32, #tpu.memory_space<hbm>> -> memref<80xi32, #tpu.memory_space<hbm>>
        %dma_start3A_629 = arith.constant 0 : i32
        %dma_start3A_630 = tpu.memref_slice %arg6[%dma_start3A_623, %dma_start3A_624, %dma_start3A_629] : memref<6x2x80xi32, #tpu.memory_space<vmem>> -> memref<1x1x80xi32, #tpu.memory_space<vmem>>
        %dma_start3A_631 = tpu.memref_squeeze %dma_start3A_630 : memref<1x1x80xi32, #tpu.memory_space<vmem>> -> memref<80xi32, #tpu.memory_space<vmem>>
        %dma_start3A_632 = tpu.memref_slice %arg4[%add3A_612] : memref<320000xi32, #tpu.memory_space<hbm>> -> memref<80xi32, #tpu.memory_space<hbm>>
        tpu.enqueue_dma source(%dma_start3A_632 : memref<80xi32, #tpu.memory_space<hbm>>) target(%dma_start3A_631 : memref<80xi32, #tpu.memory_space<vmem>>) target_semaphore(%arg13 : memref<!tpu.dma_semaphore, #tpu.memory_space<semaphore_mem>>)
      } else {
      }
      %add3A_573 = arith.constant 5 : i32
      %add3A_574 = arith.addi %add3A_410, %add3A_573 : i32
      %dma_wait3A_575 = arith.constant 1 : i32
      %dma_wait3A_576 = arith.constant 0 : i32
      %dma_wait3A_577 = arith.constant 1 : i32
      %dma_wait3A_578 = arith.constant 0 : i32
      %dma_wait3A_579 = arith.constant 0 : i32
      %dma_wait3A_580 = tpu.memref_slice %arg7[%dma_wait3A_577, %dma_wait3A_578, %dma_wait3A_579] : memref<3x80x128xf32, #tpu.memory_space<vmem>> -> memref<1x80x128xf32, #tpu.memory_space<vmem>>
      %dma_wait3A_581 = tpu.memref_squeeze %dma_wait3A_580 : memref<1x80x128xf32, #tpu.memory_space<vmem>> -> memref<80x128xf32, #tpu.memory_space<vmem>>
      %dma_wait3A_582 = arith.constant 0 : i32
      %dma_wait3A_583 = tpu.memref_slice %arg6[%dma_wait3A_575, %dma_wait3A_576, %dma_wait3A_582] : memref<6x2x80xi32, #tpu.memory_space<vmem>> -> memref<1x1x80xi32, #tpu.memory_space<vmem>>
      %dma_wait3A_584 = tpu.memref_squeeze %dma_wait3A_583 : memref<1x1x80xi32, #tpu.memory_space<vmem>> -> memref<80xi32, #tpu.memory_space<vmem>>
      %dma_wait3A_585 = arith.constant 0 : i32
      %dma_wait3A_586 = arith.constant 0 : i32
      %dma_wait3A_587 = tpu.memref_slice %arg2[%dma_wait3A_585, %dma_wait3A_586] : memref<10000x128xf32, #tpu.memory_space<hbm>> -> memref<10000x128xf32, #tpu.memory_space<hbm>>
      tpu.wait_indirect_dma semaphore(%arg16 : memref<!tpu.dma_semaphore, #tpu.memory_space<semaphore_mem>>) src(%dma_wait3A_587 : memref<10000x128xf32, #tpu.memory_space<hbm>>) dst(%dma_wait3A_581 : memref<80x128xf32, #tpu.memory_space<vmem>>)
      %add3A_588 = arith.constant 3 : i32
      %add3A_589 = arith.addi %add3A_574, %add3A_588 : i32
      %sub3A_590 = arith.constant 1 : i32
      %sub3A_591 = arith.subi %add3A_589, %sub3A_590 : i32
      %lt3A_592 = arith.constant 125 : i32
      %lt3A_593 = arith.cmpi slt, %sub3A_591, %lt3A_592 : i32
      %convert_element_type3A_594 = arith.extui %lt3A_593 : i1 to i32
      %cond3A_595 = arith.constant 0 : i32
      %cond3A_596 = arith.cmpi ne, %convert_element_type3A_594, %cond3A_595 : i32
      scf.if %cond3A_596 {
        %add3A_606 = arith.constant 3 : i32
        %add3A_607 = arith.addi %add3A_574, %add3A_606 : i32
        %sub3A_608 = arith.constant 1 : i32
        %sub3A_609 = arith.subi %add3A_607, %sub3A_608 : i32
        %mul3A_610 = arith.constant 80 : i32
        %mul3A_611 = arith.muli %sub3A_609, %mul3A_610 : i32
        %add3A_612 = arith.addi %mul3A_2, %mul3A_611 : i32
        %dma_wait3A_613 = arith.constant 3 : i32
        %dma_wait3A_614 = arith.constant 0 : i32
        %dma_wait3A_615 = arith.constant 0 : i32
        %dma_wait3A_616 = tpu.memref_slice %arg6[%dma_wait3A_613, %dma_wait3A_614, %dma_wait3A_615] : memref<6x2x80xi32, #tpu.memory_space<vmem>> -> memref<1x1x80xi32, #tpu.memory_space<vmem>>
        %dma_wait3A_617 = tpu.memref_squeeze %dma_wait3A_616 : memref<1x1x80xi32, #tpu.memory_space<vmem>> -> memref<80xi32, #tpu.memory_space<vmem>>
        %dma_wait3A_618 = tpu.memref_slice %arg3[%add3A_612] : memref<320000xi32, #tpu.memory_space<hbm>> -> memref<80xi32, #tpu.memory_space<hbm>>
        %dma_wait3A_619 = arith.constant 0 : i32
        %dma_wait3A_620 = tpu.memref_slice %arg6[%dma_wait3A_613, %dma_wait3A_614, %dma_wait3A_619] : memref<6x2x80xi32, #tpu.memory_space<vmem>> -> memref<1x1x80xi32, #tpu.memory_space<vmem>>
        %dma_wait3A_621 = tpu.memref_squeeze %dma_wait3A_620 : memref<1x1x80xi32, #tpu.memory_space<vmem>> -> memref<80xi32, #tpu.memory_space<vmem>>
        %dma_wait3A_622 = tpu.memref_slice %arg3[%add3A_612] : memref<320000xi32, #tpu.memory_space<hbm>> -> memref<80xi32, #tpu.memory_space<hbm>>
        tpu.wait_dma2 semaphore(%arg12 : memref<!tpu.dma_semaphore, #tpu.memory_space<semaphore_mem>>) src(%dma_wait3A_622 : memref<80xi32, #tpu.memory_space<hbm>>) dst(%dma_wait3A_621 : memref<80xi32, #tpu.memory_space<vmem>>)
        %dma_wait3A_623 = arith.constant 3 : i32
        %dma_wait3A_624 = arith.constant 1 : i32
        %dma_wait3A_625 = arith.constant 0 : i32
        %dma_wait3A_626 = tpu.memref_slice %arg6[%dma_wait3A_623, %dma_wait3A_624, %dma_wait3A_625] : memref<6x2x80xi32, #tpu.memory_space<vmem>> -> memref<1x1x80xi32, #tpu.memory_space<vmem>>
        %dma_wait3A_627 = tpu.memref_squeeze %dma_wait3A_626 : memref<1x1x80xi32, #tpu.memory_space<vmem>> -> memref<80xi32, #tpu.memory_space<vmem>>
        %dma_wait3A_628 = tpu.memref_slice %arg4[%add3A_612] : memref<320000xi32, #tpu.memory_space<hbm>> -> memref<80xi32, #tpu.memory_space<hbm>>
        %dma_wait3A_629 = arith.constant 0 : i32
        %dma_wait3A_630 = tpu.memref_slice %arg6[%dma_wait3A_623, %dma_wait3A_624, %dma_wait3A_629] : memref<6x2x80xi32, #tpu.memory_space<vmem>> -> memref<1x1x80xi32, #tpu.memory_space<vmem>>
        %dma_wait3A_631 = tpu.memref_squeeze %dma_wait3A_630 : memref<1x1x80xi32, #tpu.memory_space<vmem>> -> memref<80xi32, #tpu.memory_space<vmem>>
        %dma_wait3A_632 = tpu.memref_slice %arg4[%add3A_612] : memref<320000xi32, #tpu.memory_space<hbm>> -> memref<80xi32, #tpu.memory_space<hbm>>
        tpu.wait_dma2 semaphore(%arg12 : memref<!tpu.dma_semaphore, #tpu.memory_space<semaphore_mem>>) src(%dma_wait3A_632 : memref<80xi32, #tpu.memory_space<hbm>>) dst(%dma_wait3A_631 : memref<80xi32, #tpu.memory_space<vmem>>)
        %dma_start3A_633 = arith.constant 3 : i32
        %dma_start3A_634 = arith.constant 0 : i32
        %dma_start3A_635 = arith.constant 0 : i32
        %dma_start3A_636 = arith.constant 0 : i32
        %dma_start3A_637 = arith.constant 0 : i32
        %dma_start3A_638 = tpu.memref_slice %arg7[%dma_start3A_635, %dma_start3A_636, %dma_start3A_637] : memref<3x80x128xf32, #tpu.memory_space<vmem>> -> memref<1x80x128xf32, #tpu.memory_space<vmem>>
        %dma_start3A_639 = tpu.memref_squeeze %dma_start3A_638 : memref<1x80x128xf32, #tpu.memory_space<vmem>> -> memref<80x128xf32, #tpu.memory_space<vmem>>
        %dma_start3A_640 = arith.constant 0 : i32
        %dma_start3A_641 = tpu.memref_slice %arg6[%dma_start3A_633, %dma_start3A_634, %dma_start3A_640] : memref<6x2x80xi32, #tpu.memory_space<vmem>> -> memref<1x1x80xi32, #tpu.memory_space<vmem>>
        %dma_start3A_642 = tpu.memref_squeeze %dma_start3A_641 : memref<1x1x80xi32, #tpu.memory_space<vmem>> -> memref<80xi32, #tpu.memory_space<vmem>>
        %dma_start3A_643 = arith.constant 0 : i32
        %dma_start3A_644 = arith.constant 0 : i32
        %dma_start3A_645 = tpu.memref_slice %arg2[%dma_start3A_643, %dma_start3A_644] : memref<10000x128xf32, #tpu.memory_space<hbm>> -> memref<10000x128xf32, #tpu.memory_space<hbm>>
        tpu.enqueue_indirect_dma source(%dma_start3A_645 : memref<10000x128xf32, #tpu.memory_space<hbm>>) target(%dma_start3A_639 : memref<80x128xf32, #tpu.memory_space<vmem>>) offsets(%dma_start3A_642 : memref<80xi32, #tpu.memory_space<vmem>>) semaphore(%arg15 : memref<!tpu.dma_semaphore, #tpu.memory_space<semaphore_mem>>)
      } else {
      }
      %add3A_597 = arith.constant 6 : i32
      %add3A_598 = arith.addi %add3A_574, %add3A_597 : i32
      %sub3A_599 = arith.constant 2 : i32
      %sub3A_600 = arith.subi %add3A_598, %sub3A_599 : i32
      %lt3A_601 = arith.constant 125 : i32
      %lt3A_602 = arith.cmpi slt, %sub3A_600, %lt3A_601 : i32
      %convert_element_type3A_603 = arith.extui %lt3A_602 : i1 to i32
      %cond3A_604 = arith.constant 0 : i32
      %cond3A_605 = arith.cmpi ne, %convert_element_type3A_603, %cond3A_604 : i32
      scf.if %cond3A_605 {
        %add3A_606 = arith.constant 6 : i32
        %add3A_607 = arith.addi %add3A_574, %add3A_606 : i32
        %sub3A_608 = arith.constant 2 : i32
        %sub3A_609 = arith.subi %add3A_607, %sub3A_608 : i32
        %mul3A_610 = arith.constant 80 : i32
        %mul3A_611 = arith.muli %sub3A_609, %mul3A_610 : i32
        %add3A_612 = arith.addi %mul3A_2, %mul3A_611 : i32
        %dma_start3A_613 = arith.constant 5 : i32
        %dma_start3A_614 = arith.constant 0 : i32
        %dma_start3A_615 = arith.constant 0 : i32
        %dma_start3A_616 = tpu.memref_slice %arg6[%dma_start3A_613, %dma_start3A_614, %dma_start3A_615] : memref<6x2x80xi32, #tpu.memory_space<vmem>> -> memref<1x1x80xi32, #tpu.memory_space<vmem>>
        %dma_start3A_617 = tpu.memref_squeeze %dma_start3A_616 : memref<1x1x80xi32, #tpu.memory_space<vmem>> -> memref<80xi32, #tpu.memory_space<vmem>>
        %dma_start3A_618 = tpu.memref_slice %arg3[%add3A_612] : memref<320000xi32, #tpu.memory_space<hbm>> -> memref<80xi32, #tpu.memory_space<hbm>>
        %dma_start3A_619 = arith.constant 0 : i32
        %dma_start3A_620 = tpu.memref_slice %arg6[%dma_start3A_613, %dma_start3A_614, %dma_start3A_619] : memref<6x2x80xi32, #tpu.memory_space<vmem>> -> memref<1x1x80xi32, #tpu.memory_space<vmem>>
        %dma_start3A_621 = tpu.memref_squeeze %dma_start3A_620 : memref<1x1x80xi32, #tpu.memory_space<vmem>> -> memref<80xi32, #tpu.memory_space<vmem>>
        %dma_start3A_622 = tpu.memref_slice %arg3[%add3A_612] : memref<320000xi32, #tpu.memory_space<hbm>> -> memref<80xi32, #tpu.memory_space<hbm>>
        tpu.enqueue_dma source(%dma_start3A_622 : memref<80xi32, #tpu.memory_space<hbm>>) target(%dma_start3A_621 : memref<80xi32, #tpu.memory_space<vmem>>) target_semaphore(%arg14 : memref<!tpu.dma_semaphore, #tpu.memory_space<semaphore_mem>>)
        %dma_start3A_623 = arith.constant 5 : i32
        %dma_start3A_624 = arith.constant 1 : i32
        %dma_start3A_625 = arith.constant 0 : i32
        %dma_start3A_626 = tpu.memref_slice %arg6[%dma_start3A_623, %dma_start3A_624, %dma_start3A_625] : memref<6x2x80xi32, #tpu.memory_space<vmem>> -> memref<1x1x80xi32, #tpu.memory_space<vmem>>
        %dma_start3A_627 = tpu.memref_squeeze %dma_start3A_626 : memref<1x1x80xi32, #tpu.memory_space<vmem>> -> memref<80xi32, #tpu.memory_space<vmem>>
        %dma_start3A_628 = tpu.memref_slice %arg4[%add3A_612] : memref<320000xi32, #tpu.memory_space<hbm>> -> memref<80xi32, #tpu.memory_space<hbm>>
        %dma_start3A_629 = arith.constant 0 : i32
        %dma_start3A_630 = tpu.memref_slice %arg6[%dma_start3A_623, %dma_start3A_624, %dma_start3A_629] : memref<6x2x80xi32, #tpu.memory_space<vmem>> -> memref<1x1x80xi32, #tpu.memory_space<vmem>>
        %dma_start3A_631 = tpu.memref_squeeze %dma_start3A_630 : memref<1x1x80xi32, #tpu.memory_space<vmem>> -> memref<80xi32, #tpu.memory_space<vmem>>
        %dma_start3A_632 = tpu.memref_slice %arg4[%add3A_612] : memref<320000xi32, #tpu.memory_space<hbm>> -> memref<80xi32, #tpu.memory_space<hbm>>
        tpu.enqueue_dma source(%dma_start3A_632 : memref<80xi32, #tpu.memory_space<hbm>>) target(%dma_start3A_631 : memref<80xi32, #tpu.memory_space<vmem>>) target_semaphore(%arg14 : memref<!tpu.dma_semaphore, #tpu.memory_space<semaphore_mem>>)
      } else {
      }
    }
    %scan3A_320 = arith.constant 20 : i32
    %dma_wait3A_321 = arith.constant 2 : i32
    %dma_wait3A_322 = arith.constant 0 : i32
    %dma_wait3A_323 = arith.constant 2 : i32
    %dma_wait3A_324 = arith.constant 0 : i32
    %dma_wait3A_325 = arith.constant 0 : i32
    %dma_wait3A_326 = tpu.memref_slice %arg7[%dma_wait3A_323, %dma_wait3A_324, %dma_wait3A_325] : memref<3x80x128xf32, #tpu.memory_space<vmem>> -> memref<1x80x128xf32, #tpu.memory_space<vmem>>
    %dma_wait3A_327 = tpu.memref_squeeze %dma_wait3A_326 : memref<1x80x128xf32, #tpu.memory_space<vmem>> -> memref<80x128xf32, #tpu.memory_space<vmem>>
    %dma_wait3A_328 = arith.constant 0 : i32
    %dma_wait3A_329 = tpu.memref_slice %arg6[%dma_wait3A_321, %dma_wait3A_322, %dma_wait3A_328] : memref<6x2x80xi32, #tpu.memory_space<vmem>> -> memref<1x1x80xi32, #tpu.memory_space<vmem>>
    %dma_wait3A_330 = tpu.memref_squeeze %dma_wait3A_329 : memref<1x1x80xi32, #tpu.memory_space<vmem>> -> memref<80xi32, #tpu.memory_space<vmem>>
    %dma_wait3A_331 = arith.constant 0 : i32
    %dma_wait3A_332 = arith.constant 0 : i32
    %dma_wait3A_333 = tpu.memref_slice %arg2[%dma_wait3A_331, %dma_wait3A_332] : memref<10000x128xf32, #tpu.memory_space<hbm>> -> memref<10000x128xf32, #tpu.memory_space<hbm>>
    tpu.wait_indirect_dma semaphore(%arg17 : memref<!tpu.dma_semaphore, #tpu.memory_space<semaphore_mem>>) src(%dma_wait3A_333 : memref<10000x128xf32, #tpu.memory_space<hbm>>) dst(%dma_wait3A_327 : memref<80x128xf32, #tpu.memory_space<vmem>>)
    %add3A_334 = arith.constant 9920 : i32
    %add3A_335 = arith.addi %mul3A_2, %add3A_334 : i32
    %dma_wait3A_336 = arith.constant 4 : i32
    %dma_wait3A_337 = arith.constant 0 : i32
    %dma_wait3A_338 = arith.constant 0 : i32
    %dma_wait3A_339 = tpu.memref_slice %arg6[%dma_wait3A_336, %dma_wait3A_337, %dma_wait3A_338] : memref<6x2x80xi32, #tpu.memory_space<vmem>> -> memref<1x1x80xi32, #tpu.memory_space<vmem>>
    %dma_wait3A_340 = tpu.memref_squeeze %dma_wait3A_339 : memref<1x1x80xi32, #tpu.memory_space<vmem>> -> memref<80xi32, #tpu.memory_space<vmem>>
    %dma_wait3A_341 = tpu.memref_slice %arg3[%add3A_335] : memref<320000xi32, #tpu.memory_space<hbm>> -> memref<80xi32, #tpu.memory_space<hbm>>
    %dma_wait3A_342 = arith.constant 0 : i32
    %dma_wait3A_343 = tpu.memref_slice %arg6[%dma_wait3A_336, %dma_wait3A_337, %dma_wait3A_342] : memref<6x2x80xi32, #tpu.memory_space<vmem>> -> memref<1x1x80xi32, #tpu.memory_space<vmem>>
    %dma_wait3A_344 = tpu.memref_squeeze %dma_wait3A_343 : memref<1x1x80xi32, #tpu.memory_space<vmem>> -> memref<80xi32, #tpu.memory_space<vmem>>
    %dma_wait3A_345 = tpu.memref_slice %arg3[%add3A_335] : memref<320000xi32, #tpu.memory_space<hbm>> -> memref<80xi32, #tpu.memory_space<hbm>>
    tpu.wait_dma2 semaphore(%arg13 : memref<!tpu.dma_semaphore, #tpu.memory_space<semaphore_mem>>) src(%dma_wait3A_345 : memref<80xi32, #tpu.memory_space<hbm>>) dst(%dma_wait3A_344 : memref<80xi32, #tpu.memory_space<vmem>>)
    %dma_wait3A_346 = arith.constant 4 : i32
    %dma_wait3A_347 = arith.constant 1 : i32
    %dma_wait3A_348 = arith.constant 0 : i32
    %dma_wait3A_349 = tpu.memref_slice %arg6[%dma_wait3A_346, %dma_wait3A_347, %dma_wait3A_348] : memref<6x2x80xi32, #tpu.memory_space<vmem>> -> memref<1x1x80xi32, #tpu.memory_space<vmem>>
    %dma_wait3A_350 = tpu.memref_squeeze %dma_wait3A_349 : memref<1x1x80xi32, #tpu.memory_space<vmem>> -> memref<80xi32, #tpu.memory_space<vmem>>
    %dma_wait3A_351 = tpu.memref_slice %arg4[%add3A_335] : memref<320000xi32, #tpu.memory_space<hbm>> -> memref<80xi32, #tpu.memory_space<hbm>>
    %dma_wait3A_352 = arith.constant 0 : i32
    %dma_wait3A_353 = tpu.memref_slice %arg6[%dma_wait3A_346, %dma_wait3A_347, %dma_wait3A_352] : memref<6x2x80xi32, #tpu.memory_space<vmem>> -> memref<1x1x80xi32, #tpu.memory_space<vmem>>
    %dma_wait3A_354 = tpu.memref_squeeze %dma_wait3A_353 : memref<1x1x80xi32, #tpu.memory_space<vmem>> -> memref<80xi32, #tpu.memory_space<vmem>>
    %dma_wait3A_355 = tpu.memref_slice %arg4[%add3A_335] : memref<320000xi32, #tpu.memory_space<hbm>> -> memref<80xi32, #tpu.memory_space<hbm>>
    tpu.wait_dma2 semaphore(%arg13 : memref<!tpu.dma_semaphore, #tpu.memory_space<semaphore_mem>>) src(%dma_wait3A_355 : memref<80xi32, #tpu.memory_space<hbm>>) dst(%dma_wait3A_354 : memref<80xi32, #tpu.memory_space<vmem>>)
    %dma_start3A_356 = arith.constant 4 : i32
    %dma_start3A_357 = arith.constant 0 : i32
    %dma_start3A_358 = arith.constant 1 : i32
    %dma_start3A_359 = arith.constant 0 : i32
    %dma_start3A_360 = arith.constant 0 : i32
    %dma_start3A_361 = tpu.memref_slice %arg7[%dma_start3A_358, %dma_start3A_359, %dma_start3A_360] : memref<3x80x128xf32, #tpu.memory_space<vmem>> -> memref<1x80x128xf32, #tpu.memory_space<vmem>>
    %dma_start3A_362 = tpu.memref_squeeze %dma_start3A_361 : memref<1x80x128xf32, #tpu.memory_space<vmem>> -> memref<80x128xf32, #tpu.memory_space<vmem>>
    %dma_start3A_363 = arith.constant 0 : i32
    %dma_start3A_364 = tpu.memref_slice %arg6[%dma_start3A_356, %dma_start3A_357, %dma_start3A_363] : memref<6x2x80xi32, #tpu.memory_space<vmem>> -> memref<1x1x80xi32, #tpu.memory_space<vmem>>
    %dma_start3A_365 = tpu.memref_squeeze %dma_start3A_364 : memref<1x1x80xi32, #tpu.memory_space<vmem>> -> memref<80xi32, #tpu.memory_space<vmem>>
    %dma_start3A_366 = arith.constant 0 : i32
    %dma_start3A_367 = arith.constant 0 : i32
    %dma_start3A_368 = tpu.memref_slice %arg2[%dma_start3A_366, %dma_start3A_367] : memref<10000x128xf32, #tpu.memory_space<hbm>> -> memref<10000x128xf32, #tpu.memory_space<hbm>>
    tpu.enqueue_indirect_dma source(%dma_start3A_368 : memref<10000x128xf32, #tpu.memory_space<hbm>>) target(%dma_start3A_362 : memref<80x128xf32, #tpu.memory_space<vmem>>) offsets(%dma_start3A_365 : memref<80xi32, #tpu.memory_space<vmem>>) semaphore(%arg16 : memref<!tpu.dma_semaphore, #tpu.memory_space<semaphore_mem>>)
    %dma_wait3A_369 = arith.constant 3 : i32
    %dma_wait3A_370 = arith.constant 0 : i32
    %dma_wait3A_371 = arith.constant 0 : i32
    %dma_wait3A_372 = arith.constant 0 : i32
    %dma_wait3A_373 = arith.constant 0 : i32
    %dma_wait3A_374 = tpu.memref_slice %arg7[%dma_wait3A_371, %dma_wait3A_372, %dma_wait3A_373] : memref<3x80x128xf32, #tpu.memory_space<vmem>> -> memref<1x80x128xf32, #tpu.memory_space<vmem>>
    %dma_wait3A_375 = tpu.memref_squeeze %dma_wait3A_374 : memref<1x80x128xf32, #tpu.memory_space<vmem>> -> memref<80x128xf32, #tpu.memory_space<vmem>>
    %dma_wait3A_376 = arith.constant 0 : i32
    %dma_wait3A_377 = tpu.memref_slice %arg6[%dma_wait3A_369, %dma_wait3A_370, %dma_wait3A_376] : memref<6x2x80xi32, #tpu.memory_space<vmem>> -> memref<1x1x80xi32, #tpu.memory_space<vmem>>
    %dma_wait3A_378 = tpu.memref_squeeze %dma_wait3A_377 : memref<1x1x80xi32, #tpu.memory_space<vmem>> -> memref<80xi32, #tpu.memory_space<vmem>>
    %dma_wait3A_379 = arith.constant 0 : i32
    %dma_wait3A_380 = arith.constant 0 : i32
    %dma_wait3A_381 = tpu.memref_slice %arg2[%dma_wait3A_379, %dma_wait3A_380] : memref<10000x128xf32, #tpu.memory_space<hbm>> -> memref<10000x128xf32, #tpu.memory_space<hbm>>
    tpu.wait_indirect_dma semaphore(%arg15 : memref<!tpu.dma_semaphore, #tpu.memory_space<semaphore_mem>>) src(%dma_wait3A_381 : memref<10000x128xf32, #tpu.memory_space<hbm>>) dst(%dma_wait3A_375 : memref<80x128xf32, #tpu.memory_space<vmem>>)
    %dma_wait3A_382 = arith.constant 4 : i32
    %dma_wait3A_383 = arith.constant 0 : i32
    %dma_wait3A_384 = arith.constant 1 : i32
    %dma_wait3A_385 = arith.constant 0 : i32
    %dma_wait3A_386 = arith.constant 0 : i32
    %dma_wait3A_387 = tpu.memref_slice %arg7[%dma_wait3A_384, %dma_wait3A_385, %dma_wait3A_386] : memref<3x80x128xf32, #tpu.memory_space<vmem>> -> memref<1x80x128xf32, #tpu.memory_space<vmem>>
    %dma_wait3A_388 = tpu.memref_squeeze %dma_wait3A_387 : memref<1x80x128xf32, #tpu.memory_space<vmem>> -> memref<80x128xf32, #tpu.memory_space<vmem>>
    %dma_wait3A_389 = arith.constant 0 : i32
    %dma_wait3A_390 = tpu.memref_slice %arg6[%dma_wait3A_382, %dma_wait3A_383, %dma_wait3A_389] : memref<6x2x80xi32, #tpu.memory_space<vmem>> -> memref<1x1x80xi32, #tpu.memory_space<vmem>>
    %dma_wait3A_391 = tpu.memref_squeeze %dma_wait3A_390 : memref<1x1x80xi32, #tpu.memory_space<vmem>> -> memref<80xi32, #tpu.memory_space<vmem>>
    %dma_wait3A_392 = arith.constant 0 : i32
    %dma_wait3A_393 = arith.constant 0 : i32
    %dma_wait3A_394 = tpu.memref_slice %arg2[%dma_wait3A_392, %dma_wait3A_393] : memref<10000x128xf32, #tpu.memory_space<hbm>> -> memref<10000x128xf32, #tpu.memory_space<hbm>>
    tpu.wait_indirect_dma semaphore(%arg16 : memref<!tpu.dma_semaphore, #tpu.memory_space<semaphore_mem>>) src(%dma_wait3A_394 : memref<10000x128xf32, #tpu.memory_space<hbm>>) dst(%dma_wait3A_388 : memref<80x128xf32, #tpu.memory_space<vmem>>)
    %barrier3A_395 = arith.constant 0 : index
    tpu.barrier barrier_id(%barrier3A_395)
    %while3A_396 = arith.constant 0 : i32
    %while3A_397 = arith.constant 0 : i32
    %while3A_398 = arith.subi %select_n3A, %while3A_397 : i32
    %while3A_399 = arith.addi %while3A_397, %while3A_398 : i32
    %while3A_400 = arith.constant 1 : i32
    %while3A_401 = arith.divsi %while3A_398, %while3A_400 : i32
    %while3A_402 = arith.muli %while3A_401, %while3A_400 : i32
    %while3A_403 = arith.addi %while3A_397, %while3A_402 : i32
    %while3A_404 = arith.constant 1 : i32
    scf.for %while3A_406 = %while3A_397 to %while3A_403 step %while3A_404  : i32 {
      %mul3A_407 = arith.constant 16 : i32
      %mul3A_408 = arith.muli %mul3A_407, %while3A_406 : i32
      %add3A_409 = arith.addi %arg1, %mul3A_408 : i32
      %mul3A_410 = arith.constant 80 : i32
      %mul3A_411 = arith.muli %add3A_409, %mul3A_410 : i32
      "tpu.region"() ({
        %run_scoped3A = tpu.sem_alloc : memref<!tpu.dma_semaphore, #tpu.memory_space<semaphore_mem>>
        %dma_start3A_412 = arith.constant 0 : i32
        %dma_start3A_413 = tpu.memref_slice %arg5[%arg0, %mul3A_411, %dma_start3A_412] : memref<2x10000x128xf32, #tpu.memory_space<hbm>> -> memref<1x80x128xf32, #tpu.memory_space<hbm>>
        %dma_start3A_414 = tpu.memref_squeeze %dma_start3A_413 : memref<1x80x128xf32, #tpu.memory_space<hbm>> -> memref<80x128xf32, #tpu.memory_space<hbm>>
        %dma_start3A_415 = arith.constant 0 : i32
        %dma_start3A_416 = tpu.memref_slice %arg8[%mul3A_411, %dma_start3A_415] : memref<10000x128xf32, #tpu.memory_space<vmem_shared>> -> memref<80x128xf32, #tpu.memory_space<vmem_shared>>
        tpu.enqueue_dma source(%dma_start3A_416 : memref<80x128xf32, #tpu.memory_space<vmem_shared>>) target(%dma_start3A_414 : memref<80x128xf32, #tpu.memory_space<hbm>>) target_semaphore(%run_scoped3A : memref<!tpu.dma_semaphore, #tpu.memory_space<semaphore_mem>>)
        %dma_wait3A_417 = arith.constant 0 : i32
        %dma_wait3A_418 = tpu.memref_slice %arg5[%arg0, %mul3A_411, %dma_wait3A_417] : memref<2x10000x128xf32, #tpu.memory_space<hbm>> -> memref<1x80x128xf32, #tpu.memory_space<hbm>>
        %dma_wait3A_419 = tpu.memref_squeeze %dma_wait3A_418 : memref<1x80x128xf32, #tpu.memory_space<hbm>> -> memref<80x128xf32, #tpu.memory_space<hbm>>
        %dma_wait3A_420 = arith.constant 0 : i32
        %dma_wait3A_421 = tpu.memref_slice %arg8[%mul3A_411, %dma_wait3A_420] : memref<10000x128xf32, #tpu.memory_space<vmem_shared>> -> memref<80x128xf32, #tpu.memory_space<vmem_shared>>
        tpu.wait_dma2 semaphore(%run_scoped3A : memref<!tpu.dma_semaphore, #tpu.memory_space<semaphore_mem>>) src(%dma_wait3A_421 : memref<80x128xf32, #tpu.memory_space<vmem_shared>>) dst(%dma_wait3A_419 : memref<80x128xf32, #tpu.memory_space<hbm>>)
        tpu.yield
      }) : () -> ()
    }
    %while3A_405 = arith.constant 1 : i32
    scf.for %while3A_406 = %while3A_403 to %while3A_399 step %while3A_405  : i32 {
      %mul3A_407 = arith.constant 16 : i32
      %mul3A_408 = arith.muli %mul3A_407, %while3A_406 : i32
      %add3A_409 = arith.addi %arg1, %mul3A_408 : i32
      %mul3A_410 = arith.constant 80 : i32
      %mul3A_411 = arith.muli %add3A_409, %mul3A_410 : i32
      "tpu.region"() ({
        %run_scoped3A = tpu.sem_alloc : memref<!tpu.dma_semaphore, #tpu.memory_space<semaphore_mem>>
        %dma_start3A_412 = arith.constant 0 : i32
        %dma_start3A_413 = tpu.memref_slice %arg5[%arg0, %mul3A_411, %dma_start3A_412] : memref<2x10000x128xf32, #tpu.memory_space<hbm>> -> memref<1x80x128xf32, #tpu.memory_space<hbm>>
        %dma_start3A_414 = tpu.memref_squeeze %dma_start3A_413 : memref<1x80x128xf32, #tpu.memory_space<hbm>> -> memref<80x128xf32, #tpu.memory_space<hbm>>
        %dma_start3A_415 = arith.constant 0 : i32
        %dma_start3A_416 = tpu.memref_slice %arg8[%mul3A_411, %dma_start3A_415] : memref<10000x128xf32, #tpu.memory_space<vmem_shared>> -> memref<80x128xf32, #tpu.memory_space<vmem_shared>>
        tpu.enqueue_dma source(%dma_start3A_416 : memref<80x128xf32, #tpu.memory_space<vmem_shared>>) target(%dma_start3A_414 : memref<80x128xf32, #tpu.memory_space<hbm>>) target_semaphore(%run_scoped3A : memref<!tpu.dma_semaphore, #tpu.memory_space<semaphore_mem>>)
        %dma_wait3A_417 = arith.constant 0 : i32
        %dma_wait3A_418 = tpu.memref_slice %arg5[%arg0, %mul3A_411, %dma_wait3A_417] : memref<2x10000x128xf32, #tpu.memory_space<hbm>> -> memref<1x80x128xf32, #tpu.memory_space<hbm>>
        %dma_wait3A_419 = tpu.memref_squeeze %dma_wait3A_418 : memref<1x80x128xf32, #tpu.memory_space<hbm>> -> memref<80x128xf32, #tpu.memory_space<hbm>>
        %dma_wait3A_420 = arith.constant 0 : i32
        %dma_wait3A_421 = tpu.memref_slice %arg8[%mul3A_411, %dma_wait3A_420] : memref<10000x128xf32, #tpu.memory_space<vmem_shared>> -> memref<80x128xf32, #tpu.memory_space<vmem_shared>>
        tpu.wait_dma2 semaphore(%run_scoped3A : memref<!tpu.dma_semaphore, #tpu.memory_space<semaphore_mem>>) src(%dma_wait3A_421 : memref<80x128xf32, #tpu.memory_space<vmem_shared>>) dst(%dma_wait3A_419 : memref<80x128xf32, #tpu.memory_space<hbm>>)
        tpu.yield
      }) : () -> ()
    }
    return
  }
}

#map = affine_map<(d0, d1) -> (0, 0)>
#map1 = affine_map<(d0, d1) -> (0)>
#map2 = affine_map<(d0, d1) -> (0, 0, 0)>
module attributes {stable_mosaic.version = 14 : i64} {
  func.func @seg_kernel(%arg0: i32, %arg1: i32, %arg2: memref<10000x128xf32, #tpu.memory_space<hbm>>, %arg3: memref<320000xi32, #tpu.memory_space<hbm>>, %arg4: memref<320000xi32, #tpu.memory_space<hbm>>, %arg5: memref<2x10000x128xf32, #tpu.memory_space<hbm>>, %arg6: memref<6x2x80xi32, #tpu.memory_space<vmem>>, %arg7: memref<3x80x128xf32, #tpu.memory_space<vmem>>, %arg8: memref<10000x128xf32, #tpu.memory_space<vmem_shared>>, %arg9: memref<!tpu.dma_semaphore, #tpu.memory_space<semaphore_mem>>, %arg10: memref<!tpu.dma_semaphore, #tpu.memory_space<semaphore_mem>>, %arg11: memref<!tpu.dma_semaphore, #tpu.memory_space<semaphore_mem>>, %arg12: memref<!tpu.dma_semaphore, #tpu.memory_space<semaphore_mem>>, %arg13: memref<!tpu.dma_semaphore, #tpu.memory_space<semaphore_mem>>, %arg14: memref<!tpu.dma_semaphore, #tpu.memory_space<semaphore_mem>>, %arg15: memref<!tpu.dma_semaphore, #tpu.memory_space<semaphore_mem>>, %arg16: memref<!tpu.dma_semaphore, #tpu.memory_space<semaphore_mem>>, %arg17: memref<!tpu.dma_semaphore, #tpu.memory_space<semaphore_mem>>, %arg18: memref<!tpu.dma_semaphore, #tpu.memory_space<semaphore_mem>>, %arg19: memref<!tpu.dma_semaphore, #tpu.memory_space<semaphore_mem>>, %arg20: memref<!tpu.dma_semaphore, #tpu.memory_space<semaphore_mem>>) attributes {dimension_semantics = [#tpu.dimension_semantics<core_parallel>, #tpu.dimension_semantics<subcore_parallel>], iteration_bounds = array<i64: 2, 16>, scalar_prefetch = 0 : i64, scratch_operands = 15 : i64, tpu.core_type = #tpu.core_type<sc_vector_subcore>, window_params = [{transform_indices = #map}, {transform_indices = #map1}, {transform_indices = #map1}, {transform_indices = #map2}]} {
    %mul3A = arith.constant 16 : i32
    %mul3A_0 = arith.muli %arg0, %mul3A : i32
    %add3A = arith.addi %mul3A_0, %arg1 : i32
    %mul3A_1 = arith.constant 10000 : i32
    %mul3A_2 = arith.muli %add3A, %mul3A_1 : i32
    %lt3A = arith.constant 13 : i32
    %lt3A_3 = arith.cmpi slt, %arg1, %lt3A : i32
    %jit3A = arith.constant 8 : i32
    %jit3A_4 = arith.constant 7 : i32
    %select_n3A = arith.select %lt3A_3, %jit3A, %jit3A_4 : i32
    %scan3A = arith.constant 0 : i32
    %scan3A_5 = arith.constant 0 : i32
    %scan3A_6 = arith.constant 80 : i32
    %scan3A_7 = arith.addi %scan3A_5, %scan3A_6 : i32
    %scan3A_8 = arith.constant 1 : i32
    scf.for %scan3A_406 = %scan3A_5 to %scan3A_7 step %scan3A_8  : i32 {
      %broadcast_in_dim3A = arith.constant 0.000000e+00 : f32
      %broadcast_in_dim3A_407 = vector.broadcast %broadcast_in_dim3A : f32 to vector<16xf32>
      %swap3A = arith.constant 0 : i32
      %swap3A_408 = arith.index_cast %swap3A : i32 to index
      %swap3A_409 = arith.index_cast %scan3A_406 : i32 to index
      %swap3A_410 = arith.constant 0 : index
      %swap3A_411 = tpu.vector_load %arg7[%swap3A_408, %swap3A_409, %swap3A_410] {strides = array<i32>} : memref<3x80x128xf32, #tpu.memory_space<vmem>>, vector<1x1x16xf32>,
      %swap3A_412 = vector.shape_cast %swap3A_411 : vector<1x1x16xf32> to vector<16xf32>
      %swap3A_413 = vector.shape_cast %broadcast_in_dim3A_407 : vector<16xf32> to vector<1x1x16xf32>
      tpu.vector_store %arg7[%swap3A_408, %swap3A_409, %swap3A_410], %swap3A_413 {strides = array<i32>} : memref<3x80x128xf32, #tpu.memory_space<vmem>>, vector<1x1x16xf32>,
      %broadcast_in_dim3A_414 = arith.constant 0.000000e+00 : f32
      %broadcast_in_dim3A_415 = vector.broadcast %broadcast_in_dim3A_414 : f32 to vector<16xf32>
      %swap3A_416 = arith.constant 0 : i32
      %swap3A_417 = arith.index_cast %swap3A_416 : i32 to index
      %swap3A_418 = arith.index_cast %scan3A_406 : i32 to index
      %swap3A_419 = arith.constant 16 : index
      %swap3A_420 = tpu.vector_load %arg7[%swap3A_417, %swap3A_418, %swap3A_419] {strides = array<i32>} : memref<3x80x128xf32, #tpu.memory_space<vmem>>, vector<1x1x16xf32>,
      %swap3A_421 = vector.shape_cast %swap3A_420 : vector<1x1x16xf32> to vector<16xf32>
      %swap3A_422 = vector.shape_cast %broadcast_in_dim3A_415 : vector<16xf32> to vector<1x1x16xf32>
      tpu.vector_store %arg7[%swap3A_417, %swap3A_418, %swap3A_419], %swap3A_422 {strides = array<i32>} : memref<3x80x128xf32, #tpu.memory_space<vmem>>, vector<1x1x16xf32>,
      %broadcast_in_dim3A_423 = arith.constant 0.000000e+00 : f32
      %broadcast_in_dim3A_424 = vector.broadcast %broadcast_in_dim3A_423 : f32 to vector<16xf32>
      %swap3A_425 = arith.constant 0 : i32
      %swap3A_426 = arith.index_cast %swap3A_425 : i32 to index
      %swap3A_427 = arith.index_cast %scan3A_406 : i32 to index
      %swap3A_428 = arith.constant 32 : index
      %swap3A_429 = tpu.vector_load %arg7[%swap3A_426, %swap3A_427, %swap3A_428] {strides = array<i32>} : memref<3x80x128xf32, #tpu.memory_space<vmem>>, vector<1x1x16xf32>,
      %swap3A_430 = vector.shape_cast %swap3A_429 : vector<1x1x16xf32> to vector<16xf32>
      %swap3A_431 = vector.shape_cast %broadcast_in_dim3A_424 : vector<16xf32> to vector<1x1x16xf32>
      tpu.vector_store %arg7[%swap3A_426, %swap3A_427, %swap3A_428], %swap3A_431 {strides = array<i32>} : memref<3x80x128xf32, #tpu.memory_space<vmem>>, vector<1x1x16xf32>,
      %broadcast_in_dim3A_432 = arith.constant 0.000000e+00 : f32
      %broadcast_in_dim3A_433 = vector.broadcast %broadcast_in_dim3A_432 : f32 to vector<16xf32>
      %swap3A_434 = arith.constant 0 : i32
      %swap3A_435 = arith.index_cast %swap3A_434 : i32 to index
      %swap3A_436 = arith.index_cast %scan3A_406 : i32 to index
      %swap3A_437 = arith.constant 48 : index
      %swap3A_438 = tpu.vector_load %arg7[%swap3A_435, %swap3A_436, %swap3A_437] {strides = array<i32>} : memref<3x80x128xf32, #tpu.memory_space<vmem>>, vector<1x1x16xf32>,
      %swap3A_439 = vector.shape_cast %swap3A_438 : vector<1x1x16xf32> to vector<16xf32>
      %swap3A_440 = vector.shape_cast %broadcast_in_dim3A_433 : vector<16xf32> to vector<1x1x16xf32>
      tpu.vector_store %arg7[%swap3A_435, %swap3A_436, %swap3A_437], %swap3A_440 {strides = array<i32>} : memref<3x80x128xf32, #tpu.memory_space<vmem>>, vector<1x1x16xf32>,
      %broadcast_in_dim3A_441 = arith.constant 0.000000e+00 : f32
      %broadcast_in_dim3A_442 = vector.broadcast %broadcast_in_dim3A_441 : f32 to vector<16xf32>
      %swap3A_443 = arith.constant 0 : i32
      %swap3A_444 = arith.index_cast %swap3A_443 : i32 to index
      %swap3A_445 = arith.index_cast %scan3A_406 : i32 to index
      %swap3A_446 = arith.constant 64 : index
      %swap3A_447 = tpu.vector_load %arg7[%swap3A_444, %swap3A_445, %swap3A_446] {strides = array<i32>} : memref<3x80x128xf32, #tpu.memory_space<vmem>>, vector<1x1x16xf32>,
      %swap3A_448 = vector.shape_cast %swap3A_447 : vector<1x1x16xf32> to vector<16xf32>
      %swap3A_449 = vector.shape_cast %broadcast_in_dim3A_442 : vector<16xf32> to vector<1x1x16xf32>
      tpu.vector_store %arg7[%swap3A_444, %swap3A_445, %swap3A_446], %swap3A_449 {strides = array<i32>} : memref<3x80x128xf32, #tpu.memory_space<vmem>>, vector<1x1x16xf32>,
      %broadcast_in_dim3A_450 = arith.constant 0.000000e+00 : f32
      %broadcast_in_dim3A_451 = vector.broadcast %broadcast_in_dim3A_450 : f32 to vector<16xf32>
      %swap3A_452 = arith.constant 0 : i32
      %swap3A_453 = arith.index_cast %swap3A_452 : i32 to index
      %swap3A_454 = arith.index_cast %scan3A_406 : i32 to index
      %swap3A_455 = arith.constant 80 : index
      %swap3A_456 = tpu.vector_load %arg7[%swap3A_453, %swap3A_454, %swap3A_455] {strides = array<i32>} : memref<3x80x128xf32, #tpu.memory_space<vmem>>, vector<1x1x16xf32>,
      %swap3A_457 = vector.shape_cast %swap3A_456 : vector<1x1x16xf32> to vector<16xf32>
      %swap3A_458 = vector.shape_cast %broadcast_in_dim3A_451 : vector<16xf32> to vector<1x1x16xf32>
      tpu.vector_store %arg7[%swap3A_453, %swap3A_454, %swap3A_455], %swap3A_458 {strides = array<i32>} : memref<3x80x128xf32, #tpu.memory_space<vmem>>, vector<1x1x16xf32>,
      %broadcast_in_dim3A_459 = arith.constant 0.000000e+00 : f32
      %broadcast_in_dim3A_460 = vector.broadcast %broadcast_in_dim3A_459 : f32 to vector<16xf32>
      %swap3A_461 = arith.constant 0 : i32
      %swap3A_462 = arith.index_cast %swap3A_461 : i32 to index
      %swap3A_463 = arith.index_cast %scan3A_406 : i32 to index
      %swap3A_464 = arith.constant 96 : index
      %swap3A_465 = tpu.vector_load %arg7[%swap3A_462, %swap3A_463, %swap3A_464] {strides = array<i32>} : memref<3x80x128xf32, #tpu.memory_space<vmem>>, vector<1x1x16xf32>,
      %swap3A_466 = vector.shape_cast %swap3A_465 : vector<1x1x16xf32> to vector<16xf32>
      %swap3A_467 = vector.shape_cast %broadcast_in_dim3A_460 : vector<16xf32> to vector<1x1x16xf32>
      tpu.vector_store %arg7[%swap3A_462, %swap3A_463, %swap3A_464], %swap3A_467 {strides = array<i32>} : memref<3x80x128xf32, #tpu.memory_space<vmem>>, vector<1x1x16xf32>,
      %broadcast_in_dim3A_468 = arith.constant 0.000000e+00 : f32
      %broadcast_in_dim3A_469 = vector.broadcast %broadcast_in_dim3A_468 : f32 to vector<16xf32>
      %swap3A_470 = arith.constant 0 : i32
      %swap3A_471 = arith.index_cast %swap3A_470 : i32 to index
      %swap3A_472 = arith.index_cast %scan3A_406 : i32 to index
      %swap3A_473 = arith.constant 112 : index
      %swap3A_474 = tpu.vector_load %arg7[%swap3A_471, %swap3A_472, %swap3A_473] {strides = array<i32>} : memref<3x80x128xf32, #tpu.memory_space<vmem>>, vector<1x1x16xf32>,
      %swap3A_475 = vector.shape_cast %swap3A_474 : vector<1x1x16xf32> to vector<16xf32>
      %swap3A_476 = vector.shape_cast %broadcast_in_dim3A_469 : vector<16xf32> to vector<1x1x16xf32>
      tpu.vector_store %arg7[%swap3A_471, %swap3A_472, %swap3A_473], %swap3A_476 {strides = array<i32>} : memref<3x80x128xf32, #tpu.memory_space<vmem>>, vector<1x1x16xf32>,
    }
    %scan3A_9 = arith.constant 80 : i32
    %while3A = arith.constant 0 : i32
    %while3A_10 = arith.constant 0 : i32
    %while3A_11 = arith.subi %select_n3A, %while3A_10 : i32
    %while3A_12 = arith.addi %while3A_10, %while3A_11 : i32
    %while3A_13 = arith.constant 1 : i32
    %while3A_14 = arith.divsi %while3A_11, %while3A_13 : i32
    %while3A_15 = arith.muli %while3A_14, %while3A_13 : i32
    %while3A_16 = arith.addi %while3A_10, %while3A_15 : i32
    %while3A_17 = arith.constant 1 : i32
    scf.for %while3A_406 = %while3A_10 to %while3A_16 step %while3A_17  : i32 {
      %mul3A_407 = arith.constant 16 : i32
      %mul3A_408 = arith.muli %mul3A_407, %while3A_406 : i32
      %add3A_409 = arith.addi %arg1, %mul3A_408 : i32
      %mul3A_410 = arith.constant 80 : i32
      %mul3A_411 = arith.muli %add3A_409, %mul3A_410 : i32
      %run_scoped3A = arith.constant 0 : i32
      "tpu.region"() ({
        %run_scoped3A_412 = tpu.sem_alloc : memref<!tpu.dma_semaphore, #tpu.memory_space<semaphore_mem>>
        %dma_start3A_413 = arith.constant 0 : i32
        %dma_start3A_414 = arith.constant 0 : i32
        %dma_start3A_415 = tpu.memref_slice %arg7[%run_scoped3A, %dma_start3A_413, %dma_start3A_414] : memref<3x80x128xf32, #tpu.memory_space<vmem>> -> memref<1x80x128xf32, #tpu.memory_space<vmem>>
        %dma_start3A_416 = tpu.memref_squeeze %dma_start3A_415 : memref<1x80x128xf32, #tpu.memory_space<vmem>> -> memref<80x128xf32, #tpu.memory_space<vmem>>
        %dma_start3A_417 = arith.constant 0 : i32
        %dma_start3A_418 = tpu.memref_slice %arg8[%mul3A_411, %dma_start3A_417] : memref<10000x128xf32, #tpu.memory_space<vmem_shared>> -> memref<80x128xf32, #tpu.memory_space<vmem_shared>>
        %dma_start3A_419 = arith.constant 0 : i32
        %dma_start3A_420 = tpu.memref_slice %arg8[%mul3A_411, %dma_start3A_419] : memref<10000x128xf32, #tpu.memory_space<vmem_shared>> -> memref<80x128xf32, #tpu.memory_space<vmem_shared>>
        %dma_start3A_421 = arith.constant 0 : i32
        %dma_start3A_422 = arith.constant 0 : i32
        %dma_start3A_423 = tpu.memref_slice %arg7[%run_scoped3A, %dma_start3A_421, %dma_start3A_422] : memref<3x80x128xf32, #tpu.memory_space<vmem>> -> memref<1x80x128xf32, #tpu.memory_space<vmem>>
        %dma_start3A_424 = tpu.memref_squeeze %dma_start3A_423 : memref<1x80x128xf32, #tpu.memory_space<vmem>> -> memref<80x128xf32, #tpu.memory_space<vmem>>
        tpu.enqueue_dma source(%dma_start3A_424 : memref<80x128xf32, #tpu.memory_space<vmem>>) target(%dma_start3A_420 : memref<80x128xf32, #tpu.memory_space<vmem_shared>>) target_semaphore(%run_scoped3A_412 : memref<!tpu.dma_semaphore, #tpu.memory_space<semaphore_mem>>)
        %dma_wait3A_425 = arith.constant 0 : i32
        %dma_wait3A_426 = arith.constant 0 : i32
        %dma_wait3A_427 = tpu.memref_slice %arg7[%run_scoped3A, %dma_wait3A_425, %dma_wait3A_426] : memref<3x80x128xf32, #tpu.memory_space<vmem>> -> memref<1x80x128xf32, #tpu.memory_space<vmem>>
        %dma_wait3A_428 = tpu.memref_squeeze %dma_wait3A_427 : memref<1x80x128xf32, #tpu.memory_space<vmem>> -> memref<80x128xf32, #tpu.memory_space<vmem>>
        %dma_wait3A_429 = arith.constant 0 : i32
        %dma_wait3A_430 = tpu.memref_slice %arg8[%mul3A_411, %dma_wait3A_429] : memref<10000x128xf32, #tpu.memory_space<vmem_shared>> -> memref<80x128xf32, #tpu.memory_space<vmem_shared>>
        %dma_wait3A_431 = arith.constant 0 : i32
        %dma_wait3A_432 = tpu.memref_slice %arg8[%mul3A_411, %dma_wait3A_431] : memref<10000x128xf32, #tpu.memory_space<vmem_shared>> -> memref<80x128xf32, #tpu.memory_space<vmem_shared>>
        %dma_wait3A_433 = arith.constant 0 : i32
        %dma_wait3A_434 = arith.constant 0 : i32
        %dma_wait3A_435 = tpu.memref_slice %arg7[%run_scoped3A, %dma_wait3A_433, %dma_wait3A_434] : memref<3x80x128xf32, #tpu.memory_space<vmem>> -> memref<1x80x128xf32, #tpu.memory_space<vmem>>
        %dma_wait3A_436 = tpu.memref_squeeze %dma_wait3A_435 : memref<1x80x128xf32, #tpu.memory_space<vmem>> -> memref<80x128xf32, #tpu.memory_space<vmem>>
        tpu.wait_dma2 semaphore(%run_scoped3A_412 : memref<!tpu.dma_semaphore, #tpu.memory_space<semaphore_mem>>) src(%dma_wait3A_436 : memref<80x128xf32, #tpu.memory_space<vmem>>) dst(%dma_wait3A_432 : memref<80x128xf32, #tpu.memory_space<vmem_shared>>)
        tpu.yield
      }) : () -> ()
    }
    %while3A_18 = arith.constant 1 : i32
    scf.for %while3A_406 = %while3A_16 to %while3A_12 step %while3A_18  : i32 {
      %mul3A_407 = arith.constant 16 : i32
      %mul3A_408 = arith.muli %mul3A_407, %while3A_406 : i32
      %add3A_409 = arith.addi %arg1, %mul3A_408 : i32
      %mul3A_410 = arith.constant 80 : i32
      %mul3A_411 = arith.muli %add3A_409, %mul3A_410 : i32
      %run_scoped3A = arith.constant 0 : i32
      "tpu.region"() ({
        %run_scoped3A_412 = tpu.sem_alloc : memref<!tpu.dma_semaphore, #tpu.memory_space<semaphore_mem>>
        %dma_start3A_413 = arith.constant 0 : i32
        %dma_start3A_414 = arith.constant 0 : i32
        %dma_start3A_415 = tpu.memref_slice %arg7[%run_scoped3A, %dma_start3A_413, %dma_start3A_414] : memref<3x80x128xf32, #tpu.memory_space<vmem>> -> memref<1x80x128xf32, #tpu.memory_space<vmem>>
        %dma_start3A_416 = tpu.memref_squeeze %dma_start3A_415 : memref<1x80x128xf32, #tpu.memory_space<vmem>> -> memref<80x128xf32, #tpu.memory_space<vmem>>
        %dma_start3A_417 = arith.constant 0 : i32
        %dma_start3A_418 = tpu.memref_slice %arg8[%mul3A_411, %dma_start3A_417] : memref<10000x128xf32, #tpu.memory_space<vmem_shared>> -> memref<80x128xf32, #tpu.memory_space<vmem_shared>>
        %dma_start3A_419 = arith.constant 0 : i32
        %dma_start3A_420 = tpu.memref_slice %arg8[%mul3A_411, %dma_start3A_419] : memref<10000x128xf32, #tpu.memory_space<vmem_shared>> -> memref<80x128xf32, #tpu.memory_space<vmem_shared>>
        %dma_start3A_421 = arith.constant 0 : i32
        %dma_start3A_422 = arith.constant 0 : i32
        %dma_start3A_423 = tpu.memref_slice %arg7[%run_scoped3A, %dma_start3A_421, %dma_start3A_422] : memref<3x80x128xf32, #tpu.memory_space<vmem>> -> memref<1x80x128xf32, #tpu.memory_space<vmem>>
        %dma_start3A_424 = tpu.memref_squeeze %dma_start3A_423 : memref<1x80x128xf32, #tpu.memory_space<vmem>> -> memref<80x128xf32, #tpu.memory_space<vmem>>
        tpu.enqueue_dma source(%dma_start3A_424 : memref<80x128xf32, #tpu.memory_space<vmem>>) target(%dma_start3A_420 : memref<80x128xf32, #tpu.memory_space<vmem_shared>>) target_semaphore(%run_scoped3A_412 : memref<!tpu.dma_semaphore, #tpu.memory_space<semaphore_mem>>)
        %dma_wait3A_425 = arith.constant 0 : i32
        %dma_wait3A_426 = arith.constant 0 : i32
        %dma_wait3A_427 = tpu.memref_slice %arg7[%run_scoped3A, %dma_wait3A_425, %dma_wait3A_426] : memref<3x80x128xf32, #tpu.memory_space<vmem>> -> memref<1x80x128xf32, #tpu.memory_space<vmem>>
        %dma_wait3A_428 = tpu.memref_squeeze %dma_wait3A_427 : memref<1x80x128xf32, #tpu.memory_space<vmem>> -> memref<80x128xf32, #tpu.memory_space<vmem>>
        %dma_wait3A_429 = arith.constant 0 : i32
        %dma_wait3A_430 = tpu.memref_slice %arg8[%mul3A_411, %dma_wait3A_429] : memref<10000x128xf32, #tpu.memory_space<vmem_shared>> -> memref<80x128xf32, #tpu.memory_space<vmem_shared>>
        %dma_wait3A_431 = arith.constant 0 : i32
        %dma_wait3A_432 = tpu.memref_slice %arg8[%mul3A_411, %dma_wait3A_431] : memref<10000x128xf32, #tpu.memory_space<vmem_shared>> -> memref<80x128xf32, #tpu.memory_space<vmem_shared>>
        %dma_wait3A_433 = arith.constant 0 : i32
        %dma_wait3A_434 = arith.constant 0 : i32
        %dma_wait3A_435 = tpu.memref_slice %arg7[%run_scoped3A, %dma_wait3A_433, %dma_wait3A_434] : memref<3x80x128xf32, #tpu.memory_space<vmem>> -> memref<1x80x128xf32, #tpu.memory_space<vmem>>
        %dma_wait3A_436 = tpu.memref_squeeze %dma_wait3A_435 : memref<1x80x128xf32, #tpu.memory_space<vmem>> -> memref<80x128xf32, #tpu.memory_space<vmem>>
        tpu.wait_dma2 semaphore(%run_scoped3A_412 : memref<!tpu.dma_semaphore, #tpu.memory_space<semaphore_mem>>) src(%dma_wait3A_436 : memref<80x128xf32, #tpu.memory_space<vmem>>) dst(%dma_wait3A_432 : memref<80x128xf32, #tpu.memory_space<vmem_shared>>)
        tpu.yield
      }) : () -> ()
    }
    %barrier3A = arith.constant 0 : index
    tpu.barrier barrier_id(%barrier3A)
    %add3A_19 = arith.constant 0 : i32
    %add3A_20 = arith.addi %mul3A_2, %add3A_19 : i32
    %dma_start3A = arith.constant 0 : i32
    %dma_start3A_21 = arith.constant 0 : i32
    %dma_start3A_22 = arith.constant 0 : i32
    %dma_start3A_23 = tpu.memref_slice %arg6[%dma_start3A, %dma_start3A_21, %dma_start3A_22] : memref<6x2x80xi32, #tpu.memory_space<vmem>> -> memref<1x1x80xi32, #tpu.memory_space<vmem>>
    %dma_start3A_24 = tpu.memref_squeeze %dma_start3A_23 : memref<1x1x80xi32, #tpu.memory_space<vmem>> -> memref<80xi32, #tpu.memory_space<vmem>>
    %dma_start3A_25 = tpu.memref_slice %arg3[%add3A_20] : memref<320000xi32, #tpu.memory_space<hbm>> -> memref<80xi32, #tpu.memory_space<hbm>>
    %dma_start3A_26 = arith.constant 0 : i32
    %dma_start3A_27 = tpu.memref_slice %arg6[%dma_start3A, %dma_start3A_21, %dma_start3A_26] : memref<6x2x80xi32, #tpu.memory_space<vmem>> -> memref<1x1x80xi32, #tpu.memory_space<vmem>>
    %dma_start3A_28 = tpu.memref_squeeze %dma_start3A_27 : memref<1x1x80xi32, #tpu.memory_space<vmem>> -> memref<80xi32, #tpu.memory_space<vmem>>
    %dma_start3A_29 = tpu.memref_slice %arg3[%add3A_20] : memref<320000xi32, #tpu.memory_space<hbm>> -> memref<80xi32, #tpu.memory_space<hbm>>
    tpu.enqueue_dma source(%dma_start3A_29 : memref<80xi32, #tpu.memory_space<hbm>>) target(%dma_start3A_28 : memref<80xi32, #tpu.memory_space<vmem>>) target_semaphore(%arg9 : memref<!tpu.dma_semaphore, #tpu.memory_space<semaphore_mem>>)
    %dma_start3A_30 = arith.constant 0 : i32
    %dma_start3A_31 = arith.constant 1 : i32
    %dma_start3A_32 = arith.constant 0 : i32
    %dma_start3A_33 = tpu.memref_slice %arg6[%dma_start3A_30, %dma_start3A_31, %dma_start3A_32] : memref<6x2x80xi32, #tpu.memory_space<vmem>> -> memref<1x1x80xi32, #tpu.memory_space<vmem>>
    %dma_start3A_34 = tpu.memref_squeeze %dma_start3A_33 : memref<1x1x80xi32, #tpu.memory_space<vmem>> -> memref<80xi32, #tpu.memory_space<vmem>>
    %dma_start3A_35 = tpu.memref_slice %arg4[%add3A_20] : memref<320000xi32, #tpu.memory_space<hbm>> -> memref<80xi32, #tpu.memory_space<hbm>>
    %dma_start3A_36 = arith.constant 0 : i32
    %dma_start3A_37 = tpu.memref_slice %arg6[%dma_start3A_30, %dma_start3A_31, %dma_start3A_36] : memref<6x2x80xi32, #tpu.memory_space<vmem>> -> memref<1x1x80xi32, #tpu.memory_space<vmem>>
    %dma_start3A_38 = tpu.memref_squeeze %dma_start3A_37 : memref<1x1x80xi32, #tpu.memory_space<vmem>> -> memref<80xi32, #tpu.memory_space<vmem>>
    %dma_start3A_39 = tpu.memref_slice %arg4[%add3A_20] : memref<320000xi32, #tpu.memory_space<hbm>> -> memref<80xi32, #tpu.memory_space<hbm>>
    tpu.enqueue_dma source(%dma_start3A_39 : memref<80xi32, #tpu.memory_space<hbm>>) target(%dma_start3A_38 : memref<80xi32, #tpu.memory_space<vmem>>) target_semaphore(%arg9 : memref<!tpu.dma_semaphore, #tpu.memory_space<semaphore_mem>>)
    %add3A_40 = arith.constant 80 : i32
    %add3A_41 = arith.addi %mul3A_2, %add3A_40 : i32
    %dma_start3A_42 = arith.constant 1 : i32
    %dma_start3A_43 = arith.constant 0 : i32
    %dma_start3A_44 = arith.constant 0 : i32
    %dma_start3A_45 = tpu.memref_slice %arg6[%dma_start3A_42, %dma_start3A_43, %dma_start3A_44] : memref<6x2x80xi32, #tpu.memory_space<vmem>> -> memref<1x1x80xi32, #tpu.memory_space<vmem>>
    %dma_start3A_46 = tpu.memref_squeeze %dma_start3A_45 : memref<1x1x80xi32, #tpu.memory_space<vmem>> -> memref<80xi32, #tpu.memory_space<vmem>>
    %dma_start3A_47 = tpu.memref_slice %arg3[%add3A_41] : memref<320000xi32, #tpu.memory_space<hbm>> -> memref<80xi32, #tpu.memory_space<hbm>>
    %dma_start3A_48 = arith.constant 0 : i32
    %dma_start3A_49 = tpu.memref_slice %arg6[%dma_start3A_42, %dma_start3A_43, %dma_start3A_48] : memref<6x2x80xi32, #tpu.memory_space<vmem>> -> memref<1x1x80xi32, #tpu.memory_space<vmem>>
    %dma_start3A_50 = tpu.memref_squeeze %dma_start3A_49 : memref<1x1x80xi32, #tpu.memory_space<vmem>> -> memref<80xi32, #tpu.memory_space<vmem>>
    %dma_start3A_51 = tpu.memref_slice %arg3[%add3A_41] : memref<320000xi32, #tpu.memory_space<hbm>> -> memref<80xi32, #tpu.memory_space<hbm>>
    tpu.enqueue_dma source(%dma_start3A_51 : memref<80xi32, #tpu.memory_space<hbm>>) target(%dma_start3A_50 : memref<80xi32, #tpu.memory_space<vmem>>) target_semaphore(%arg10 : memref<!tpu.dma_semaphore, #tpu.memory_space<semaphore_mem>>)
    %dma_start3A_52 = arith.constant 1 : i32
    %dma_start3A_53 = arith.constant 1 : i32
    %dma_start3A_54 = arith.constant 0 : i32
    %dma_start3A_55 = tpu.memref_slice %arg6[%dma_start3A_52, %dma_start3A_53, %dma_start3A_54] : memref<6x2x80xi32, #tpu.memory_space<vmem>> -> memref<1x1x80xi32, #tpu.memory_space<vmem>>
    %dma_start3A_56 = tpu.memref_squeeze %dma_start3A_55 : memref<1x1x80xi32, #tpu.memory_space<vmem>> -> memref<80xi32, #tpu.memory_space<vmem>>
    %dma_start3A_57 = tpu.memref_slice %arg4[%add3A_41] : memref<320000xi32, #tpu.memory_space<hbm>> -> memref<80xi32, #tpu.memory_space<hbm>>
    %dma_start3A_58 = arith.constant 0 : i32
    %dma_start3A_59 = tpu.memref_slice %arg6[%dma_start3A_52, %dma_start3A_53, %dma_start3A_58] : memref<6x2x80xi32, #tpu.memory_space<vmem>> -> memref<1x1x80xi32, #tpu.memory_space<vmem>>
    %dma_start3A_60 = tpu.memref_squeeze %dma_start3A_59 : memref<1x1x80xi32, #tpu.memory_space<vmem>> -> memref<80xi32, #tpu.memory_space<vmem>>
    %dma_start3A_61 = tpu.memref_slice %arg4[%add3A_41] : memref<320000xi32, #tpu.memory_space<hbm>> -> memref<80xi32, #tpu.memory_space<hbm>>
    tpu.enqueue_dma source(%dma_start3A_61 : memref<80xi32, #tpu.memory_space<hbm>>) target(%dma_start3A_60 : memref<80xi32, #tpu.memory_space<vmem>>) target_semaphore(%arg10 : memref<!tpu.dma_semaphore, #tpu.memory_space<semaphore_mem>>)
    %add3A_62 = arith.constant 160 : i32
    %add3A_63 = arith.addi %mul3A_2, %add3A_62 : i32
    %dma_start3A_64 = arith.constant 2 : i32
    %dma_start3A_65 = arith.constant 0 : i32
    %dma_start3A_66 = arith.constant 0 : i32
    %dma_start3A_67 = tpu.memref_slice %arg6[%dma_start3A_64, %dma_start3A_65, %dma_start3A_66] : memref<6x2x80xi32, #tpu.memory_space<vmem>> -> memref<1x1x80xi32, #tpu.memory_space<vmem>>
    %dma_start3A_68 = tpu.memref_squeeze %dma_start3A_67 : memref<1x1x80xi32, #tpu.memory_space<vmem>> -> memref<80xi32, #tpu.memory_space<vmem>>
    %dma_start3A_69 = tpu.memref_slice %arg3[%add3A_63] : memref<320000xi32, #tpu.memory_space<hbm>> -> memref<80xi32, #tpu.memory_space<hbm>>
    %dma_start3A_70 = arith.constant 0 : i32
    %dma_start3A_71 = tpu.memref_slice %arg6[%dma_start3A_64, %dma_start3A_65, %dma_start3A_70] : memref<6x2x80xi32, #tpu.memory_space<vmem>> -> memref<1x1x80xi32, #tpu.memory_space<vmem>>
    %dma_start3A_72 = tpu.memref_squeeze %dma_start3A_71 : memref<1x1x80xi32, #tpu.memory_space<vmem>> -> memref<80xi32, #tpu.memory_space<vmem>>
    %dma_start3A_73 = tpu.memref_slice %arg3[%add3A_63] : memref<320000xi32, #tpu.memory_space<hbm>> -> memref<80xi32, #tpu.memory_space<hbm>>
    tpu.enqueue_dma source(%dma_start3A_73 : memref<80xi32, #tpu.memory_space<hbm>>) target(%dma_start3A_72 : memref<80xi32, #tpu.memory_space<vmem>>) target_semaphore(%arg11 : memref<!tpu.dma_semaphore, #tpu.memory_space<semaphore_mem>>)
    %dma_start3A_74 = arith.constant 2 : i32
    %dma_start3A_75 = arith.constant 1 : i32
    %dma_start3A_76 = arith.constant 0 : i32
    %dma_start3A_77 = tpu.memref_slice %arg6[%dma_start3A_74, %dma_start3A_75, %dma_start3A_76] : memref<6x2x80xi32, #tpu.memory_space<vmem>> -> memref<1x1x80xi32, #tpu.memory_space<vmem>>
    %dma_start3A_78 = tpu.memref_squeeze %dma_start3A_77 : memref<1x1x80xi32, #tpu.memory_space<vmem>> -> memref<80xi32, #tpu.memory_space<vmem>>
    %dma_start3A_79 = tpu.memref_slice %arg4[%add3A_63] : memref<320000xi32, #tpu.memory_space<hbm>> -> memref<80xi32, #tpu.memory_space<hbm>>
    %dma_start3A_80 = arith.constant 0 : i32
    %dma_start3A_81 = tpu.memref_slice %arg6[%dma_start3A_74, %dma_start3A_75, %dma_start3A_80] : memref<6x2x80xi32, #tpu.memory_space<vmem>> -> memref<1x1x80xi32, #tpu.memory_space<vmem>>
    %dma_start3A_82 = tpu.memref_squeeze %dma_start3A_81 : memref<1x1x80xi32, #tpu.memory_space<vmem>> -> memref<80xi32, #tpu.memory_space<vmem>>
    %dma_start3A_83 = tpu.memref_slice %arg4[%add3A_63] : memref<320000xi32, #tpu.memory_space<hbm>> -> memref<80xi32, #tpu.memory_space<hbm>>
    tpu.enqueue_dma source(%dma_start3A_83 : memref<80xi32, #tpu.memory_space<hbm>>) target(%dma_start3A_82 : memref<80xi32, #tpu.memory_space<vmem>>) target_semaphore(%arg11 : memref<!tpu.dma_semaphore, #tpu.memory_space<semaphore_mem>>)
    %add3A_84 = arith.constant 240 : i32
    %add3A_85 = arith.addi %mul3A_2, %add3A_84 : i32
    %dma_start3A_86 = arith.constant 3 : i32
    %dma_start3A_87 = arith.constant 0 : i32
    %dma_start3A_88 = arith.constant 0 : i32
    %dma_start3A_89 = tpu.memref_slice %arg6[%dma_start3A_86, %dma_start3A_87, %dma_start3A_88] : memref<6x2x80xi32, #tpu.memory_space<vmem>> -> memref<1x1x80xi32, #tpu.memory_space<vmem>>
    %dma_start3A_90 = tpu.memref_squeeze %dma_start3A_89 : memref<1x1x80xi32, #tpu.memory_space<vmem>> -> memref<80xi32, #tpu.memory_space<vmem>>
    %dma_start3A_91 = tpu.memref_slice %arg3[%add3A_85] : memref<320000xi32, #tpu.memory_space<hbm>> -> memref<80xi32, #tpu.memory_space<hbm>>
    %dma_start3A_92 = arith.constant 0 : i32
    %dma_start3A_93 = tpu.memref_slice %arg6[%dma_start3A_86, %dma_start3A_87, %dma_start3A_92] : memref<6x2x80xi32, #tpu.memory_space<vmem>> -> memref<1x1x80xi32, #tpu.memory_space<vmem>>
    %dma_start3A_94 = tpu.memref_squeeze %dma_start3A_93 : memref<1x1x80xi32, #tpu.memory_space<vmem>> -> memref<80xi32, #tpu.memory_space<vmem>>
    %dma_start3A_95 = tpu.memref_slice %arg3[%add3A_85] : memref<320000xi32, #tpu.memory_space<hbm>> -> memref<80xi32, #tpu.memory_space<hbm>>
    tpu.enqueue_dma source(%dma_start3A_95 : memref<80xi32, #tpu.memory_space<hbm>>) target(%dma_start3A_94 : memref<80xi32, #tpu.memory_space<vmem>>) target_semaphore(%arg12 : memref<!tpu.dma_semaphore, #tpu.memory_space<semaphore_mem>>)
    %dma_start3A_96 = arith.constant 3 : i32
    %dma_start3A_97 = arith.constant 1 : i32
    %dma_start3A_98 = arith.constant 0 : i32
    %dma_start3A_99 = tpu.memref_slice %arg6[%dma_start3A_96, %dma_start3A_97, %dma_start3A_98] : memref<6x2x80xi32, #tpu.memory_space<vmem>> -> memref<1x1x80xi32, #tpu.memory_space<vmem>>
    %dma_start3A_100 = tpu.memref_squeeze %dma_start3A_99 : memref<1x1x80xi32, #tpu.memory_space<vmem>> -> memref<80xi32, #tpu.memory_space<vmem>>
    %dma_start3A_101 = tpu.memref_slice %arg4[%add3A_85] : memref<320000xi32, #tpu.memory_space<hbm>> -> memref<80xi32, #tpu.memory_space<hbm>>
    %dma_start3A_102 = arith.constant 0 : i32
    %dma_start3A_103 = tpu.memref_slice %arg6[%dma_start3A_96, %dma_start3A_97, %dma_start3A_102] : memref<6x2x80xi32, #tpu.memory_space<vmem>> -> memref<1x1x80xi32, #tpu.memory_space<vmem>>
    %dma_start3A_104 = tpu.memref_squeeze %dma_start3A_103 : memref<1x1x80xi32, #tpu.memory_space<vmem>> -> memref<80xi32, #tpu.memory_space<vmem>>
    %dma_start3A_105 = tpu.memref_slice %arg4[%add3A_85] : memref<320000xi32, #tpu.memory_space<hbm>> -> memref<80xi32, #tpu.memory_space<hbm>>
    tpu.enqueue_dma source(%dma_start3A_105 : memref<80xi32, #tpu.memory_space<hbm>>) target(%dma_start3A_104 : memref<80xi32, #tpu.memory_space<vmem>>) target_semaphore(%arg12 : memref<!tpu.dma_semaphore, #tpu.memory_space<semaphore_mem>>)
    %add3A_106 = arith.constant 0 : i32
    %add3A_107 = arith.addi %mul3A_2, %add3A_106 : i32
    %dma_wait3A = arith.constant 0 : i32
    %dma_wait3A_108 = arith.constant 0 : i32
    %dma_wait3A_109 = arith.constant 0 : i32
    %dma_wait3A_110 = tpu.memref_slice %arg6[%dma_wait3A, %dma_wait3A_108, %dma_wait3A_109] : memref<6x2x80xi32, #tpu.memory_space<vmem>> -> memref<1x1x80xi32, #tpu.memory_space<vmem>>
    %dma_wait3A_111 = tpu.memref_squeeze %dma_wait3A_110 : memref<1x1x80xi32, #tpu.memory_space<vmem>> -> memref<80xi32, #tpu.memory_space<vmem>>
    %dma_wait3A_112 = tpu.memref_slice %arg3[%add3A_107] : memref<320000xi32, #tpu.memory_space<hbm>> -> memref<80xi32, #tpu.memory_space<hbm>>
    %dma_wait3A_113 = arith.constant 0 : i32
    %dma_wait3A_114 = tpu.memref_slice %arg6[%dma_wait3A, %dma_wait3A_108, %dma_wait3A_113] : memref<6x2x80xi32, #tpu.memory_space<vmem>> -> memref<1x1x80xi32, #tpu.memory_space<vmem>>
    %dma_wait3A_115 = tpu.memref_squeeze %dma_wait3A_114 : memref<1x1x80xi32, #tpu.memory_space<vmem>> -> memref<80xi32, #tpu.memory_space<vmem>>
    %dma_wait3A_116 = tpu.memref_slice %arg3[%add3A_107] : memref<320000xi32, #tpu.memory_space<hbm>> -> memref<80xi32, #tpu.memory_space<hbm>>
    tpu.wait_dma2 semaphore(%arg9 : memref<!tpu.dma_semaphore, #tpu.memory_space<semaphore_mem>>) src(%dma_wait3A_116 : memref<80xi32, #tpu.memory_space<hbm>>) dst(%dma_wait3A_115 : memref<80xi32, #tpu.memory_space<vmem>>)
    %dma_wait3A_117 = arith.constant 0 : i32
    %dma_wait3A_118 = arith.constant 1 : i32
    %dma_wait3A_119 = arith.constant 0 : i32
    %dma_wait3A_120 = tpu.memref_slice %arg6[%dma_wait3A_117, %dma_wait3A_118, %dma_wait3A_119] : memref<6x2x80xi32, #tpu.memory_space<vmem>> -> memref<1x1x80xi32, #tpu.memory_space<vmem>>
    %dma_wait3A_121 = tpu.memref_squeeze %dma_wait3A_120 : memref<1x1x80xi32, #tpu.memory_space<vmem>> -> memref<80xi32, #tpu.memory_space<vmem>>
    %dma_wait3A_122 = tpu.memref_slice %arg4[%add3A_107] : memref<320000xi32, #tpu.memory_space<hbm>> -> memref<80xi32, #tpu.memory_space<hbm>>
    %dma_wait3A_123 = arith.constant 0 : i32
    %dma_wait3A_124 = tpu.memref_slice %arg6[%dma_wait3A_117, %dma_wait3A_118, %dma_wait3A_123] : memref<6x2x80xi32, #tpu.memory_space<vmem>> -> memref<1x1x80xi32, #tpu.memory_space<vmem>>
    %dma_wait3A_125 = tpu.memref_squeeze %dma_wait3A_124 : memref<1x1x80xi32, #tpu.memory_space<vmem>> -> memref<80xi32, #tpu.memory_space<vmem>>
    %dma_wait3A_126 = tpu.memref_slice %arg4[%add3A_107] : memref<320000xi32, #tpu.memory_space<hbm>> -> memref<80xi32, #tpu.memory_space<hbm>>
    tpu.wait_dma2 semaphore(%arg9 : memref<!tpu.dma_semaphore, #tpu.memory_space<semaphore_mem>>) src(%dma_wait3A_126 : memref<80xi32, #tpu.memory_space<hbm>>) dst(%dma_wait3A_125 : memref<80xi32, #tpu.memory_space<vmem>>)
    %dma_start3A_127 = arith.constant 0 : i32
    %dma_start3A_128 = arith.constant 0 : i32
    %dma_start3A_129 = arith.constant 0 : i32
    %dma_start3A_130 = arith.constant 0 : i32
    %dma_start3A_131 = arith.constant 0 : i32
    %dma_start3A_132 = tpu.memref_slice %arg7[%dma_start3A_129, %dma_start3A_130, %dma_start3A_131] : memref<3x80x128xf32, #tpu.memory_space<vmem>> -> memref<1x80x128xf32, #tpu.memory_space<vmem>>
    %dma_start3A_133 = tpu.memref_squeeze %dma_start3A_132 : memref<1x80x128xf32, #tpu.memory_space<vmem>> -> memref<80x128xf32, #tpu.memory_space<vmem>>
    %dma_start3A_134 = arith.constant 0 : i32
    %dma_start3A_135 = tpu.memref_slice %arg6[%dma_start3A_127, %dma_start3A_128, %dma_start3A_134] : memref<6x2x80xi32, #tpu.memory_space<vmem>> -> memref<1x1x80xi32, #tpu.memory_space<vmem>>
    %dma_start3A_136 = tpu.memref_squeeze %dma_start3A_135 : memref<1x1x80xi32, #tpu.memory_space<vmem>> -> memref<80xi32, #tpu.memory_space<vmem>>
    %dma_start3A_137 = arith.constant 0 : i32
    %dma_start3A_138 = arith.constant 0 : i32
    %dma_start3A_139 = tpu.memref_slice %arg2[%dma_start3A_137, %dma_start3A_138] : memref<10000x128xf32, #tpu.memory_space<hbm>> -> memref<10000x128xf32, #tpu.memory_space<hbm>>
    tpu.enqueue_indirect_dma source(%dma_start3A_139 : memref<10000x128xf32, #tpu.memory_space<hbm>>) target(%dma_start3A_133 : memref<80x128xf32, #tpu.memory_space<vmem>>) offsets(%dma_start3A_136 : memref<80xi32, #tpu.memory_space<vmem>>) semaphore(%arg15 : memref<!tpu.dma_semaphore, #tpu.memory_space<semaphore_mem>>)
    %add3A_140 = arith.constant 80 : i32
    %add3A_141 = arith.addi %mul3A_2, %add3A_140 : i32
    %dma_wait3A_142 = arith.constant 1 : i32
    %dma_wait3A_143 = arith.constant 0 : i32
    %dma_wait3A_144 = arith.constant 0 : i32
    %dma_wait3A_145 = tpu.memref_slice %arg6[%dma_wait3A_142, %dma_wait3A_143, %dma_wait3A_144] : memref<6x2x80xi32, #tpu.memory_space<vmem>> -> memref<1x1x80xi32, #tpu.memory_space<vmem>>
    %dma_wait3A_146 = tpu.memref_squeeze %dma_wait3A_145 : memref<1x1x80xi32, #tpu.memory_space<vmem>> -> memref<80xi32, #tpu.memory_space<vmem>>
    %dma_wait3A_147 = tpu.memref_slice %arg3[%add3A_141] : memref<320000xi32, #tpu.memory_space<hbm>> -> memref<80xi32, #tpu.memory_space<hbm>>
    %dma_wait3A_148 = arith.constant 0 : i32
    %dma_wait3A_149 = tpu.memref_slice %arg6[%dma_wait3A_142, %dma_wait3A_143, %dma_wait3A_148] : memref<6x2x80xi32, #tpu.memory_space<vmem>> -> memref<1x1x80xi32, #tpu.memory_space<vmem>>
    %dma_wait3A_150 = tpu.memref_squeeze %dma_wait3A_149 : memref<1x1x80xi32, #tpu.memory_space<vmem>> -> memref<80xi32, #tpu.memory_space<vmem>>
    %dma_wait3A_151 = tpu.memref_slice %arg3[%add3A_141] : memref<320000xi32, #tpu.memory_space<hbm>> -> memref<80xi32, #tpu.memory_space<hbm>>
    tpu.wait_dma2 semaphore(%arg10 : memref<!tpu.dma_semaphore, #tpu.memory_space<semaphore_mem>>) src(%dma_wait3A_151 : memref<80xi32, #tpu.memory_space<hbm>>) dst(%dma_wait3A_150 : memref<80xi32, #tpu.memory_space<vmem>>)
    %dma_wait3A_152 = arith.constant 1 : i32
    %dma_wait3A_153 = arith.constant 1 : i32
    %dma_wait3A_154 = arith.constant 0 : i32
    %dma_wait3A_155 = tpu.memref_slice %arg6[%dma_wait3A_152, %dma_wait3A_153, %dma_wait3A_154] : memref<6x2x80xi32, #tpu.memory_space<vmem>> -> memref<1x1x80xi32, #tpu.memory_space<vmem>>
    %dma_wait3A_156 = tpu.memref_squeeze %dma_wait3A_155 : memref<1x1x80xi32, #tpu.memory_space<vmem>> -> memref<80xi32, #tpu.memory_space<vmem>>
    %dma_wait3A_157 = tpu.memref_slice %arg4[%add3A_141] : memref<320000xi32, #tpu.memory_space<hbm>> -> memref<80xi32, #tpu.memory_space<hbm>>
    %dma_wait3A_158 = arith.constant 0 : i32
    %dma_wait3A_159 = tpu.memref_slice %arg6[%dma_wait3A_152, %dma_wait3A_153, %dma_wait3A_158] : memref<6x2x80xi32, #tpu.memory_space<vmem>> -> memref<1x1x80xi32, #tpu.memory_space<vmem>>
    %dma_wait3A_160 = tpu.memref_squeeze %dma_wait3A_159 : memref<1x1x80xi32, #tpu.memory_space<vmem>> -> memref<80xi32, #tpu.memory_space<vmem>>
    %dma_wait3A_161 = tpu.memref_slice %arg4[%add3A_141] : memref<320000xi32, #tpu.memory_space<hbm>> -> memref<80xi32, #tpu.memory_space<hbm>>
    tpu.wait_dma2 semaphore(%arg10 : memref<!tpu.dma_semaphore, #tpu.memory_space<semaphore_mem>>) src(%dma_wait3A_161 : memref<80xi32, #tpu.memory_space<hbm>>) dst(%dma_wait3A_160 : memref<80xi32, #tpu.memory_space<vmem>>)
    %dma_start3A_162 = arith.constant 1 : i32
    %dma_start3A_163 = arith.constant 0 : i32
    %dma_start3A_164 = arith.constant 1 : i32
    %dma_start3A_165 = arith.constant 0 : i32
    %dma_start3A_166 = arith.constant 0 : i32
    %dma_start3A_167 = tpu.memref_slice %arg7[%dma_start3A_164, %dma_start3A_165, %dma_start3A_166] : memref<3x80x128xf32, #tpu.memory_space<vmem>> -> memref<1x80x128xf32, #tpu.memory_space<vmem>>
    %dma_start3A_168 = tpu.memref_squeeze %dma_start3A_167 : memref<1x80x128xf32, #tpu.memory_space<vmem>> -> memref<80x128xf32, #tpu.memory_space<vmem>>
    %dma_start3A_169 = arith.constant 0 : i32
    %dma_start3A_170 = tpu.memref_slice %arg6[%dma_start3A_162, %dma_start3A_163, %dma_start3A_169] : memref<6x2x80xi32, #tpu.memory_space<vmem>> -> memref<1x1x80xi32, #tpu.memory_space<vmem>>
    %dma_start3A_171 = tpu.memref_squeeze %dma_start3A_170 : memref<1x1x80xi32, #tpu.memory_space<vmem>> -> memref<80xi32, #tpu.memory_space<vmem>>
    %dma_start3A_172 = arith.constant 0 : i32
    %dma_start3A_173 = arith.constant 0 : i32
    %dma_start3A_174 = tpu.memref_slice %arg2[%dma_start3A_172, %dma_start3A_173] : memref<10000x128xf32, #tpu.memory_space<hbm>> -> memref<10000x128xf32, #tpu.memory_space<hbm>>
    tpu.enqueue_indirect_dma source(%dma_start3A_174 : memref<10000x128xf32, #tpu.memory_space<hbm>>) target(%dma_start3A_168 : memref<80x128xf32, #tpu.memory_space<vmem>>) offsets(%dma_start3A_171 : memref<80xi32, #tpu.memory_space<vmem>>) semaphore(%arg16 : memref<!tpu.dma_semaphore, #tpu.memory_space<semaphore_mem>>)
    %dma_wait3A_175 = arith.constant 0 : i32
    %dma_wait3A_176 = arith.constant 0 : i32
    %dma_wait3A_177 = arith.constant 0 : i32
    %dma_wait3A_178 = arith.constant 0 : i32
    %dma_wait3A_179 = arith.constant 0 : i32
    %dma_wait3A_180 = tpu.memref_slice %arg7[%dma_wait3A_177, %dma_wait3A_178, %dma_wait3A_179] : memref<3x80x128xf32, #tpu.memory_space<vmem>> -> memref<1x80x128xf32, #tpu.memory_space<vmem>>
    %dma_wait3A_181 = tpu.memref_squeeze %dma_wait3A_180 : memref<1x80x128xf32, #tpu.memory_space<vmem>> -> memref<80x128xf32, #tpu.memory_space<vmem>>
    %dma_wait3A_182 = arith.constant 0 : i32
    %dma_wait3A_183 = tpu.memref_slice %arg6[%dma_wait3A_175, %dma_wait3A_176, %dma_wait3A_182] : memref<6x2x80xi32, #tpu.memory_space<vmem>> -> memref<1x1x80xi32, #tpu.memory_space<vmem>>
    %dma_wait3A_184 = tpu.memref_squeeze %dma_wait3A_183 : memref<1x1x80xi32, #tpu.memory_space<vmem>> -> memref<80xi32, #tpu.memory_space<vmem>>
    %dma_wait3A_185 = arith.constant 0 : i32
    %dma_wait3A_186 = arith.constant 0 : i32
    %dma_wait3A_187 = tpu.memref_slice %arg2[%dma_wait3A_185, %dma_wait3A_186] : memref<10000x128xf32, #tpu.memory_space<hbm>> -> memref<10000x128xf32, #tpu.memory_space<hbm>>
    tpu.wait_indirect_dma semaphore(%arg15 : memref<!tpu.dma_semaphore, #tpu.memory_space<semaphore_mem>>) src(%dma_wait3A_187 : memref<10000x128xf32, #tpu.memory_space<hbm>>) dst(%dma_wait3A_181 : memref<80x128xf32, #tpu.memory_space<vmem>>)
    %add3A_188 = arith.constant 160 : i32
    %add3A_189 = arith.addi %mul3A_2, %add3A_188 : i32
    %dma_wait3A_190 = arith.constant 2 : i32
    %dma_wait3A_191 = arith.constant 0 : i32
    %dma_wait3A_192 = arith.constant 0 : i32
    %dma_wait3A_193 = tpu.memref_slice %arg6[%dma_wait3A_190, %dma_wait3A_191, %dma_wait3A_192] : memref<6x2x80xi32, #tpu.memory_space<vmem>> -> memref<1x1x80xi32, #tpu.memory_space<vmem>>
    %dma_wait3A_194 = tpu.memref_squeeze %dma_wait3A_193 : memref<1x1x80xi32, #tpu.memory_space<vmem>> -> memref<80xi32, #tpu.memory_space<vmem>>
    %dma_wait3A_195 = tpu.memref_slice %arg3[%add3A_189] : memref<320000xi32, #tpu.memory_space<hbm>> -> memref<80xi32, #tpu.memory_space<hbm>>
    %dma_wait3A_196 = arith.constant 0 : i32
    %dma_wait3A_197 = tpu.memref_slice %arg6[%dma_wait3A_190, %dma_wait3A_191, %dma_wait3A_196] : memref<6x2x80xi32, #tpu.memory_space<vmem>> -> memref<1x1x80xi32, #tpu.memory_space<vmem>>
    %dma_wait3A_198 = tpu.memref_squeeze %dma_wait3A_197 : memref<1x1x80xi32, #tpu.memory_space<vmem>> -> memref<80xi32, #tpu.memory_space<vmem>>
    %dma_wait3A_199 = tpu.memref_slice %arg3[%add3A_189] : memref<320000xi32, #tpu.memory_space<hbm>> -> memref<80xi32, #tpu.memory_space<hbm>>
    tpu.wait_dma2 semaphore(%arg11 : memref<!tpu.dma_semaphore, #tpu.memory_space<semaphore_mem>>) src(%dma_wait3A_199 : memref<80xi32, #tpu.memory_space<hbm>>) dst(%dma_wait3A_198 : memref<80xi32, #tpu.memory_space<vmem>>)
    %dma_wait3A_200 = arith.constant 2 : i32
    %dma_wait3A_201 = arith.constant 1 : i32
    %dma_wait3A_202 = arith.constant 0 : i32
    %dma_wait3A_203 = tpu.memref_slice %arg6[%dma_wait3A_200, %dma_wait3A_201, %dma_wait3A_202] : memref<6x2x80xi32, #tpu.memory_space<vmem>> -> memref<1x1x80xi32, #tpu.memory_space<vmem>>
    %dma_wait3A_204 = tpu.memref_squeeze %dma_wait3A_203 : memref<1x1x80xi32, #tpu.memory_space<vmem>> -> memref<80xi32, #tpu.memory_space<vmem>>
    %dma_wait3A_205 = tpu.memref_slice %arg4[%add3A_189] : memref<320000xi32, #tpu.memory_space<hbm>> -> memref<80xi32, #tpu.memory_space<hbm>>
    %dma_wait3A_206 = arith.constant 0 : i32
    %dma_wait3A_207 = tpu.memref_slice %arg6[%dma_wait3A_200, %dma_wait3A_201, %dma_wait3A_206] : memref<6x2x80xi32, #tpu.memory_space<vmem>> -> memref<1x1x80xi32, #tpu.memory_space<vmem>>
    %dma_wait3A_208 = tpu.memref_squeeze %dma_wait3A_207 : memref<1x1x80xi32, #tpu.memory_space<vmem>> -> memref<80xi32, #tpu.memory_space<vmem>>
    %dma_wait3A_209 = tpu.memref_slice %arg4[%add3A_189] : memref<320000xi32, #tpu.memory_space<hbm>> -> memref<80xi32, #tpu.memory_space<hbm>>
    tpu.wait_dma2 semaphore(%arg11 : memref<!tpu.dma_semaphore, #tpu.memory_space<semaphore_mem>>) src(%dma_wait3A_209 : memref<80xi32, #tpu.memory_space<hbm>>) dst(%dma_wait3A_208 : memref<80xi32, #tpu.memory_space<vmem>>)
    %dma_start3A_210 = arith.constant 2 : i32
    %dma_start3A_211 = arith.constant 0 : i32
    %dma_start3A_212 = arith.constant 2 : i32
    %dma_start3A_213 = arith.constant 0 : i32
    %dma_start3A_214 = arith.constant 0 : i32
    %dma_start3A_215 = tpu.memref_slice %arg7[%dma_start3A_212, %dma_start3A_213, %dma_start3A_214] : memref<3x80x128xf32, #tpu.memory_space<vmem>> -> memref<1x80x128xf32, #tpu.memory_space<vmem>>
    %dma_start3A_216 = tpu.memref_squeeze %dma_start3A_215 : memref<1x80x128xf32, #tpu.memory_space<vmem>> -> memref<80x128xf32, #tpu.memory_space<vmem>>
    %dma_start3A_217 = arith.constant 0 : i32
    %dma_start3A_218 = tpu.memref_slice %arg6[%dma_start3A_210, %dma_start3A_211, %dma_start3A_217] : memref<6x2x80xi32, #tpu.memory_space<vmem>> -> memref<1x1x80xi32, #tpu.memory_space<vmem>>
    %dma_start3A_219 = tpu.memref_squeeze %dma_start3A_218 : memref<1x1x80xi32, #tpu.memory_space<vmem>> -> memref<80xi32, #tpu.memory_space<vmem>>
    %dma_start3A_220 = arith.constant 0 : i32
    %dma_start3A_221 = arith.constant 0 : i32
    %dma_start3A_222 = tpu.memref_slice %arg2[%dma_start3A_220, %dma_start3A_221] : memref<10000x128xf32, #tpu.memory_space<hbm>> -> memref<10000x128xf32, #tpu.memory_space<hbm>>
    tpu.enqueue_indirect_dma source(%dma_start3A_222 : memref<10000x128xf32, #tpu.memory_space<hbm>>) target(%dma_start3A_216 : memref<80x128xf32, #tpu.memory_space<vmem>>) offsets(%dma_start3A_219 : memref<80xi32, #tpu.memory_space<vmem>>) semaphore(%arg17 : memref<!tpu.dma_semaphore, #tpu.memory_space<semaphore_mem>>)
    %add3A_223 = arith.constant 320 : i32
    %add3A_224 = arith.addi %mul3A_2, %add3A_223 : i32
    %dma_start3A_225 = arith.constant 4 : i32
    %dma_start3A_226 = arith.constant 0 : i32
    %dma_start3A_227 = arith.constant 0 : i32
    %dma_start3A_228 = tpu.memref_slice %arg6[%dma_start3A_225, %dma_start3A_226, %dma_start3A_227] : memref<6x2x80xi32, #tpu.memory_space<vmem>> -> memref<1x1x80xi32, #tpu.memory_space<vmem>>
    %dma_start3A_229 = tpu.memref_squeeze %dma_start3A_228 : memref<1x1x80xi32, #tpu.memory_space<vmem>> -> memref<80xi32, #tpu.memory_space<vmem>>
    %dma_start3A_230 = tpu.memref_slice %arg3[%add3A_224] : memref<320000xi32, #tpu.memory_space<hbm>> -> memref<80xi32, #tpu.memory_space<hbm>>
    %dma_start3A_231 = arith.constant 0 : i32
    %dma_start3A_232 = tpu.memref_slice %arg6[%dma_start3A_225, %dma_start3A_226, %dma_start3A_231] : memref<6x2x80xi32, #tpu.memory_space<vmem>> -> memref<1x1x80xi32, #tpu.memory_space<vmem>>
    %dma_start3A_233 = tpu.memref_squeeze %dma_start3A_232 : memref<1x1x80xi32, #tpu.memory_space<vmem>> -> memref<80xi32, #tpu.memory_space<vmem>>
    %dma_start3A_234 = tpu.memref_slice %arg3[%add3A_224] : memref<320000xi32, #tpu.memory_space<hbm>> -> memref<80xi32, #tpu.memory_space<hbm>>
    tpu.enqueue_dma source(%dma_start3A_234 : memref<80xi32, #tpu.memory_space<hbm>>) target(%dma_start3A_233 : memref<80xi32, #tpu.memory_space<vmem>>) target_semaphore(%arg13 : memref<!tpu.dma_semaphore, #tpu.memory_space<semaphore_mem>>)
    %dma_start3A_235 = arith.constant 4 : i32
    %dma_start3A_236 = arith.constant 1 : i32
    %dma_start3A_237 = arith.constant 0 : i32
    %dma_start3A_238 = tpu.memref_slice %arg6[%dma_start3A_235, %dma_start3A_236, %dma_start3A_237] : memref<6x2x80xi32, #tpu.memory_space<vmem>> -> memref<1x1x80xi32, #tpu.memory_space<vmem>>
    %dma_start3A_239 = tpu.memref_squeeze %dma_start3A_238 : memref<1x1x80xi32, #tpu.memory_space<vmem>> -> memref<80xi32, #tpu.memory_space<vmem>>
    %dma_start3A_240 = tpu.memref_slice %arg4[%add3A_224] : memref<320000xi32, #tpu.memory_space<hbm>> -> memref<80xi32, #tpu.memory_space<hbm>>
    %dma_start3A_241 = arith.constant 0 : i32
    %dma_start3A_242 = tpu.memref_slice %arg6[%dma_start3A_235, %dma_start3A_236, %dma_start3A_241] : memref<6x2x80xi32, #tpu.memory_space<vmem>> -> memref<1x1x80xi32, #tpu.memory_space<vmem>>
    %dma_start3A_243 = tpu.memref_squeeze %dma_start3A_242 : memref<1x1x80xi32, #tpu.memory_space<vmem>> -> memref<80xi32, #tpu.memory_space<vmem>>
    %dma_start3A_244 = tpu.memref_slice %arg4[%add3A_224] : memref<320000xi32, #tpu.memory_space<hbm>> -> memref<80xi32, #tpu.memory_space<hbm>>
    tpu.enqueue_dma source(%dma_start3A_244 : memref<80xi32, #tpu.memory_space<hbm>>) target(%dma_start3A_243 : memref<80xi32, #tpu.memory_space<vmem>>) target_semaphore(%arg13 : memref<!tpu.dma_semaphore, #tpu.memory_space<semaphore_mem>>)
    %dma_wait3A_245 = arith.constant 1 : i32
    %dma_wait3A_246 = arith.constant 0 : i32
    %dma_wait3A_247 = arith.constant 1 : i32
    %dma_wait3A_248 = arith.constant 0 : i32
    %dma_wait3A_249 = arith.constant 0 : i32
    %dma_wait3A_250 = tpu.memref_slice %arg7[%dma_wait3A_247, %dma_wait3A_248, %dma_wait3A_249] : memref<3x80x128xf32, #tpu.memory_space<vmem>> -> memref<1x80x128xf32, #tpu.memory_space<vmem>>
    %dma_wait3A_251 = tpu.memref_squeeze %dma_wait3A_250 : memref<1x80x128xf32, #tpu.memory_space<vmem>> -> memref<80x128xf32, #tpu.memory_space<vmem>>
    %dma_wait3A_252 = arith.constant 0 : i32
    %dma_wait3A_253 = tpu.memref_slice %arg6[%dma_wait3A_245, %dma_wait3A_246, %dma_wait3A_252] : memref<6x2x80xi32, #tpu.memory_space<vmem>> -> memref<1x1x80xi32, #tpu.memory_space<vmem>>
    %dma_wait3A_254 = tpu.memref_squeeze %dma_wait3A_253 : memref<1x1x80xi32, #tpu.memory_space<vmem>> -> memref<80xi32, #tpu.memory_space<vmem>>
    %dma_wait3A_255 = arith.constant 0 : i32
    %dma_wait3A_256 = arith.constant 0 : i32
    %dma_wait3A_257 = tpu.memref_slice %arg2[%dma_wait3A_255, %dma_wait3A_256] : memref<10000x128xf32, #tpu.memory_space<hbm>> -> memref<10000x128xf32, #tpu.memory_space<hbm>>
    tpu.wait_indirect_dma semaphore(%arg16 : memref<!tpu.dma_semaphore, #tpu.memory_space<semaphore_mem>>) src(%dma_wait3A_257 : memref<10000x128xf32, #tpu.memory_space<hbm>>) dst(%dma_wait3A_251 : memref<80x128xf32, #tpu.memory_space<vmem>>)
    %add3A_258 = arith.constant 240 : i32
    %add3A_259 = arith.addi %mul3A_2, %add3A_258 : i32
    %dma_wait3A_260 = arith.constant 3 : i32
    %dma_wait3A_261 = arith.constant 0 : i32
    %dma_wait3A_262 = arith.constant 0 : i32
    %dma_wait3A_263 = tpu.memref_slice %arg6[%dma_wait3A_260, %dma_wait3A_261, %dma_wait3A_262] : memref<6x2x80xi32, #tpu.memory_space<vmem>> -> memref<1x1x80xi32, #tpu.memory_space<vmem>>
    %dma_wait3A_264 = tpu.memref_squeeze %dma_wait3A_263 : memref<1x1x80xi32, #tpu.memory_space<vmem>> -> memref<80xi32, #tpu.memory_space<vmem>>
    %dma_wait3A_265 = tpu.memref_slice %arg3[%add3A_259] : memref<320000xi32, #tpu.memory_space<hbm>> -> memref<80xi32, #tpu.memory_space<hbm>>
    %dma_wait3A_266 = arith.constant 0 : i32
    %dma_wait3A_267 = tpu.memref_slice %arg6[%dma_wait3A_260, %dma_wait3A_261, %dma_wait3A_266] : memref<6x2x80xi32, #tpu.memory_space<vmem>> -> memref<1x1x80xi32, #tpu.memory_space<vmem>>
    %dma_wait3A_268 = tpu.memref_squeeze %dma_wait3A_267 : memref<1x1x80xi32, #tpu.memory_space<vmem>> -> memref<80xi32, #tpu.memory_space<vmem>>
    %dma_wait3A_269 = tpu.memref_slice %arg3[%add3A_259] : memref<320000xi32, #tpu.memory_space<hbm>> -> memref<80xi32, #tpu.memory_space<hbm>>
    tpu.wait_dma2 semaphore(%arg12 : memref<!tpu.dma_semaphore, #tpu.memory_space<semaphore_mem>>) src(%dma_wait3A_269 : memref<80xi32, #tpu.memory_space<hbm>>) dst(%dma_wait3A_268 : memref<80xi32, #tpu.memory_space<vmem>>)
    %dma_wait3A_270 = arith.constant 3 : i32
    %dma_wait3A_271 = arith.constant 1 : i32
    %dma_wait3A_272 = arith.constant 0 : i32
    %dma_wait3A_273 = tpu.memref_slice %arg6[%dma_wait3A_270, %dma_wait3A_271, %dma_wait3A_272] : memref<6x2x80xi32, #tpu.memory_space<vmem>> -> memref<1x1x80xi32, #tpu.memory_space<vmem>>
    %dma_wait3A_274 = tpu.memref_squeeze %dma_wait3A_273 : memref<1x1x80xi32, #tpu.memory_space<vmem>> -> memref<80xi32, #tpu.memory_space<vmem>>
    %dma_wait3A_275 = tpu.memref_slice %arg4[%add3A_259] : memref<320000xi32, #tpu.memory_space<hbm>> -> memref<80xi32, #tpu.memory_space<hbm>>
    %dma_wait3A_276 = arith.constant 0 : i32
    %dma_wait3A_277 = tpu.memref_slice %arg6[%dma_wait3A_270, %dma_wait3A_271, %dma_wait3A_276] : memref<6x2x80xi32, #tpu.memory_space<vmem>> -> memref<1x1x80xi32, #tpu.memory_space<vmem>>
    %dma_wait3A_278 = tpu.memref_squeeze %dma_wait3A_277 : memref<1x1x80xi32, #tpu.memory_space<vmem>> -> memref<80xi32, #tpu.memory_space<vmem>>
    %dma_wait3A_279 = tpu.memref_slice %arg4[%add3A_259] : memref<320000xi32, #tpu.memory_space<hbm>> -> memref<80xi32, #tpu.memory_space<hbm>>
    tpu.wait_dma2 semaphore(%arg12 : memref<!tpu.dma_semaphore, #tpu.memory_space<semaphore_mem>>) src(%dma_wait3A_279 : memref<80xi32, #tpu.memory_space<hbm>>) dst(%dma_wait3A_278 : memref<80xi32, #tpu.memory_space<vmem>>)
    %dma_start3A_280 = arith.constant 3 : i32
    %dma_start3A_281 = arith.constant 0 : i32
    %dma_start3A_282 = arith.constant 0 : i32
    %dma_start3A_283 = arith.constant 0 : i32
    %dma_start3A_284 = arith.constant 0 : i32
    %dma_start3A_285 = tpu.memref_slice %arg7[%dma_start3A_282, %dma_start3A_283, %dma_start3A_284] : memref<3x80x128xf32, #tpu.memory_space<vmem>> -> memref<1x80x128xf32, #tpu.memory_space<vmem>>
    %dma_start3A_286 = tpu.memref_squeeze %dma_start3A_285 : memref<1x80x128xf32, #tpu.memory_space<vmem>> -> memref<80x128xf32, #tpu.memory_space<vmem>>
    %dma_start3A_287 = arith.constant 0 : i32
    %dma_start3A_288 = tpu.memref_slice %arg6[%dma_start3A_280, %dma_start3A_281, %dma_start3A_287] : memref<6x2x80xi32, #tpu.memory_space<vmem>> -> memref<1x1x80xi32, #tpu.memory_space<vmem>>
    %dma_start3A_289 = tpu.memref_squeeze %dma_start3A_288 : memref<1x1x80xi32, #tpu.memory_space<vmem>> -> memref<80xi32, #tpu.memory_space<vmem>>
    %dma_start3A_290 = arith.constant 0 : i32
    %dma_start3A_291 = arith.constant 0 : i32
    %dma_start3A_292 = tpu.memref_slice %arg2[%dma_start3A_290, %dma_start3A_291] : memref<10000x128xf32, #tpu.memory_space<hbm>> -> memref<10000x128xf32, #tpu.memory_space<hbm>>
    tpu.enqueue_indirect_dma source(%dma_start3A_292 : memref<10000x128xf32, #tpu.memory_space<hbm>>) target(%dma_start3A_286 : memref<80x128xf32, #tpu.memory_space<vmem>>) offsets(%dma_start3A_289 : memref<80xi32, #tpu.memory_space<vmem>>) semaphore(%arg15 : memref<!tpu.dma_semaphore, #tpu.memory_space<semaphore_mem>>)
    %add3A_293 = arith.constant 400 : i32
    %add3A_294 = arith.addi %mul3A_2, %add3A_293 : i32
    %dma_start3A_295 = arith.constant 5 : i32
    %dma_start3A_296 = arith.constant 0 : i32
    %dma_start3A_297 = arith.constant 0 : i32
    %dma_start3A_298 = tpu.memref_slice %arg6[%dma_start3A_295, %dma_start3A_296, %dma_start3A_297] : memref<6x2x80xi32, #tpu.memory_space<vmem>> -> memref<1x1x80xi32, #tpu.memory_space<vmem>>
    %dma_start3A_299 = tpu.memref_squeeze %dma_start3A_298 : memref<1x1x80xi32, #tpu.memory_space<vmem>> -> memref<80xi32, #tpu.memory_space<vmem>>
    %dma_start3A_300 = tpu.memref_slice %arg3[%add3A_294] : memref<320000xi32, #tpu.memory_space<hbm>> -> memref<80xi32, #tpu.memory_space<hbm>>
    %dma_start3A_301 = arith.constant 0 : i32
    %dma_start3A_302 = tpu.memref_slice %arg6[%dma_start3A_295, %dma_start3A_296, %dma_start3A_301] : memref<6x2x80xi32, #tpu.memory_space<vmem>> -> memref<1x1x80xi32, #tpu.memory_space<vmem>>
    %dma_start3A_303 = tpu.memref_squeeze %dma_start3A_302 : memref<1x1x80xi32, #tpu.memory_space<vmem>> -> memref<80xi32, #tpu.memory_space<vmem>>
    %dma_start3A_304 = tpu.memref_slice %arg3[%add3A_294] : memref<320000xi32, #tpu.memory_space<hbm>> -> memref<80xi32, #tpu.memory_space<hbm>>
    tpu.enqueue_dma source(%dma_start3A_304 : memref<80xi32, #tpu.memory_space<hbm>>) target(%dma_start3A_303 : memref<80xi32, #tpu.memory_space<vmem>>) target_semaphore(%arg14 : memref<!tpu.dma_semaphore, #tpu.memory_space<semaphore_mem>>)
    %dma_start3A_305 = arith.constant 5 : i32
    %dma_start3A_306 = arith.constant 1 : i32
    %dma_start3A_307 = arith.constant 0 : i32
    %dma_start3A_308 = tpu.memref_slice %arg6[%dma_start3A_305, %dma_start3A_306, %dma_start3A_307] : memref<6x2x80xi32, #tpu.memory_space<vmem>> -> memref<1x1x80xi32, #tpu.memory_space<vmem>>
    %dma_start3A_309 = tpu.memref_squeeze %dma_start3A_308 : memref<1x1x80xi32, #tpu.memory_space<vmem>> -> memref<80xi32, #tpu.memory_space<vmem>>
    %dma_start3A_310 = tpu.memref_slice %arg4[%add3A_294] : memref<320000xi32, #tpu.memory_space<hbm>> -> memref<80xi32, #tpu.memory_space<hbm>>
    %dma_start3A_311 = arith.constant 0 : i32
    %dma_start3A_312 = tpu.memref_slice %arg6[%dma_start3A_305, %dma_start3A_306, %dma_start3A_311] : memref<6x2x80xi32, #tpu.memory_space<vmem>> -> memref<1x1x80xi32, #tpu.memory_space<vmem>>
    %dma_start3A_313 = tpu.memref_squeeze %dma_start3A_312 : memref<1x1x80xi32, #tpu.memory_space<vmem>> -> memref<80xi32, #tpu.memory_space<vmem>>
    %dma_start3A_314 = tpu.memref_slice %arg4[%add3A_294] : memref<320000xi32, #tpu.memory_space<hbm>> -> memref<80xi32, #tpu.memory_space<hbm>>
    tpu.enqueue_dma source(%dma_start3A_314 : memref<80xi32, #tpu.memory_space<hbm>>) target(%dma_start3A_313 : memref<80xi32, #tpu.memory_space<vmem>>) target_semaphore(%arg14 : memref<!tpu.dma_semaphore, #tpu.memory_space<semaphore_mem>>)
    %scan3A_315 = arith.constant 0 : i32
    %scan3A_316 = arith.constant 0 : i32
    %scan3A_317 = arith.constant 20 : i32
    %scan3A_318 = arith.addi %scan3A_316, %scan3A_317 : i32
    %scan3A_319 = arith.constant 1 : i32
    scf.for %scan3A_406 = %scan3A_316 to %scan3A_318 step %scan3A_319  : i32 {
      %mul3A_407 = arith.constant 6 : i32
      %mul3A_408 = arith.muli %mul3A_407, %scan3A_406 : i32
      %add3A_409 = arith.constant 2 : i32
      %add3A_410 = arith.addi %add3A_409, %mul3A_408 : i32
      %add3A_411 = arith.constant 0 : i32
      %add3A_412 = arith.addi %add3A_410, %add3A_411 : i32
      %dma_wait3A_413 = arith.constant 2 : i32
      %dma_wait3A_414 = arith.constant 0 : i32
      %dma_wait3A_415 = arith.constant 2 : i32
      %dma_wait3A_416 = arith.constant 0 : i32
      %dma_wait3A_417 = arith.constant 0 : i32
      %dma_wait3A_418 = tpu.memref_slice %arg7[%dma_wait3A_415, %dma_wait3A_416, %dma_wait3A_417] : memref<3x80x128xf32, #tpu.memory_space<vmem>> -> memref<1x80x128xf32, #tpu.memory_space<vmem>>
      %dma_wait3A_419 = tpu.memref_squeeze %dma_wait3A_418 : memref<1x80x128xf32, #tpu.memory_space<vmem>> -> memref<80x128xf32, #tpu.memory_space<vmem>>
      %dma_wait3A_420 = arith.constant 0 : i32
      %dma_wait3A_421 = tpu.memref_slice %arg6[%dma_wait3A_413, %dma_wait3A_414, %dma_wait3A_420] : memref<6x2x80xi32, #tpu.memory_space<vmem>> -> memref<1x1x80xi32, #tpu.memory_space<vmem>>
      %dma_wait3A_422 = tpu.memref_squeeze %dma_wait3A_421 : memref<1x1x80xi32, #tpu.memory_space<vmem>> -> memref<80xi32, #tpu.memory_space<vmem>>
      %dma_wait3A_423 = arith.constant 0 : i32
      %dma_wait3A_424 = arith.constant 0 : i32
      %dma_wait3A_425 = tpu.memref_slice %arg2[%dma_wait3A_423, %dma_wait3A_424] : memref<10000x128xf32, #tpu.memory_space<hbm>> -> memref<10000x128xf32, #tpu.memory_space<hbm>>
      tpu.wait_indirect_dma semaphore(%arg17 : memref<!tpu.dma_semaphore, #tpu.memory_space<semaphore_mem>>) src(%dma_wait3A_425 : memref<10000x128xf32, #tpu.memory_space<hbm>>) dst(%dma_wait3A_419 : memref<80x128xf32, #tpu.memory_space<vmem>>)
      %add3A_426 = arith.constant 3 : i32
      %add3A_427 = arith.addi %add3A_412, %add3A_426 : i32
      %sub3A = arith.constant 1 : i32
      %sub3A_428 = arith.subi %add3A_427, %sub3A : i32
      %lt3A_429 = arith.constant 125 : i32
      %lt3A_430 = arith.cmpi slt, %sub3A_428, %lt3A_429 : i32
      %convert_element_type3A = arith.extui %lt3A_430 : i1 to i32
      %cond3A = arith.constant 0 : i32
      %cond3A_431 = arith.cmpi ne, %convert_element_type3A, %cond3A : i32
      scf.if %cond3A_431 {
        %add3A_606 = arith.constant 3 : i32
        %add3A_607 = arith.addi %add3A_412, %add3A_606 : i32
        %sub3A_608 = arith.constant 1 : i32
        %sub3A_609 = arith.subi %add3A_607, %sub3A_608 : i32
        %mul3A_610 = arith.constant 80 : i32
        %mul3A_611 = arith.muli %sub3A_609, %mul3A_610 : i32
        %add3A_612 = arith.addi %mul3A_2, %mul3A_611 : i32
        %dma_wait3A_613 = arith.constant 4 : i32
        %dma_wait3A_614 = arith.constant 0 : i32
        %dma_wait3A_615 = arith.constant 0 : i32
        %dma_wait3A_616 = tpu.memref_slice %arg6[%dma_wait3A_613, %dma_wait3A_614, %dma_wait3A_615] : memref<6x2x80xi32, #tpu.memory_space<vmem>> -> memref<1x1x80xi32, #tpu.memory_space<vmem>>
        %dma_wait3A_617 = tpu.memref_squeeze %dma_wait3A_616 : memref<1x1x80xi32, #tpu.memory_space<vmem>> -> memref<80xi32, #tpu.memory_space<vmem>>
        %dma_wait3A_618 = tpu.memref_slice %arg3[%add3A_612] : memref<320000xi32, #tpu.memory_space<hbm>> -> memref<80xi32, #tpu.memory_space<hbm>>
        %dma_wait3A_619 = arith.constant 0 : i32
        %dma_wait3A_620 = tpu.memref_slice %arg6[%dma_wait3A_613, %dma_wait3A_614, %dma_wait3A_619] : memref<6x2x80xi32, #tpu.memory_space<vmem>> -> memref<1x1x80xi32, #tpu.memory_space<vmem>>
        %dma_wait3A_621 = tpu.memref_squeeze %dma_wait3A_620 : memref<1x1x80xi32, #tpu.memory_space<vmem>> -> memref<80xi32, #tpu.memory_space<vmem>>
        %dma_wait3A_622 = tpu.memref_slice %arg3[%add3A_612] : memref<320000xi32, #tpu.memory_space<hbm>> -> memref<80xi32, #tpu.memory_space<hbm>>
        tpu.wait_dma2 semaphore(%arg13 : memref<!tpu.dma_semaphore, #tpu.memory_space<semaphore_mem>>) src(%dma_wait3A_622 : memref<80xi32, #tpu.memory_space<hbm>>) dst(%dma_wait3A_621 : memref<80xi32, #tpu.memory_space<vmem>>)
        %dma_wait3A_623 = arith.constant 4 : i32
        %dma_wait3A_624 = arith.constant 1 : i32
        %dma_wait3A_625 = arith.constant 0 : i32
        %dma_wait3A_626 = tpu.memref_slice %arg6[%dma_wait3A_623, %dma_wait3A_624, %dma_wait3A_625] : memref<6x2x80xi32, #tpu.memory_space<vmem>> -> memref<1x1x80xi32, #tpu.memory_space<vmem>>
        %dma_wait3A_627 = tpu.memref_squeeze %dma_wait3A_626 : memref<1x1x80xi32, #tpu.memory_space<vmem>> -> memref<80xi32, #tpu.memory_space<vmem>>
        %dma_wait3A_628 = tpu.memref_slice %arg4[%add3A_612] : memref<320000xi32, #tpu.memory_space<hbm>> -> memref<80xi32, #tpu.memory_space<hbm>>
        %dma_wait3A_629 = arith.constant 0 : i32
        %dma_wait3A_630 = tpu.memref_slice %arg6[%dma_wait3A_623, %dma_wait3A_624, %dma_wait3A_629] : memref<6x2x80xi32, #tpu.memory_space<vmem>> -> memref<1x1x80xi32, #tpu.memory_space<vmem>>
        %dma_wait3A_631 = tpu.memref_squeeze %dma_wait3A_630 : memref<1x1x80xi32, #tpu.memory_space<vmem>> -> memref<80xi32, #tpu.memory_space<vmem>>
        %dma_wait3A_632 = tpu.memref_slice %arg4[%add3A_612] : memref<320000xi32, #tpu.memory_space<hbm>> -> memref<80xi32, #tpu.memory_space<hbm>>
        tpu.wait_dma2 semaphore(%arg13 : memref<!tpu.dma_semaphore, #tpu.memory_space<semaphore_mem>>) src(%dma_wait3A_632 : memref<80xi32, #tpu.memory_space<hbm>>) dst(%dma_wait3A_631 : memref<80xi32, #tpu.memory_space<vmem>>)
        %dma_start3A_633 = arith.constant 4 : i32
        %dma_start3A_634 = arith.constant 0 : i32
        %dma_start3A_635 = arith.constant 1 : i32
        %dma_start3A_636 = arith.constant 0 : i32
        %dma_start3A_637 = arith.constant 0 : i32
        %dma_start3A_638 = tpu.memref_slice %arg7[%dma_start3A_635, %dma_start3A_636, %dma_start3A_637] : memref<3x80x128xf32, #tpu.memory_space<vmem>> -> memref<1x80x128xf32, #tpu.memory_space<vmem>>
        %dma_start3A_639 = tpu.memref_squeeze %dma_start3A_638 : memref<1x80x128xf32, #tpu.memory_space<vmem>> -> memref<80x128xf32, #tpu.memory_space<vmem>>
        %dma_start3A_640 = arith.constant 0 : i32
        %dma_start3A_641 = tpu.memref_slice %arg6[%dma_start3A_633, %dma_start3A_634, %dma_start3A_640] : memref<6x2x80xi32, #tpu.memory_space<vmem>> -> memref<1x1x80xi32, #tpu.memory_space<vmem>>
        %dma_start3A_642 = tpu.memref_squeeze %dma_start3A_641 : memref<1x1x80xi32, #tpu.memory_space<vmem>> -> memref<80xi32, #tpu.memory_space<vmem>>
        %dma_start3A_643 = arith.constant 0 : i32
        %dma_start3A_644 = arith.constant 0 : i32
        %dma_start3A_645 = tpu.memref_slice %arg2[%dma_start3A_643, %dma_start3A_644] : memref<10000x128xf32, #tpu.memory_space<hbm>> -> memref<10000x128xf32, #tpu.memory_space<hbm>>
        tpu.enqueue_indirect_dma source(%dma_start3A_645 : memref<10000x128xf32, #tpu.memory_space<hbm>>) target(%dma_start3A_639 : memref<80x128xf32, #tpu.memory_space<vmem>>) offsets(%dma_start3A_642 : memref<80xi32, #tpu.memory_space<vmem>>) semaphore(%arg16 : memref<!tpu.dma_semaphore, #tpu.memory_space<semaphore_mem>>)
      } else {
      }
      %add3A_432 = arith.constant 6 : i32
      %add3A_433 = arith.addi %add3A_412, %add3A_432 : i32
      %sub3A_434 = arith.constant 2 : i32
      %sub3A_435 = arith.subi %add3A_433, %sub3A_434 : i32
      %lt3A_436 = arith.constant 125 : i32
      %lt3A_437 = arith.cmpi slt, %sub3A_435, %lt3A_436 : i32
      %convert_element_type3A_438 = arith.extui %lt3A_437 : i1 to i32
      %cond3A_439 = arith.constant 0 : i32
      %cond3A_440 = arith.cmpi ne, %convert_element_type3A_438, %cond3A_439 : i32
      scf.if %cond3A_440 {
        %add3A_606 = arith.constant 6 : i32
        %add3A_607 = arith.addi %add3A_412, %add3A_606 : i32
        %sub3A_608 = arith.constant 2 : i32
        %sub3A_609 = arith.subi %add3A_607, %sub3A_608 : i32
        %mul3A_610 = arith.constant 80 : i32
        %mul3A_611 = arith.muli %sub3A_609, %mul3A_610 : i32
        %add3A_612 = arith.addi %mul3A_2, %mul3A_611 : i32
        %dma_start3A_613 = arith.constant 0 : i32
        %dma_start3A_614 = arith.constant 0 : i32
        %dma_start3A_615 = arith.constant 0 : i32
        %dma_start3A_616 = tpu.memref_slice %arg6[%dma_start3A_613, %dma_start3A_614, %dma_start3A_615] : memref<6x2x80xi32, #tpu.memory_space<vmem>> -> memref<1x1x80xi32, #tpu.memory_space<vmem>>
        %dma_start3A_617 = tpu.memref_squeeze %dma_start3A_616 : memref<1x1x80xi32, #tpu.memory_space<vmem>> -> memref<80xi32, #tpu.memory_space<vmem>>
        %dma_start3A_618 = tpu.memref_slice %arg3[%add3A_612] : memref<320000xi32, #tpu.memory_space<hbm>> -> memref<80xi32, #tpu.memory_space<hbm>>
        %dma_start3A_619 = arith.constant 0 : i32
        %dma_start3A_620 = tpu.memref_slice %arg6[%dma_start3A_613, %dma_start3A_614, %dma_start3A_619] : memref<6x2x80xi32, #tpu.memory_space<vmem>> -> memref<1x1x80xi32, #tpu.memory_space<vmem>>
        %dma_start3A_621 = tpu.memref_squeeze %dma_start3A_620 : memref<1x1x80xi32, #tpu.memory_space<vmem>> -> memref<80xi32, #tpu.memory_space<vmem>>
        %dma_start3A_622 = tpu.memref_slice %arg3[%add3A_612] : memref<320000xi32, #tpu.memory_space<hbm>> -> memref<80xi32, #tpu.memory_space<hbm>>
        tpu.enqueue_dma source(%dma_start3A_622 : memref<80xi32, #tpu.memory_space<hbm>>) target(%dma_start3A_621 : memref<80xi32, #tpu.memory_space<vmem>>) target_semaphore(%arg9 : memref<!tpu.dma_semaphore, #tpu.memory_space<semaphore_mem>>)
        %dma_start3A_623 = arith.constant 0 : i32
        %dma_start3A_624 = arith.constant 1 : i32
        %dma_start3A_625 = arith.constant 0 : i32
        %dma_start3A_626 = tpu.memref_slice %arg6[%dma_start3A_623, %dma_start3A_624, %dma_start3A_625] : memref<6x2x80xi32, #tpu.memory_space<vmem>> -> memref<1x1x80xi32, #tpu.memory_space<vmem>>
        %dma_start3A_627 = tpu.memref_squeeze %dma_start3A_626 : memref<1x1x80xi32, #tpu.memory_space<vmem>> -> memref<80xi32, #tpu.memory_space<vmem>>
        %dma_start3A_628 = tpu.memref_slice %arg4[%add3A_612] : memref<320000xi32, #tpu.memory_space<hbm>> -> memref<80xi32, #tpu.memory_space<hbm>>
        %dma_start3A_629 = arith.constant 0 : i32
        %dma_start3A_630 = tpu.memref_slice %arg6[%dma_start3A_623, %dma_start3A_624, %dma_start3A_629] : memref<6x2x80xi32, #tpu.memory_space<vmem>> -> memref<1x1x80xi32, #tpu.memory_space<vmem>>
        %dma_start3A_631 = tpu.memref_squeeze %dma_start3A_630 : memref<1x1x80xi32, #tpu.memory_space<vmem>> -> memref<80xi32, #tpu.memory_space<vmem>>
        %dma_start3A_632 = tpu.memref_slice %arg4[%add3A_612] : memref<320000xi32, #tpu.memory_space<hbm>> -> memref<80xi32, #tpu.memory_space<hbm>>
        tpu.enqueue_dma source(%dma_start3A_632 : memref<80xi32, #tpu.memory_space<hbm>>) target(%dma_start3A_631 : memref<80xi32, #tpu.memory_space<vmem>>) target_semaphore(%arg9 : memref<!tpu.dma_semaphore, #tpu.memory_space<semaphore_mem>>)
      } else {
      }
      %add3A_441 = arith.constant 1 : i32
      %add3A_442 = arith.addi %add3A_410, %add3A_441 : i32
      %dma_wait3A_443 = arith.constant 3 : i32
      %dma_wait3A_444 = arith.constant 0 : i32
      %dma_wait3A_445 = arith.constant 0 : i32
      %dma_wait3A_446 = arith.constant 0 : i32
      %dma_wait3A_447 = arith.constant 0 : i32
      %dma_wait3A_448 = tpu.memref_slice %arg7[%dma_wait3A_445, %dma_wait3A_446, %dma_wait3A_447] : memref<3x80x128xf32, #tpu.memory_space<vmem>> -> memref<1x80x128xf32, #tpu.memory_space<vmem>>
      %dma_wait3A_449 = tpu.memref_squeeze %dma_wait3A_448 : memref<1x80x128xf32, #tpu.memory_space<vmem>> -> memref<80x128xf32, #tpu.memory_space<vmem>>
      %dma_wait3A_450 = arith.constant 0 : i32
      %dma_wait3A_451 = tpu.memref_slice %arg6[%dma_wait3A_443, %dma_wait3A_444, %dma_wait3A_450] : memref<6x2x80xi32, #tpu.memory_space<vmem>> -> memref<1x1x80xi32, #tpu.memory_space<vmem>>
      %dma_wait3A_452 = tpu.memref_squeeze %dma_wait3A_451 : memref<1x1x80xi32, #tpu.memory_space<vmem>> -> memref<80xi32, #tpu.memory_space<vmem>>
      %dma_wait3A_453 = arith.constant 0 : i32
      %dma_wait3A_454 = arith.constant 0 : i32
      %dma_wait3A_455 = tpu.memref_slice %arg2[%dma_wait3A_453, %dma_wait3A_454] : memref<10000x128xf32, #tpu.memory_space<hbm>> -> memref<10000x128xf32, #tpu.memory_space<hbm>>
      tpu.wait_indirect_dma semaphore(%arg15 : memref<!tpu.dma_semaphore, #tpu.memory_space<semaphore_mem>>) src(%dma_wait3A_455 : memref<10000x128xf32, #tpu.memory_space<hbm>>) dst(%dma_wait3A_449 : memref<80x128xf32, #tpu.memory_space<vmem>>)
      %add3A_456 = arith.constant 3 : i32
      %add3A_457 = arith.addi %add3A_442, %add3A_456 : i32
      %sub3A_458 = arith.constant 1 : i32
      %sub3A_459 = arith.subi %add3A_457, %sub3A_458 : i32
      %lt3A_460 = arith.constant 125 : i32
      %lt3A_461 = arith.cmpi slt, %sub3A_459, %lt3A_460 : i32
      %convert_element_type3A_462 = arith.extui %lt3A_461 : i1 to i32
      %cond3A_463 = arith.constant 0 : i32
      %cond3A_464 = arith.cmpi ne, %convert_element_type3A_462, %cond3A_463 : i32
      scf.if %cond3A_464 {
        %add3A_606 = arith.constant 3 : i32
        %add3A_607 = arith.addi %add3A_442, %add3A_606 : i32
        %sub3A_608 = arith.constant 1 : i32
        %sub3A_609 = arith.subi %add3A_607, %sub3A_608 : i32
        %mul3A_610 = arith.constant 80 : i32
        %mul3A_611 = arith.muli %sub3A_609, %mul3A_610 : i32
        %add3A_612 = arith.addi %mul3A_2, %mul3A_611 : i32
        %dma_wait3A_613 = arith.constant 5 : i32
        %dma_wait3A_614 = arith.constant 0 : i32
        %dma_wait3A_615 = arith.constant 0 : i32
        %dma_wait3A_616 = tpu.memref_slice %arg6[%dma_wait3A_613, %dma_wait3A_614, %dma_wait3A_615] : memref<6x2x80xi32, #tpu.memory_space<vmem>> -> memref<1x1x80xi32, #tpu.memory_space<vmem>>
        %dma_wait3A_617 = tpu.memref_squeeze %dma_wait3A_616 : memref<1x1x80xi32, #tpu.memory_space<vmem>> -> memref<80xi32, #tpu.memory_space<vmem>>
        %dma_wait3A_618 = tpu.memref_slice %arg3[%add3A_612] : memref<320000xi32, #tpu.memory_space<hbm>> -> memref<80xi32, #tpu.memory_space<hbm>>
        %dma_wait3A_619 = arith.constant 0 : i32
        %dma_wait3A_620 = tpu.memref_slice %arg6[%dma_wait3A_613, %dma_wait3A_614, %dma_wait3A_619] : memref<6x2x80xi32, #tpu.memory_space<vmem>> -> memref<1x1x80xi32, #tpu.memory_space<vmem>>
        %dma_wait3A_621 = tpu.memref_squeeze %dma_wait3A_620 : memref<1x1x80xi32, #tpu.memory_space<vmem>> -> memref<80xi32, #tpu.memory_space<vmem>>
        %dma_wait3A_622 = tpu.memref_slice %arg3[%add3A_612] : memref<320000xi32, #tpu.memory_space<hbm>> -> memref<80xi32, #tpu.memory_space<hbm>>
        tpu.wait_dma2 semaphore(%arg14 : memref<!tpu.dma_semaphore, #tpu.memory_space<semaphore_mem>>) src(%dma_wait3A_622 : memref<80xi32, #tpu.memory_space<hbm>>) dst(%dma_wait3A_621 : memref<80xi32, #tpu.memory_space<vmem>>)
        %dma_wait3A_623 = arith.constant 5 : i32
        %dma_wait3A_624 = arith.constant 1 : i32
        %dma_wait3A_625 = arith.constant 0 : i32
        %dma_wait3A_626 = tpu.memref_slice %arg6[%dma_wait3A_623, %dma_wait3A_624, %dma_wait3A_625] : memref<6x2x80xi32, #tpu.memory_space<vmem>> -> memref<1x1x80xi32, #tpu.memory_space<vmem>>
        %dma_wait3A_627 = tpu.memref_squeeze %dma_wait3A_626 : memref<1x1x80xi32, #tpu.memory_space<vmem>> -> memref<80xi32, #tpu.memory_space<vmem>>
        %dma_wait3A_628 = tpu.memref_slice %arg4[%add3A_612] : memref<320000xi32, #tpu.memory_space<hbm>> -> memref<80xi32, #tpu.memory_space<hbm>>
        %dma_wait3A_629 = arith.constant 0 : i32
        %dma_wait3A_630 = tpu.memref_slice %arg6[%dma_wait3A_623, %dma_wait3A_624, %dma_wait3A_629] : memref<6x2x80xi32, #tpu.memory_space<vmem>> -> memref<1x1x80xi32, #tpu.memory_space<vmem>>
        %dma_wait3A_631 = tpu.memref_squeeze %dma_wait3A_630 : memref<1x1x80xi32, #tpu.memory_space<vmem>> -> memref<80xi32, #tpu.memory_space<vmem>>
        %dma_wait3A_632 = tpu.memref_slice %arg4[%add3A_612] : memref<320000xi32, #tpu.memory_space<hbm>> -> memref<80xi32, #tpu.memory_space<hbm>>
        tpu.wait_dma2 semaphore(%arg14 : memref<!tpu.dma_semaphore, #tpu.memory_space<semaphore_mem>>) src(%dma_wait3A_632 : memref<80xi32, #tpu.memory_space<hbm>>) dst(%dma_wait3A_631 : memref<80xi32, #tpu.memory_space<vmem>>)
        %dma_start3A_633 = arith.constant 5 : i32
        %dma_start3A_634 = arith.constant 0 : i32
        %dma_start3A_635 = arith.constant 2 : i32
        %dma_start3A_636 = arith.constant 0 : i32
        %dma_start3A_637 = arith.constant 0 : i32
        %dma_start3A_638 = tpu.memref_slice %arg7[%dma_start3A_635, %dma_start3A_636, %dma_start3A_637] : memref<3x80x128xf32, #tpu.memory_space<vmem>> -> memref<1x80x128xf32, #tpu.memory_space<vmem>>
        %dma_start3A_639 = tpu.memref_squeeze %dma_start3A_638 : memref<1x80x128xf32, #tpu.memory_space<vmem>> -> memref<80x128xf32, #tpu.memory_space<vmem>>
        %dma_start3A_640 = arith.constant 0 : i32
        %dma_start3A_641 = tpu.memref_slice %arg6[%dma_start3A_633, %dma_start3A_634, %dma_start3A_640] : memref<6x2x80xi32, #tpu.memory_space<vmem>> -> memref<1x1x80xi32, #tpu.memory_space<vmem>>
        %dma_start3A_642 = tpu.memref_squeeze %dma_start3A_641 : memref<1x1x80xi32, #tpu.memory_space<vmem>> -> memref<80xi32, #tpu.memory_space<vmem>>
        %dma_start3A_643 = arith.constant 0 : i32
        %dma_start3A_644 = arith.constant 0 : i32
        %dma_start3A_645 = tpu.memref_slice %arg2[%dma_start3A_643, %dma_start3A_644] : memref<10000x128xf32, #tpu.memory_space<hbm>> -> memref<10000x128xf32, #tpu.memory_space<hbm>>
        tpu.enqueue_indirect_dma source(%dma_start3A_645 : memref<10000x128xf32, #tpu.memory_space<hbm>>) target(%dma_start3A_639 : memref<80x128xf32, #tpu.memory_space<vmem>>) offsets(%dma_start3A_642 : memref<80xi32, #tpu.memory_space<vmem>>) semaphore(%arg17 : memref<!tpu.dma_semaphore, #tpu.memory_space<semaphore_mem>>)
      } else {
      }
      %add3A_465 = arith.constant 6 : i32
      %add3A_466 = arith.addi %add3A_442, %add3A_465 : i32
      %sub3A_467 = arith.constant 2 : i32
      %sub3A_468 = arith.subi %add3A_466, %sub3A_467 : i32
      %lt3A_469 = arith.constant 125 : i32
      %lt3A_470 = arith.cmpi slt, %sub3A_468, %lt3A_469 : i32
      %convert_element_type3A_471 = arith.extui %lt3A_470 : i1 to i32
      %cond3A_472 = arith.constant 0 : i32
      %cond3A_473 = arith.cmpi ne, %convert_element_type3A_471, %cond3A_472 : i32
      scf.if %cond3A_473 {
        %add3A_606 = arith.constant 6 : i32
        %add3A_607 = arith.addi %add3A_442, %add3A_606 : i32
        %sub3A_608 = arith.constant 2 : i32
        %sub3A_609 = arith.subi %add3A_607, %sub3A_608 : i32
        %mul3A_610 = arith.constant 80 : i32
        %mul3A_611 = arith.muli %sub3A_609, %mul3A_610 : i32
        %add3A_612 = arith.addi %mul3A_2, %mul3A_611 : i32
        %dma_start3A_613 = arith.constant 1 : i32
        %dma_start3A_614 = arith.constant 0 : i32
        %dma_start3A_615 = arith.constant 0 : i32
        %dma_start3A_616 = tpu.memref_slice %arg6[%dma_start3A_613, %dma_start3A_614, %dma_start3A_615] : memref<6x2x80xi32, #tpu.memory_space<vmem>> -> memref<1x1x80xi32, #tpu.memory_space<vmem>>
        %dma_start3A_617 = tpu.memref_squeeze %dma_start3A_616 : memref<1x1x80xi32, #tpu.memory_space<vmem>> -> memref<80xi32, #tpu.memory_space<vmem>>
        %dma_start3A_618 = tpu.memref_slice %arg3[%add3A_612] : memref<320000xi32, #tpu.memory_space<hbm>> -> memref<80xi32, #tpu.memory_space<hbm>>
        %dma_start3A_619 = arith.constant 0 : i32
        %dma_start3A_620 = tpu.memref_slice %arg6[%dma_start3A_613, %dma_start3A_614, %dma_start3A_619] : memref<6x2x80xi32, #tpu.memory_space<vmem>> -> memref<1x1x80xi32, #tpu.memory_space<vmem>>
        %dma_start3A_621 = tpu.memref_squeeze %dma_start3A_620 : memref<1x1x80xi32, #tpu.memory_space<vmem>> -> memref<80xi32, #tpu.memory_space<vmem>>
        %dma_start3A_622 = tpu.memref_slice %arg3[%add3A_612] : memref<320000xi32, #tpu.memory_space<hbm>> -> memref<80xi32, #tpu.memory_space<hbm>>
        tpu.enqueue_dma source(%dma_start3A_622 : memref<80xi32, #tpu.memory_space<hbm>>) target(%dma_start3A_621 : memref<80xi32, #tpu.memory_space<vmem>>) target_semaphore(%arg10 : memref<!tpu.dma_semaphore, #tpu.memory_space<semaphore_mem>>)
        %dma_start3A_623 = arith.constant 1 : i32
        %dma_start3A_624 = arith.constant 1 : i32
        %dma_start3A_625 = arith.constant 0 : i32
        %dma_start3A_626 = tpu.memref_slice %arg6[%dma_start3A_623, %dma_start3A_624, %dma_start3A_625] : memref<6x2x80xi32, #tpu.memory_space<vmem>> -> memref<1x1x80xi32, #tpu.memory_space<vmem>>
        %dma_start3A_627 = tpu.memref_squeeze %dma_start3A_626 : memref<1x1x80xi32, #tpu.memory_space<vmem>> -> memref<80xi32, #tpu.memory_space<vmem>>
        %dma_start3A_628 = tpu.memref_slice %arg4[%add3A_612] : memref<320000xi32, #tpu.memory_space<hbm>> -> memref<80xi32, #tpu.memory_space<hbm>>
        %dma_start3A_629 = arith.constant 0 : i32
        %dma_start3A_630 = tpu.memref_slice %arg6[%dma_start3A_623, %dma_start3A_624, %dma_start3A_629] : memref<6x2x80xi32, #tpu.memory_space<vmem>> -> memref<1x1x80xi32, #tpu.memory_space<vmem>>
        %dma_start3A_631 = tpu.memref_squeeze %dma_start3A_630 : memref<1x1x80xi32, #tpu.memory_space<vmem>> -> memref<80xi32, #tpu.memory_space<vmem>>
        %dma_start3A_632 = tpu.memref_slice %arg4[%add3A_612] : memref<320000xi32, #tpu.memory_space<hbm>> -> memref<80xi32, #tpu.memory_space<hbm>>
        tpu.enqueue_dma source(%dma_start3A_632 : memref<80xi32, #tpu.memory_space<hbm>>) target(%dma_start3A_631 : memref<80xi32, #tpu.memory_space<vmem>>) target_semaphore(%arg10 : memref<!tpu.dma_semaphore, #tpu.memory_space<semaphore_mem>>)
      } else {
      }
      %add3A_474 = arith.constant 2 : i32
      %add3A_475 = arith.addi %add3A_410, %add3A_474 : i32
      %dma_wait3A_476 = arith.constant 4 : i32
      %dma_wait3A_477 = arith.constant 0 : i32
      %dma_wait3A_478 = arith.constant 1 : i32
      %dma_wait3A_479 = arith.constant 0 : i32
      %dma_wait3A_480 = arith.constant 0 : i32
      %dma_wait3A_481 = tpu.memref_slice %arg7[%dma_wait3A_478, %dma_wait3A_479, %dma_wait3A_480] : memref<3x80x128xf32, #tpu.memory_space<vmem>> -> memref<1x80x128xf32, #tpu.memory_space<vmem>>
      %dma_wait3A_482 = tpu.memref_squeeze %dma_wait3A_481 : memref<1x80x128xf32, #tpu.memory_space<vmem>> -> memref<80x128xf32, #tpu.memory_space<vmem>>
      %dma_wait3A_483 = arith.constant 0 : i32
      %dma_wait3A_484 = tpu.memref_slice %arg6[%dma_wait3A_476, %dma_wait3A_477, %dma_wait3A_483] : memref<6x2x80xi32, #tpu.memory_space<vmem>> -> memref<1x1x80xi32, #tpu.memory_space<vmem>>
      %dma_wait3A_485 = tpu.memref_squeeze %dma_wait3A_484 : memref<1x1x80xi32, #tpu.memory_space<vmem>> -> memref<80xi32, #tpu.memory_space<vmem>>
      %dma_wait3A_486 = arith.constant 0 : i32
      %dma_wait3A_487 = arith.constant 0 : i32
      %dma_wait3A_488 = tpu.memref_slice %arg2[%dma_wait3A_486, %dma_wait3A_487] : memref<10000x128xf32, #tpu.memory_space<hbm>> -> memref<10000x128xf32, #tpu.memory_space<hbm>>
      tpu.wait_indirect_dma semaphore(%arg16 : memref<!tpu.dma_semaphore, #tpu.memory_space<semaphore_mem>>) src(%dma_wait3A_488 : memref<10000x128xf32, #tpu.memory_space<hbm>>) dst(%dma_wait3A_482 : memref<80x128xf32, #tpu.memory_space<vmem>>)
      %add3A_489 = arith.constant 3 : i32
      %add3A_490 = arith.addi %add3A_475, %add3A_489 : i32
      %sub3A_491 = arith.constant 1 : i32
      %sub3A_492 = arith.subi %add3A_490, %sub3A_491 : i32
      %lt3A_493 = arith.constant 125 : i32
      %lt3A_494 = arith.cmpi slt, %sub3A_492, %lt3A_493 : i32
      %convert_element_type3A_495 = arith.extui %lt3A_494 : i1 to i32
      %cond3A_496 = arith.constant 0 : i32
      %cond3A_497 = arith.cmpi ne, %convert_element_type3A_495, %cond3A_496 : i32
      scf.if %cond3A_497 {
        %add3A_606 = arith.constant 3 : i32
        %add3A_607 = arith.addi %add3A_475, %add3A_606 : i32
        %sub3A_608 = arith.constant 1 : i32
        %sub3A_609 = arith.subi %add3A_607, %sub3A_608 : i32
        %mul3A_610 = arith.constant 80 : i32
        %mul3A_611 = arith.muli %sub3A_609, %mul3A_610 : i32
        %add3A_612 = arith.addi %mul3A_2, %mul3A_611 : i32
        %dma_wait3A_613 = arith.constant 0 : i32
        %dma_wait3A_614 = arith.constant 0 : i32
        %dma_wait3A_615 = arith.constant 0 : i32
        %dma_wait3A_616 = tpu.memref_slice %arg6[%dma_wait3A_613, %dma_wait3A_614, %dma_wait3A_615] : memref<6x2x80xi32, #tpu.memory_space<vmem>> -> memref<1x1x80xi32, #tpu.memory_space<vmem>>
        %dma_wait3A_617 = tpu.memref_squeeze %dma_wait3A_616 : memref<1x1x80xi32, #tpu.memory_space<vmem>> -> memref<80xi32, #tpu.memory_space<vmem>>
        %dma_wait3A_618 = tpu.memref_slice %arg3[%add3A_612] : memref<320000xi32, #tpu.memory_space<hbm>> -> memref<80xi32, #tpu.memory_space<hbm>>
        %dma_wait3A_619 = arith.constant 0 : i32
        %dma_wait3A_620 = tpu.memref_slice %arg6[%dma_wait3A_613, %dma_wait3A_614, %dma_wait3A_619] : memref<6x2x80xi32, #tpu.memory_space<vmem>> -> memref<1x1x80xi32, #tpu.memory_space<vmem>>
        %dma_wait3A_621 = tpu.memref_squeeze %dma_wait3A_620 : memref<1x1x80xi32, #tpu.memory_space<vmem>> -> memref<80xi32, #tpu.memory_space<vmem>>
        %dma_wait3A_622 = tpu.memref_slice %arg3[%add3A_612] : memref<320000xi32, #tpu.memory_space<hbm>> -> memref<80xi32, #tpu.memory_space<hbm>>
        tpu.wait_dma2 semaphore(%arg9 : memref<!tpu.dma_semaphore, #tpu.memory_space<semaphore_mem>>) src(%dma_wait3A_622 : memref<80xi32, #tpu.memory_space<hbm>>) dst(%dma_wait3A_621 : memref<80xi32, #tpu.memory_space<vmem>>)
        %dma_wait3A_623 = arith.constant 0 : i32
        %dma_wait3A_624 = arith.constant 1 : i32
        %dma_wait3A_625 = arith.constant 0 : i32
        %dma_wait3A_626 = tpu.memref_slice %arg6[%dma_wait3A_623, %dma_wait3A_624, %dma_wait3A_625] : memref<6x2x80xi32, #tpu.memory_space<vmem>> -> memref<1x1x80xi32, #tpu.memory_space<vmem>>
        %dma_wait3A_627 = tpu.memref_squeeze %dma_wait3A_626 : memref<1x1x80xi32, #tpu.memory_space<vmem>> -> memref<80xi32, #tpu.memory_space<vmem>>
        %dma_wait3A_628 = tpu.memref_slice %arg4[%add3A_612] : memref<320000xi32, #tpu.memory_space<hbm>> -> memref<80xi32, #tpu.memory_space<hbm>>
        %dma_wait3A_629 = arith.constant 0 : i32
        %dma_wait3A_630 = tpu.memref_slice %arg6[%dma_wait3A_623, %dma_wait3A_624, %dma_wait3A_629] : memref<6x2x80xi32, #tpu.memory_space<vmem>> -> memref<1x1x80xi32, #tpu.memory_space<vmem>>
        %dma_wait3A_631 = tpu.memref_squeeze %dma_wait3A_630 : memref<1x1x80xi32, #tpu.memory_space<vmem>> -> memref<80xi32, #tpu.memory_space<vmem>>
        %dma_wait3A_632 = tpu.memref_slice %arg4[%add3A_612] : memref<320000xi32, #tpu.memory_space<hbm>> -> memref<80xi32, #tpu.memory_space<hbm>>
        tpu.wait_dma2 semaphore(%arg9 : memref<!tpu.dma_semaphore, #tpu.memory_space<semaphore_mem>>) src(%dma_wait3A_632 : memref<80xi32, #tpu.memory_space<hbm>>) dst(%dma_wait3A_631 : memref<80xi32, #tpu.memory_space<vmem>>)
        %dma_start3A_633 = arith.constant 0 : i32
        %dma_start3A_634 = arith.constant 0 : i32
        %dma_start3A_635 = arith.constant 0 : i32
        %dma_start3A_636 = arith.constant 0 : i32
        %dma_start3A_637 = arith.constant 0 : i32
        %dma_start3A_638 = tpu.memref_slice %arg7[%dma_start3A_635, %dma_start3A_636, %dma_start3A_637] : memref<3x80x128xf32, #tpu.memory_space<vmem>> -> memref<1x80x128xf32, #tpu.memory_space<vmem>>
        %dma_start3A_639 = tpu.memref_squeeze %dma_start3A_638 : memref<1x80x128xf32, #tpu.memory_space<vmem>> -> memref<80x128xf32, #tpu.memory_space<vmem>>
        %dma_start3A_640 = arith.constant 0 : i32
        %dma_start3A_641 = tpu.memref_slice %arg6[%dma_start3A_633, %dma_start3A_634, %dma_start3A_640] : memref<6x2x80xi32, #tpu.memory_space<vmem>> -> memref<1x1x80xi32, #tpu.memory_space<vmem>>
        %dma_start3A_642 = tpu.memref_squeeze %dma_start3A_641 : memref<1x1x80xi32, #tpu.memory_space<vmem>> -> memref<80xi32, #tpu.memory_space<vmem>>
        %dma_start3A_643 = arith.constant 0 : i32
        %dma_start3A_644 = arith.constant 0 : i32
        %dma_start3A_645 = tpu.memref_slice %arg2[%dma_start3A_643, %dma_start3A_644] : memref<10000x128xf32, #tpu.memory_space<hbm>> -> memref<10000x128xf32, #tpu.memory_space<hbm>>
        tpu.enqueue_indirect_dma source(%dma_start3A_645 : memref<10000x128xf32, #tpu.memory_space<hbm>>) target(%dma_start3A_639 : memref<80x128xf32, #tpu.memory_space<vmem>>) offsets(%dma_start3A_642 : memref<80xi32, #tpu.memory_space<vmem>>) semaphore(%arg15 : memref<!tpu.dma_semaphore, #tpu.memory_space<semaphore_mem>>)
      } else {
      }
      %add3A_498 = arith.constant 6 : i32
      %add3A_499 = arith.addi %add3A_475, %add3A_498 : i32
      %sub3A_500 = arith.constant 2 : i32
      %sub3A_501 = arith.subi %add3A_499, %sub3A_500 : i32
      %lt3A_502 = arith.constant 125 : i32
      %lt3A_503 = arith.cmpi slt, %sub3A_501, %lt3A_502 : i32
      %convert_element_type3A_504 = arith.extui %lt3A_503 : i1 to i32
      %cond3A_505 = arith.constant 0 : i32
      %cond3A_506 = arith.cmpi ne, %convert_element_type3A_504, %cond3A_505 : i32
      scf.if %cond3A_506 {
        %add3A_606 = arith.constant 6 : i32
        %add3A_607 = arith.addi %add3A_475, %add3A_606 : i32
        %sub3A_608 = arith.constant 2 : i32
        %sub3A_609 = arith.subi %add3A_607, %sub3A_608 : i32
        %mul3A_610 = arith.constant 80 : i32
        %mul3A_611 = arith.muli %sub3A_609, %mul3A_610 : i32
        %add3A_612 = arith.addi %mul3A_2, %mul3A_611 : i32
        %dma_start3A_613 = arith.constant 2 : i32
        %dma_start3A_614 = arith.constant 0 : i32
        %dma_start3A_615 = arith.constant 0 : i32
        %dma_start3A_616 = tpu.memref_slice %arg6[%dma_start3A_613, %dma_start3A_614, %dma_start3A_615] : memref<6x2x80xi32, #tpu.memory_space<vmem>> -> memref<1x1x80xi32, #tpu.memory_space<vmem>>
        %dma_start3A_617 = tpu.memref_squeeze %dma_start3A_616 : memref<1x1x80xi32, #tpu.memory_space<vmem>> -> memref<80xi32, #tpu.memory_space<vmem>>
        %dma_start3A_618 = tpu.memref_slice %arg3[%add3A_612] : memref<320000xi32, #tpu.memory_space<hbm>> -> memref<80xi32, #tpu.memory_space<hbm>>
        %dma_start3A_619 = arith.constant 0 : i32
        %dma_start3A_620 = tpu.memref_slice %arg6[%dma_start3A_613, %dma_start3A_614, %dma_start3A_619] : memref<6x2x80xi32, #tpu.memory_space<vmem>> -> memref<1x1x80xi32, #tpu.memory_space<vmem>>
        %dma_start3A_621 = tpu.memref_squeeze %dma_start3A_620 : memref<1x1x80xi32, #tpu.memory_space<vmem>> -> memref<80xi32, #tpu.memory_space<vmem>>
        %dma_start3A_622 = tpu.memref_slice %arg3[%add3A_612] : memref<320000xi32, #tpu.memory_space<hbm>> -> memref<80xi32, #tpu.memory_space<hbm>>
        tpu.enqueue_dma source(%dma_start3A_622 : memref<80xi32, #tpu.memory_space<hbm>>) target(%dma_start3A_621 : memref<80xi32, #tpu.memory_space<vmem>>) target_semaphore(%arg11 : memref<!tpu.dma_semaphore, #tpu.memory_space<semaphore_mem>>)
        %dma_start3A_623 = arith.constant 2 : i32
        %dma_start3A_624 = arith.constant 1 : i32
        %dma_start3A_625 = arith.constant 0 : i32
        %dma_start3A_626 = tpu.memref_slice %arg6[%dma_start3A_623, %dma_start3A_624, %dma_start3A_625] : memref<6x2x80xi32, #tpu.memory_space<vmem>> -> memref<1x1x80xi32, #tpu.memory_space<vmem>>
        %dma_start3A_627 = tpu.memref_squeeze %dma_start3A_626 : memref<1x1x80xi32, #tpu.memory_space<vmem>> -> memref<80xi32, #tpu.memory_space<vmem>>
        %dma_start3A_628 = tpu.memref_slice %arg4[%add3A_612] : memref<320000xi32, #tpu.memory_space<hbm>> -> memref<80xi32, #tpu.memory_space<hbm>>
        %dma_start3A_629 = arith.constant 0 : i32
        %dma_start3A_630 = tpu.memref_slice %arg6[%dma_start3A_623, %dma_start3A_624, %dma_start3A_629] : memref<6x2x80xi32, #tpu.memory_space<vmem>> -> memref<1x1x80xi32, #tpu.memory_space<vmem>>
        %dma_start3A_631 = tpu.memref_squeeze %dma_start3A_630 : memref<1x1x80xi32, #tpu.memory_space<vmem>> -> memref<80xi32, #tpu.memory_space<vmem>>
        %dma_start3A_632 = tpu.memref_slice %arg4[%add3A_612] : memref<320000xi32, #tpu.memory_space<hbm>> -> memref<80xi32, #tpu.memory_space<hbm>>
        tpu.enqueue_dma source(%dma_start3A_632 : memref<80xi32, #tpu.memory_space<hbm>>) target(%dma_start3A_631 : memref<80xi32, #tpu.memory_space<vmem>>) target_semaphore(%arg11 : memref<!tpu.dma_semaphore, #tpu.memory_space<semaphore_mem>>)
      } else {
      }
      %add3A_507 = arith.constant 3 : i32
      %add3A_508 = arith.addi %add3A_410, %add3A_507 : i32
      %dma_wait3A_509 = arith.constant 5 : i32
      %dma_wait3A_510 = arith.constant 0 : i32
      %dma_wait3A_511 = arith.constant 2 : i32
      %dma_wait3A_512 = arith.constant 0 : i32
      %dma_wait3A_513 = arith.constant 0 : i32
      %dma_wait3A_514 = tpu.memref_slice %arg7[%dma_wait3A_511, %dma_wait3A_512, %dma_wait3A_513] : memref<3x80x128xf32, #tpu.memory_space<vmem>> -> memref<1x80x128xf32, #tpu.memory_space<vmem>>
      %dma_wait3A_515 = tpu.memref_squeeze %dma_wait3A_514 : memref<1x80x128xf32, #tpu.memory_space<vmem>> -> memref<80x128xf32, #tpu.memory_space<vmem>>
      %dma_wait3A_516 = arith.constant 0 : i32
      %dma_wait3A_517 = tpu.memref_slice %arg6[%dma_wait3A_509, %dma_wait3A_510, %dma_wait3A_516] : memref<6x2x80xi32, #tpu.memory_space<vmem>> -> memref<1x1x80xi32, #tpu.memory_space<vmem>>
      %dma_wait3A_518 = tpu.memref_squeeze %dma_wait3A_517 : memref<1x1x80xi32, #tpu.memory_space<vmem>> -> memref<80xi32, #tpu.memory_space<vmem>>
      %dma_wait3A_519 = arith.constant 0 : i32
      %dma_wait3A_520 = arith.constant 0 : i32
      %dma_wait3A_521 = tpu.memref_slice %arg2[%dma_wait3A_519, %dma_wait3A_520] : memref<10000x128xf32, #tpu.memory_space<hbm>> -> memref<10000x128xf32, #tpu.memory_space<hbm>>
      tpu.wait_indirect_dma semaphore(%arg17 : memref<!tpu.dma_semaphore, #tpu.memory_space<semaphore_mem>>) src(%dma_wait3A_521 : memref<10000x128xf32, #tpu.memory_space<hbm>>) dst(%dma_wait3A_515 : memref<80x128xf32, #tpu.memory_space<vmem>>)
      %add3A_522 = arith.constant 3 : i32
      %add3A_523 = arith.addi %add3A_508, %add3A_522 : i32
      %sub3A_524 = arith.constant 1 : i32
      %sub3A_525 = arith.subi %add3A_523, %sub3A_524 : i32
      %lt3A_526 = arith.constant 125 : i32
      %lt3A_527 = arith.cmpi slt, %sub3A_525, %lt3A_526 : i32
      %convert_element_type3A_528 = arith.extui %lt3A_527 : i1 to i32
      %cond3A_529 = arith.constant 0 : i32
      %cond3A_530 = arith.cmpi ne, %convert_element_type3A_528, %cond3A_529 : i32
      scf.if %cond3A_530 {
        %add3A_606 = arith.constant 3 : i32
        %add3A_607 = arith.addi %add3A_508, %add3A_606 : i32
        %sub3A_608 = arith.constant 1 : i32
        %sub3A_609 = arith.subi %add3A_607, %sub3A_608 : i32
        %mul3A_610 = arith.constant 80 : i32
        %mul3A_611 = arith.muli %sub3A_609, %mul3A_610 : i32
        %add3A_612 = arith.addi %mul3A_2, %mul3A_611 : i32
        %dma_wait3A_613 = arith.constant 1 : i32
        %dma_wait3A_614 = arith.constant 0 : i32
        %dma_wait3A_615 = arith.constant 0 : i32
        %dma_wait3A_616 = tpu.memref_slice %arg6[%dma_wait3A_613, %dma_wait3A_614, %dma_wait3A_615] : memref<6x2x80xi32, #tpu.memory_space<vmem>> -> memref<1x1x80xi32, #tpu.memory_space<vmem>>
        %dma_wait3A_617 = tpu.memref_squeeze %dma_wait3A_616 : memref<1x1x80xi32, #tpu.memory_space<vmem>> -> memref<80xi32, #tpu.memory_space<vmem>>
        %dma_wait3A_618 = tpu.memref_slice %arg3[%add3A_612] : memref<320000xi32, #tpu.memory_space<hbm>> -> memref<80xi32, #tpu.memory_space<hbm>>
        %dma_wait3A_619 = arith.constant 0 : i32
        %dma_wait3A_620 = tpu.memref_slice %arg6[%dma_wait3A_613, %dma_wait3A_614, %dma_wait3A_619] : memref<6x2x80xi32, #tpu.memory_space<vmem>> -> memref<1x1x80xi32, #tpu.memory_space<vmem>>
        %dma_wait3A_621 = tpu.memref_squeeze %dma_wait3A_620 : memref<1x1x80xi32, #tpu.memory_space<vmem>> -> memref<80xi32, #tpu.memory_space<vmem>>
        %dma_wait3A_622 = tpu.memref_slice %arg3[%add3A_612] : memref<320000xi32, #tpu.memory_space<hbm>> -> memref<80xi32, #tpu.memory_space<hbm>>
        tpu.wait_dma2 semaphore(%arg10 : memref<!tpu.dma_semaphore, #tpu.memory_space<semaphore_mem>>) src(%dma_wait3A_622 : memref<80xi32, #tpu.memory_space<hbm>>) dst(%dma_wait3A_621 : memref<80xi32, #tpu.memory_space<vmem>>)
        %dma_wait3A_623 = arith.constant 1 : i32
        %dma_wait3A_624 = arith.constant 1 : i32
        %dma_wait3A_625 = arith.constant 0 : i32
        %dma_wait3A_626 = tpu.memref_slice %arg6[%dma_wait3A_623, %dma_wait3A_624, %dma_wait3A_625] : memref<6x2x80xi32, #tpu.memory_space<vmem>> -> memref<1x1x80xi32, #tpu.memory_space<vmem>>
        %dma_wait3A_627 = tpu.memref_squeeze %dma_wait3A_626 : memref<1x1x80xi32, #tpu.memory_space<vmem>> -> memref<80xi32, #tpu.memory_space<vmem>>
        %dma_wait3A_628 = tpu.memref_slice %arg4[%add3A_612] : memref<320000xi32, #tpu.memory_space<hbm>> -> memref<80xi32, #tpu.memory_space<hbm>>
        %dma_wait3A_629 = arith.constant 0 : i32
        %dma_wait3A_630 = tpu.memref_slice %arg6[%dma_wait3A_623, %dma_wait3A_624, %dma_wait3A_629] : memref<6x2x80xi32, #tpu.memory_space<vmem>> -> memref<1x1x80xi32, #tpu.memory_space<vmem>>
        %dma_wait3A_631 = tpu.memref_squeeze %dma_wait3A_630 : memref<1x1x80xi32, #tpu.memory_space<vmem>> -> memref<80xi32, #tpu.memory_space<vmem>>
        %dma_wait3A_632 = tpu.memref_slice %arg4[%add3A_612] : memref<320000xi32, #tpu.memory_space<hbm>> -> memref<80xi32, #tpu.memory_space<hbm>>
        tpu.wait_dma2 semaphore(%arg10 : memref<!tpu.dma_semaphore, #tpu.memory_space<semaphore_mem>>) src(%dma_wait3A_632 : memref<80xi32, #tpu.memory_space<hbm>>) dst(%dma_wait3A_631 : memref<80xi32, #tpu.memory_space<vmem>>)
        %dma_start3A_633 = arith.constant 1 : i32
        %dma_start3A_634 = arith.constant 0 : i32
        %dma_start3A_635 = arith.constant 1 : i32
        %dma_start3A_636 = arith.constant 0 : i32
        %dma_start3A_637 = arith.constant 0 : i32
        %dma_start3A_638 = tpu.memref_slice %arg7[%dma_start3A_635, %dma_start3A_636, %dma_start3A_637] : memref<3x80x128xf32, #tpu.memory_space<vmem>> -> memref<1x80x128xf32, #tpu.memory_space<vmem>>
        %dma_start3A_639 = tpu.memref_squeeze %dma_start3A_638 : memref<1x80x128xf32, #tpu.memory_space<vmem>> -> memref<80x128xf32, #tpu.memory_space<vmem>>
        %dma_start3A_640 = arith.constant 0 : i32
        %dma_start3A_641 = tpu.memref_slice %arg6[%dma_start3A_633, %dma_start3A_634, %dma_start3A_640] : memref<6x2x80xi32, #tpu.memory_space<vmem>> -> memref<1x1x80xi32, #tpu.memory_space<vmem>>
        %dma_start3A_642 = tpu.memref_squeeze %dma_start3A_641 : memref<1x1x80xi32, #tpu.memory_space<vmem>> -> memref<80xi32, #tpu.memory_space<vmem>>
        %dma_start3A_643 = arith.constant 0 : i32
        %dma_start3A_644 = arith.constant 0 : i32
        %dma_start3A_645 = tpu.memref_slice %arg2[%dma_start3A_643, %dma_start3A_644] : memref<10000x128xf32, #tpu.memory_space<hbm>> -> memref<10000x128xf32, #tpu.memory_space<hbm>>
        tpu.enqueue_indirect_dma source(%dma_start3A_645 : memref<10000x128xf32, #tpu.memory_space<hbm>>) target(%dma_start3A_639 : memref<80x128xf32, #tpu.memory_space<vmem>>) offsets(%dma_start3A_642 : memref<80xi32, #tpu.memory_space<vmem>>) semaphore(%arg16 : memref<!tpu.dma_semaphore, #tpu.memory_space<semaphore_mem>>)
      } else {
      }
      %add3A_531 = arith.constant 6 : i32
      %add3A_532 = arith.addi %add3A_508, %add3A_531 : i32
      %sub3A_533 = arith.constant 2 : i32
      %sub3A_534 = arith.subi %add3A_532, %sub3A_533 : i32
      %lt3A_535 = arith.constant 125 : i32
      %lt3A_536 = arith.cmpi slt, %sub3A_534, %lt3A_535 : i32
      %convert_element_type3A_537 = arith.extui %lt3A_536 : i1 to i32
      %cond3A_538 = arith.constant 0 : i32
      %cond3A_539 = arith.cmpi ne, %convert_element_type3A_537, %cond3A_538 : i32
      scf.if %cond3A_539 {
        %add3A_606 = arith.constant 6 : i32
        %add3A_607 = arith.addi %add3A_508, %add3A_606 : i32
        %sub3A_608 = arith.constant 2 : i32
        %sub3A_609 = arith.subi %add3A_607, %sub3A_608 : i32
        %mul3A_610 = arith.constant 80 : i32
        %mul3A_611 = arith.muli %sub3A_609, %mul3A_610 : i32
        %add3A_612 = arith.addi %mul3A_2, %mul3A_611 : i32
        %dma_start3A_613 = arith.constant 3 : i32
        %dma_start3A_614 = arith.constant 0 : i32
        %dma_start3A_615 = arith.constant 0 : i32
        %dma_start3A_616 = tpu.memref_slice %arg6[%dma_start3A_613, %dma_start3A_614, %dma_start3A_615] : memref<6x2x80xi32, #tpu.memory_space<vmem>> -> memref<1x1x80xi32, #tpu.memory_space<vmem>>
        %dma_start3A_617 = tpu.memref_squeeze %dma_start3A_616 : memref<1x1x80xi32, #tpu.memory_space<vmem>> -> memref<80xi32, #tpu.memory_space<vmem>>
        %dma_start3A_618 = tpu.memref_slice %arg3[%add3A_612] : memref<320000xi32, #tpu.memory_space<hbm>> -> memref<80xi32, #tpu.memory_space<hbm>>
        %dma_start3A_619 = arith.constant 0 : i32
        %dma_start3A_620 = tpu.memref_slice %arg6[%dma_start3A_613, %dma_start3A_614, %dma_start3A_619] : memref<6x2x80xi32, #tpu.memory_space<vmem>> -> memref<1x1x80xi32, #tpu.memory_space<vmem>>
        %dma_start3A_621 = tpu.memref_squeeze %dma_start3A_620 : memref<1x1x80xi32, #tpu.memory_space<vmem>> -> memref<80xi32, #tpu.memory_space<vmem>>
        %dma_start3A_622 = tpu.memref_slice %arg3[%add3A_612] : memref<320000xi32, #tpu.memory_space<hbm>> -> memref<80xi32, #tpu.memory_space<hbm>>
        tpu.enqueue_dma source(%dma_start3A_622 : memref<80xi32, #tpu.memory_space<hbm>>) target(%dma_start3A_621 : memref<80xi32, #tpu.memory_space<vmem>>) target_semaphore(%arg12 : memref<!tpu.dma_semaphore, #tpu.memory_space<semaphore_mem>>)
        %dma_start3A_623 = arith.constant 3 : i32
        %dma_start3A_624 = arith.constant 1 : i32
        %dma_start3A_625 = arith.constant 0 : i32
        %dma_start3A_626 = tpu.memref_slice %arg6[%dma_start3A_623, %dma_start3A_624, %dma_start3A_625] : memref<6x2x80xi32, #tpu.memory_space<vmem>> -> memref<1x1x80xi32, #tpu.memory_space<vmem>>
        %dma_start3A_627 = tpu.memref_squeeze %dma_start3A_626 : memref<1x1x80xi32, #tpu.memory_space<vmem>> -> memref<80xi32, #tpu.memory_space<vmem>>
        %dma_start3A_628 = tpu.memref_slice %arg4[%add3A_612] : memref<320000xi32, #tpu.memory_space<hbm>> -> memref<80xi32, #tpu.memory_space<hbm>>
        %dma_start3A_629 = arith.constant 0 : i32
        %dma_start3A_630 = tpu.memref_slice %arg6[%dma_start3A_623, %dma_start3A_624, %dma_start3A_629] : memref<6x2x80xi32, #tpu.memory_space<vmem>> -> memref<1x1x80xi32, #tpu.memory_space<vmem>>
        %dma_start3A_631 = tpu.memref_squeeze %dma_start3A_630 : memref<1x1x80xi32, #tpu.memory_space<vmem>> -> memref<80xi32, #tpu.memory_space<vmem>>
        %dma_start3A_632 = tpu.memref_slice %arg4[%add3A_612] : memref<320000xi32, #tpu.memory_space<hbm>> -> memref<80xi32, #tpu.memory_space<hbm>>
        tpu.enqueue_dma source(%dma_start3A_632 : memref<80xi32, #tpu.memory_space<hbm>>) target(%dma_start3A_631 : memref<80xi32, #tpu.memory_space<vmem>>) target_semaphore(%arg12 : memref<!tpu.dma_semaphore, #tpu.memory_space<semaphore_mem>>)
      } else {
      }
      %add3A_540 = arith.constant 4 : i32
      %add3A_541 = arith.addi %add3A_410, %add3A_540 : i32
      %dma_wait3A_542 = arith.constant 0 : i32
      %dma_wait3A_543 = arith.constant 0 : i32
      %dma_wait3A_544 = arith.constant 0 : i32
      %dma_wait3A_545 = arith.constant 0 : i32
      %dma_wait3A_546 = arith.constant 0 : i32
      %dma_wait3A_547 = tpu.memref_slice %arg7[%dma_wait3A_544, %dma_wait3A_545, %dma_wait3A_546] : memref<3x80x128xf32, #tpu.memory_space<vmem>> -> memref<1x80x128xf32, #tpu.memory_space<vmem>>
      %dma_wait3A_548 = tpu.memref_squeeze %dma_wait3A_547 : memref<1x80x128xf32, #tpu.memory_space<vmem>> -> memref<80x128xf32, #tpu.memory_space<vmem>>
      %dma_wait3A_549 = arith.constant 0 : i32
      %dma_wait3A_550 = tpu.memref_slice %arg6[%dma_wait3A_542, %dma_wait3A_543, %dma_wait3A_549] : memref<6x2x80xi32, #tpu.memory_space<vmem>> -> memref<1x1x80xi32, #tpu.memory_space<vmem>>
      %dma_wait3A_551 = tpu.memref_squeeze %dma_wait3A_550 : memref<1x1x80xi32, #tpu.memory_space<vmem>> -> memref<80xi32, #tpu.memory_space<vmem>>
      %dma_wait3A_552 = arith.constant 0 : i32
      %dma_wait3A_553 = arith.constant 0 : i32
      %dma_wait3A_554 = tpu.memref_slice %arg2[%dma_wait3A_552, %dma_wait3A_553] : memref<10000x128xf32, #tpu.memory_space<hbm>> -> memref<10000x128xf32, #tpu.memory_space<hbm>>
      tpu.wait_indirect_dma semaphore(%arg15 : memref<!tpu.dma_semaphore, #tpu.memory_space<semaphore_mem>>) src(%dma_wait3A_554 : memref<10000x128xf32, #tpu.memory_space<hbm>>) dst(%dma_wait3A_548 : memref<80x128xf32, #tpu.memory_space<vmem>>)
      %add3A_555 = arith.constant 3 : i32
      %add3A_556 = arith.addi %add3A_541, %add3A_555 : i32
      %sub3A_557 = arith.constant 1 : i32
      %sub3A_558 = arith.subi %add3A_556, %sub3A_557 : i32
      %lt3A_559 = arith.constant 125 : i32
      %lt3A_560 = arith.cmpi slt, %sub3A_558, %lt3A_559 : i32
      %convert_element_type3A_561 = arith.extui %lt3A_560 : i1 to i32
      %cond3A_562 = arith.constant 0 : i32
      %cond3A_563 = arith.cmpi ne, %convert_element_type3A_561, %cond3A_562 : i32
      scf.if %cond3A_563 {
        %add3A_606 = arith.constant 3 : i32
        %add3A_607 = arith.addi %add3A_541, %add3A_606 : i32
        %sub3A_608 = arith.constant 1 : i32
        %sub3A_609 = arith.subi %add3A_607, %sub3A_608 : i32
        %mul3A_610 = arith.constant 80 : i32
        %mul3A_611 = arith.muli %sub3A_609, %mul3A_610 : i32
        %add3A_612 = arith.addi %mul3A_2, %mul3A_611 : i32
        %dma_wait3A_613 = arith.constant 2 : i32
        %dma_wait3A_614 = arith.constant 0 : i32
        %dma_wait3A_615 = arith.constant 0 : i32
        %dma_wait3A_616 = tpu.memref_slice %arg6[%dma_wait3A_613, %dma_wait3A_614, %dma_wait3A_615] : memref<6x2x80xi32, #tpu.memory_space<vmem>> -> memref<1x1x80xi32, #tpu.memory_space<vmem>>
        %dma_wait3A_617 = tpu.memref_squeeze %dma_wait3A_616 : memref<1x1x80xi32, #tpu.memory_space<vmem>> -> memref<80xi32, #tpu.memory_space<vmem>>
        %dma_wait3A_618 = tpu.memref_slice %arg3[%add3A_612] : memref<320000xi32, #tpu.memory_space<hbm>> -> memref<80xi32, #tpu.memory_space<hbm>>
        %dma_wait3A_619 = arith.constant 0 : i32
        %dma_wait3A_620 = tpu.memref_slice %arg6[%dma_wait3A_613, %dma_wait3A_614, %dma_wait3A_619] : memref<6x2x80xi32, #tpu.memory_space<vmem>> -> memref<1x1x80xi32, #tpu.memory_space<vmem>>
        %dma_wait3A_621 = tpu.memref_squeeze %dma_wait3A_620 : memref<1x1x80xi32, #tpu.memory_space<vmem>> -> memref<80xi32, #tpu.memory_space<vmem>>
        %dma_wait3A_622 = tpu.memref_slice %arg3[%add3A_612] : memref<320000xi32, #tpu.memory_space<hbm>> -> memref<80xi32, #tpu.memory_space<hbm>>
        tpu.wait_dma2 semaphore(%arg11 : memref<!tpu.dma_semaphore, #tpu.memory_space<semaphore_mem>>) src(%dma_wait3A_622 : memref<80xi32, #tpu.memory_space<hbm>>) dst(%dma_wait3A_621 : memref<80xi32, #tpu.memory_space<vmem>>)
        %dma_wait3A_623 = arith.constant 2 : i32
        %dma_wait3A_624 = arith.constant 1 : i32
        %dma_wait3A_625 = arith.constant 0 : i32
        %dma_wait3A_626 = tpu.memref_slice %arg6[%dma_wait3A_623, %dma_wait3A_624, %dma_wait3A_625] : memref<6x2x80xi32, #tpu.memory_space<vmem>> -> memref<1x1x80xi32, #tpu.memory_space<vmem>>
        %dma_wait3A_627 = tpu.memref_squeeze %dma_wait3A_626 : memref<1x1x80xi32, #tpu.memory_space<vmem>> -> memref<80xi32, #tpu.memory_space<vmem>>
        %dma_wait3A_628 = tpu.memref_slice %arg4[%add3A_612] : memref<320000xi32, #tpu.memory_space<hbm>> -> memref<80xi32, #tpu.memory_space<hbm>>
        %dma_wait3A_629 = arith.constant 0 : i32
        %dma_wait3A_630 = tpu.memref_slice %arg6[%dma_wait3A_623, %dma_wait3A_624, %dma_wait3A_629] : memref<6x2x80xi32, #tpu.memory_space<vmem>> -> memref<1x1x80xi32, #tpu.memory_space<vmem>>
        %dma_wait3A_631 = tpu.memref_squeeze %dma_wait3A_630 : memref<1x1x80xi32, #tpu.memory_space<vmem>> -> memref<80xi32, #tpu.memory_space<vmem>>
        %dma_wait3A_632 = tpu.memref_slice %arg4[%add3A_612] : memref<320000xi32, #tpu.memory_space<hbm>> -> memref<80xi32, #tpu.memory_space<hbm>>
        tpu.wait_dma2 semaphore(%arg11 : memref<!tpu.dma_semaphore, #tpu.memory_space<semaphore_mem>>) src(%dma_wait3A_632 : memref<80xi32, #tpu.memory_space<hbm>>) dst(%dma_wait3A_631 : memref<80xi32, #tpu.memory_space<vmem>>)
        %dma_start3A_633 = arith.constant 2 : i32
        %dma_start3A_634 = arith.constant 0 : i32
        %dma_start3A_635 = arith.constant 2 : i32
        %dma_start3A_636 = arith.constant 0 : i32
        %dma_start3A_637 = arith.constant 0 : i32
        %dma_start3A_638 = tpu.memref_slice %arg7[%dma_start3A_635, %dma_start3A_636, %dma_start3A_637] : memref<3x80x128xf32, #tpu.memory_space<vmem>> -> memref<1x80x128xf32, #tpu.memory_space<vmem>>
        %dma_start3A_639 = tpu.memref_squeeze %dma_start3A_638 : memref<1x80x128xf32, #tpu.memory_space<vmem>> -> memref<80x128xf32, #tpu.memory_space<vmem>>
        %dma_start3A_640 = arith.constant 0 : i32
        %dma_start3A_641 = tpu.memref_slice %arg6[%dma_start3A_633, %dma_start3A_634, %dma_start3A_640] : memref<6x2x80xi32, #tpu.memory_space<vmem>> -> memref<1x1x80xi32, #tpu.memory_space<vmem>>
        %dma_start3A_642 = tpu.memref_squeeze %dma_start3A_641 : memref<1x1x80xi32, #tpu.memory_space<vmem>> -> memref<80xi32, #tpu.memory_space<vmem>>
        %dma_start3A_643 = arith.constant 0 : i32
        %dma_start3A_644 = arith.constant 0 : i32
        %dma_start3A_645 = tpu.memref_slice %arg2[%dma_start3A_643, %dma_start3A_644] : memref<10000x128xf32, #tpu.memory_space<hbm>> -> memref<10000x128xf32, #tpu.memory_space<hbm>>
        tpu.enqueue_indirect_dma source(%dma_start3A_645 : memref<10000x128xf32, #tpu.memory_space<hbm>>) target(%dma_start3A_639 : memref<80x128xf32, #tpu.memory_space<vmem>>) offsets(%dma_start3A_642 : memref<80xi32, #tpu.memory_space<vmem>>) semaphore(%arg17 : memref<!tpu.dma_semaphore, #tpu.memory_space<semaphore_mem>>)
      } else {
      }
      %add3A_564 = arith.constant 6 : i32
      %add3A_565 = arith.addi %add3A_541, %add3A_564 : i32
      %sub3A_566 = arith.constant 2 : i32
      %sub3A_567 = arith.subi %add3A_565, %sub3A_566 : i32
      %lt3A_568 = arith.constant 125 : i32
      %lt3A_569 = arith.cmpi slt, %sub3A_567, %lt3A_568 : i32
      %convert_element_type3A_570 = arith.extui %lt3A_569 : i1 to i32
      %cond3A_571 = arith.constant 0 : i32
      %cond3A_572 = arith.cmpi ne, %convert_element_type3A_570, %cond3A_571 : i32
      scf.if %cond3A_572 {
        %add3A_606 = arith.constant 6 : i32
        %add3A_607 = arith.addi %add3A_541, %add3A_606 : i32
        %sub3A_608 = arith.constant 2 : i32
        %sub3A_609 = arith.subi %add3A_607, %sub3A_608 : i32
        %mul3A_610 = arith.constant 80 : i32
        %mul3A_611 = arith.muli %sub3A_609, %mul3A_610 : i32
        %add3A_612 = arith.addi %mul3A_2, %mul3A_611 : i32
        %dma_start3A_613 = arith.constant 4 : i32
        %dma_start3A_614 = arith.constant 0 : i32
        %dma_start3A_615 = arith.constant 0 : i32
        %dma_start3A_616 = tpu.memref_slice %arg6[%dma_start3A_613, %dma_start3A_614, %dma_start3A_615] : memref<6x2x80xi32, #tpu.memory_space<vmem>> -> memref<1x1x80xi32, #tpu.memory_space<vmem>>
        %dma_start3A_617 = tpu.memref_squeeze %dma_start3A_616 : memref<1x1x80xi32, #tpu.memory_space<vmem>> -> memref<80xi32, #tpu.memory_space<vmem>>
        %dma_start3A_618 = tpu.memref_slice %arg3[%add3A_612] : memref<320000xi32, #tpu.memory_space<hbm>> -> memref<80xi32, #tpu.memory_space<hbm>>
        %dma_start3A_619 = arith.constant 0 : i32
        %dma_start3A_620 = tpu.memref_slice %arg6[%dma_start3A_613, %dma_start3A_614, %dma_start3A_619] : memref<6x2x80xi32, #tpu.memory_space<vmem>> -> memref<1x1x80xi32, #tpu.memory_space<vmem>>
        %dma_start3A_621 = tpu.memref_squeeze %dma_start3A_620 : memref<1x1x80xi32, #tpu.memory_space<vmem>> -> memref<80xi32, #tpu.memory_space<vmem>>
        %dma_start3A_622 = tpu.memref_slice %arg3[%add3A_612] : memref<320000xi32, #tpu.memory_space<hbm>> -> memref<80xi32, #tpu.memory_space<hbm>>
        tpu.enqueue_dma source(%dma_start3A_622 : memref<80xi32, #tpu.memory_space<hbm>>) target(%dma_start3A_621 : memref<80xi32, #tpu.memory_space<vmem>>) target_semaphore(%arg13 : memref<!tpu.dma_semaphore, #tpu.memory_space<semaphore_mem>>)
        %dma_start3A_623 = arith.constant 4 : i32
        %dma_start3A_624 = arith.constant 1 : i32
        %dma_start3A_625 = arith.constant 0 : i32
        %dma_start3A_626 = tpu.memref_slice %arg6[%dma_start3A_623, %dma_start3A_624, %dma_start3A_625] : memref<6x2x80xi32, #tpu.memory_space<vmem>> -> memref<1x1x80xi32, #tpu.memory_space<vmem>>
        %dma_start3A_627 = tpu.memref_squeeze %dma_start3A_626 : memref<1x1x80xi32, #tpu.memory_space<vmem>> -> memref<80xi32, #tpu.memory_space<vmem>>
        %dma_start3A_628 = tpu.memref_slice %arg4[%add3A_612] : memref<320000xi32, #tpu.memory_space<hbm>> -> memref<80xi32, #tpu.memory_space<hbm>>
        %dma_start3A_629 = arith.constant 0 : i32
        %dma_start3A_630 = tpu.memref_slice %arg6[%dma_start3A_623, %dma_start3A_624, %dma_start3A_629] : memref<6x2x80xi32, #tpu.memory_space<vmem>> -> memref<1x1x80xi32, #tpu.memory_space<vmem>>
        %dma_start3A_631 = tpu.memref_squeeze %dma_start3A_630 : memref<1x1x80xi32, #tpu.memory_space<vmem>> -> memref<80xi32, #tpu.memory_space<vmem>>
        %dma_start3A_632 = tpu.memref_slice %arg4[%add3A_612] : memref<320000xi32, #tpu.memory_space<hbm>> -> memref<80xi32, #tpu.memory_space<hbm>>
        tpu.enqueue_dma source(%dma_start3A_632 : memref<80xi32, #tpu.memory_space<hbm>>) target(%dma_start3A_631 : memref<80xi32, #tpu.memory_space<vmem>>) target_semaphore(%arg13 : memref<!tpu.dma_semaphore, #tpu.memory_space<semaphore_mem>>)
      } else {
      }
      %add3A_573 = arith.constant 5 : i32
      %add3A_574 = arith.addi %add3A_410, %add3A_573 : i32
      %dma_wait3A_575 = arith.constant 1 : i32
      %dma_wait3A_576 = arith.constant 0 : i32
      %dma_wait3A_577 = arith.constant 1 : i32
      %dma_wait3A_578 = arith.constant 0 : i32
      %dma_wait3A_579 = arith.constant 0 : i32
      %dma_wait3A_580 = tpu.memref_slice %arg7[%dma_wait3A_577, %dma_wait3A_578, %dma_wait3A_579] : memref<3x80x128xf32, #tpu.memory_space<vmem>> -> memref<1x80x128xf32, #tpu.memory_space<vmem>>
      %dma_wait3A_581 = tpu.memref_squeeze %dma_wait3A_580 : memref<1x80x128xf32, #tpu.memory_space<vmem>> -> memref<80x128xf32, #tpu.memory_space<vmem>>
      %dma_wait3A_582 = arith.constant 0 : i32
      %dma_wait3A_583 = tpu.memref_slice %arg6[%dma_wait3A_575, %dma_wait3A_576, %dma_wait3A_582] : memref<6x2x80xi32, #tpu.memory_space<vmem>> -> memref<1x1x80xi32, #tpu.memory_space<vmem>>
      %dma_wait3A_584 = tpu.memref_squeeze %dma_wait3A_583 : memref<1x1x80xi32, #tpu.memory_space<vmem>> -> memref<80xi32, #tpu.memory_space<vmem>>
      %dma_wait3A_585 = arith.constant 0 : i32
      %dma_wait3A_586 = arith.constant 0 : i32
      %dma_wait3A_587 = tpu.memref_slice %arg2[%dma_wait3A_585, %dma_wait3A_586] : memref<10000x128xf32, #tpu.memory_space<hbm>> -> memref<10000x128xf32, #tpu.memory_space<hbm>>
      tpu.wait_indirect_dma semaphore(%arg16 : memref<!tpu.dma_semaphore, #tpu.memory_space<semaphore_mem>>) src(%dma_wait3A_587 : memref<10000x128xf32, #tpu.memory_space<hbm>>) dst(%dma_wait3A_581 : memref<80x128xf32, #tpu.memory_space<vmem>>)
      %add3A_588 = arith.constant 3 : i32
      %add3A_589 = arith.addi %add3A_574, %add3A_588 : i32
      %sub3A_590 = arith.constant 1 : i32
      %sub3A_591 = arith.subi %add3A_589, %sub3A_590 : i32
      %lt3A_592 = arith.constant 125 : i32
      %lt3A_593 = arith.cmpi slt, %sub3A_591, %lt3A_592 : i32
      %convert_element_type3A_594 = arith.extui %lt3A_593 : i1 to i32
      %cond3A_595 = arith.constant 0 : i32
      %cond3A_596 = arith.cmpi ne, %convert_element_type3A_594, %cond3A_595 : i32
      scf.if %cond3A_596 {
        %add3A_606 = arith.constant 3 : i32
        %add3A_607 = arith.addi %add3A_574, %add3A_606 : i32
        %sub3A_608 = arith.constant 1 : i32
        %sub3A_609 = arith.subi %add3A_607, %sub3A_608 : i32
        %mul3A_610 = arith.constant 80 : i32
        %mul3A_611 = arith.muli %sub3A_609, %mul3A_610 : i32
        %add3A_612 = arith.addi %mul3A_2, %mul3A_611 : i32
        %dma_wait3A_613 = arith.constant 3 : i32
        %dma_wait3A_614 = arith.constant 0 : i32
        %dma_wait3A_615 = arith.constant 0 : i32
        %dma_wait3A_616 = tpu.memref_slice %arg6[%dma_wait3A_613, %dma_wait3A_614, %dma_wait3A_615] : memref<6x2x80xi32, #tpu.memory_space<vmem>> -> memref<1x1x80xi32, #tpu.memory_space<vmem>>
        %dma_wait3A_617 = tpu.memref_squeeze %dma_wait3A_616 : memref<1x1x80xi32, #tpu.memory_space<vmem>> -> memref<80xi32, #tpu.memory_space<vmem>>
        %dma_wait3A_618 = tpu.memref_slice %arg3[%add3A_612] : memref<320000xi32, #tpu.memory_space<hbm>> -> memref<80xi32, #tpu.memory_space<hbm>>
        %dma_wait3A_619 = arith.constant 0 : i32
        %dma_wait3A_620 = tpu.memref_slice %arg6[%dma_wait3A_613, %dma_wait3A_614, %dma_wait3A_619] : memref<6x2x80xi32, #tpu.memory_space<vmem>> -> memref<1x1x80xi32, #tpu.memory_space<vmem>>
        %dma_wait3A_621 = tpu.memref_squeeze %dma_wait3A_620 : memref<1x1x80xi32, #tpu.memory_space<vmem>> -> memref<80xi32, #tpu.memory_space<vmem>>
        %dma_wait3A_622 = tpu.memref_slice %arg3[%add3A_612] : memref<320000xi32, #tpu.memory_space<hbm>> -> memref<80xi32, #tpu.memory_space<hbm>>
        tpu.wait_dma2 semaphore(%arg12 : memref<!tpu.dma_semaphore, #tpu.memory_space<semaphore_mem>>) src(%dma_wait3A_622 : memref<80xi32, #tpu.memory_space<hbm>>) dst(%dma_wait3A_621 : memref<80xi32, #tpu.memory_space<vmem>>)
        %dma_wait3A_623 = arith.constant 3 : i32
        %dma_wait3A_624 = arith.constant 1 : i32
        %dma_wait3A_625 = arith.constant 0 : i32
        %dma_wait3A_626 = tpu.memref_slice %arg6[%dma_wait3A_623, %dma_wait3A_624, %dma_wait3A_625] : memref<6x2x80xi32, #tpu.memory_space<vmem>> -> memref<1x1x80xi32, #tpu.memory_space<vmem>>
        %dma_wait3A_627 = tpu.memref_squeeze %dma_wait3A_626 : memref<1x1x80xi32, #tpu.memory_space<vmem>> -> memref<80xi32, #tpu.memory_space<vmem>>
        %dma_wait3A_628 = tpu.memref_slice %arg4[%add3A_612] : memref<320000xi32, #tpu.memory_space<hbm>> -> memref<80xi32, #tpu.memory_space<hbm>>
        %dma_wait3A_629 = arith.constant 0 : i32
        %dma_wait3A_630 = tpu.memref_slice %arg6[%dma_wait3A_623, %dma_wait3A_624, %dma_wait3A_629] : memref<6x2x80xi32, #tpu.memory_space<vmem>> -> memref<1x1x80xi32, #tpu.memory_space<vmem>>
        %dma_wait3A_631 = tpu.memref_squeeze %dma_wait3A_630 : memref<1x1x80xi32, #tpu.memory_space<vmem>> -> memref<80xi32, #tpu.memory_space<vmem>>
        %dma_wait3A_632 = tpu.memref_slice %arg4[%add3A_612] : memref<320000xi32, #tpu.memory_space<hbm>> -> memref<80xi32, #tpu.memory_space<hbm>>
        tpu.wait_dma2 semaphore(%arg12 : memref<!tpu.dma_semaphore, #tpu.memory_space<semaphore_mem>>) src(%dma_wait3A_632 : memref<80xi32, #tpu.memory_space<hbm>>) dst(%dma_wait3A_631 : memref<80xi32, #tpu.memory_space<vmem>>)
        %dma_start3A_633 = arith.constant 3 : i32
        %dma_start3A_634 = arith.constant 0 : i32
        %dma_start3A_635 = arith.constant 0 : i32
        %dma_start3A_636 = arith.constant 0 : i32
        %dma_start3A_637 = arith.constant 0 : i32
        %dma_start3A_638 = tpu.memref_slice %arg7[%dma_start3A_635, %dma_start3A_636, %dma_start3A_637] : memref<3x80x128xf32, #tpu.memory_space<vmem>> -> memref<1x80x128xf32, #tpu.memory_space<vmem>>
        %dma_start3A_639 = tpu.memref_squeeze %dma_start3A_638 : memref<1x80x128xf32, #tpu.memory_space<vmem>> -> memref<80x128xf32, #tpu.memory_space<vmem>>
        %dma_start3A_640 = arith.constant 0 : i32
        %dma_start3A_641 = tpu.memref_slice %arg6[%dma_start3A_633, %dma_start3A_634, %dma_start3A_640] : memref<6x2x80xi32, #tpu.memory_space<vmem>> -> memref<1x1x80xi32, #tpu.memory_space<vmem>>
        %dma_start3A_642 = tpu.memref_squeeze %dma_start3A_641 : memref<1x1x80xi32, #tpu.memory_space<vmem>> -> memref<80xi32, #tpu.memory_space<vmem>>
        %dma_start3A_643 = arith.constant 0 : i32
        %dma_start3A_644 = arith.constant 0 : i32
        %dma_start3A_645 = tpu.memref_slice %arg2[%dma_start3A_643, %dma_start3A_644] : memref<10000x128xf32, #tpu.memory_space<hbm>> -> memref<10000x128xf32, #tpu.memory_space<hbm>>
        tpu.enqueue_indirect_dma source(%dma_start3A_645 : memref<10000x128xf32, #tpu.memory_space<hbm>>) target(%dma_start3A_639 : memref<80x128xf32, #tpu.memory_space<vmem>>) offsets(%dma_start3A_642 : memref<80xi32, #tpu.memory_space<vmem>>) semaphore(%arg15 : memref<!tpu.dma_semaphore, #tpu.memory_space<semaphore_mem>>)
      } else {
      }
      %add3A_597 = arith.constant 6 : i32
      %add3A_598 = arith.addi %add3A_574, %add3A_597 : i32
      %sub3A_599 = arith.constant 2 : i32
      %sub3A_600 = arith.subi %add3A_598, %sub3A_599 : i32
      %lt3A_601 = arith.constant 125 : i32
      %lt3A_602 = arith.cmpi slt, %sub3A_600, %lt3A_601 : i32
      %convert_element_type3A_603 = arith.extui %lt3A_602 : i1 to i32
      %cond3A_604 = arith.constant 0 : i32
      %cond3A_605 = arith.cmpi ne, %convert_element_type3A_603, %cond3A_604 : i32
      scf.if %cond3A_605 {
        %add3A_606 = arith.constant 6 : i32
        %add3A_607 = arith.addi %add3A_574, %add3A_606 : i32
        %sub3A_608 = arith.constant 2 : i32
        %sub3A_609 = arith.subi %add3A_607, %sub3A_608 : i32
        %mul3A_610 = arith.constant 80 : i32
        %mul3A_611 = arith.muli %sub3A_609, %mul3A_610 : i32
        %add3A_612 = arith.addi %mul3A_2, %mul3A_611 : i32
        %dma_start3A_613 = arith.constant 5 : i32
        %dma_start3A_614 = arith.constant 0 : i32
        %dma_start3A_615 = arith.constant 0 : i32
        %dma_start3A_616 = tpu.memref_slice %arg6[%dma_start3A_613, %dma_start3A_614, %dma_start3A_615] : memref<6x2x80xi32, #tpu.memory_space<vmem>> -> memref<1x1x80xi32, #tpu.memory_space<vmem>>
        %dma_start3A_617 = tpu.memref_squeeze %dma_start3A_616 : memref<1x1x80xi32, #tpu.memory_space<vmem>> -> memref<80xi32, #tpu.memory_space<vmem>>
        %dma_start3A_618 = tpu.memref_slice %arg3[%add3A_612] : memref<320000xi32, #tpu.memory_space<hbm>> -> memref<80xi32, #tpu.memory_space<hbm>>
        %dma_start3A_619 = arith.constant 0 : i32
        %dma_start3A_620 = tpu.memref_slice %arg6[%dma_start3A_613, %dma_start3A_614, %dma_start3A_619] : memref<6x2x80xi32, #tpu.memory_space<vmem>> -> memref<1x1x80xi32, #tpu.memory_space<vmem>>
        %dma_start3A_621 = tpu.memref_squeeze %dma_start3A_620 : memref<1x1x80xi32, #tpu.memory_space<vmem>> -> memref<80xi32, #tpu.memory_space<vmem>>
        %dma_start3A_622 = tpu.memref_slice %arg3[%add3A_612] : memref<320000xi32, #tpu.memory_space<hbm>> -> memref<80xi32, #tpu.memory_space<hbm>>
        tpu.enqueue_dma source(%dma_start3A_622 : memref<80xi32, #tpu.memory_space<hbm>>) target(%dma_start3A_621 : memref<80xi32, #tpu.memory_space<vmem>>) target_semaphore(%arg14 : memref<!tpu.dma_semaphore, #tpu.memory_space<semaphore_mem>>)
        %dma_start3A_623 = arith.constant 5 : i32
        %dma_start3A_624 = arith.constant 1 : i32
        %dma_start3A_625 = arith.constant 0 : i32
        %dma_start3A_626 = tpu.memref_slice %arg6[%dma_start3A_623, %dma_start3A_624, %dma_start3A_625] : memref<6x2x80xi32, #tpu.memory_space<vmem>> -> memref<1x1x80xi32, #tpu.memory_space<vmem>>
        %dma_start3A_627 = tpu.memref_squeeze %dma_start3A_626 : memref<1x1x80xi32, #tpu.memory_space<vmem>> -> memref<80xi32, #tpu.memory_space<vmem>>
        %dma_start3A_628 = tpu.memref_slice %arg4[%add3A_612] : memref<320000xi32, #tpu.memory_space<hbm>> -> memref<80xi32, #tpu.memory_space<hbm>>
        %dma_start3A_629 = arith.constant 0 : i32
        %dma_start3A_630 = tpu.memref_slice %arg6[%dma_start3A_623, %dma_start3A_624, %dma_start3A_629] : memref<6x2x80xi32, #tpu.memory_space<vmem>> -> memref<1x1x80xi32, #tpu.memory_space<vmem>>
        %dma_start3A_631 = tpu.memref_squeeze %dma_start3A_630 : memref<1x1x80xi32, #tpu.memory_space<vmem>> -> memref<80xi32, #tpu.memory_space<vmem>>
        %dma_start3A_632 = tpu.memref_slice %arg4[%add3A_612] : memref<320000xi32, #tpu.memory_space<hbm>> -> memref<80xi32, #tpu.memory_space<hbm>>
        tpu.enqueue_dma source(%dma_start3A_632 : memref<80xi32, #tpu.memory_space<hbm>>) target(%dma_start3A_631 : memref<80xi32, #tpu.memory_space<vmem>>) target_semaphore(%arg14 : memref<!tpu.dma_semaphore, #tpu.memory_space<semaphore_mem>>)
      } else {
      }
    }
    %scan3A_320 = arith.constant 20 : i32
    %dma_wait3A_321 = arith.constant 2 : i32
    %dma_wait3A_322 = arith.constant 0 : i32
    %dma_wait3A_323 = arith.constant 2 : i32
    %dma_wait3A_324 = arith.constant 0 : i32
    %dma_wait3A_325 = arith.constant 0 : i32
    %dma_wait3A_326 = tpu.memref_slice %arg7[%dma_wait3A_323, %dma_wait3A_324, %dma_wait3A_325] : memref<3x80x128xf32, #tpu.memory_space<vmem>> -> memref<1x80x128xf32, #tpu.memory_space<vmem>>
    %dma_wait3A_327 = tpu.memref_squeeze %dma_wait3A_326 : memref<1x80x128xf32, #tpu.memory_space<vmem>> -> memref<80x128xf32, #tpu.memory_space<vmem>>
    %dma_wait3A_328 = arith.constant 0 : i32
    %dma_wait3A_329 = tpu.memref_slice %arg6[%dma_wait3A_321, %dma_wait3A_322, %dma_wait3A_328] : memref<6x2x80xi32, #tpu.memory_space<vmem>> -> memref<1x1x80xi32, #tpu.memory_space<vmem>>
    %dma_wait3A_330 = tpu.memref_squeeze %dma_wait3A_329 : memref<1x1x80xi32, #tpu.memory_space<vmem>> -> memref<80xi32, #tpu.memory_space<vmem>>
    %dma_wait3A_331 = arith.constant 0 : i32
    %dma_wait3A_332 = arith.constant 0 : i32
    %dma_wait3A_333 = tpu.memref_slice %arg2[%dma_wait3A_331, %dma_wait3A_332] : memref<10000x128xf32, #tpu.memory_space<hbm>> -> memref<10000x128xf32, #tpu.memory_space<hbm>>
    tpu.wait_indirect_dma semaphore(%arg17 : memref<!tpu.dma_semaphore, #tpu.memory_space<semaphore_mem>>) src(%dma_wait3A_333 : memref<10000x128xf32, #tpu.memory_space<hbm>>) dst(%dma_wait3A_327 : memref<80x128xf32, #tpu.memory_space<vmem>>)
    %add3A_334 = arith.constant 9920 : i32
    %add3A_335 = arith.addi %mul3A_2, %add3A_334 : i32
    %dma_wait3A_336 = arith.constant 4 : i32
    %dma_wait3A_337 = arith.constant 0 : i32
    %dma_wait3A_338 = arith.constant 0 : i32
    %dma_wait3A_339 = tpu.memref_slice %arg6[%dma_wait3A_336, %dma_wait3A_337, %dma_wait3A_338] : memref<6x2x80xi32, #tpu.memory_space<vmem>> -> memref<1x1x80xi32, #tpu.memory_space<vmem>>
    %dma_wait3A_340 = tpu.memref_squeeze %dma_wait3A_339 : memref<1x1x80xi32, #tpu.memory_space<vmem>> -> memref<80xi32, #tpu.memory_space<vmem>>
    %dma_wait3A_341 = tpu.memref_slice %arg3[%add3A_335] : memref<320000xi32, #tpu.memory_space<hbm>> -> memref<80xi32, #tpu.memory_space<hbm>>
    %dma_wait3A_342 = arith.constant 0 : i32
    %dma_wait3A_343 = tpu.memref_slice %arg6[%dma_wait3A_336, %dma_wait3A_337, %dma_wait3A_342] : memref<6x2x80xi32, #tpu.memory_space<vmem>> -> memref<1x1x80xi32, #tpu.memory_space<vmem>>
    %dma_wait3A_344 = tpu.memref_squeeze %dma_wait3A_343 : memref<1x1x80xi32, #tpu.memory_space<vmem>> -> memref<80xi32, #tpu.memory_space<vmem>>
    %dma_wait3A_345 = tpu.memref_slice %arg3[%add3A_335] : memref<320000xi32, #tpu.memory_space<hbm>> -> memref<80xi32, #tpu.memory_space<hbm>>
    tpu.wait_dma2 semaphore(%arg13 : memref<!tpu.dma_semaphore, #tpu.memory_space<semaphore_mem>>) src(%dma_wait3A_345 : memref<80xi32, #tpu.memory_space<hbm>>) dst(%dma_wait3A_344 : memref<80xi32, #tpu.memory_space<vmem>>)
    %dma_wait3A_346 = arith.constant 4 : i32
    %dma_wait3A_347 = arith.constant 1 : i32
    %dma_wait3A_348 = arith.constant 0 : i32
    %dma_wait3A_349 = tpu.memref_slice %arg6[%dma_wait3A_346, %dma_wait3A_347, %dma_wait3A_348] : memref<6x2x80xi32, #tpu.memory_space<vmem>> -> memref<1x1x80xi32, #tpu.memory_space<vmem>>
    %dma_wait3A_350 = tpu.memref_squeeze %dma_wait3A_349 : memref<1x1x80xi32, #tpu.memory_space<vmem>> -> memref<80xi32, #tpu.memory_space<vmem>>
    %dma_wait3A_351 = tpu.memref_slice %arg4[%add3A_335] : memref<320000xi32, #tpu.memory_space<hbm>> -> memref<80xi32, #tpu.memory_space<hbm>>
    %dma_wait3A_352 = arith.constant 0 : i32
    %dma_wait3A_353 = tpu.memref_slice %arg6[%dma_wait3A_346, %dma_wait3A_347, %dma_wait3A_352] : memref<6x2x80xi32, #tpu.memory_space<vmem>> -> memref<1x1x80xi32, #tpu.memory_space<vmem>>
    %dma_wait3A_354 = tpu.memref_squeeze %dma_wait3A_353 : memref<1x1x80xi32, #tpu.memory_space<vmem>> -> memref<80xi32, #tpu.memory_space<vmem>>
    %dma_wait3A_355 = tpu.memref_slice %arg4[%add3A_335] : memref<320000xi32, #tpu.memory_space<hbm>> -> memref<80xi32, #tpu.memory_space<hbm>>
    tpu.wait_dma2 semaphore(%arg13 : memref<!tpu.dma_semaphore, #tpu.memory_space<semaphore_mem>>) src(%dma_wait3A_355 : memref<80xi32, #tpu.memory_space<hbm>>) dst(%dma_wait3A_354 : memref<80xi32, #tpu.memory_space<vmem>>)
    %dma_start3A_356 = arith.constant 4 : i32
    %dma_start3A_357 = arith.constant 0 : i32
    %dma_start3A_358 = arith.constant 1 : i32
    %dma_start3A_359 = arith.constant 0 : i32
    %dma_start3A_360 = arith.constant 0 : i32
    %dma_start3A_361 = tpu.memref_slice %arg7[%dma_start3A_358, %dma_start3A_359, %dma_start3A_360] : memref<3x80x128xf32, #tpu.memory_space<vmem>> -> memref<1x80x128xf32, #tpu.memory_space<vmem>>
    %dma_start3A_362 = tpu.memref_squeeze %dma_start3A_361 : memref<1x80x128xf32, #tpu.memory_space<vmem>> -> memref<80x128xf32, #tpu.memory_space<vmem>>
    %dma_start3A_363 = arith.constant 0 : i32
    %dma_start3A_364 = tpu.memref_slice %arg6[%dma_start3A_356, %dma_start3A_357, %dma_start3A_363] : memref<6x2x80xi32, #tpu.memory_space<vmem>> -> memref<1x1x80xi32, #tpu.memory_space<vmem>>
    %dma_start3A_365 = tpu.memref_squeeze %dma_start3A_364 : memref<1x1x80xi32, #tpu.memory_space<vmem>> -> memref<80xi32, #tpu.memory_space<vmem>>
    %dma_start3A_366 = arith.constant 0 : i32
    %dma_start3A_367 = arith.constant 0 : i32
    %dma_start3A_368 = tpu.memref_slice %arg2[%dma_start3A_366, %dma_start3A_367] : memref<10000x128xf32, #tpu.memory_space<hbm>> -> memref<10000x128xf32, #tpu.memory_space<hbm>>
    tpu.enqueue_indirect_dma source(%dma_start3A_368 : memref<10000x128xf32, #tpu.memory_space<hbm>>) target(%dma_start3A_362 : memref<80x128xf32, #tpu.memory_space<vmem>>) offsets(%dma_start3A_365 : memref<80xi32, #tpu.memory_space<vmem>>) semaphore(%arg16 : memref<!tpu.dma_semaphore, #tpu.memory_space<semaphore_mem>>)
    %dma_wait3A_369 = arith.constant 3 : i32
    %dma_wait3A_370 = arith.constant 0 : i32
    %dma_wait3A_371 = arith.constant 0 : i32
    %dma_wait3A_372 = arith.constant 0 : i32
    %dma_wait3A_373 = arith.constant 0 : i32
    %dma_wait3A_374 = tpu.memref_slice %arg7[%dma_wait3A_371, %dma_wait3A_372, %dma_wait3A_373] : memref<3x80x128xf32, #tpu.memory_space<vmem>> -> memref<1x80x128xf32, #tpu.memory_space<vmem>>
    %dma_wait3A_375 = tpu.memref_squeeze %dma_wait3A_374 : memref<1x80x128xf32, #tpu.memory_space<vmem>> -> memref<80x128xf32, #tpu.memory_space<vmem>>
    %dma_wait3A_376 = arith.constant 0 : i32
    %dma_wait3A_377 = tpu.memref_slice %arg6[%dma_wait3A_369, %dma_wait3A_370, %dma_wait3A_376] : memref<6x2x80xi32, #tpu.memory_space<vmem>> -> memref<1x1x80xi32, #tpu.memory_space<vmem>>
    %dma_wait3A_378 = tpu.memref_squeeze %dma_wait3A_377 : memref<1x1x80xi32, #tpu.memory_space<vmem>> -> memref<80xi32, #tpu.memory_space<vmem>>
    %dma_wait3A_379 = arith.constant 0 : i32
    %dma_wait3A_380 = arith.constant 0 : i32
    %dma_wait3A_381 = tpu.memref_slice %arg2[%dma_wait3A_379, %dma_wait3A_380] : memref<10000x128xf32, #tpu.memory_space<hbm>> -> memref<10000x128xf32, #tpu.memory_space<hbm>>
    tpu.wait_indirect_dma semaphore(%arg15 : memref<!tpu.dma_semaphore, #tpu.memory_space<semaphore_mem>>) src(%dma_wait3A_381 : memref<10000x128xf32, #tpu.memory_space<hbm>>) dst(%dma_wait3A_375 : memref<80x128xf32, #tpu.memory_space<vmem>>)
    %dma_wait3A_382 = arith.constant 4 : i32
    %dma_wait3A_383 = arith.constant 0 : i32
    %dma_wait3A_384 = arith.constant 1 : i32
    %dma_wait3A_385 = arith.constant 0 : i32
    %dma_wait3A_386 = arith.constant 0 : i32
    %dma_wait3A_387 = tpu.memref_slice %arg7[%dma_wait3A_384, %dma_wait3A_385, %dma_wait3A_386] : memref<3x80x128xf32, #tpu.memory_space<vmem>> -> memref<1x80x128xf32, #tpu.memory_space<vmem>>
    %dma_wait3A_388 = tpu.memref_squeeze %dma_wait3A_387 : memref<1x80x128xf32, #tpu.memory_space<vmem>> -> memref<80x128xf32, #tpu.memory_space<vmem>>
    %dma_wait3A_389 = arith.constant 0 : i32
    %dma_wait3A_390 = tpu.memref_slice %arg6[%dma_wait3A_382, %dma_wait3A_383, %dma_wait3A_389] : memref<6x2x80xi32, #tpu.memory_space<vmem>> -> memref<1x1x80xi32, #tpu.memory_space<vmem>>
    %dma_wait3A_391 = tpu.memref_squeeze %dma_wait3A_390 : memref<1x1x80xi32, #tpu.memory_space<vmem>> -> memref<80xi32, #tpu.memory_space<vmem>>
    %dma_wait3A_392 = arith.constant 0 : i32
    %dma_wait3A_393 = arith.constant 0 : i32
    %dma_wait3A_394 = tpu.memref_slice %arg2[%dma_wait3A_392, %dma_wait3A_393] : memref<10000x128xf32, #tpu.memory_space<hbm>> -> memref<10000x128xf32, #tpu.memory_space<hbm>>
    tpu.wait_indirect_dma semaphore(%arg16 : memref<!tpu.dma_semaphore, #tpu.memory_space<semaphore_mem>>) src(%dma_wait3A_394 : memref<10000x128xf32, #tpu.memory_space<hbm>>) dst(%dma_wait3A_388 : memref<80x128xf32, #tpu.memory_space<vmem>>)
    %barrier3A_395 = arith.constant 0 : index
    tpu.barrier barrier_id(%barrier3A_395)
    %while3A_396 = arith.constant 0 : i32
    %while3A_397 = arith.constant 0 : i32
    %while3A_398 = arith.subi %select_n3A, %while3A_397 : i32
    %while3A_399 = arith.addi %while3A_397, %while3A_398 : i32
    %while3A_400 = arith.constant 1 : i32
    %while3A_401 = arith.divsi %while3A_398, %while3A_400 : i32
    %while3A_402 = arith.muli %while3A_401, %while3A_400 : i32
    %while3A_403 = arith.addi %while3A_397, %while3A_402 : i32
    %while3A_404 = arith.constant 1 : i32
    scf.for %while3A_406 = %while3A_397 to %while3A_403 step %while3A_404  : i32 {
      %mul3A_407 = arith.constant 16 : i32
      %mul3A_408 = arith.muli %mul3A_407, %while3A_406 : i32
      %add3A_409 = arith.addi %arg1, %mul3A_408 : i32
      %mul3A_410 = arith.constant 80 : i32
      %mul3A_411 = arith.muli %add3A_409, %mul3A_410 : i32
      "tpu.region"() ({
        %run_scoped3A = tpu.sem_alloc : memref<!tpu.dma_semaphore, #tpu.memory_space<semaphore_mem>>
        %dma_start3A_412 = arith.constant 0 : i32
        %dma_start3A_413 = tpu.memref_slice %arg5[%arg0, %mul3A_411, %dma_start3A_412] : memref<2x10000x128xf32, #tpu.memory_space<hbm>> -> memref<1x80x128xf32, #tpu.memory_space<hbm>>
        %dma_start3A_414 = tpu.memref_squeeze %dma_start3A_413 : memref<1x80x128xf32, #tpu.memory_space<hbm>> -> memref<80x128xf32, #tpu.memory_space<hbm>>
        %dma_start3A_415 = arith.constant 0 : i32
        %dma_start3A_416 = tpu.memref_slice %arg8[%mul3A_411, %dma_start3A_415] : memref<10000x128xf32, #tpu.memory_space<vmem_shared>> -> memref<80x128xf32, #tpu.memory_space<vmem_shared>>
        tpu.enqueue_dma source(%dma_start3A_416 : memref<80x128xf32, #tpu.memory_space<vmem_shared>>) target(%dma_start3A_414 : memref<80x128xf32, #tpu.memory_space<hbm>>) target_semaphore(%run_scoped3A : memref<!tpu.dma_semaphore, #tpu.memory_space<semaphore_mem>>)
        %dma_wait3A_417 = arith.constant 0 : i32
        %dma_wait3A_418 = tpu.memref_slice %arg5[%arg0, %mul3A_411, %dma_wait3A_417] : memref<2x10000x128xf32, #tpu.memory_space<hbm>> -> memref<1x80x128xf32, #tpu.memory_space<hbm>>
        %dma_wait3A_419 = tpu.memref_squeeze %dma_wait3A_418 : memref<1x80x128xf32, #tpu.memory_space<hbm>> -> memref<80x128xf32, #tpu.memory_space<hbm>>
        %dma_wait3A_420 = arith.constant 0 : i32
        %dma_wait3A_421 = tpu.memref_slice %arg8[%mul3A_411, %dma_wait3A_420] : memref<10000x128xf32, #tpu.memory_space<vmem_shared>> -> memref<80x128xf32, #tpu.memory_space<vmem_shared>>
        tpu.wait_dma2 semaphore(%run_scoped3A : memref<!tpu.dma_semaphore, #tpu.memory_space<semaphore_mem>>) src(%dma_wait3A_421 : memref<80x128xf32, #tpu.memory_space<vmem_shared>>) dst(%dma_wait3A_419 : memref<80x128xf32, #tpu.memory_space<hbm>>)
        tpu.yield
      }) : () -> ()
    }
    %while3A_405 = arith.constant 1 : i32
    scf.for %while3A_406 = %while3A_403 to %while3A_399 step %while3A_405  : i32 {
      %mul3A_407 = arith.constant 16 : i32
      %mul3A_408 = arith.muli %mul3A_407, %while3A_406 : i32
      %add3A_409 = arith.addi %arg1, %mul3A_408 : i32
      %mul3A_410 = arith.constant 80 : i32
      %mul3A_411 = arith.muli %add3A_409, %mul3A_410 : i32
      "tpu.region"() ({
        %run_scoped3A = tpu.sem_alloc : memref<!tpu.dma_semaphore, #tpu.memory_space<semaphore_mem>>
        %dma_start3A_412 = arith.constant 0 : i32
        %dma_start3A_413 = tpu.memref_slice %arg5[%arg0, %mul3A_411, %dma_start3A_412] : memref<2x10000x128xf32, #tpu.memory_space<hbm>> -> memref<1x80x128xf32, #tpu.memory_space<hbm>>
        %dma_start3A_414 = tpu.memref_squeeze %dma_start3A_413 : memref<1x80x128xf32, #tpu.memory_space<hbm>> -> memref<80x128xf32, #tpu.memory_space<hbm>>
        %dma_start3A_415 = arith.constant 0 : i32
        %dma_start3A_416 = tpu.memref_slice %arg8[%mul3A_411, %dma_start3A_415] : memref<10000x128xf32, #tpu.memory_space<vmem_shared>> -> memref<80x128xf32, #tpu.memory_space<vmem_shared>>
        tpu.enqueue_dma source(%dma_start3A_416 : memref<80x128xf32, #tpu.memory_space<vmem_shared>>) target(%dma_start3A_414 : memref<80x128xf32, #tpu.memory_space<hbm>>) target_semaphore(%run_scoped3A : memref<!tpu.dma_semaphore, #tpu.memory_space<semaphore_mem>>)
        %dma_wait3A_417 = arith.constant 0 : i32
        %dma_wait3A_418 = tpu.memref_slice %arg5[%arg0, %mul3A_411, %dma_wait3A_417] : memref<2x10000x128xf32, #tpu.memory_space<hbm>> -> memref<1x80x128xf32, #tpu.memory_space<hbm>>
        %dma_wait3A_419 = tpu.memref_squeeze %dma_wait3A_418 : memref<1x80x128xf32, #tpu.memory_space<hbm>> -> memref<80x128xf32, #tpu.memory_space<hbm>>
        %dma_wait3A_420 = arith.constant 0 : i32
        %dma_wait3A_421 = tpu.memref_slice %arg8[%mul3A_411, %dma_wait3A_420] : memref<10000x128xf32, #tpu.memory_space<vmem_shared>> -> memref<80x128xf32, #tpu.memory_space<vmem_shared>>
        tpu.wait_dma2 semaphore(%run_scoped3A : memref<!tpu.dma_semaphore, #tpu.memory_space<semaphore_mem>>) src(%dma_wait3A_421 : memref<80x128xf32, #tpu.memory_space<vmem_shared>>) dst(%dma_wait3A_419 : memref<80x128xf32, #tpu.memory_space<hbm>>)
        tpu.yield
      }) : () -> ()
    }
    return
  }
}

#map = affine_map<(d0, d1) -> (0, 0)>
#map1 = affine_map<(d0, d1) -> (0)>
#map2 = affine_map<(d0, d1) -> (0, 0, 0)>
module attributes {stable_mosaic.version = 14 : i64} {
  func.func @seg_kernel(%arg0: i32, %arg1: i32, %arg2: memref<10000x128xf32, #tpu.memory_space<hbm>>, %arg3: memref<320000xi32, #tpu.memory_space<hbm>>, %arg4: memref<320000xi32, #tpu.memory_space<hbm>>, %arg5: memref<2x10000x128xf32, #tpu.memory_space<hbm>>, %arg6: memref<6x2x80xi32, #tpu.memory_space<vmem>>, %arg7: memref<3x80x128xf32, #tpu.memory_space<vmem>>, %arg8: memref<10000x128xf32, #tpu.memory_space<vmem_shared>>, %arg9: memref<!tpu.dma_semaphore, #tpu.memory_space<semaphore_mem>>, %arg10: memref<!tpu.dma_semaphore, #tpu.memory_space<semaphore_mem>>, %arg11: memref<!tpu.dma_semaphore, #tpu.memory_space<semaphore_mem>>, %arg12: memref<!tpu.dma_semaphore, #tpu.memory_space<semaphore_mem>>, %arg13: memref<!tpu.dma_semaphore, #tpu.memory_space<semaphore_mem>>, %arg14: memref<!tpu.dma_semaphore, #tpu.memory_space<semaphore_mem>>, %arg15: memref<!tpu.dma_semaphore, #tpu.memory_space<semaphore_mem>>, %arg16: memref<!tpu.dma_semaphore, #tpu.memory_space<semaphore_mem>>, %arg17: memref<!tpu.dma_semaphore, #tpu.memory_space<semaphore_mem>>, %arg18: memref<!tpu.dma_semaphore, #tpu.memory_space<semaphore_mem>>, %arg19: memref<!tpu.dma_semaphore, #tpu.memory_space<semaphore_mem>>, %arg20: memref<!tpu.dma_semaphore, #tpu.memory_space<semaphore_mem>>) attributes {dimension_semantics = [#tpu.dimension_semantics<core_parallel>, #tpu.dimension_semantics<subcore_parallel>], iteration_bounds = array<i64: 2, 16>, scalar_prefetch = 0 : i64, scratch_operands = 15 : i64, tpu.core_type = #tpu.core_type<sc_vector_subcore>, window_params = [{transform_indices = #map}, {transform_indices = #map1}, {transform_indices = #map1}, {transform_indices = #map2}]} {
    %mul3A = arith.constant 16 : i32
    %mul3A_0 = arith.muli %arg0, %mul3A : i32
    %add3A = arith.addi %mul3A_0, %arg1 : i32
    %mul3A_1 = arith.constant 10000 : i32
    %mul3A_2 = arith.muli %add3A, %mul3A_1 : i32
    %lt3A = arith.constant 13 : i32
    %lt3A_3 = arith.cmpi slt, %arg1, %lt3A : i32
    %jit3A = arith.constant 8 : i32
    %jit3A_4 = arith.constant 7 : i32
    %select_n3A = arith.select %lt3A_3, %jit3A, %jit3A_4 : i32
    %scan3A = arith.constant 0 : i32
    %scan3A_5 = arith.constant 0 : i32
    %scan3A_6 = arith.constant 80 : i32
    %scan3A_7 = arith.addi %scan3A_5, %scan3A_6 : i32
    %scan3A_8 = arith.constant 1 : i32
    scf.for %scan3A_406 = %scan3A_5 to %scan3A_7 step %scan3A_8  : i32 {
      %broadcast_in_dim3A = arith.constant 0.000000e+00 : f32
      %broadcast_in_dim3A_407 = vector.broadcast %broadcast_in_dim3A : f32 to vector<16xf32>
      %swap3A = arith.constant 0 : i32
      %swap3A_408 = arith.index_cast %swap3A : i32 to index
      %swap3A_409 = arith.index_cast %scan3A_406 : i32 to index
      %swap3A_410 = arith.constant 0 : index
      %swap3A_411 = tpu.vector_load %arg7[%swap3A_408, %swap3A_409, %swap3A_410] {strides = array<i32>} : memref<3x80x128xf32, #tpu.memory_space<vmem>>, vector<1x1x16xf32>,
      %swap3A_412 = vector.shape_cast %swap3A_411 : vector<1x1x16xf32> to vector<16xf32>
      %swap3A_413 = vector.shape_cast %broadcast_in_dim3A_407 : vector<16xf32> to vector<1x1x16xf32>
      tpu.vector_store %arg7[%swap3A_408, %swap3A_409, %swap3A_410], %swap3A_413 {strides = array<i32>} : memref<3x80x128xf32, #tpu.memory_space<vmem>>, vector<1x1x16xf32>,
      %broadcast_in_dim3A_414 = arith.constant 0.000000e+00 : f32
      %broadcast_in_dim3A_415 = vector.broadcast %broadcast_in_dim3A_414 : f32 to vector<16xf32>
      %swap3A_416 = arith.constant 0 : i32
      %swap3A_417 = arith.index_cast %swap3A_416 : i32 to index
      %swap3A_418 = arith.index_cast %scan3A_406 : i32 to index
      %swap3A_419 = arith.constant 16 : index
      %swap3A_420 = tpu.vector_load %arg7[%swap3A_417, %swap3A_418, %swap3A_419] {strides = array<i32>} : memref<3x80x128xf32, #tpu.memory_space<vmem>>, vector<1x1x16xf32>,
      %swap3A_421 = vector.shape_cast %swap3A_420 : vector<1x1x16xf32> to vector<16xf32>
      %swap3A_422 = vector.shape_cast %broadcast_in_dim3A_415 : vector<16xf32> to vector<1x1x16xf32>
      tpu.vector_store %arg7[%swap3A_417, %swap3A_418, %swap3A_419], %swap3A_422 {strides = array<i32>} : memref<3x80x128xf32, #tpu.memory_space<vmem>>, vector<1x1x16xf32>,
      %broadcast_in_dim3A_423 = arith.constant 0.000000e+00 : f32
      %broadcast_in_dim3A_424 = vector.broadcast %broadcast_in_dim3A_423 : f32 to vector<16xf32>
      %swap3A_425 = arith.constant 0 : i32
      %swap3A_426 = arith.index_cast %swap3A_425 : i32 to index
      %swap3A_427 = arith.index_cast %scan3A_406 : i32 to index
      %swap3A_428 = arith.constant 32 : index
      %swap3A_429 = tpu.vector_load %arg7[%swap3A_426, %swap3A_427, %swap3A_428] {strides = array<i32>} : memref<3x80x128xf32, #tpu.memory_space<vmem>>, vector<1x1x16xf32>,
      %swap3A_430 = vector.shape_cast %swap3A_429 : vector<1x1x16xf32> to vector<16xf32>
      %swap3A_431 = vector.shape_cast %broadcast_in_dim3A_424 : vector<16xf32> to vector<1x1x16xf32>
      tpu.vector_store %arg7[%swap3A_426, %swap3A_427, %swap3A_428], %swap3A_431 {strides = array<i32>} : memref<3x80x128xf32, #tpu.memory_space<vmem>>, vector<1x1x16xf32>,
      %broadcast_in_dim3A_432 = arith.constant 0.000000e+00 : f32
      %broadcast_in_dim3A_433 = vector.broadcast %broadcast_in_dim3A_432 : f32 to vector<16xf32>
      %swap3A_434 = arith.constant 0 : i32
      %swap3A_435 = arith.index_cast %swap3A_434 : i32 to index
      %swap3A_436 = arith.index_cast %scan3A_406 : i32 to index
      %swap3A_437 = arith.constant 48 : index
      %swap3A_438 = tpu.vector_load %arg7[%swap3A_435, %swap3A_436, %swap3A_437] {strides = array<i32>} : memref<3x80x128xf32, #tpu.memory_space<vmem>>, vector<1x1x16xf32>,
      %swap3A_439 = vector.shape_cast %swap3A_438 : vector<1x1x16xf32> to vector<16xf32>
      %swap3A_440 = vector.shape_cast %broadcast_in_dim3A_433 : vector<16xf32> to vector<1x1x16xf32>
      tpu.vector_store %arg7[%swap3A_435, %swap3A_436, %swap3A_437], %swap3A_440 {strides = array<i32>} : memref<3x80x128xf32, #tpu.memory_space<vmem>>, vector<1x1x16xf32>,
      %broadcast_in_dim3A_441 = arith.constant 0.000000e+00 : f32
      %broadcast_in_dim3A_442 = vector.broadcast %broadcast_in_dim3A_441 : f32 to vector<16xf32>
      %swap3A_443 = arith.constant 0 : i32
      %swap3A_444 = arith.index_cast %swap3A_443 : i32 to index
      %swap3A_445 = arith.index_cast %scan3A_406 : i32 to index
      %swap3A_446 = arith.constant 64 : index
      %swap3A_447 = tpu.vector_load %arg7[%swap3A_444, %swap3A_445, %swap3A_446] {strides = array<i32>} : memref<3x80x128xf32, #tpu.memory_space<vmem>>, vector<1x1x16xf32>,
      %swap3A_448 = vector.shape_cast %swap3A_447 : vector<1x1x16xf32> to vector<16xf32>
      %swap3A_449 = vector.shape_cast %broadcast_in_dim3A_442 : vector<16xf32> to vector<1x1x16xf32>
      tpu.vector_store %arg7[%swap3A_444, %swap3A_445, %swap3A_446], %swap3A_449 {strides = array<i32>} : memref<3x80x128xf32, #tpu.memory_space<vmem>>, vector<1x1x16xf32>,
      %broadcast_in_dim3A_450 = arith.constant 0.000000e+00 : f32
      %broadcast_in_dim3A_451 = vector.broadcast %broadcast_in_dim3A_450 : f32 to vector<16xf32>
      %swap3A_452 = arith.constant 0 : i32
      %swap3A_453 = arith.index_cast %swap3A_452 : i32 to index
      %swap3A_454 = arith.index_cast %scan3A_406 : i32 to index
      %swap3A_455 = arith.constant 80 : index
      %swap3A_456 = tpu.vector_load %arg7[%swap3A_453, %swap3A_454, %swap3A_455] {strides = array<i32>} : memref<3x80x128xf32, #tpu.memory_space<vmem>>, vector<1x1x16xf32>,
      %swap3A_457 = vector.shape_cast %swap3A_456 : vector<1x1x16xf32> to vector<16xf32>
      %swap3A_458 = vector.shape_cast %broadcast_in_dim3A_451 : vector<16xf32> to vector<1x1x16xf32>
      tpu.vector_store %arg7[%swap3A_453, %swap3A_454, %swap3A_455], %swap3A_458 {strides = array<i32>} : memref<3x80x128xf32, #tpu.memory_space<vmem>>, vector<1x1x16xf32>,
      %broadcast_in_dim3A_459 = arith.constant 0.000000e+00 : f32
      %broadcast_in_dim3A_460 = vector.broadcast %broadcast_in_dim3A_459 : f32 to vector<16xf32>
      %swap3A_461 = arith.constant 0 : i32
      %swap3A_462 = arith.index_cast %swap3A_461 : i32 to index
      %swap3A_463 = arith.index_cast %scan3A_406 : i32 to index
      %swap3A_464 = arith.constant 96 : index
      %swap3A_465 = tpu.vector_load %arg7[%swap3A_462, %swap3A_463, %swap3A_464] {strides = array<i32>} : memref<3x80x128xf32, #tpu.memory_space<vmem>>, vector<1x1x16xf32>,
      %swap3A_466 = vector.shape_cast %swap3A_465 : vector<1x1x16xf32> to vector<16xf32>
      %swap3A_467 = vector.shape_cast %broadcast_in_dim3A_460 : vector<16xf32> to vector<1x1x16xf32>
      tpu.vector_store %arg7[%swap3A_462, %swap3A_463, %swap3A_464], %swap3A_467 {strides = array<i32>} : memref<3x80x128xf32, #tpu.memory_space<vmem>>, vector<1x1x16xf32>,
      %broadcast_in_dim3A_468 = arith.constant 0.000000e+00 : f32
      %broadcast_in_dim3A_469 = vector.broadcast %broadcast_in_dim3A_468 : f32 to vector<16xf32>
      %swap3A_470 = arith.constant 0 : i32
      %swap3A_471 = arith.index_cast %swap3A_470 : i32 to index
      %swap3A_472 = arith.index_cast %scan3A_406 : i32 to index
      %swap3A_473 = arith.constant 112 : index
      %swap3A_474 = tpu.vector_load %arg7[%swap3A_471, %swap3A_472, %swap3A_473] {strides = array<i32>} : memref<3x80x128xf32, #tpu.memory_space<vmem>>, vector<1x1x16xf32>,
      %swap3A_475 = vector.shape_cast %swap3A_474 : vector<1x1x16xf32> to vector<16xf32>
      %swap3A_476 = vector.shape_cast %broadcast_in_dim3A_469 : vector<16xf32> to vector<1x1x16xf32>
      tpu.vector_store %arg7[%swap3A_471, %swap3A_472, %swap3A_473], %swap3A_476 {strides = array<i32>} : memref<3x80x128xf32, #tpu.memory_space<vmem>>, vector<1x1x16xf32>,
    }
    %scan3A_9 = arith.constant 80 : i32
    %while3A = arith.constant 0 : i32
    %while3A_10 = arith.constant 0 : i32
    %while3A_11 = arith.subi %select_n3A, %while3A_10 : i32
    %while3A_12 = arith.addi %while3A_10, %while3A_11 : i32
    %while3A_13 = arith.constant 1 : i32
    %while3A_14 = arith.divsi %while3A_11, %while3A_13 : i32
    %while3A_15 = arith.muli %while3A_14, %while3A_13 : i32
    %while3A_16 = arith.addi %while3A_10, %while3A_15 : i32
    %while3A_17 = arith.constant 1 : i32
    scf.for %while3A_406 = %while3A_10 to %while3A_16 step %while3A_17  : i32 {
      %mul3A_407 = arith.constant 16 : i32
      %mul3A_408 = arith.muli %mul3A_407, %while3A_406 : i32
      %add3A_409 = arith.addi %arg1, %mul3A_408 : i32
      %mul3A_410 = arith.constant 80 : i32
      %mul3A_411 = arith.muli %add3A_409, %mul3A_410 : i32
      %run_scoped3A = arith.constant 0 : i32
      "tpu.region"() ({
        %run_scoped3A_412 = tpu.sem_alloc : memref<!tpu.dma_semaphore, #tpu.memory_space<semaphore_mem>>
        %dma_start3A_413 = arith.constant 0 : i32
        %dma_start3A_414 = arith.constant 0 : i32
        %dma_start3A_415 = tpu.memref_slice %arg7[%run_scoped3A, %dma_start3A_413, %dma_start3A_414] : memref<3x80x128xf32, #tpu.memory_space<vmem>> -> memref<1x80x128xf32, #tpu.memory_space<vmem>>
        %dma_start3A_416 = tpu.memref_squeeze %dma_start3A_415 : memref<1x80x128xf32, #tpu.memory_space<vmem>> -> memref<80x128xf32, #tpu.memory_space<vmem>>
        %dma_start3A_417 = arith.constant 0 : i32
        %dma_start3A_418 = tpu.memref_slice %arg8[%mul3A_411, %dma_start3A_417] : memref<10000x128xf32, #tpu.memory_space<vmem_shared>> -> memref<80x128xf32, #tpu.memory_space<vmem_shared>>
        %dma_start3A_419 = arith.constant 0 : i32
        %dma_start3A_420 = tpu.memref_slice %arg8[%mul3A_411, %dma_start3A_419] : memref<10000x128xf32, #tpu.memory_space<vmem_shared>> -> memref<80x128xf32, #tpu.memory_space<vmem_shared>>
        %dma_start3A_421 = arith.constant 0 : i32
        %dma_start3A_422 = arith.constant 0 : i32
        %dma_start3A_423 = tpu.memref_slice %arg7[%run_scoped3A, %dma_start3A_421, %dma_start3A_422] : memref<3x80x128xf32, #tpu.memory_space<vmem>> -> memref<1x80x128xf32, #tpu.memory_space<vmem>>
        %dma_start3A_424 = tpu.memref_squeeze %dma_start3A_423 : memref<1x80x128xf32, #tpu.memory_space<vmem>> -> memref<80x128xf32, #tpu.memory_space<vmem>>
        tpu.enqueue_dma source(%dma_start3A_424 : memref<80x128xf32, #tpu.memory_space<vmem>>) target(%dma_start3A_420 : memref<80x128xf32, #tpu.memory_space<vmem_shared>>) target_semaphore(%run_scoped3A_412 : memref<!tpu.dma_semaphore, #tpu.memory_space<semaphore_mem>>)
        %dma_wait3A_425 = arith.constant 0 : i32
        %dma_wait3A_426 = arith.constant 0 : i32
        %dma_wait3A_427 = tpu.memref_slice %arg7[%run_scoped3A, %dma_wait3A_425, %dma_wait3A_426] : memref<3x80x128xf32, #tpu.memory_space<vmem>> -> memref<1x80x128xf32, #tpu.memory_space<vmem>>
        %dma_wait3A_428 = tpu.memref_squeeze %dma_wait3A_427 : memref<1x80x128xf32, #tpu.memory_space<vmem>> -> memref<80x128xf32, #tpu.memory_space<vmem>>
        %dma_wait3A_429 = arith.constant 0 : i32
        %dma_wait3A_430 = tpu.memref_slice %arg8[%mul3A_411, %dma_wait3A_429] : memref<10000x128xf32, #tpu.memory_space<vmem_shared>> -> memref<80x128xf32, #tpu.memory_space<vmem_shared>>
        %dma_wait3A_431 = arith.constant 0 : i32
        %dma_wait3A_432 = tpu.memref_slice %arg8[%mul3A_411, %dma_wait3A_431] : memref<10000x128xf32, #tpu.memory_space<vmem_shared>> -> memref<80x128xf32, #tpu.memory_space<vmem_shared>>
        %dma_wait3A_433 = arith.constant 0 : i32
        %dma_wait3A_434 = arith.constant 0 : i32
        %dma_wait3A_435 = tpu.memref_slice %arg7[%run_scoped3A, %dma_wait3A_433, %dma_wait3A_434] : memref<3x80x128xf32, #tpu.memory_space<vmem>> -> memref<1x80x128xf32, #tpu.memory_space<vmem>>
        %dma_wait3A_436 = tpu.memref_squeeze %dma_wait3A_435 : memref<1x80x128xf32, #tpu.memory_space<vmem>> -> memref<80x128xf32, #tpu.memory_space<vmem>>
        tpu.wait_dma2 semaphore(%run_scoped3A_412 : memref<!tpu.dma_semaphore, #tpu.memory_space<semaphore_mem>>) src(%dma_wait3A_436 : memref<80x128xf32, #tpu.memory_space<vmem>>) dst(%dma_wait3A_432 : memref<80x128xf32, #tpu.memory_space<vmem_shared>>)
        tpu.yield
      }) : () -> ()
    }
    %while3A_18 = arith.constant 1 : i32
    scf.for %while3A_406 = %while3A_16 to %while3A_12 step %while3A_18  : i32 {
      %mul3A_407 = arith.constant 16 : i32
      %mul3A_408 = arith.muli %mul3A_407, %while3A_406 : i32
      %add3A_409 = arith.addi %arg1, %mul3A_408 : i32
      %mul3A_410 = arith.constant 80 : i32
      %mul3A_411 = arith.muli %add3A_409, %mul3A_410 : i32
      %run_scoped3A = arith.constant 0 : i32
      "tpu.region"() ({
        %run_scoped3A_412 = tpu.sem_alloc : memref<!tpu.dma_semaphore, #tpu.memory_space<semaphore_mem>>
        %dma_start3A_413 = arith.constant 0 : i32
        %dma_start3A_414 = arith.constant 0 : i32
        %dma_start3A_415 = tpu.memref_slice %arg7[%run_scoped3A, %dma_start3A_413, %dma_start3A_414] : memref<3x80x128xf32, #tpu.memory_space<vmem>> -> memref<1x80x128xf32, #tpu.memory_space<vmem>>
        %dma_start3A_416 = tpu.memref_squeeze %dma_start3A_415 : memref<1x80x128xf32, #tpu.memory_space<vmem>> -> memref<80x128xf32, #tpu.memory_space<vmem>>
        %dma_start3A_417 = arith.constant 0 : i32
        %dma_start3A_418 = tpu.memref_slice %arg8[%mul3A_411, %dma_start3A_417] : memref<10000x128xf32, #tpu.memory_space<vmem_shared>> -> memref<80x128xf32, #tpu.memory_space<vmem_shared>>
        %dma_start3A_419 = arith.constant 0 : i32
        %dma_start3A_420 = tpu.memref_slice %arg8[%mul3A_411, %dma_start3A_419] : memref<10000x128xf32, #tpu.memory_space<vmem_shared>> -> memref<80x128xf32, #tpu.memory_space<vmem_shared>>
        %dma_start3A_421 = arith.constant 0 : i32
        %dma_start3A_422 = arith.constant 0 : i32
        %dma_start3A_423 = tpu.memref_slice %arg7[%run_scoped3A, %dma_start3A_421, %dma_start3A_422] : memref<3x80x128xf32, #tpu.memory_space<vmem>> -> memref<1x80x128xf32, #tpu.memory_space<vmem>>
        %dma_start3A_424 = tpu.memref_squeeze %dma_start3A_423 : memref<1x80x128xf32, #tpu.memory_space<vmem>> -> memref<80x128xf32, #tpu.memory_space<vmem>>
        tpu.enqueue_dma source(%dma_start3A_424 : memref<80x128xf32, #tpu.memory_space<vmem>>) target(%dma_start3A_420 : memref<80x128xf32, #tpu.memory_space<vmem_shared>>) target_semaphore(%run_scoped3A_412 : memref<!tpu.dma_semaphore, #tpu.memory_space<semaphore_mem>>)
        %dma_wait3A_425 = arith.constant 0 : i32
        %dma_wait3A_426 = arith.constant 0 : i32
        %dma_wait3A_427 = tpu.memref_slice %arg7[%run_scoped3A, %dma_wait3A_425, %dma_wait3A_426] : memref<3x80x128xf32, #tpu.memory_space<vmem>> -> memref<1x80x128xf32, #tpu.memory_space<vmem>>
        %dma_wait3A_428 = tpu.memref_squeeze %dma_wait3A_427 : memref<1x80x128xf32, #tpu.memory_space<vmem>> -> memref<80x128xf32, #tpu.memory_space<vmem>>
        %dma_wait3A_429 = arith.constant 0 : i32
        %dma_wait3A_430 = tpu.memref_slice %arg8[%mul3A_411, %dma_wait3A_429] : memref<10000x128xf32, #tpu.memory_space<vmem_shared>> -> memref<80x128xf32, #tpu.memory_space<vmem_shared>>
        %dma_wait3A_431 = arith.constant 0 : i32
        %dma_wait3A_432 = tpu.memref_slice %arg8[%mul3A_411, %dma_wait3A_431] : memref<10000x128xf32, #tpu.memory_space<vmem_shared>> -> memref<80x128xf32, #tpu.memory_space<vmem_shared>>
        %dma_wait3A_433 = arith.constant 0 : i32
        %dma_wait3A_434 = arith.constant 0 : i32
        %dma_wait3A_435 = tpu.memref_slice %arg7[%run_scoped3A, %dma_wait3A_433, %dma_wait3A_434] : memref<3x80x128xf32, #tpu.memory_space<vmem>> -> memref<1x80x128xf32, #tpu.memory_space<vmem>>
        %dma_wait3A_436 = tpu.memref_squeeze %dma_wait3A_435 : memref<1x80x128xf32, #tpu.memory_space<vmem>> -> memref<80x128xf32, #tpu.memory_space<vmem>>
        tpu.wait_dma2 semaphore(%run_scoped3A_412 : memref<!tpu.dma_semaphore, #tpu.memory_space<semaphore_mem>>) src(%dma_wait3A_436 : memref<80x128xf32, #tpu.memory_space<vmem>>) dst(%dma_wait3A_432 : memref<80x128xf32, #tpu.memory_space<vmem_shared>>)
        tpu.yield
      }) : () -> ()
    }
    %barrier3A = arith.constant 0 : index
    tpu.barrier barrier_id(%barrier3A)
    %add3A_19 = arith.constant 0 : i32
    %add3A_20 = arith.addi %mul3A_2, %add3A_19 : i32
    %dma_start3A = arith.constant 0 : i32
    %dma_start3A_21 = arith.constant 0 : i32
    %dma_start3A_22 = arith.constant 0 : i32
    %dma_start3A_23 = tpu.memref_slice %arg6[%dma_start3A, %dma_start3A_21, %dma_start3A_22] : memref<6x2x80xi32, #tpu.memory_space<vmem>> -> memref<1x1x80xi32, #tpu.memory_space<vmem>>
    %dma_start3A_24 = tpu.memref_squeeze %dma_start3A_23 : memref<1x1x80xi32, #tpu.memory_space<vmem>> -> memref<80xi32, #tpu.memory_space<vmem>>
    %dma_start3A_25 = tpu.memref_slice %arg3[%add3A_20] : memref<320000xi32, #tpu.memory_space<hbm>> -> memref<80xi32, #tpu.memory_space<hbm>>
    %dma_start3A_26 = arith.constant 0 : i32
    %dma_start3A_27 = tpu.memref_slice %arg6[%dma_start3A, %dma_start3A_21, %dma_start3A_26] : memref<6x2x80xi32, #tpu.memory_space<vmem>> -> memref<1x1x80xi32, #tpu.memory_space<vmem>>
    %dma_start3A_28 = tpu.memref_squeeze %dma_start3A_27 : memref<1x1x80xi32, #tpu.memory_space<vmem>> -> memref<80xi32, #tpu.memory_space<vmem>>
    %dma_start3A_29 = tpu.memref_slice %arg3[%add3A_20] : memref<320000xi32, #tpu.memory_space<hbm>> -> memref<80xi32, #tpu.memory_space<hbm>>
    tpu.enqueue_dma source(%dma_start3A_29 : memref<80xi32, #tpu.memory_space<hbm>>) target(%dma_start3A_28 : memref<80xi32, #tpu.memory_space<vmem>>) target_semaphore(%arg9 : memref<!tpu.dma_semaphore, #tpu.memory_space<semaphore_mem>>)
    %dma_start3A_30 = arith.constant 0 : i32
    %dma_start3A_31 = arith.constant 1 : i32
    %dma_start3A_32 = arith.constant 0 : i32
    %dma_start3A_33 = tpu.memref_slice %arg6[%dma_start3A_30, %dma_start3A_31, %dma_start3A_32] : memref<6x2x80xi32, #tpu.memory_space<vmem>> -> memref<1x1x80xi32, #tpu.memory_space<vmem>>
    %dma_start3A_34 = tpu.memref_squeeze %dma_start3A_33 : memref<1x1x80xi32, #tpu.memory_space<vmem>> -> memref<80xi32, #tpu.memory_space<vmem>>
    %dma_start3A_35 = tpu.memref_slice %arg4[%add3A_20] : memref<320000xi32, #tpu.memory_space<hbm>> -> memref<80xi32, #tpu.memory_space<hbm>>
    %dma_start3A_36 = arith.constant 0 : i32
    %dma_start3A_37 = tpu.memref_slice %arg6[%dma_start3A_30, %dma_start3A_31, %dma_start3A_36] : memref<6x2x80xi32, #tpu.memory_space<vmem>> -> memref<1x1x80xi32, #tpu.memory_space<vmem>>
    %dma_start3A_38 = tpu.memref_squeeze %dma_start3A_37 : memref<1x1x80xi32, #tpu.memory_space<vmem>> -> memref<80xi32, #tpu.memory_space<vmem>>
    %dma_start3A_39 = tpu.memref_slice %arg4[%add3A_20] : memref<320000xi32, #tpu.memory_space<hbm>> -> memref<80xi32, #tpu.memory_space<hbm>>
    tpu.enqueue_dma source(%dma_start3A_39 : memref<80xi32, #tpu.memory_space<hbm>>) target(%dma_start3A_38 : memref<80xi32, #tpu.memory_space<vmem>>) target_semaphore(%arg9 : memref<!tpu.dma_semaphore, #tpu.memory_space<semaphore_mem>>)
    %add3A_40 = arith.constant 80 : i32
    %add3A_41 = arith.addi %mul3A_2, %add3A_40 : i32
    %dma_start3A_42 = arith.constant 1 : i32
    %dma_start3A_43 = arith.constant 0 : i32
    %dma_start3A_44 = arith.constant 0 : i32
    %dma_start3A_45 = tpu.memref_slice %arg6[%dma_start3A_42, %dma_start3A_43, %dma_start3A_44] : memref<6x2x80xi32, #tpu.memory_space<vmem>> -> memref<1x1x80xi32, #tpu.memory_space<vmem>>
    %dma_start3A_46 = tpu.memref_squeeze %dma_start3A_45 : memref<1x1x80xi32, #tpu.memory_space<vmem>> -> memref<80xi32, #tpu.memory_space<vmem>>
    %dma_start3A_47 = tpu.memref_slice %arg3[%add3A_41] : memref<320000xi32, #tpu.memory_space<hbm>> -> memref<80xi32, #tpu.memory_space<hbm>>
    %dma_start3A_48 = arith.constant 0 : i32
    %dma_start3A_49 = tpu.memref_slice %arg6[%dma_start3A_42, %dma_start3A_43, %dma_start3A_48] : memref<6x2x80xi32, #tpu.memory_space<vmem>> -> memref<1x1x80xi32, #tpu.memory_space<vmem>>
    %dma_start3A_50 = tpu.memref_squeeze %dma_start3A_49 : memref<1x1x80xi32, #tpu.memory_space<vmem>> -> memref<80xi32, #tpu.memory_space<vmem>>
    %dma_start3A_51 = tpu.memref_slice %arg3[%add3A_41] : memref<320000xi32, #tpu.memory_space<hbm>> -> memref<80xi32, #tpu.memory_space<hbm>>
    tpu.enqueue_dma source(%dma_start3A_51 : memref<80xi32, #tpu.memory_space<hbm>>) target(%dma_start3A_50 : memref<80xi32, #tpu.memory_space<vmem>>) target_semaphore(%arg10 : memref<!tpu.dma_semaphore, #tpu.memory_space<semaphore_mem>>)
    %dma_start3A_52 = arith.constant 1 : i32
    %dma_start3A_53 = arith.constant 1 : i32
    %dma_start3A_54 = arith.constant 0 : i32
    %dma_start3A_55 = tpu.memref_slice %arg6[%dma_start3A_52, %dma_start3A_53, %dma_start3A_54] : memref<6x2x80xi32, #tpu.memory_space<vmem>> -> memref<1x1x80xi32, #tpu.memory_space<vmem>>
    %dma_start3A_56 = tpu.memref_squeeze %dma_start3A_55 : memref<1x1x80xi32, #tpu.memory_space<vmem>> -> memref<80xi32, #tpu.memory_space<vmem>>
    %dma_start3A_57 = tpu.memref_slice %arg4[%add3A_41] : memref<320000xi32, #tpu.memory_space<hbm>> -> memref<80xi32, #tpu.memory_space<hbm>>
    %dma_start3A_58 = arith.constant 0 : i32
    %dma_start3A_59 = tpu.memref_slice %arg6[%dma_start3A_52, %dma_start3A_53, %dma_start3A_58] : memref<6x2x80xi32, #tpu.memory_space<vmem>> -> memref<1x1x80xi32, #tpu.memory_space<vmem>>
    %dma_start3A_60 = tpu.memref_squeeze %dma_start3A_59 : memref<1x1x80xi32, #tpu.memory_space<vmem>> -> memref<80xi32, #tpu.memory_space<vmem>>
    %dma_start3A_61 = tpu.memref_slice %arg4[%add3A_41] : memref<320000xi32, #tpu.memory_space<hbm>> -> memref<80xi32, #tpu.memory_space<hbm>>
    tpu.enqueue_dma source(%dma_start3A_61 : memref<80xi32, #tpu.memory_space<hbm>>) target(%dma_start3A_60 : memref<80xi32, #tpu.memory_space<vmem>>) target_semaphore(%arg10 : memref<!tpu.dma_semaphore, #tpu.memory_space<semaphore_mem>>)
    %add3A_62 = arith.constant 160 : i32
    %add3A_63 = arith.addi %mul3A_2, %add3A_62 : i32
    %dma_start3A_64 = arith.constant 2 : i32
    %dma_start3A_65 = arith.constant 0 : i32
    %dma_start3A_66 = arith.constant 0 : i32
    %dma_start3A_67 = tpu.memref_slice %arg6[%dma_start3A_64, %dma_start3A_65, %dma_start3A_66] : memref<6x2x80xi32, #tpu.memory_space<vmem>> -> memref<1x1x80xi32, #tpu.memory_space<vmem>>
    %dma_start3A_68 = tpu.memref_squeeze %dma_start3A_67 : memref<1x1x80xi32, #tpu.memory_space<vmem>> -> memref<80xi32, #tpu.memory_space<vmem>>
    %dma_start3A_69 = tpu.memref_slice %arg3[%add3A_63] : memref<320000xi32, #tpu.memory_space<hbm>> -> memref<80xi32, #tpu.memory_space<hbm>>
    %dma_start3A_70 = arith.constant 0 : i32
    %dma_start3A_71 = tpu.memref_slice %arg6[%dma_start3A_64, %dma_start3A_65, %dma_start3A_70] : memref<6x2x80xi32, #tpu.memory_space<vmem>> -> memref<1x1x80xi32, #tpu.memory_space<vmem>>
    %dma_start3A_72 = tpu.memref_squeeze %dma_start3A_71 : memref<1x1x80xi32, #tpu.memory_space<vmem>> -> memref<80xi32, #tpu.memory_space<vmem>>
    %dma_start3A_73 = tpu.memref_slice %arg3[%add3A_63] : memref<320000xi32, #tpu.memory_space<hbm>> -> memref<80xi32, #tpu.memory_space<hbm>>
    tpu.enqueue_dma source(%dma_start3A_73 : memref<80xi32, #tpu.memory_space<hbm>>) target(%dma_start3A_72 : memref<80xi32, #tpu.memory_space<vmem>>) target_semaphore(%arg11 : memref<!tpu.dma_semaphore, #tpu.memory_space<semaphore_mem>>)
    %dma_start3A_74 = arith.constant 2 : i32
    %dma_start3A_75 = arith.constant 1 : i32
    %dma_start3A_76 = arith.constant 0 : i32
    %dma_start3A_77 = tpu.memref_slice %arg6[%dma_start3A_74, %dma_start3A_75, %dma_start3A_76] : memref<6x2x80xi32, #tpu.memory_space<vmem>> -> memref<1x1x80xi32, #tpu.memory_space<vmem>>
    %dma_start3A_78 = tpu.memref_squeeze %dma_start3A_77 : memref<1x1x80xi32, #tpu.memory_space<vmem>> -> memref<80xi32, #tpu.memory_space<vmem>>
    %dma_start3A_79 = tpu.memref_slice %arg4[%add3A_63] : memref<320000xi32, #tpu.memory_space<hbm>> -> memref<80xi32, #tpu.memory_space<hbm>>
    %dma_start3A_80 = arith.constant 0 : i32
    %dma_start3A_81 = tpu.memref_slice %arg6[%dma_start3A_74, %dma_start3A_75, %dma_start3A_80] : memref<6x2x80xi32, #tpu.memory_space<vmem>> -> memref<1x1x80xi32, #tpu.memory_space<vmem>>
    %dma_start3A_82 = tpu.memref_squeeze %dma_start3A_81 : memref<1x1x80xi32, #tpu.memory_space<vmem>> -> memref<80xi32, #tpu.memory_space<vmem>>
    %dma_start3A_83 = tpu.memref_slice %arg4[%add3A_63] : memref<320000xi32, #tpu.memory_space<hbm>> -> memref<80xi32, #tpu.memory_space<hbm>>
    tpu.enqueue_dma source(%dma_start3A_83 : memref<80xi32, #tpu.memory_space<hbm>>) target(%dma_start3A_82 : memref<80xi32, #tpu.memory_space<vmem>>) target_semaphore(%arg11 : memref<!tpu.dma_semaphore, #tpu.memory_space<semaphore_mem>>)
    %add3A_84 = arith.constant 240 : i32
    %add3A_85 = arith.addi %mul3A_2, %add3A_84 : i32
    %dma_start3A_86 = arith.constant 3 : i32
    %dma_start3A_87 = arith.constant 0 : i32
    %dma_start3A_88 = arith.constant 0 : i32
    %dma_start3A_89 = tpu.memref_slice %arg6[%dma_start3A_86, %dma_start3A_87, %dma_start3A_88] : memref<6x2x80xi32, #tpu.memory_space<vmem>> -> memref<1x1x80xi32, #tpu.memory_space<vmem>>
    %dma_start3A_90 = tpu.memref_squeeze %dma_start3A_89 : memref<1x1x80xi32, #tpu.memory_space<vmem>> -> memref<80xi32, #tpu.memory_space<vmem>>
    %dma_start3A_91 = tpu.memref_slice %arg3[%add3A_85] : memref<320000xi32, #tpu.memory_space<hbm>> -> memref<80xi32, #tpu.memory_space<hbm>>
    %dma_start3A_92 = arith.constant 0 : i32
    %dma_start3A_93 = tpu.memref_slice %arg6[%dma_start3A_86, %dma_start3A_87, %dma_start3A_92] : memref<6x2x80xi32, #tpu.memory_space<vmem>> -> memref<1x1x80xi32, #tpu.memory_space<vmem>>
    %dma_start3A_94 = tpu.memref_squeeze %dma_start3A_93 : memref<1x1x80xi32, #tpu.memory_space<vmem>> -> memref<80xi32, #tpu.memory_space<vmem>>
    %dma_start3A_95 = tpu.memref_slice %arg3[%add3A_85] : memref<320000xi32, #tpu.memory_space<hbm>> -> memref<80xi32, #tpu.memory_space<hbm>>
    tpu.enqueue_dma source(%dma_start3A_95 : memref<80xi32, #tpu.memory_space<hbm>>) target(%dma_start3A_94 : memref<80xi32, #tpu.memory_space<vmem>>) target_semaphore(%arg12 : memref<!tpu.dma_semaphore, #tpu.memory_space<semaphore_mem>>)
    %dma_start3A_96 = arith.constant 3 : i32
    %dma_start3A_97 = arith.constant 1 : i32
    %dma_start3A_98 = arith.constant 0 : i32
    %dma_start3A_99 = tpu.memref_slice %arg6[%dma_start3A_96, %dma_start3A_97, %dma_start3A_98] : memref<6x2x80xi32, #tpu.memory_space<vmem>> -> memref<1x1x80xi32, #tpu.memory_space<vmem>>
    %dma_start3A_100 = tpu.memref_squeeze %dma_start3A_99 : memref<1x1x80xi32, #tpu.memory_space<vmem>> -> memref<80xi32, #tpu.memory_space<vmem>>
    %dma_start3A_101 = tpu.memref_slice %arg4[%add3A_85] : memref<320000xi32, #tpu.memory_space<hbm>> -> memref<80xi32, #tpu.memory_space<hbm>>
    %dma_start3A_102 = arith.constant 0 : i32
    %dma_start3A_103 = tpu.memref_slice %arg6[%dma_start3A_96, %dma_start3A_97, %dma_start3A_102] : memref<6x2x80xi32, #tpu.memory_space<vmem>> -> memref<1x1x80xi32, #tpu.memory_space<vmem>>
    %dma_start3A_104 = tpu.memref_squeeze %dma_start3A_103 : memref<1x1x80xi32, #tpu.memory_space<vmem>> -> memref<80xi32, #tpu.memory_space<vmem>>
    %dma_start3A_105 = tpu.memref_slice %arg4[%add3A_85] : memref<320000xi32, #tpu.memory_space<hbm>> -> memref<80xi32, #tpu.memory_space<hbm>>
    tpu.enqueue_dma source(%dma_start3A_105 : memref<80xi32, #tpu.memory_space<hbm>>) target(%dma_start3A_104 : memref<80xi32, #tpu.memory_space<vmem>>) target_semaphore(%arg12 : memref<!tpu.dma_semaphore, #tpu.memory_space<semaphore_mem>>)
    %add3A_106 = arith.constant 0 : i32
    %add3A_107 = arith.addi %mul3A_2, %add3A_106 : i32
    %dma_wait3A = arith.constant 0 : i32
    %dma_wait3A_108 = arith.constant 0 : i32
    %dma_wait3A_109 = arith.constant 0 : i32
    %dma_wait3A_110 = tpu.memref_slice %arg6[%dma_wait3A, %dma_wait3A_108, %dma_wait3A_109] : memref<6x2x80xi32, #tpu.memory_space<vmem>> -> memref<1x1x80xi32, #tpu.memory_space<vmem>>
    %dma_wait3A_111 = tpu.memref_squeeze %dma_wait3A_110 : memref<1x1x80xi32, #tpu.memory_space<vmem>> -> memref<80xi32, #tpu.memory_space<vmem>>
    %dma_wait3A_112 = tpu.memref_slice %arg3[%add3A_107] : memref<320000xi32, #tpu.memory_space<hbm>> -> memref<80xi32, #tpu.memory_space<hbm>>
    %dma_wait3A_113 = arith.constant 0 : i32
    %dma_wait3A_114 = tpu.memref_slice %arg6[%dma_wait3A, %dma_wait3A_108, %dma_wait3A_113] : memref<6x2x80xi32, #tpu.memory_space<vmem>> -> memref<1x1x80xi32, #tpu.memory_space<vmem>>
    %dma_wait3A_115 = tpu.memref_squeeze %dma_wait3A_114 : memref<1x1x80xi32, #tpu.memory_space<vmem>> -> memref<80xi32, #tpu.memory_space<vmem>>
    %dma_wait3A_116 = tpu.memref_slice %arg3[%add3A_107] : memref<320000xi32, #tpu.memory_space<hbm>> -> memref<80xi32, #tpu.memory_space<hbm>>
    tpu.wait_dma2 semaphore(%arg9 : memref<!tpu.dma_semaphore, #tpu.memory_space<semaphore_mem>>) src(%dma_wait3A_116 : memref<80xi32, #tpu.memory_space<hbm>>) dst(%dma_wait3A_115 : memref<80xi32, #tpu.memory_space<vmem>>)
    %dma_wait3A_117 = arith.constant 0 : i32
    %dma_wait3A_118 = arith.constant 1 : i32
    %dma_wait3A_119 = arith.constant 0 : i32
    %dma_wait3A_120 = tpu.memref_slice %arg6[%dma_wait3A_117, %dma_wait3A_118, %dma_wait3A_119] : memref<6x2x80xi32, #tpu.memory_space<vmem>> -> memref<1x1x80xi32, #tpu.memory_space<vmem>>
    %dma_wait3A_121 = tpu.memref_squeeze %dma_wait3A_120 : memref<1x1x80xi32, #tpu.memory_space<vmem>> -> memref<80xi32, #tpu.memory_space<vmem>>
    %dma_wait3A_122 = tpu.memref_slice %arg4[%add3A_107] : memref<320000xi32, #tpu.memory_space<hbm>> -> memref<80xi32, #tpu.memory_space<hbm>>
    %dma_wait3A_123 = arith.constant 0 : i32
    %dma_wait3A_124 = tpu.memref_slice %arg6[%dma_wait3A_117, %dma_wait3A_118, %dma_wait3A_123] : memref<6x2x80xi32, #tpu.memory_space<vmem>> -> memref<1x1x80xi32, #tpu.memory_space<vmem>>
    %dma_wait3A_125 = tpu.memref_squeeze %dma_wait3A_124 : memref<1x1x80xi32, #tpu.memory_space<vmem>> -> memref<80xi32, #tpu.memory_space<vmem>>
    %dma_wait3A_126 = tpu.memref_slice %arg4[%add3A_107] : memref<320000xi32, #tpu.memory_space<hbm>> -> memref<80xi32, #tpu.memory_space<hbm>>
    tpu.wait_dma2 semaphore(%arg9 : memref<!tpu.dma_semaphore, #tpu.memory_space<semaphore_mem>>) src(%dma_wait3A_126 : memref<80xi32, #tpu.memory_space<hbm>>) dst(%dma_wait3A_125 : memref<80xi32, #tpu.memory_space<vmem>>)
    %dma_start3A_127 = arith.constant 0 : i32
    %dma_start3A_128 = arith.constant 0 : i32
    %dma_start3A_129 = arith.constant 0 : i32
    %dma_start3A_130 = arith.constant 0 : i32
    %dma_start3A_131 = arith.constant 0 : i32
    %dma_start3A_132 = tpu.memref_slice %arg7[%dma_start3A_129, %dma_start3A_130, %dma_start3A_131] : memref<3x80x128xf32, #tpu.memory_space<vmem>> -> memref<1x80x128xf32, #tpu.memory_space<vmem>>
    %dma_start3A_133 = tpu.memref_squeeze %dma_start3A_132 : memref<1x80x128xf32, #tpu.memory_space<vmem>> -> memref<80x128xf32, #tpu.memory_space<vmem>>
    %dma_start3A_134 = arith.constant 0 : i32
    %dma_start3A_135 = tpu.memref_slice %arg6[%dma_start3A_127, %dma_start3A_128, %dma_start3A_134] : memref<6x2x80xi32, #tpu.memory_space<vmem>> -> memref<1x1x80xi32, #tpu.memory_space<vmem>>
    %dma_start3A_136 = tpu.memref_squeeze %dma_start3A_135 : memref<1x1x80xi32, #tpu.memory_space<vmem>> -> memref<80xi32, #tpu.memory_space<vmem>>
    %dma_start3A_137 = arith.constant 0 : i32
    %dma_start3A_138 = arith.constant 0 : i32
    %dma_start3A_139 = tpu.memref_slice %arg2[%dma_start3A_137, %dma_start3A_138] : memref<10000x128xf32, #tpu.memory_space<hbm>> -> memref<10000x128xf32, #tpu.memory_space<hbm>>
    tpu.enqueue_indirect_dma source(%dma_start3A_139 : memref<10000x128xf32, #tpu.memory_space<hbm>>) target(%dma_start3A_133 : memref<80x128xf32, #tpu.memory_space<vmem>>) offsets(%dma_start3A_136 : memref<80xi32, #tpu.memory_space<vmem>>) semaphore(%arg15 : memref<!tpu.dma_semaphore, #tpu.memory_space<semaphore_mem>>)
    %add3A_140 = arith.constant 80 : i32
    %add3A_141 = arith.addi %mul3A_2, %add3A_140 : i32
    %dma_wait3A_142 = arith.constant 1 : i32
    %dma_wait3A_143 = arith.constant 0 : i32
    %dma_wait3A_144 = arith.constant 0 : i32
    %dma_wait3A_145 = tpu.memref_slice %arg6[%dma_wait3A_142, %dma_wait3A_143, %dma_wait3A_144] : memref<6x2x80xi32, #tpu.memory_space<vmem>> -> memref<1x1x80xi32, #tpu.memory_space<vmem>>
    %dma_wait3A_146 = tpu.memref_squeeze %dma_wait3A_145 : memref<1x1x80xi32, #tpu.memory_space<vmem>> -> memref<80xi32, #tpu.memory_space<vmem>>
    %dma_wait3A_147 = tpu.memref_slice %arg3[%add3A_141] : memref<320000xi32, #tpu.memory_space<hbm>> -> memref<80xi32, #tpu.memory_space<hbm>>
    %dma_wait3A_148 = arith.constant 0 : i32
    %dma_wait3A_149 = tpu.memref_slice %arg6[%dma_wait3A_142, %dma_wait3A_143, %dma_wait3A_148] : memref<6x2x80xi32, #tpu.memory_space<vmem>> -> memref<1x1x80xi32, #tpu.memory_space<vmem>>
    %dma_wait3A_150 = tpu.memref_squeeze %dma_wait3A_149 : memref<1x1x80xi32, #tpu.memory_space<vmem>> -> memref<80xi32, #tpu.memory_space<vmem>>
    %dma_wait3A_151 = tpu.memref_slice %arg3[%add3A_141] : memref<320000xi32, #tpu.memory_space<hbm>> -> memref<80xi32, #tpu.memory_space<hbm>>
    tpu.wait_dma2 semaphore(%arg10 : memref<!tpu.dma_semaphore, #tpu.memory_space<semaphore_mem>>) src(%dma_wait3A_151 : memref<80xi32, #tpu.memory_space<hbm>>) dst(%dma_wait3A_150 : memref<80xi32, #tpu.memory_space<vmem>>)
    %dma_wait3A_152 = arith.constant 1 : i32
    %dma_wait3A_153 = arith.constant 1 : i32
    %dma_wait3A_154 = arith.constant 0 : i32
    %dma_wait3A_155 = tpu.memref_slice %arg6[%dma_wait3A_152, %dma_wait3A_153, %dma_wait3A_154] : memref<6x2x80xi32, #tpu.memory_space<vmem>> -> memref<1x1x80xi32, #tpu.memory_space<vmem>>
    %dma_wait3A_156 = tpu.memref_squeeze %dma_wait3A_155 : memref<1x1x80xi32, #tpu.memory_space<vmem>> -> memref<80xi32, #tpu.memory_space<vmem>>
    %dma_wait3A_157 = tpu.memref_slice %arg4[%add3A_141] : memref<320000xi32, #tpu.memory_space<hbm>> -> memref<80xi32, #tpu.memory_space<hbm>>
    %dma_wait3A_158 = arith.constant 0 : i32
    %dma_wait3A_159 = tpu.memref_slice %arg6[%dma_wait3A_152, %dma_wait3A_153, %dma_wait3A_158] : memref<6x2x80xi32, #tpu.memory_space<vmem>> -> memref<1x1x80xi32, #tpu.memory_space<vmem>>
    %dma_wait3A_160 = tpu.memref_squeeze %dma_wait3A_159 : memref<1x1x80xi32, #tpu.memory_space<vmem>> -> memref<80xi32, #tpu.memory_space<vmem>>
    %dma_wait3A_161 = tpu.memref_slice %arg4[%add3A_141] : memref<320000xi32, #tpu.memory_space<hbm>> -> memref<80xi32, #tpu.memory_space<hbm>>
    tpu.wait_dma2 semaphore(%arg10 : memref<!tpu.dma_semaphore, #tpu.memory_space<semaphore_mem>>) src(%dma_wait3A_161 : memref<80xi32, #tpu.memory_space<hbm>>) dst(%dma_wait3A_160 : memref<80xi32, #tpu.memory_space<vmem>>)
    %dma_start3A_162 = arith.constant 1 : i32
    %dma_start3A_163 = arith.constant 0 : i32
    %dma_start3A_164 = arith.constant 1 : i32
    %dma_start3A_165 = arith.constant 0 : i32
    %dma_start3A_166 = arith.constant 0 : i32
    %dma_start3A_167 = tpu.memref_slice %arg7[%dma_start3A_164, %dma_start3A_165, %dma_start3A_166] : memref<3x80x128xf32, #tpu.memory_space<vmem>> -> memref<1x80x128xf32, #tpu.memory_space<vmem>>
    %dma_start3A_168 = tpu.memref_squeeze %dma_start3A_167 : memref<1x80x128xf32, #tpu.memory_space<vmem>> -> memref<80x128xf32, #tpu.memory_space<vmem>>
    %dma_start3A_169 = arith.constant 0 : i32
    %dma_start3A_170 = tpu.memref_slice %arg6[%dma_start3A_162, %dma_start3A_163, %dma_start3A_169] : memref<6x2x80xi32, #tpu.memory_space<vmem>> -> memref<1x1x80xi32, #tpu.memory_space<vmem>>
    %dma_start3A_171 = tpu.memref_squeeze %dma_start3A_170 : memref<1x1x80xi32, #tpu.memory_space<vmem>> -> memref<80xi32, #tpu.memory_space<vmem>>
    %dma_start3A_172 = arith.constant 0 : i32
    %dma_start3A_173 = arith.constant 0 : i32
    %dma_start3A_174 = tpu.memref_slice %arg2[%dma_start3A_172, %dma_start3A_173] : memref<10000x128xf32, #tpu.memory_space<hbm>> -> memref<10000x128xf32, #tpu.memory_space<hbm>>
    tpu.enqueue_indirect_dma source(%dma_start3A_174 : memref<10000x128xf32, #tpu.memory_space<hbm>>) target(%dma_start3A_168 : memref<80x128xf32, #tpu.memory_space<vmem>>) offsets(%dma_start3A_171 : memref<80xi32, #tpu.memory_space<vmem>>) semaphore(%arg16 : memref<!tpu.dma_semaphore, #tpu.memory_space<semaphore_mem>>)
    %dma_wait3A_175 = arith.constant 0 : i32
    %dma_wait3A_176 = arith.constant 0 : i32
    %dma_wait3A_177 = arith.constant 0 : i32
    %dma_wait3A_178 = arith.constant 0 : i32
    %dma_wait3A_179 = arith.constant 0 : i32
    %dma_wait3A_180 = tpu.memref_slice %arg7[%dma_wait3A_177, %dma_wait3A_178, %dma_wait3A_179] : memref<3x80x128xf32, #tpu.memory_space<vmem>> -> memref<1x80x128xf32, #tpu.memory_space<vmem>>
    %dma_wait3A_181 = tpu.memref_squeeze %dma_wait3A_180 : memref<1x80x128xf32, #tpu.memory_space<vmem>> -> memref<80x128xf32, #tpu.memory_space<vmem>>
    %dma_wait3A_182 = arith.constant 0 : i32
    %dma_wait3A_183 = tpu.memref_slice %arg6[%dma_wait3A_175, %dma_wait3A_176, %dma_wait3A_182] : memref<6x2x80xi32, #tpu.memory_space<vmem>> -> memref<1x1x80xi32, #tpu.memory_space<vmem>>
    %dma_wait3A_184 = tpu.memref_squeeze %dma_wait3A_183 : memref<1x1x80xi32, #tpu.memory_space<vmem>> -> memref<80xi32, #tpu.memory_space<vmem>>
    %dma_wait3A_185 = arith.constant 0 : i32
    %dma_wait3A_186 = arith.constant 0 : i32
    %dma_wait3A_187 = tpu.memref_slice %arg2[%dma_wait3A_185, %dma_wait3A_186] : memref<10000x128xf32, #tpu.memory_space<hbm>> -> memref<10000x128xf32, #tpu.memory_space<hbm>>
    tpu.wait_indirect_dma semaphore(%arg15 : memref<!tpu.dma_semaphore, #tpu.memory_space<semaphore_mem>>) src(%dma_wait3A_187 : memref<10000x128xf32, #tpu.memory_space<hbm>>) dst(%dma_wait3A_181 : memref<80x128xf32, #tpu.memory_space<vmem>>)
    %add3A_188 = arith.constant 160 : i32
    %add3A_189 = arith.addi %mul3A_2, %add3A_188 : i32
    %dma_wait3A_190 = arith.constant 2 : i32
    %dma_wait3A_191 = arith.constant 0 : i32
    %dma_wait3A_192 = arith.constant 0 : i32
    %dma_wait3A_193 = tpu.memref_slice %arg6[%dma_wait3A_190, %dma_wait3A_191, %dma_wait3A_192] : memref<6x2x80xi32, #tpu.memory_space<vmem>> -> memref<1x1x80xi32, #tpu.memory_space<vmem>>
    %dma_wait3A_194 = tpu.memref_squeeze %dma_wait3A_193 : memref<1x1x80xi32, #tpu.memory_space<vmem>> -> memref<80xi32, #tpu.memory_space<vmem>>
    %dma_wait3A_195 = tpu.memref_slice %arg3[%add3A_189] : memref<320000xi32, #tpu.memory_space<hbm>> -> memref<80xi32, #tpu.memory_space<hbm>>
    %dma_wait3A_196 = arith.constant 0 : i32
    %dma_wait3A_197 = tpu.memref_slice %arg6[%dma_wait3A_190, %dma_wait3A_191, %dma_wait3A_196] : memref<6x2x80xi32, #tpu.memory_space<vmem>> -> memref<1x1x80xi32, #tpu.memory_space<vmem>>
    %dma_wait3A_198 = tpu.memref_squeeze %dma_wait3A_197 : memref<1x1x80xi32, #tpu.memory_space<vmem>> -> memref<80xi32, #tpu.memory_space<vmem>>
    %dma_wait3A_199 = tpu.memref_slice %arg3[%add3A_189] : memref<320000xi32, #tpu.memory_space<hbm>> -> memref<80xi32, #tpu.memory_space<hbm>>
    tpu.wait_dma2 semaphore(%arg11 : memref<!tpu.dma_semaphore, #tpu.memory_space<semaphore_mem>>) src(%dma_wait3A_199 : memref<80xi32, #tpu.memory_space<hbm>>) dst(%dma_wait3A_198 : memref<80xi32, #tpu.memory_space<vmem>>)
    %dma_wait3A_200 = arith.constant 2 : i32
    %dma_wait3A_201 = arith.constant 1 : i32
    %dma_wait3A_202 = arith.constant 0 : i32
    %dma_wait3A_203 = tpu.memref_slice %arg6[%dma_wait3A_200, %dma_wait3A_201, %dma_wait3A_202] : memref<6x2x80xi32, #tpu.memory_space<vmem>> -> memref<1x1x80xi32, #tpu.memory_space<vmem>>
    %dma_wait3A_204 = tpu.memref_squeeze %dma_wait3A_203 : memref<1x1x80xi32, #tpu.memory_space<vmem>> -> memref<80xi32, #tpu.memory_space<vmem>>
    %dma_wait3A_205 = tpu.memref_slice %arg4[%add3A_189] : memref<320000xi32, #tpu.memory_space<hbm>> -> memref<80xi32, #tpu.memory_space<hbm>>
    %dma_wait3A_206 = arith.constant 0 : i32
    %dma_wait3A_207 = tpu.memref_slice %arg6[%dma_wait3A_200, %dma_wait3A_201, %dma_wait3A_206] : memref<6x2x80xi32, #tpu.memory_space<vmem>> -> memref<1x1x80xi32, #tpu.memory_space<vmem>>
    %dma_wait3A_208 = tpu.memref_squeeze %dma_wait3A_207 : memref<1x1x80xi32, #tpu.memory_space<vmem>> -> memref<80xi32, #tpu.memory_space<vmem>>
    %dma_wait3A_209 = tpu.memref_slice %arg4[%add3A_189] : memref<320000xi32, #tpu.memory_space<hbm>> -> memref<80xi32, #tpu.memory_space<hbm>>
    tpu.wait_dma2 semaphore(%arg11 : memref<!tpu.dma_semaphore, #tpu.memory_space<semaphore_mem>>) src(%dma_wait3A_209 : memref<80xi32, #tpu.memory_space<hbm>>) dst(%dma_wait3A_208 : memref<80xi32, #tpu.memory_space<vmem>>)
    %dma_start3A_210 = arith.constant 2 : i32
    %dma_start3A_211 = arith.constant 0 : i32
    %dma_start3A_212 = arith.constant 2 : i32
    %dma_start3A_213 = arith.constant 0 : i32
    %dma_start3A_214 = arith.constant 0 : i32
    %dma_start3A_215 = tpu.memref_slice %arg7[%dma_start3A_212, %dma_start3A_213, %dma_start3A_214] : memref<3x80x128xf32, #tpu.memory_space<vmem>> -> memref<1x80x128xf32, #tpu.memory_space<vmem>>
    %dma_start3A_216 = tpu.memref_squeeze %dma_start3A_215 : memref<1x80x128xf32, #tpu.memory_space<vmem>> -> memref<80x128xf32, #tpu.memory_space<vmem>>
    %dma_start3A_217 = arith.constant 0 : i32
    %dma_start3A_218 = tpu.memref_slice %arg6[%dma_start3A_210, %dma_start3A_211, %dma_start3A_217] : memref<6x2x80xi32, #tpu.memory_space<vmem>> -> memref<1x1x80xi32, #tpu.memory_space<vmem>>
    %dma_start3A_219 = tpu.memref_squeeze %dma_start3A_218 : memref<1x1x80xi32, #tpu.memory_space<vmem>> -> memref<80xi32, #tpu.memory_space<vmem>>
    %dma_start3A_220 = arith.constant 0 : i32
    %dma_start3A_221 = arith.constant 0 : i32
    %dma_start3A_222 = tpu.memref_slice %arg2[%dma_start3A_220, %dma_start3A_221] : memref<10000x128xf32, #tpu.memory_space<hbm>> -> memref<10000x128xf32, #tpu.memory_space<hbm>>
    tpu.enqueue_indirect_dma source(%dma_start3A_222 : memref<10000x128xf32, #tpu.memory_space<hbm>>) target(%dma_start3A_216 : memref<80x128xf32, #tpu.memory_space<vmem>>) offsets(%dma_start3A_219 : memref<80xi32, #tpu.memory_space<vmem>>) semaphore(%arg17 : memref<!tpu.dma_semaphore, #tpu.memory_space<semaphore_mem>>)
    %add3A_223 = arith.constant 320 : i32
    %add3A_224 = arith.addi %mul3A_2, %add3A_223 : i32
    %dma_start3A_225 = arith.constant 4 : i32
    %dma_start3A_226 = arith.constant 0 : i32
    %dma_start3A_227 = arith.constant 0 : i32
    %dma_start3A_228 = tpu.memref_slice %arg6[%dma_start3A_225, %dma_start3A_226, %dma_start3A_227] : memref<6x2x80xi32, #tpu.memory_space<vmem>> -> memref<1x1x80xi32, #tpu.memory_space<vmem>>
    %dma_start3A_229 = tpu.memref_squeeze %dma_start3A_228 : memref<1x1x80xi32, #tpu.memory_space<vmem>> -> memref<80xi32, #tpu.memory_space<vmem>>
    %dma_start3A_230 = tpu.memref_slice %arg3[%add3A_224] : memref<320000xi32, #tpu.memory_space<hbm>> -> memref<80xi32, #tpu.memory_space<hbm>>
    %dma_start3A_231 = arith.constant 0 : i32
    %dma_start3A_232 = tpu.memref_slice %arg6[%dma_start3A_225, %dma_start3A_226, %dma_start3A_231] : memref<6x2x80xi32, #tpu.memory_space<vmem>> -> memref<1x1x80xi32, #tpu.memory_space<vmem>>
    %dma_start3A_233 = tpu.memref_squeeze %dma_start3A_232 : memref<1x1x80xi32, #tpu.memory_space<vmem>> -> memref<80xi32, #tpu.memory_space<vmem>>
    %dma_start3A_234 = tpu.memref_slice %arg3[%add3A_224] : memref<320000xi32, #tpu.memory_space<hbm>> -> memref<80xi32, #tpu.memory_space<hbm>>
    tpu.enqueue_dma source(%dma_start3A_234 : memref<80xi32, #tpu.memory_space<hbm>>) target(%dma_start3A_233 : memref<80xi32, #tpu.memory_space<vmem>>) target_semaphore(%arg13 : memref<!tpu.dma_semaphore, #tpu.memory_space<semaphore_mem>>)
    %dma_start3A_235 = arith.constant 4 : i32
    %dma_start3A_236 = arith.constant 1 : i32
    %dma_start3A_237 = arith.constant 0 : i32
    %dma_start3A_238 = tpu.memref_slice %arg6[%dma_start3A_235, %dma_start3A_236, %dma_start3A_237] : memref<6x2x80xi32, #tpu.memory_space<vmem>> -> memref<1x1x80xi32, #tpu.memory_space<vmem>>
    %dma_start3A_239 = tpu.memref_squeeze %dma_start3A_238 : memref<1x1x80xi32, #tpu.memory_space<vmem>> -> memref<80xi32, #tpu.memory_space<vmem>>
    %dma_start3A_240 = tpu.memref_slice %arg4[%add3A_224] : memref<320000xi32, #tpu.memory_space<hbm>> -> memref<80xi32, #tpu.memory_space<hbm>>
    %dma_start3A_241 = arith.constant 0 : i32
    %dma_start3A_242 = tpu.memref_slice %arg6[%dma_start3A_235, %dma_start3A_236, %dma_start3A_241] : memref<6x2x80xi32, #tpu.memory_space<vmem>> -> memref<1x1x80xi32, #tpu.memory_space<vmem>>
    %dma_start3A_243 = tpu.memref_squeeze %dma_start3A_242 : memref<1x1x80xi32, #tpu.memory_space<vmem>> -> memref<80xi32, #tpu.memory_space<vmem>>
    %dma_start3A_244 = tpu.memref_slice %arg4[%add3A_224] : memref<320000xi32, #tpu.memory_space<hbm>> -> memref<80xi32, #tpu.memory_space<hbm>>
    tpu.enqueue_dma source(%dma_start3A_244 : memref<80xi32, #tpu.memory_space<hbm>>) target(%dma_start3A_243 : memref<80xi32, #tpu.memory_space<vmem>>) target_semaphore(%arg13 : memref<!tpu.dma_semaphore, #tpu.memory_space<semaphore_mem>>)
    %dma_wait3A_245 = arith.constant 1 : i32
    %dma_wait3A_246 = arith.constant 0 : i32
    %dma_wait3A_247 = arith.constant 1 : i32
    %dma_wait3A_248 = arith.constant 0 : i32
    %dma_wait3A_249 = arith.constant 0 : i32
    %dma_wait3A_250 = tpu.memref_slice %arg7[%dma_wait3A_247, %dma_wait3A_248, %dma_wait3A_249] : memref<3x80x128xf32, #tpu.memory_space<vmem>> -> memref<1x80x128xf32, #tpu.memory_space<vmem>>
    %dma_wait3A_251 = tpu.memref_squeeze %dma_wait3A_250 : memref<1x80x128xf32, #tpu.memory_space<vmem>> -> memref<80x128xf32, #tpu.memory_space<vmem>>
    %dma_wait3A_252 = arith.constant 0 : i32
    %dma_wait3A_253 = tpu.memref_slice %arg6[%dma_wait3A_245, %dma_wait3A_246, %dma_wait3A_252] : memref<6x2x80xi32, #tpu.memory_space<vmem>> -> memref<1x1x80xi32, #tpu.memory_space<vmem>>
    %dma_wait3A_254 = tpu.memref_squeeze %dma_wait3A_253 : memref<1x1x80xi32, #tpu.memory_space<vmem>> -> memref<80xi32, #tpu.memory_space<vmem>>
    %dma_wait3A_255 = arith.constant 0 : i32
    %dma_wait3A_256 = arith.constant 0 : i32
    %dma_wait3A_257 = tpu.memref_slice %arg2[%dma_wait3A_255, %dma_wait3A_256] : memref<10000x128xf32, #tpu.memory_space<hbm>> -> memref<10000x128xf32, #tpu.memory_space<hbm>>
    tpu.wait_indirect_dma semaphore(%arg16 : memref<!tpu.dma_semaphore, #tpu.memory_space<semaphore_mem>>) src(%dma_wait3A_257 : memref<10000x128xf32, #tpu.memory_space<hbm>>) dst(%dma_wait3A_251 : memref<80x128xf32, #tpu.memory_space<vmem>>)
    %add3A_258 = arith.constant 240 : i32
    %add3A_259 = arith.addi %mul3A_2, %add3A_258 : i32
    %dma_wait3A_260 = arith.constant 3 : i32
    %dma_wait3A_261 = arith.constant 0 : i32
    %dma_wait3A_262 = arith.constant 0 : i32
    %dma_wait3A_263 = tpu.memref_slice %arg6[%dma_wait3A_260, %dma_wait3A_261, %dma_wait3A_262] : memref<6x2x80xi32, #tpu.memory_space<vmem>> -> memref<1x1x80xi32, #tpu.memory_space<vmem>>
    %dma_wait3A_264 = tpu.memref_squeeze %dma_wait3A_263 : memref<1x1x80xi32, #tpu.memory_space<vmem>> -> memref<80xi32, #tpu.memory_space<vmem>>
    %dma_wait3A_265 = tpu.memref_slice %arg3[%add3A_259] : memref<320000xi32, #tpu.memory_space<hbm>> -> memref<80xi32, #tpu.memory_space<hbm>>
    %dma_wait3A_266 = arith.constant 0 : i32
    %dma_wait3A_267 = tpu.memref_slice %arg6[%dma_wait3A_260, %dma_wait3A_261, %dma_wait3A_266] : memref<6x2x80xi32, #tpu.memory_space<vmem>> -> memref<1x1x80xi32, #tpu.memory_space<vmem>>
    %dma_wait3A_268 = tpu.memref_squeeze %dma_wait3A_267 : memref<1x1x80xi32, #tpu.memory_space<vmem>> -> memref<80xi32, #tpu.memory_space<vmem>>
    %dma_wait3A_269 = tpu.memref_slice %arg3[%add3A_259] : memref<320000xi32, #tpu.memory_space<hbm>> -> memref<80xi32, #tpu.memory_space<hbm>>
    tpu.wait_dma2 semaphore(%arg12 : memref<!tpu.dma_semaphore, #tpu.memory_space<semaphore_mem>>) src(%dma_wait3A_269 : memref<80xi32, #tpu.memory_space<hbm>>) dst(%dma_wait3A_268 : memref<80xi32, #tpu.memory_space<vmem>>)
    %dma_wait3A_270 = arith.constant 3 : i32
    %dma_wait3A_271 = arith.constant 1 : i32
    %dma_wait3A_272 = arith.constant 0 : i32
    %dma_wait3A_273 = tpu.memref_slice %arg6[%dma_wait3A_270, %dma_wait3A_271, %dma_wait3A_272] : memref<6x2x80xi32, #tpu.memory_space<vmem>> -> memref<1x1x80xi32, #tpu.memory_space<vmem>>
    %dma_wait3A_274 = tpu.memref_squeeze %dma_wait3A_273 : memref<1x1x80xi32, #tpu.memory_space<vmem>> -> memref<80xi32, #tpu.memory_space<vmem>>
    %dma_wait3A_275 = tpu.memref_slice %arg4[%add3A_259] : memref<320000xi32, #tpu.memory_space<hbm>> -> memref<80xi32, #tpu.memory_space<hbm>>
    %dma_wait3A_276 = arith.constant 0 : i32
    %dma_wait3A_277 = tpu.memref_slice %arg6[%dma_wait3A_270, %dma_wait3A_271, %dma_wait3A_276] : memref<6x2x80xi32, #tpu.memory_space<vmem>> -> memref<1x1x80xi32, #tpu.memory_space<vmem>>
    %dma_wait3A_278 = tpu.memref_squeeze %dma_wait3A_277 : memref<1x1x80xi32, #tpu.memory_space<vmem>> -> memref<80xi32, #tpu.memory_space<vmem>>
    %dma_wait3A_279 = tpu.memref_slice %arg4[%add3A_259] : memref<320000xi32, #tpu.memory_space<hbm>> -> memref<80xi32, #tpu.memory_space<hbm>>
    tpu.wait_dma2 semaphore(%arg12 : memref<!tpu.dma_semaphore, #tpu.memory_space<semaphore_mem>>) src(%dma_wait3A_279 : memref<80xi32, #tpu.memory_space<hbm>>) dst(%dma_wait3A_278 : memref<80xi32, #tpu.memory_space<vmem>>)
    %dma_start3A_280 = arith.constant 3 : i32
    %dma_start3A_281 = arith.constant 0 : i32
    %dma_start3A_282 = arith.constant 0 : i32
    %dma_start3A_283 = arith.constant 0 : i32
    %dma_start3A_284 = arith.constant 0 : i32
    %dma_start3A_285 = tpu.memref_slice %arg7[%dma_start3A_282, %dma_start3A_283, %dma_start3A_284] : memref<3x80x128xf32, #tpu.memory_space<vmem>> -> memref<1x80x128xf32, #tpu.memory_space<vmem>>
    %dma_start3A_286 = tpu.memref_squeeze %dma_start3A_285 : memref<1x80x128xf32, #tpu.memory_space<vmem>> -> memref<80x128xf32, #tpu.memory_space<vmem>>
    %dma_start3A_287 = arith.constant 0 : i32
    %dma_start3A_288 = tpu.memref_slice %arg6[%dma_start3A_280, %dma_start3A_281, %dma_start3A_287] : memref<6x2x80xi32, #tpu.memory_space<vmem>> -> memref<1x1x80xi32, #tpu.memory_space<vmem>>
    %dma_start3A_289 = tpu.memref_squeeze %dma_start3A_288 : memref<1x1x80xi32, #tpu.memory_space<vmem>> -> memref<80xi32, #tpu.memory_space<vmem>>
    %dma_start3A_290 = arith.constant 0 : i32
    %dma_start3A_291 = arith.constant 0 : i32
    %dma_start3A_292 = tpu.memref_slice %arg2[%dma_start3A_290, %dma_start3A_291] : memref<10000x128xf32, #tpu.memory_space<hbm>> -> memref<10000x128xf32, #tpu.memory_space<hbm>>
    tpu.enqueue_indirect_dma source(%dma_start3A_292 : memref<10000x128xf32, #tpu.memory_space<hbm>>) target(%dma_start3A_286 : memref<80x128xf32, #tpu.memory_space<vmem>>) offsets(%dma_start3A_289 : memref<80xi32, #tpu.memory_space<vmem>>) semaphore(%arg15 : memref<!tpu.dma_semaphore, #tpu.memory_space<semaphore_mem>>)
    %add3A_293 = arith.constant 400 : i32
    %add3A_294 = arith.addi %mul3A_2, %add3A_293 : i32
    %dma_start3A_295 = arith.constant 5 : i32
    %dma_start3A_296 = arith.constant 0 : i32
    %dma_start3A_297 = arith.constant 0 : i32
    %dma_start3A_298 = tpu.memref_slice %arg6[%dma_start3A_295, %dma_start3A_296, %dma_start3A_297] : memref<6x2x80xi32, #tpu.memory_space<vmem>> -> memref<1x1x80xi32, #tpu.memory_space<vmem>>
    %dma_start3A_299 = tpu.memref_squeeze %dma_start3A_298 : memref<1x1x80xi32, #tpu.memory_space<vmem>> -> memref<80xi32, #tpu.memory_space<vmem>>
    %dma_start3A_300 = tpu.memref_slice %arg3[%add3A_294] : memref<320000xi32, #tpu.memory_space<hbm>> -> memref<80xi32, #tpu.memory_space<hbm>>
    %dma_start3A_301 = arith.constant 0 : i32
    %dma_start3A_302 = tpu.memref_slice %arg6[%dma_start3A_295, %dma_start3A_296, %dma_start3A_301] : memref<6x2x80xi32, #tpu.memory_space<vmem>> -> memref<1x1x80xi32, #tpu.memory_space<vmem>>
    %dma_start3A_303 = tpu.memref_squeeze %dma_start3A_302 : memref<1x1x80xi32, #tpu.memory_space<vmem>> -> memref<80xi32, #tpu.memory_space<vmem>>
    %dma_start3A_304 = tpu.memref_slice %arg3[%add3A_294] : memref<320000xi32, #tpu.memory_space<hbm>> -> memref<80xi32, #tpu.memory_space<hbm>>
    tpu.enqueue_dma source(%dma_start3A_304 : memref<80xi32, #tpu.memory_space<hbm>>) target(%dma_start3A_303 : memref<80xi32, #tpu.memory_space<vmem>>) target_semaphore(%arg14 : memref<!tpu.dma_semaphore, #tpu.memory_space<semaphore_mem>>)
    %dma_start3A_305 = arith.constant 5 : i32
    %dma_start3A_306 = arith.constant 1 : i32
    %dma_start3A_307 = arith.constant 0 : i32
    %dma_start3A_308 = tpu.memref_slice %arg6[%dma_start3A_305, %dma_start3A_306, %dma_start3A_307] : memref<6x2x80xi32, #tpu.memory_space<vmem>> -> memref<1x1x80xi32, #tpu.memory_space<vmem>>
    %dma_start3A_309 = tpu.memref_squeeze %dma_start3A_308 : memref<1x1x80xi32, #tpu.memory_space<vmem>> -> memref<80xi32, #tpu.memory_space<vmem>>
    %dma_start3A_310 = tpu.memref_slice %arg4[%add3A_294] : memref<320000xi32, #tpu.memory_space<hbm>> -> memref<80xi32, #tpu.memory_space<hbm>>
    %dma_start3A_311 = arith.constant 0 : i32
    %dma_start3A_312 = tpu.memref_slice %arg6[%dma_start3A_305, %dma_start3A_306, %dma_start3A_311] : memref<6x2x80xi32, #tpu.memory_space<vmem>> -> memref<1x1x80xi32, #tpu.memory_space<vmem>>
    %dma_start3A_313 = tpu.memref_squeeze %dma_start3A_312 : memref<1x1x80xi32, #tpu.memory_space<vmem>> -> memref<80xi32, #tpu.memory_space<vmem>>
    %dma_start3A_314 = tpu.memref_slice %arg4[%add3A_294] : memref<320000xi32, #tpu.memory_space<hbm>> -> memref<80xi32, #tpu.memory_space<hbm>>
    tpu.enqueue_dma source(%dma_start3A_314 : memref<80xi32, #tpu.memory_space<hbm>>) target(%dma_start3A_313 : memref<80xi32, #tpu.memory_space<vmem>>) target_semaphore(%arg14 : memref<!tpu.dma_semaphore, #tpu.memory_space<semaphore_mem>>)
    %scan3A_315 = arith.constant 0 : i32
    %scan3A_316 = arith.constant 0 : i32
    %scan3A_317 = arith.constant 20 : i32
    %scan3A_318 = arith.addi %scan3A_316, %scan3A_317 : i32
    %scan3A_319 = arith.constant 1 : i32
    scf.for %scan3A_406 = %scan3A_316 to %scan3A_318 step %scan3A_319  : i32 {
      %mul3A_407 = arith.constant 6 : i32
      %mul3A_408 = arith.muli %mul3A_407, %scan3A_406 : i32
      %add3A_409 = arith.constant 2 : i32
      %add3A_410 = arith.addi %add3A_409, %mul3A_408 : i32
      %add3A_411 = arith.constant 0 : i32
      %add3A_412 = arith.addi %add3A_410, %add3A_411 : i32
      %dma_wait3A_413 = arith.constant 2 : i32
      %dma_wait3A_414 = arith.constant 0 : i32
      %dma_wait3A_415 = arith.constant 2 : i32
      %dma_wait3A_416 = arith.constant 0 : i32
      %dma_wait3A_417 = arith.constant 0 : i32
      %dma_wait3A_418 = tpu.memref_slice %arg7[%dma_wait3A_415, %dma_wait3A_416, %dma_wait3A_417] : memref<3x80x128xf32, #tpu.memory_space<vmem>> -> memref<1x80x128xf32, #tpu.memory_space<vmem>>
      %dma_wait3A_419 = tpu.memref_squeeze %dma_wait3A_418 : memref<1x80x128xf32, #tpu.memory_space<vmem>> -> memref<80x128xf32, #tpu.memory_space<vmem>>
      %dma_wait3A_420 = arith.constant 0 : i32
      %dma_wait3A_421 = tpu.memref_slice %arg6[%dma_wait3A_413, %dma_wait3A_414, %dma_wait3A_420] : memref<6x2x80xi32, #tpu.memory_space<vmem>> -> memref<1x1x80xi32, #tpu.memory_space<vmem>>
      %dma_wait3A_422 = tpu.memref_squeeze %dma_wait3A_421 : memref<1x1x80xi32, #tpu.memory_space<vmem>> -> memref<80xi32, #tpu.memory_space<vmem>>
      %dma_wait3A_423 = arith.constant 0 : i32
      %dma_wait3A_424 = arith.constant 0 : i32
      %dma_wait3A_425 = tpu.memref_slice %arg2[%dma_wait3A_423, %dma_wait3A_424] : memref<10000x128xf32, #tpu.memory_space<hbm>> -> memref<10000x128xf32, #tpu.memory_space<hbm>>
      tpu.wait_indirect_dma semaphore(%arg17 : memref<!tpu.dma_semaphore, #tpu.memory_space<semaphore_mem>>) src(%dma_wait3A_425 : memref<10000x128xf32, #tpu.memory_space<hbm>>) dst(%dma_wait3A_419 : memref<80x128xf32, #tpu.memory_space<vmem>>)
      %add3A_426 = arith.constant 3 : i32
      %add3A_427 = arith.addi %add3A_412, %add3A_426 : i32
      %sub3A = arith.constant 1 : i32
      %sub3A_428 = arith.subi %add3A_427, %sub3A : i32
      %lt3A_429 = arith.constant 125 : i32
      %lt3A_430 = arith.cmpi slt, %sub3A_428, %lt3A_429 : i32
      %convert_element_type3A = arith.extui %lt3A_430 : i1 to i32
      %cond3A = arith.constant 0 : i32
      %cond3A_431 = arith.cmpi ne, %convert_element_type3A, %cond3A : i32
      scf.if %cond3A_431 {
        %add3A_606 = arith.constant 3 : i32
        %add3A_607 = arith.addi %add3A_412, %add3A_606 : i32
        %sub3A_608 = arith.constant 1 : i32
        %sub3A_609 = arith.subi %add3A_607, %sub3A_608 : i32
        %mul3A_610 = arith.constant 80 : i32
        %mul3A_611 = arith.muli %sub3A_609, %mul3A_610 : i32
        %add3A_612 = arith.addi %mul3A_2, %mul3A_611 : i32
        %dma_wait3A_613 = arith.constant 4 : i32
        %dma_wait3A_614 = arith.constant 0 : i32
        %dma_wait3A_615 = arith.constant 0 : i32
        %dma_wait3A_616 = tpu.memref_slice %arg6[%dma_wait3A_613, %dma_wait3A_614, %dma_wait3A_615] : memref<6x2x80xi32, #tpu.memory_space<vmem>> -> memref<1x1x80xi32, #tpu.memory_space<vmem>>
        %dma_wait3A_617 = tpu.memref_squeeze %dma_wait3A_616 : memref<1x1x80xi32, #tpu.memory_space<vmem>> -> memref<80xi32, #tpu.memory_space<vmem>>
        %dma_wait3A_618 = tpu.memref_slice %arg3[%add3A_612] : memref<320000xi32, #tpu.memory_space<hbm>> -> memref<80xi32, #tpu.memory_space<hbm>>
        %dma_wait3A_619 = arith.constant 0 : i32
        %dma_wait3A_620 = tpu.memref_slice %arg6[%dma_wait3A_613, %dma_wait3A_614, %dma_wait3A_619] : memref<6x2x80xi32, #tpu.memory_space<vmem>> -> memref<1x1x80xi32, #tpu.memory_space<vmem>>
        %dma_wait3A_621 = tpu.memref_squeeze %dma_wait3A_620 : memref<1x1x80xi32, #tpu.memory_space<vmem>> -> memref<80xi32, #tpu.memory_space<vmem>>
        %dma_wait3A_622 = tpu.memref_slice %arg3[%add3A_612] : memref<320000xi32, #tpu.memory_space<hbm>> -> memref<80xi32, #tpu.memory_space<hbm>>
        tpu.wait_dma2 semaphore(%arg13 : memref<!tpu.dma_semaphore, #tpu.memory_space<semaphore_mem>>) src(%dma_wait3A_622 : memref<80xi32, #tpu.memory_space<hbm>>) dst(%dma_wait3A_621 : memref<80xi32, #tpu.memory_space<vmem>>)
        %dma_wait3A_623 = arith.constant 4 : i32
        %dma_wait3A_624 = arith.constant 1 : i32
        %dma_wait3A_625 = arith.constant 0 : i32
        %dma_wait3A_626 = tpu.memref_slice %arg6[%dma_wait3A_623, %dma_wait3A_624, %dma_wait3A_625] : memref<6x2x80xi32, #tpu.memory_space<vmem>> -> memref<1x1x80xi32, #tpu.memory_space<vmem>>
        %dma_wait3A_627 = tpu.memref_squeeze %dma_wait3A_626 : memref<1x1x80xi32, #tpu.memory_space<vmem>> -> memref<80xi32, #tpu.memory_space<vmem>>
        %dma_wait3A_628 = tpu.memref_slice %arg4[%add3A_612] : memref<320000xi32, #tpu.memory_space<hbm>> -> memref<80xi32, #tpu.memory_space<hbm>>
        %dma_wait3A_629 = arith.constant 0 : i32
        %dma_wait3A_630 = tpu.memref_slice %arg6[%dma_wait3A_623, %dma_wait3A_624, %dma_wait3A_629] : memref<6x2x80xi32, #tpu.memory_space<vmem>> -> memref<1x1x80xi32, #tpu.memory_space<vmem>>
        %dma_wait3A_631 = tpu.memref_squeeze %dma_wait3A_630 : memref<1x1x80xi32, #tpu.memory_space<vmem>> -> memref<80xi32, #tpu.memory_space<vmem>>
        %dma_wait3A_632 = tpu.memref_slice %arg4[%add3A_612] : memref<320000xi32, #tpu.memory_space<hbm>> -> memref<80xi32, #tpu.memory_space<hbm>>
        tpu.wait_dma2 semaphore(%arg13 : memref<!tpu.dma_semaphore, #tpu.memory_space<semaphore_mem>>) src(%dma_wait3A_632 : memref<80xi32, #tpu.memory_space<hbm>>) dst(%dma_wait3A_631 : memref<80xi32, #tpu.memory_space<vmem>>)
        %dma_start3A_633 = arith.constant 4 : i32
        %dma_start3A_634 = arith.constant 0 : i32
        %dma_start3A_635 = arith.constant 1 : i32
        %dma_start3A_636 = arith.constant 0 : i32
        %dma_start3A_637 = arith.constant 0 : i32
        %dma_start3A_638 = tpu.memref_slice %arg7[%dma_start3A_635, %dma_start3A_636, %dma_start3A_637] : memref<3x80x128xf32, #tpu.memory_space<vmem>> -> memref<1x80x128xf32, #tpu.memory_space<vmem>>
        %dma_start3A_639 = tpu.memref_squeeze %dma_start3A_638 : memref<1x80x128xf32, #tpu.memory_space<vmem>> -> memref<80x128xf32, #tpu.memory_space<vmem>>
        %dma_start3A_640 = arith.constant 0 : i32
        %dma_start3A_641 = tpu.memref_slice %arg6[%dma_start3A_633, %dma_start3A_634, %dma_start3A_640] : memref<6x2x80xi32, #tpu.memory_space<vmem>> -> memref<1x1x80xi32, #tpu.memory_space<vmem>>
        %dma_start3A_642 = tpu.memref_squeeze %dma_start3A_641 : memref<1x1x80xi32, #tpu.memory_space<vmem>> -> memref<80xi32, #tpu.memory_space<vmem>>
        %dma_start3A_643 = arith.constant 0 : i32
        %dma_start3A_644 = arith.constant 0 : i32
        %dma_start3A_645 = tpu.memref_slice %arg2[%dma_start3A_643, %dma_start3A_644] : memref<10000x128xf32, #tpu.memory_space<hbm>> -> memref<10000x128xf32, #tpu.memory_space<hbm>>
        tpu.enqueue_indirect_dma source(%dma_start3A_645 : memref<10000x128xf32, #tpu.memory_space<hbm>>) target(%dma_start3A_639 : memref<80x128xf32, #tpu.memory_space<vmem>>) offsets(%dma_start3A_642 : memref<80xi32, #tpu.memory_space<vmem>>) semaphore(%arg16 : memref<!tpu.dma_semaphore, #tpu.memory_space<semaphore_mem>>)
      } else {
      }
      %add3A_432 = arith.constant 6 : i32
      %add3A_433 = arith.addi %add3A_412, %add3A_432 : i32
      %sub3A_434 = arith.constant 2 : i32
      %sub3A_435 = arith.subi %add3A_433, %sub3A_434 : i32
      %lt3A_436 = arith.constant 125 : i32
      %lt3A_437 = arith.cmpi slt, %sub3A_435, %lt3A_436 : i32
      %convert_element_type3A_438 = arith.extui %lt3A_437 : i1 to i32
      %cond3A_439 = arith.constant 0 : i32
      %cond3A_440 = arith.cmpi ne, %convert_element_type3A_438, %cond3A_439 : i32
      scf.if %cond3A_440 {
        %add3A_606 = arith.constant 6 : i32
        %add3A_607 = arith.addi %add3A_412, %add3A_606 : i32
        %sub3A_608 = arith.constant 2 : i32
        %sub3A_609 = arith.subi %add3A_607, %sub3A_608 : i32
        %mul3A_610 = arith.constant 80 : i32
        %mul3A_611 = arith.muli %sub3A_609, %mul3A_610 : i32
        %add3A_612 = arith.addi %mul3A_2, %mul3A_611 : i32
        %dma_start3A_613 = arith.constant 0 : i32
        %dma_start3A_614 = arith.constant 0 : i32
        %dma_start3A_615 = arith.constant 0 : i32
        %dma_start3A_616 = tpu.memref_slice %arg6[%dma_start3A_613, %dma_start3A_614, %dma_start3A_615] : memref<6x2x80xi32, #tpu.memory_space<vmem>> -> memref<1x1x80xi32, #tpu.memory_space<vmem>>
        %dma_start3A_617 = tpu.memref_squeeze %dma_start3A_616 : memref<1x1x80xi32, #tpu.memory_space<vmem>> -> memref<80xi32, #tpu.memory_space<vmem>>
        %dma_start3A_618 = tpu.memref_slice %arg3[%add3A_612] : memref<320000xi32, #tpu.memory_space<hbm>> -> memref<80xi32, #tpu.memory_space<hbm>>
        %dma_start3A_619 = arith.constant 0 : i32
        %dma_start3A_620 = tpu.memref_slice %arg6[%dma_start3A_613, %dma_start3A_614, %dma_start3A_619] : memref<6x2x80xi32, #tpu.memory_space<vmem>> -> memref<1x1x80xi32, #tpu.memory_space<vmem>>
        %dma_start3A_621 = tpu.memref_squeeze %dma_start3A_620 : memref<1x1x80xi32, #tpu.memory_space<vmem>> -> memref<80xi32, #tpu.memory_space<vmem>>
        %dma_start3A_622 = tpu.memref_slice %arg3[%add3A_612] : memref<320000xi32, #tpu.memory_space<hbm>> -> memref<80xi32, #tpu.memory_space<hbm>>
        tpu.enqueue_dma source(%dma_start3A_622 : memref<80xi32, #tpu.memory_space<hbm>>) target(%dma_start3A_621 : memref<80xi32, #tpu.memory_space<vmem>>) target_semaphore(%arg9 : memref<!tpu.dma_semaphore, #tpu.memory_space<semaphore_mem>>)
        %dma_start3A_623 = arith.constant 0 : i32
        %dma_start3A_624 = arith.constant 1 : i32
        %dma_start3A_625 = arith.constant 0 : i32
        %dma_start3A_626 = tpu.memref_slice %arg6[%dma_start3A_623, %dma_start3A_624, %dma_start3A_625] : memref<6x2x80xi32, #tpu.memory_space<vmem>> -> memref<1x1x80xi32, #tpu.memory_space<vmem>>
        %dma_start3A_627 = tpu.memref_squeeze %dma_start3A_626 : memref<1x1x80xi32, #tpu.memory_space<vmem>> -> memref<80xi32, #tpu.memory_space<vmem>>
        %dma_start3A_628 = tpu.memref_slice %arg4[%add3A_612] : memref<320000xi32, #tpu.memory_space<hbm>> -> memref<80xi32, #tpu.memory_space<hbm>>
        %dma_start3A_629 = arith.constant 0 : i32
        %dma_start3A_630 = tpu.memref_slice %arg6[%dma_start3A_623, %dma_start3A_624, %dma_start3A_629] : memref<6x2x80xi32, #tpu.memory_space<vmem>> -> memref<1x1x80xi32, #tpu.memory_space<vmem>>
        %dma_start3A_631 = tpu.memref_squeeze %dma_start3A_630 : memref<1x1x80xi32, #tpu.memory_space<vmem>> -> memref<80xi32, #tpu.memory_space<vmem>>
        %dma_start3A_632 = tpu.memref_slice %arg4[%add3A_612] : memref<320000xi32, #tpu.memory_space<hbm>> -> memref<80xi32, #tpu.memory_space<hbm>>
        tpu.enqueue_dma source(%dma_start3A_632 : memref<80xi32, #tpu.memory_space<hbm>>) target(%dma_start3A_631 : memref<80xi32, #tpu.memory_space<vmem>>) target_semaphore(%arg9 : memref<!tpu.dma_semaphore, #tpu.memory_space<semaphore_mem>>)
      } else {
      }
      %add3A_441 = arith.constant 1 : i32
      %add3A_442 = arith.addi %add3A_410, %add3A_441 : i32
      %dma_wait3A_443 = arith.constant 3 : i32
      %dma_wait3A_444 = arith.constant 0 : i32
      %dma_wait3A_445 = arith.constant 0 : i32
      %dma_wait3A_446 = arith.constant 0 : i32
      %dma_wait3A_447 = arith.constant 0 : i32
      %dma_wait3A_448 = tpu.memref_slice %arg7[%dma_wait3A_445, %dma_wait3A_446, %dma_wait3A_447] : memref<3x80x128xf32, #tpu.memory_space<vmem>> -> memref<1x80x128xf32, #tpu.memory_space<vmem>>
      %dma_wait3A_449 = tpu.memref_squeeze %dma_wait3A_448 : memref<1x80x128xf32, #tpu.memory_space<vmem>> -> memref<80x128xf32, #tpu.memory_space<vmem>>
      %dma_wait3A_450 = arith.constant 0 : i32
      %dma_wait3A_451 = tpu.memref_slice %arg6[%dma_wait3A_443, %dma_wait3A_444, %dma_wait3A_450] : memref<6x2x80xi32, #tpu.memory_space<vmem>> -> memref<1x1x80xi32, #tpu.memory_space<vmem>>
      %dma_wait3A_452 = tpu.memref_squeeze %dma_wait3A_451 : memref<1x1x80xi32, #tpu.memory_space<vmem>> -> memref<80xi32, #tpu.memory_space<vmem>>
      %dma_wait3A_453 = arith.constant 0 : i32
      %dma_wait3A_454 = arith.constant 0 : i32
      %dma_wait3A_455 = tpu.memref_slice %arg2[%dma_wait3A_453, %dma_wait3A_454] : memref<10000x128xf32, #tpu.memory_space<hbm>> -> memref<10000x128xf32, #tpu.memory_space<hbm>>
      tpu.wait_indirect_dma semaphore(%arg15 : memref<!tpu.dma_semaphore, #tpu.memory_space<semaphore_mem>>) src(%dma_wait3A_455 : memref<10000x128xf32, #tpu.memory_space<hbm>>) dst(%dma_wait3A_449 : memref<80x128xf32, #tpu.memory_space<vmem>>)
      %add3A_456 = arith.constant 3 : i32
      %add3A_457 = arith.addi %add3A_442, %add3A_456 : i32
      %sub3A_458 = arith.constant 1 : i32
      %sub3A_459 = arith.subi %add3A_457, %sub3A_458 : i32
      %lt3A_460 = arith.constant 125 : i32
      %lt3A_461 = arith.cmpi slt, %sub3A_459, %lt3A_460 : i32
      %convert_element_type3A_462 = arith.extui %lt3A_461 : i1 to i32
      %cond3A_463 = arith.constant 0 : i32
      %cond3A_464 = arith.cmpi ne, %convert_element_type3A_462, %cond3A_463 : i32
      scf.if %cond3A_464 {
        %add3A_606 = arith.constant 3 : i32
        %add3A_607 = arith.addi %add3A_442, %add3A_606 : i32
        %sub3A_608 = arith.constant 1 : i32
        %sub3A_609 = arith.subi %add3A_607, %sub3A_608 : i32
        %mul3A_610 = arith.constant 80 : i32
        %mul3A_611 = arith.muli %sub3A_609, %mul3A_610 : i32
        %add3A_612 = arith.addi %mul3A_2, %mul3A_611 : i32
        %dma_wait3A_613 = arith.constant 5 : i32
        %dma_wait3A_614 = arith.constant 0 : i32
        %dma_wait3A_615 = arith.constant 0 : i32
        %dma_wait3A_616 = tpu.memref_slice %arg6[%dma_wait3A_613, %dma_wait3A_614, %dma_wait3A_615] : memref<6x2x80xi32, #tpu.memory_space<vmem>> -> memref<1x1x80xi32, #tpu.memory_space<vmem>>
        %dma_wait3A_617 = tpu.memref_squeeze %dma_wait3A_616 : memref<1x1x80xi32, #tpu.memory_space<vmem>> -> memref<80xi32, #tpu.memory_space<vmem>>
        %dma_wait3A_618 = tpu.memref_slice %arg3[%add3A_612] : memref<320000xi32, #tpu.memory_space<hbm>> -> memref<80xi32, #tpu.memory_space<hbm>>
        %dma_wait3A_619 = arith.constant 0 : i32
        %dma_wait3A_620 = tpu.memref_slice %arg6[%dma_wait3A_613, %dma_wait3A_614, %dma_wait3A_619] : memref<6x2x80xi32, #tpu.memory_space<vmem>> -> memref<1x1x80xi32, #tpu.memory_space<vmem>>
        %dma_wait3A_621 = tpu.memref_squeeze %dma_wait3A_620 : memref<1x1x80xi32, #tpu.memory_space<vmem>> -> memref<80xi32, #tpu.memory_space<vmem>>
        %dma_wait3A_622 = tpu.memref_slice %arg3[%add3A_612] : memref<320000xi32, #tpu.memory_space<hbm>> -> memref<80xi32, #tpu.memory_space<hbm>>
        tpu.wait_dma2 semaphore(%arg14 : memref<!tpu.dma_semaphore, #tpu.memory_space<semaphore_mem>>) src(%dma_wait3A_622 : memref<80xi32, #tpu.memory_space<hbm>>) dst(%dma_wait3A_621 : memref<80xi32, #tpu.memory_space<vmem>>)
        %dma_wait3A_623 = arith.constant 5 : i32
        %dma_wait3A_624 = arith.constant 1 : i32
        %dma_wait3A_625 = arith.constant 0 : i32
        %dma_wait3A_626 = tpu.memref_slice %arg6[%dma_wait3A_623, %dma_wait3A_624, %dma_wait3A_625] : memref<6x2x80xi32, #tpu.memory_space<vmem>> -> memref<1x1x80xi32, #tpu.memory_space<vmem>>
        %dma_wait3A_627 = tpu.memref_squeeze %dma_wait3A_626 : memref<1x1x80xi32, #tpu.memory_space<vmem>> -> memref<80xi32, #tpu.memory_space<vmem>>
        %dma_wait3A_628 = tpu.memref_slice %arg4[%add3A_612] : memref<320000xi32, #tpu.memory_space<hbm>> -> memref<80xi32, #tpu.memory_space<hbm>>
        %dma_wait3A_629 = arith.constant 0 : i32
        %dma_wait3A_630 = tpu.memref_slice %arg6[%dma_wait3A_623, %dma_wait3A_624, %dma_wait3A_629] : memref<6x2x80xi32, #tpu.memory_space<vmem>> -> memref<1x1x80xi32, #tpu.memory_space<vmem>>
        %dma_wait3A_631 = tpu.memref_squeeze %dma_wait3A_630 : memref<1x1x80xi32, #tpu.memory_space<vmem>> -> memref<80xi32, #tpu.memory_space<vmem>>
        %dma_wait3A_632 = tpu.memref_slice %arg4[%add3A_612] : memref<320000xi32, #tpu.memory_space<hbm>> -> memref<80xi32, #tpu.memory_space<hbm>>
        tpu.wait_dma2 semaphore(%arg14 : memref<!tpu.dma_semaphore, #tpu.memory_space<semaphore_mem>>) src(%dma_wait3A_632 : memref<80xi32, #tpu.memory_space<hbm>>) dst(%dma_wait3A_631 : memref<80xi32, #tpu.memory_space<vmem>>)
        %dma_start3A_633 = arith.constant 5 : i32
        %dma_start3A_634 = arith.constant 0 : i32
        %dma_start3A_635 = arith.constant 2 : i32
        %dma_start3A_636 = arith.constant 0 : i32
        %dma_start3A_637 = arith.constant 0 : i32
        %dma_start3A_638 = tpu.memref_slice %arg7[%dma_start3A_635, %dma_start3A_636, %dma_start3A_637] : memref<3x80x128xf32, #tpu.memory_space<vmem>> -> memref<1x80x128xf32, #tpu.memory_space<vmem>>
        %dma_start3A_639 = tpu.memref_squeeze %dma_start3A_638 : memref<1x80x128xf32, #tpu.memory_space<vmem>> -> memref<80x128xf32, #tpu.memory_space<vmem>>
        %dma_start3A_640 = arith.constant 0 : i32
        %dma_start3A_641 = tpu.memref_slice %arg6[%dma_start3A_633, %dma_start3A_634, %dma_start3A_640] : memref<6x2x80xi32, #tpu.memory_space<vmem>> -> memref<1x1x80xi32, #tpu.memory_space<vmem>>
        %dma_start3A_642 = tpu.memref_squeeze %dma_start3A_641 : memref<1x1x80xi32, #tpu.memory_space<vmem>> -> memref<80xi32, #tpu.memory_space<vmem>>
        %dma_start3A_643 = arith.constant 0 : i32
        %dma_start3A_644 = arith.constant 0 : i32
        %dma_start3A_645 = tpu.memref_slice %arg2[%dma_start3A_643, %dma_start3A_644] : memref<10000x128xf32, #tpu.memory_space<hbm>> -> memref<10000x128xf32, #tpu.memory_space<hbm>>
        tpu.enqueue_indirect_dma source(%dma_start3A_645 : memref<10000x128xf32, #tpu.memory_space<hbm>>) target(%dma_start3A_639 : memref<80x128xf32, #tpu.memory_space<vmem>>) offsets(%dma_start3A_642 : memref<80xi32, #tpu.memory_space<vmem>>) semaphore(%arg17 : memref<!tpu.dma_semaphore, #tpu.memory_space<semaphore_mem>>)
      } else {
      }
      %add3A_465 = arith.constant 6 : i32
      %add3A_466 = arith.addi %add3A_442, %add3A_465 : i32
      %sub3A_467 = arith.constant 2 : i32
      %sub3A_468 = arith.subi %add3A_466, %sub3A_467 : i32
      %lt3A_469 = arith.constant 125 : i32
      %lt3A_470 = arith.cmpi slt, %sub3A_468, %lt3A_469 : i32
      %convert_element_type3A_471 = arith.extui %lt3A_470 : i1 to i32
      %cond3A_472 = arith.constant 0 : i32
      %cond3A_473 = arith.cmpi ne, %convert_element_type3A_471, %cond3A_472 : i32
      scf.if %cond3A_473 {
        %add3A_606 = arith.constant 6 : i32
        %add3A_607 = arith.addi %add3A_442, %add3A_606 : i32
        %sub3A_608 = arith.constant 2 : i32
        %sub3A_609 = arith.subi %add3A_607, %sub3A_608 : i32
        %mul3A_610 = arith.constant 80 : i32
        %mul3A_611 = arith.muli %sub3A_609, %mul3A_610 : i32
        %add3A_612 = arith.addi %mul3A_2, %mul3A_611 : i32
        %dma_start3A_613 = arith.constant 1 : i32
        %dma_start3A_614 = arith.constant 0 : i32
        %dma_start3A_615 = arith.constant 0 : i32
        %dma_start3A_616 = tpu.memref_slice %arg6[%dma_start3A_613, %dma_start3A_614, %dma_start3A_615] : memref<6x2x80xi32, #tpu.memory_space<vmem>> -> memref<1x1x80xi32, #tpu.memory_space<vmem>>
        %dma_start3A_617 = tpu.memref_squeeze %dma_start3A_616 : memref<1x1x80xi32, #tpu.memory_space<vmem>> -> memref<80xi32, #tpu.memory_space<vmem>>
        %dma_start3A_618 = tpu.memref_slice %arg3[%add3A_612] : memref<320000xi32, #tpu.memory_space<hbm>> -> memref<80xi32, #tpu.memory_space<hbm>>
        %dma_start3A_619 = arith.constant 0 : i32
        %dma_start3A_620 = tpu.memref_slice %arg6[%dma_start3A_613, %dma_start3A_614, %dma_start3A_619] : memref<6x2x80xi32, #tpu.memory_space<vmem>> -> memref<1x1x80xi32, #tpu.memory_space<vmem>>
        %dma_start3A_621 = tpu.memref_squeeze %dma_start3A_620 : memref<1x1x80xi32, #tpu.memory_space<vmem>> -> memref<80xi32, #tpu.memory_space<vmem>>
        %dma_start3A_622 = tpu.memref_slice %arg3[%add3A_612] : memref<320000xi32, #tpu.memory_space<hbm>> -> memref<80xi32, #tpu.memory_space<hbm>>
        tpu.enqueue_dma source(%dma_start3A_622 : memref<80xi32, #tpu.memory_space<hbm>>) target(%dma_start3A_621 : memref<80xi32, #tpu.memory_space<vmem>>) target_semaphore(%arg10 : memref<!tpu.dma_semaphore, #tpu.memory_space<semaphore_mem>>)
        %dma_start3A_623 = arith.constant 1 : i32
        %dma_start3A_624 = arith.constant 1 : i32
        %dma_start3A_625 = arith.constant 0 : i32
        %dma_start3A_626 = tpu.memref_slice %arg6[%dma_start3A_623, %dma_start3A_624, %dma_start3A_625] : memref<6x2x80xi32, #tpu.memory_space<vmem>> -> memref<1x1x80xi32, #tpu.memory_space<vmem>>
        %dma_start3A_627 = tpu.memref_squeeze %dma_start3A_626 : memref<1x1x80xi32, #tpu.memory_space<vmem>> -> memref<80xi32, #tpu.memory_space<vmem>>
        %dma_start3A_628 = tpu.memref_slice %arg4[%add3A_612] : memref<320000xi32, #tpu.memory_space<hbm>> -> memref<80xi32, #tpu.memory_space<hbm>>
        %dma_start3A_629 = arith.constant 0 : i32
        %dma_start3A_630 = tpu.memref_slice %arg6[%dma_start3A_623, %dma_start3A_624, %dma_start3A_629] : memref<6x2x80xi32, #tpu.memory_space<vmem>> -> memref<1x1x80xi32, #tpu.memory_space<vmem>>
        %dma_start3A_631 = tpu.memref_squeeze %dma_start3A_630 : memref<1x1x80xi32, #tpu.memory_space<vmem>> -> memref<80xi32, #tpu.memory_space<vmem>>
        %dma_start3A_632 = tpu.memref_slice %arg4[%add3A_612] : memref<320000xi32, #tpu.memory_space<hbm>> -> memref<80xi32, #tpu.memory_space<hbm>>
        tpu.enqueue_dma source(%dma_start3A_632 : memref<80xi32, #tpu.memory_space<hbm>>) target(%dma_start3A_631 : memref<80xi32, #tpu.memory_space<vmem>>) target_semaphore(%arg10 : memref<!tpu.dma_semaphore, #tpu.memory_space<semaphore_mem>>)
      } else {
      }
      %add3A_474 = arith.constant 2 : i32
      %add3A_475 = arith.addi %add3A_410, %add3A_474 : i32
      %dma_wait3A_476 = arith.constant 4 : i32
      %dma_wait3A_477 = arith.constant 0 : i32
      %dma_wait3A_478 = arith.constant 1 : i32
      %dma_wait3A_479 = arith.constant 0 : i32
      %dma_wait3A_480 = arith.constant 0 : i32
      %dma_wait3A_481 = tpu.memref_slice %arg7[%dma_wait3A_478, %dma_wait3A_479, %dma_wait3A_480] : memref<3x80x128xf32, #tpu.memory_space<vmem>> -> memref<1x80x128xf32, #tpu.memory_space<vmem>>
      %dma_wait3A_482 = tpu.memref_squeeze %dma_wait3A_481 : memref<1x80x128xf32, #tpu.memory_space<vmem>> -> memref<80x128xf32, #tpu.memory_space<vmem>>
      %dma_wait3A_483 = arith.constant 0 : i32
      %dma_wait3A_484 = tpu.memref_slice %arg6[%dma_wait3A_476, %dma_wait3A_477, %dma_wait3A_483] : memref<6x2x80xi32, #tpu.memory_space<vmem>> -> memref<1x1x80xi32, #tpu.memory_space<vmem>>
      %dma_wait3A_485 = tpu.memref_squeeze %dma_wait3A_484 : memref<1x1x80xi32, #tpu.memory_space<vmem>> -> memref<80xi32, #tpu.memory_space<vmem>>
      %dma_wait3A_486 = arith.constant 0 : i32
      %dma_wait3A_487 = arith.constant 0 : i32
      %dma_wait3A_488 = tpu.memref_slice %arg2[%dma_wait3A_486, %dma_wait3A_487] : memref<10000x128xf32, #tpu.memory_space<hbm>> -> memref<10000x128xf32, #tpu.memory_space<hbm>>
      tpu.wait_indirect_dma semaphore(%arg16 : memref<!tpu.dma_semaphore, #tpu.memory_space<semaphore_mem>>) src(%dma_wait3A_488 : memref<10000x128xf32, #tpu.memory_space<hbm>>) dst(%dma_wait3A_482 : memref<80x128xf32, #tpu.memory_space<vmem>>)
      %add3A_489 = arith.constant 3 : i32
      %add3A_490 = arith.addi %add3A_475, %add3A_489 : i32
      %sub3A_491 = arith.constant 1 : i32
      %sub3A_492 = arith.subi %add3A_490, %sub3A_491 : i32
      %lt3A_493 = arith.constant 125 : i32
      %lt3A_494 = arith.cmpi slt, %sub3A_492, %lt3A_493 : i32
      %convert_element_type3A_495 = arith.extui %lt3A_494 : i1 to i32
      %cond3A_496 = arith.constant 0 : i32
      %cond3A_497 = arith.cmpi ne, %convert_element_type3A_495, %cond3A_496 : i32
      scf.if %cond3A_497 {
        %add3A_606 = arith.constant 3 : i32
        %add3A_607 = arith.addi %add3A_475, %add3A_606 : i32
        %sub3A_608 = arith.constant 1 : i32
        %sub3A_609 = arith.subi %add3A_607, %sub3A_608 : i32
        %mul3A_610 = arith.constant 80 : i32
        %mul3A_611 = arith.muli %sub3A_609, %mul3A_610 : i32
        %add3A_612 = arith.addi %mul3A_2, %mul3A_611 : i32
        %dma_wait3A_613 = arith.constant 0 : i32
        %dma_wait3A_614 = arith.constant 0 : i32
        %dma_wait3A_615 = arith.constant 0 : i32
        %dma_wait3A_616 = tpu.memref_slice %arg6[%dma_wait3A_613, %dma_wait3A_614, %dma_wait3A_615] : memref<6x2x80xi32, #tpu.memory_space<vmem>> -> memref<1x1x80xi32, #tpu.memory_space<vmem>>
        %dma_wait3A_617 = tpu.memref_squeeze %dma_wait3A_616 : memref<1x1x80xi32, #tpu.memory_space<vmem>> -> memref<80xi32, #tpu.memory_space<vmem>>
        %dma_wait3A_618 = tpu.memref_slice %arg3[%add3A_612] : memref<320000xi32, #tpu.memory_space<hbm>> -> memref<80xi32, #tpu.memory_space<hbm>>
        %dma_wait3A_619 = arith.constant 0 : i32
        %dma_wait3A_620 = tpu.memref_slice %arg6[%dma_wait3A_613, %dma_wait3A_614, %dma_wait3A_619] : memref<6x2x80xi32, #tpu.memory_space<vmem>> -> memref<1x1x80xi32, #tpu.memory_space<vmem>>
        %dma_wait3A_621 = tpu.memref_squeeze %dma_wait3A_620 : memref<1x1x80xi32, #tpu.memory_space<vmem>> -> memref<80xi32, #tpu.memory_space<vmem>>
        %dma_wait3A_622 = tpu.memref_slice %arg3[%add3A_612] : memref<320000xi32, #tpu.memory_space<hbm>> -> memref<80xi32, #tpu.memory_space<hbm>>
        tpu.wait_dma2 semaphore(%arg9 : memref<!tpu.dma_semaphore, #tpu.memory_space<semaphore_mem>>) src(%dma_wait3A_622 : memref<80xi32, #tpu.memory_space<hbm>>) dst(%dma_wait3A_621 : memref<80xi32, #tpu.memory_space<vmem>>)
        %dma_wait3A_623 = arith.constant 0 : i32
        %dma_wait3A_624 = arith.constant 1 : i32
        %dma_wait3A_625 = arith.constant 0 : i32
        %dma_wait3A_626 = tpu.memref_slice %arg6[%dma_wait3A_623, %dma_wait3A_624, %dma_wait3A_625] : memref<6x2x80xi32, #tpu.memory_space<vmem>> -> memref<1x1x80xi32, #tpu.memory_space<vmem>>
        %dma_wait3A_627 = tpu.memref_squeeze %dma_wait3A_626 : memref<1x1x80xi32, #tpu.memory_space<vmem>> -> memref<80xi32, #tpu.memory_space<vmem>>
        %dma_wait3A_628 = tpu.memref_slice %arg4[%add3A_612] : memref<320000xi32, #tpu.memory_space<hbm>> -> memref<80xi32, #tpu.memory_space<hbm>>
        %dma_wait3A_629 = arith.constant 0 : i32
        %dma_wait3A_630 = tpu.memref_slice %arg6[%dma_wait3A_623, %dma_wait3A_624, %dma_wait3A_629] : memref<6x2x80xi32, #tpu.memory_space<vmem>> -> memref<1x1x80xi32, #tpu.memory_space<vmem>>
        %dma_wait3A_631 = tpu.memref_squeeze %dma_wait3A_630 : memref<1x1x80xi32, #tpu.memory_space<vmem>> -> memref<80xi32, #tpu.memory_space<vmem>>
        %dma_wait3A_632 = tpu.memref_slice %arg4[%add3A_612] : memref<320000xi32, #tpu.memory_space<hbm>> -> memref<80xi32, #tpu.memory_space<hbm>>
        tpu.wait_dma2 semaphore(%arg9 : memref<!tpu.dma_semaphore, #tpu.memory_space<semaphore_mem>>) src(%dma_wait3A_632 : memref<80xi32, #tpu.memory_space<hbm>>) dst(%dma_wait3A_631 : memref<80xi32, #tpu.memory_space<vmem>>)
        %dma_start3A_633 = arith.constant 0 : i32
        %dma_start3A_634 = arith.constant 0 : i32
        %dma_start3A_635 = arith.constant 0 : i32
        %dma_start3A_636 = arith.constant 0 : i32
        %dma_start3A_637 = arith.constant 0 : i32
        %dma_start3A_638 = tpu.memref_slice %arg7[%dma_start3A_635, %dma_start3A_636, %dma_start3A_637] : memref<3x80x128xf32, #tpu.memory_space<vmem>> -> memref<1x80x128xf32, #tpu.memory_space<vmem>>
        %dma_start3A_639 = tpu.memref_squeeze %dma_start3A_638 : memref<1x80x128xf32, #tpu.memory_space<vmem>> -> memref<80x128xf32, #tpu.memory_space<vmem>>
        %dma_start3A_640 = arith.constant 0 : i32
        %dma_start3A_641 = tpu.memref_slice %arg6[%dma_start3A_633, %dma_start3A_634, %dma_start3A_640] : memref<6x2x80xi32, #tpu.memory_space<vmem>> -> memref<1x1x80xi32, #tpu.memory_space<vmem>>
        %dma_start3A_642 = tpu.memref_squeeze %dma_start3A_641 : memref<1x1x80xi32, #tpu.memory_space<vmem>> -> memref<80xi32, #tpu.memory_space<vmem>>
        %dma_start3A_643 = arith.constant 0 : i32
        %dma_start3A_644 = arith.constant 0 : i32
        %dma_start3A_645 = tpu.memref_slice %arg2[%dma_start3A_643, %dma_start3A_644] : memref<10000x128xf32, #tpu.memory_space<hbm>> -> memref<10000x128xf32, #tpu.memory_space<hbm>>
        tpu.enqueue_indirect_dma source(%dma_start3A_645 : memref<10000x128xf32, #tpu.memory_space<hbm>>) target(%dma_start3A_639 : memref<80x128xf32, #tpu.memory_space<vmem>>) offsets(%dma_start3A_642 : memref<80xi32, #tpu.memory_space<vmem>>) semaphore(%arg15 : memref<!tpu.dma_semaphore, #tpu.memory_space<semaphore_mem>>)
      } else {
      }
      %add3A_498 = arith.constant 6 : i32
      %add3A_499 = arith.addi %add3A_475, %add3A_498 : i32
      %sub3A_500 = arith.constant 2 : i32
      %sub3A_501 = arith.subi %add3A_499, %sub3A_500 : i32
      %lt3A_502 = arith.constant 125 : i32
      %lt3A_503 = arith.cmpi slt, %sub3A_501, %lt3A_502 : i32
      %convert_element_type3A_504 = arith.extui %lt3A_503 : i1 to i32
      %cond3A_505 = arith.constant 0 : i32
      %cond3A_506 = arith.cmpi ne, %convert_element_type3A_504, %cond3A_505 : i32
      scf.if %cond3A_506 {
        %add3A_606 = arith.constant 6 : i32
        %add3A_607 = arith.addi %add3A_475, %add3A_606 : i32
        %sub3A_608 = arith.constant 2 : i32
        %sub3A_609 = arith.subi %add3A_607, %sub3A_608 : i32
        %mul3A_610 = arith.constant 80 : i32
        %mul3A_611 = arith.muli %sub3A_609, %mul3A_610 : i32
        %add3A_612 = arith.addi %mul3A_2, %mul3A_611 : i32
        %dma_start3A_613 = arith.constant 2 : i32
        %dma_start3A_614 = arith.constant 0 : i32
        %dma_start3A_615 = arith.constant 0 : i32
        %dma_start3A_616 = tpu.memref_slice %arg6[%dma_start3A_613, %dma_start3A_614, %dma_start3A_615] : memref<6x2x80xi32, #tpu.memory_space<vmem>> -> memref<1x1x80xi32, #tpu.memory_space<vmem>>
        %dma_start3A_617 = tpu.memref_squeeze %dma_start3A_616 : memref<1x1x80xi32, #tpu.memory_space<vmem>> -> memref<80xi32, #tpu.memory_space<vmem>>
        %dma_start3A_618 = tpu.memref_slice %arg3[%add3A_612] : memref<320000xi32, #tpu.memory_space<hbm>> -> memref<80xi32, #tpu.memory_space<hbm>>
        %dma_start3A_619 = arith.constant 0 : i32
        %dma_start3A_620 = tpu.memref_slice %arg6[%dma_start3A_613, %dma_start3A_614, %dma_start3A_619] : memref<6x2x80xi32, #tpu.memory_space<vmem>> -> memref<1x1x80xi32, #tpu.memory_space<vmem>>
        %dma_start3A_621 = tpu.memref_squeeze %dma_start3A_620 : memref<1x1x80xi32, #tpu.memory_space<vmem>> -> memref<80xi32, #tpu.memory_space<vmem>>
        %dma_start3A_622 = tpu.memref_slice %arg3[%add3A_612] : memref<320000xi32, #tpu.memory_space<hbm>> -> memref<80xi32, #tpu.memory_space<hbm>>
        tpu.enqueue_dma source(%dma_start3A_622 : memref<80xi32, #tpu.memory_space<hbm>>) target(%dma_start3A_621 : memref<80xi32, #tpu.memory_space<vmem>>) target_semaphore(%arg11 : memref<!tpu.dma_semaphore, #tpu.memory_space<semaphore_mem>>)
        %dma_start3A_623 = arith.constant 2 : i32
        %dma_start3A_624 = arith.constant 1 : i32
        %dma_start3A_625 = arith.constant 0 : i32
        %dma_start3A_626 = tpu.memref_slice %arg6[%dma_start3A_623, %dma_start3A_624, %dma_start3A_625] : memref<6x2x80xi32, #tpu.memory_space<vmem>> -> memref<1x1x80xi32, #tpu.memory_space<vmem>>
        %dma_start3A_627 = tpu.memref_squeeze %dma_start3A_626 : memref<1x1x80xi32, #tpu.memory_space<vmem>> -> memref<80xi32, #tpu.memory_space<vmem>>
        %dma_start3A_628 = tpu.memref_slice %arg4[%add3A_612] : memref<320000xi32, #tpu.memory_space<hbm>> -> memref<80xi32, #tpu.memory_space<hbm>>
        %dma_start3A_629 = arith.constant 0 : i32
        %dma_start3A_630 = tpu.memref_slice %arg6[%dma_start3A_623, %dma_start3A_624, %dma_start3A_629] : memref<6x2x80xi32, #tpu.memory_space<vmem>> -> memref<1x1x80xi32, #tpu.memory_space<vmem>>
        %dma_start3A_631 = tpu.memref_squeeze %dma_start3A_630 : memref<1x1x80xi32, #tpu.memory_space<vmem>> -> memref<80xi32, #tpu.memory_space<vmem>>
        %dma_start3A_632 = tpu.memref_slice %arg4[%add3A_612] : memref<320000xi32, #tpu.memory_space<hbm>> -> memref<80xi32, #tpu.memory_space<hbm>>
        tpu.enqueue_dma source(%dma_start3A_632 : memref<80xi32, #tpu.memory_space<hbm>>) target(%dma_start3A_631 : memref<80xi32, #tpu.memory_space<vmem>>) target_semaphore(%arg11 : memref<!tpu.dma_semaphore, #tpu.memory_space<semaphore_mem>>)
      } else {
      }
      %add3A_507 = arith.constant 3 : i32
      %add3A_508 = arith.addi %add3A_410, %add3A_507 : i32
      %dma_wait3A_509 = arith.constant 5 : i32
      %dma_wait3A_510 = arith.constant 0 : i32
      %dma_wait3A_511 = arith.constant 2 : i32
      %dma_wait3A_512 = arith.constant 0 : i32
      %dma_wait3A_513 = arith.constant 0 : i32
      %dma_wait3A_514 = tpu.memref_slice %arg7[%dma_wait3A_511, %dma_wait3A_512, %dma_wait3A_513] : memref<3x80x128xf32, #tpu.memory_space<vmem>> -> memref<1x80x128xf32, #tpu.memory_space<vmem>>
      %dma_wait3A_515 = tpu.memref_squeeze %dma_wait3A_514 : memref<1x80x128xf32, #tpu.memory_space<vmem>> -> memref<80x128xf32, #tpu.memory_space<vmem>>
      %dma_wait3A_516 = arith.constant 0 : i32
      %dma_wait3A_517 = tpu.memref_slice %arg6[%dma_wait3A_509, %dma_wait3A_510, %dma_wait3A_516] : memref<6x2x80xi32, #tpu.memory_space<vmem>> -> memref<1x1x80xi32, #tpu.memory_space<vmem>>
      %dma_wait3A_518 = tpu.memref_squeeze %dma_wait3A_517 : memref<1x1x80xi32, #tpu.memory_space<vmem>> -> memref<80xi32, #tpu.memory_space<vmem>>
      %dma_wait3A_519 = arith.constant 0 : i32
      %dma_wait3A_520 = arith.constant 0 : i32
      %dma_wait3A_521 = tpu.memref_slice %arg2[%dma_wait3A_519, %dma_wait3A_520] : memref<10000x128xf32, #tpu.memory_space<hbm>> -> memref<10000x128xf32, #tpu.memory_space<hbm>>
      tpu.wait_indirect_dma semaphore(%arg17 : memref<!tpu.dma_semaphore, #tpu.memory_space<semaphore_mem>>) src(%dma_wait3A_521 : memref<10000x128xf32, #tpu.memory_space<hbm>>) dst(%dma_wait3A_515 : memref<80x128xf32, #tpu.memory_space<vmem>>)
      %add3A_522 = arith.constant 3 : i32
      %add3A_523 = arith.addi %add3A_508, %add3A_522 : i32
      %sub3A_524 = arith.constant 1 : i32
      %sub3A_525 = arith.subi %add3A_523, %sub3A_524 : i32
      %lt3A_526 = arith.constant 125 : i32
      %lt3A_527 = arith.cmpi slt, %sub3A_525, %lt3A_526 : i32
      %convert_element_type3A_528 = arith.extui %lt3A_527 : i1 to i32
      %cond3A_529 = arith.constant 0 : i32
      %cond3A_530 = arith.cmpi ne, %convert_element_type3A_528, %cond3A_529 : i32
      scf.if %cond3A_530 {
        %add3A_606 = arith.constant 3 : i32
        %add3A_607 = arith.addi %add3A_508, %add3A_606 : i32
        %sub3A_608 = arith.constant 1 : i32
        %sub3A_609 = arith.subi %add3A_607, %sub3A_608 : i32
        %mul3A_610 = arith.constant 80 : i32
        %mul3A_611 = arith.muli %sub3A_609, %mul3A_610 : i32
        %add3A_612 = arith.addi %mul3A_2, %mul3A_611 : i32
        %dma_wait3A_613 = arith.constant 1 : i32
        %dma_wait3A_614 = arith.constant 0 : i32
        %dma_wait3A_615 = arith.constant 0 : i32
        %dma_wait3A_616 = tpu.memref_slice %arg6[%dma_wait3A_613, %dma_wait3A_614, %dma_wait3A_615] : memref<6x2x80xi32, #tpu.memory_space<vmem>> -> memref<1x1x80xi32, #tpu.memory_space<vmem>>
        %dma_wait3A_617 = tpu.memref_squeeze %dma_wait3A_616 : memref<1x1x80xi32, #tpu.memory_space<vmem>> -> memref<80xi32, #tpu.memory_space<vmem>>
        %dma_wait3A_618 = tpu.memref_slice %arg3[%add3A_612] : memref<320000xi32, #tpu.memory_space<hbm>> -> memref<80xi32, #tpu.memory_space<hbm>>
        %dma_wait3A_619 = arith.constant 0 : i32
        %dma_wait3A_620 = tpu.memref_slice %arg6[%dma_wait3A_613, %dma_wait3A_614, %dma_wait3A_619] : memref<6x2x80xi32, #tpu.memory_space<vmem>> -> memref<1x1x80xi32, #tpu.memory_space<vmem>>
        %dma_wait3A_621 = tpu.memref_squeeze %dma_wait3A_620 : memref<1x1x80xi32, #tpu.memory_space<vmem>> -> memref<80xi32, #tpu.memory_space<vmem>>
        %dma_wait3A_622 = tpu.memref_slice %arg3[%add3A_612] : memref<320000xi32, #tpu.memory_space<hbm>> -> memref<80xi32, #tpu.memory_space<hbm>>
        tpu.wait_dma2 semaphore(%arg10 : memref<!tpu.dma_semaphore, #tpu.memory_space<semaphore_mem>>) src(%dma_wait3A_622 : memref<80xi32, #tpu.memory_space<hbm>>) dst(%dma_wait3A_621 : memref<80xi32, #tpu.memory_space<vmem>>)
        %dma_wait3A_623 = arith.constant 1 : i32
        %dma_wait3A_624 = arith.constant 1 : i32
        %dma_wait3A_625 = arith.constant 0 : i32
        %dma_wait3A_626 = tpu.memref_slice %arg6[%dma_wait3A_623, %dma_wait3A_624, %dma_wait3A_625] : memref<6x2x80xi32, #tpu.memory_space<vmem>> -> memref<1x1x80xi32, #tpu.memory_space<vmem>>
        %dma_wait3A_627 = tpu.memref_squeeze %dma_wait3A_626 : memref<1x1x80xi32, #tpu.memory_space<vmem>> -> memref<80xi32, #tpu.memory_space<vmem>>
        %dma_wait3A_628 = tpu.memref_slice %arg4[%add3A_612] : memref<320000xi32, #tpu.memory_space<hbm>> -> memref<80xi32, #tpu.memory_space<hbm>>
        %dma_wait3A_629 = arith.constant 0 : i32
        %dma_wait3A_630 = tpu.memref_slice %arg6[%dma_wait3A_623, %dma_wait3A_624, %dma_wait3A_629] : memref<6x2x80xi32, #tpu.memory_space<vmem>> -> memref<1x1x80xi32, #tpu.memory_space<vmem>>
        %dma_wait3A_631 = tpu.memref_squeeze %dma_wait3A_630 : memref<1x1x80xi32, #tpu.memory_space<vmem>> -> memref<80xi32, #tpu.memory_space<vmem>>
        %dma_wait3A_632 = tpu.memref_slice %arg4[%add3A_612] : memref<320000xi32, #tpu.memory_space<hbm>> -> memref<80xi32, #tpu.memory_space<hbm>>
        tpu.wait_dma2 semaphore(%arg10 : memref<!tpu.dma_semaphore, #tpu.memory_space<semaphore_mem>>) src(%dma_wait3A_632 : memref<80xi32, #tpu.memory_space<hbm>>) dst(%dma_wait3A_631 : memref<80xi32, #tpu.memory_space<vmem>>)
        %dma_start3A_633 = arith.constant 1 : i32
        %dma_start3A_634 = arith.constant 0 : i32
        %dma_start3A_635 = arith.constant 1 : i32
        %dma_start3A_636 = arith.constant 0 : i32
        %dma_start3A_637 = arith.constant 0 : i32
        %dma_start3A_638 = tpu.memref_slice %arg7[%dma_start3A_635, %dma_start3A_636, %dma_start3A_637] : memref<3x80x128xf32, #tpu.memory_space<vmem>> -> memref<1x80x128xf32, #tpu.memory_space<vmem>>
        %dma_start3A_639 = tpu.memref_squeeze %dma_start3A_638 : memref<1x80x128xf32, #tpu.memory_space<vmem>> -> memref<80x128xf32, #tpu.memory_space<vmem>>
        %dma_start3A_640 = arith.constant 0 : i32
        %dma_start3A_641 = tpu.memref_slice %arg6[%dma_start3A_633, %dma_start3A_634, %dma_start3A_640] : memref<6x2x80xi32, #tpu.memory_space<vmem>> -> memref<1x1x80xi32, #tpu.memory_space<vmem>>
        %dma_start3A_642 = tpu.memref_squeeze %dma_start3A_641 : memref<1x1x80xi32, #tpu.memory_space<vmem>> -> memref<80xi32, #tpu.memory_space<vmem>>
        %dma_start3A_643 = arith.constant 0 : i32
        %dma_start3A_644 = arith.constant 0 : i32
        %dma_start3A_645 = tpu.memref_slice %arg2[%dma_start3A_643, %dma_start3A_644] : memref<10000x128xf32, #tpu.memory_space<hbm>> -> memref<10000x128xf32, #tpu.memory_space<hbm>>
        tpu.enqueue_indirect_dma source(%dma_start3A_645 : memref<10000x128xf32, #tpu.memory_space<hbm>>) target(%dma_start3A_639 : memref<80x128xf32, #tpu.memory_space<vmem>>) offsets(%dma_start3A_642 : memref<80xi32, #tpu.memory_space<vmem>>) semaphore(%arg16 : memref<!tpu.dma_semaphore, #tpu.memory_space<semaphore_mem>>)
      } else {
      }
      %add3A_531 = arith.constant 6 : i32
      %add3A_532 = arith.addi %add3A_508, %add3A_531 : i32
      %sub3A_533 = arith.constant 2 : i32
      %sub3A_534 = arith.subi %add3A_532, %sub3A_533 : i32
      %lt3A_535 = arith.constant 125 : i32
      %lt3A_536 = arith.cmpi slt, %sub3A_534, %lt3A_535 : i32
      %convert_element_type3A_537 = arith.extui %lt3A_536 : i1 to i32
      %cond3A_538 = arith.constant 0 : i32
      %cond3A_539 = arith.cmpi ne, %convert_element_type3A_537, %cond3A_538 : i32
      scf.if %cond3A_539 {
        %add3A_606 = arith.constant 6 : i32
        %add3A_607 = arith.addi %add3A_508, %add3A_606 : i32
        %sub3A_608 = arith.constant 2 : i32
        %sub3A_609 = arith.subi %add3A_607, %sub3A_608 : i32
        %mul3A_610 = arith.constant 80 : i32
        %mul3A_611 = arith.muli %sub3A_609, %mul3A_610 : i32
        %add3A_612 = arith.addi %mul3A_2, %mul3A_611 : i32
        %dma_start3A_613 = arith.constant 3 : i32
        %dma_start3A_614 = arith.constant 0 : i32
        %dma_start3A_615 = arith.constant 0 : i32
        %dma_start3A_616 = tpu.memref_slice %arg6[%dma_start3A_613, %dma_start3A_614, %dma_start3A_615] : memref<6x2x80xi32, #tpu.memory_space<vmem>> -> memref<1x1x80xi32, #tpu.memory_space<vmem>>
        %dma_start3A_617 = tpu.memref_squeeze %dma_start3A_616 : memref<1x1x80xi32, #tpu.memory_space<vmem>> -> memref<80xi32, #tpu.memory_space<vmem>>
        %dma_start3A_618 = tpu.memref_slice %arg3[%add3A_612] : memref<320000xi32, #tpu.memory_space<hbm>> -> memref<80xi32, #tpu.memory_space<hbm>>
        %dma_start3A_619 = arith.constant 0 : i32
        %dma_start3A_620 = tpu.memref_slice %arg6[%dma_start3A_613, %dma_start3A_614, %dma_start3A_619] : memref<6x2x80xi32, #tpu.memory_space<vmem>> -> memref<1x1x80xi32, #tpu.memory_space<vmem>>
        %dma_start3A_621 = tpu.memref_squeeze %dma_start3A_620 : memref<1x1x80xi32, #tpu.memory_space<vmem>> -> memref<80xi32, #tpu.memory_space<vmem>>
        %dma_start3A_622 = tpu.memref_slice %arg3[%add3A_612] : memref<320000xi32, #tpu.memory_space<hbm>> -> memref<80xi32, #tpu.memory_space<hbm>>
        tpu.enqueue_dma source(%dma_start3A_622 : memref<80xi32, #tpu.memory_space<hbm>>) target(%dma_start3A_621 : memref<80xi32, #tpu.memory_space<vmem>>) target_semaphore(%arg12 : memref<!tpu.dma_semaphore, #tpu.memory_space<semaphore_mem>>)
        %dma_start3A_623 = arith.constant 3 : i32
        %dma_start3A_624 = arith.constant 1 : i32
        %dma_start3A_625 = arith.constant 0 : i32
        %dma_start3A_626 = tpu.memref_slice %arg6[%dma_start3A_623, %dma_start3A_624, %dma_start3A_625] : memref<6x2x80xi32, #tpu.memory_space<vmem>> -> memref<1x1x80xi32, #tpu.memory_space<vmem>>
        %dma_start3A_627 = tpu.memref_squeeze %dma_start3A_626 : memref<1x1x80xi32, #tpu.memory_space<vmem>> -> memref<80xi32, #tpu.memory_space<vmem>>
        %dma_start3A_628 = tpu.memref_slice %arg4[%add3A_612] : memref<320000xi32, #tpu.memory_space<hbm>> -> memref<80xi32, #tpu.memory_space<hbm>>
        %dma_start3A_629 = arith.constant 0 : i32
        %dma_start3A_630 = tpu.memref_slice %arg6[%dma_start3A_623, %dma_start3A_624, %dma_start3A_629] : memref<6x2x80xi32, #tpu.memory_space<vmem>> -> memref<1x1x80xi32, #tpu.memory_space<vmem>>
        %dma_start3A_631 = tpu.memref_squeeze %dma_start3A_630 : memref<1x1x80xi32, #tpu.memory_space<vmem>> -> memref<80xi32, #tpu.memory_space<vmem>>
        %dma_start3A_632 = tpu.memref_slice %arg4[%add3A_612] : memref<320000xi32, #tpu.memory_space<hbm>> -> memref<80xi32, #tpu.memory_space<hbm>>
        tpu.enqueue_dma source(%dma_start3A_632 : memref<80xi32, #tpu.memory_space<hbm>>) target(%dma_start3A_631 : memref<80xi32, #tpu.memory_space<vmem>>) target_semaphore(%arg12 : memref<!tpu.dma_semaphore, #tpu.memory_space<semaphore_mem>>)
      } else {
      }
      %add3A_540 = arith.constant 4 : i32
      %add3A_541 = arith.addi %add3A_410, %add3A_540 : i32
      %dma_wait3A_542 = arith.constant 0 : i32
      %dma_wait3A_543 = arith.constant 0 : i32
      %dma_wait3A_544 = arith.constant 0 : i32
      %dma_wait3A_545 = arith.constant 0 : i32
      %dma_wait3A_546 = arith.constant 0 : i32
      %dma_wait3A_547 = tpu.memref_slice %arg7[%dma_wait3A_544, %dma_wait3A_545, %dma_wait3A_546] : memref<3x80x128xf32, #tpu.memory_space<vmem>> -> memref<1x80x128xf32, #tpu.memory_space<vmem>>
      %dma_wait3A_548 = tpu.memref_squeeze %dma_wait3A_547 : memref<1x80x128xf32, #tpu.memory_space<vmem>> -> memref<80x128xf32, #tpu.memory_space<vmem>>
      %dma_wait3A_549 = arith.constant 0 : i32
      %dma_wait3A_550 = tpu.memref_slice %arg6[%dma_wait3A_542, %dma_wait3A_543, %dma_wait3A_549] : memref<6x2x80xi32, #tpu.memory_space<vmem>> -> memref<1x1x80xi32, #tpu.memory_space<vmem>>
      %dma_wait3A_551 = tpu.memref_squeeze %dma_wait3A_550 : memref<1x1x80xi32, #tpu.memory_space<vmem>> -> memref<80xi32, #tpu.memory_space<vmem>>
      %dma_wait3A_552 = arith.constant 0 : i32
      %dma_wait3A_553 = arith.constant 0 : i32
      %dma_wait3A_554 = tpu.memref_slice %arg2[%dma_wait3A_552, %dma_wait3A_553] : memref<10000x128xf32, #tpu.memory_space<hbm>> -> memref<10000x128xf32, #tpu.memory_space<hbm>>
      tpu.wait_indirect_dma semaphore(%arg15 : memref<!tpu.dma_semaphore, #tpu.memory_space<semaphore_mem>>) src(%dma_wait3A_554 : memref<10000x128xf32, #tpu.memory_space<hbm>>) dst(%dma_wait3A_548 : memref<80x128xf32, #tpu.memory_space<vmem>>)
      %add3A_555 = arith.constant 3 : i32
      %add3A_556 = arith.addi %add3A_541, %add3A_555 : i32
      %sub3A_557 = arith.constant 1 : i32
      %sub3A_558 = arith.subi %add3A_556, %sub3A_557 : i32
      %lt3A_559 = arith.constant 125 : i32
      %lt3A_560 = arith.cmpi slt, %sub3A_558, %lt3A_559 : i32
      %convert_element_type3A_561 = arith.extui %lt3A_560 : i1 to i32
      %cond3A_562 = arith.constant 0 : i32
      %cond3A_563 = arith.cmpi ne, %convert_element_type3A_561, %cond3A_562 : i32
      scf.if %cond3A_563 {
        %add3A_606 = arith.constant 3 : i32
        %add3A_607 = arith.addi %add3A_541, %add3A_606 : i32
        %sub3A_608 = arith.constant 1 : i32
        %sub3A_609 = arith.subi %add3A_607, %sub3A_608 : i32
        %mul3A_610 = arith.constant 80 : i32
        %mul3A_611 = arith.muli %sub3A_609, %mul3A_610 : i32
        %add3A_612 = arith.addi %mul3A_2, %mul3A_611 : i32
        %dma_wait3A_613 = arith.constant 2 : i32
        %dma_wait3A_614 = arith.constant 0 : i32
        %dma_wait3A_615 = arith.constant 0 : i32
        %dma_wait3A_616 = tpu.memref_slice %arg6[%dma_wait3A_613, %dma_wait3A_614, %dma_wait3A_615] : memref<6x2x80xi32, #tpu.memory_space<vmem>> -> memref<1x1x80xi32, #tpu.memory_space<vmem>>
        %dma_wait3A_617 = tpu.memref_squeeze %dma_wait3A_616 : memref<1x1x80xi32, #tpu.memory_space<vmem>> -> memref<80xi32, #tpu.memory_space<vmem>>
        %dma_wait3A_618 = tpu.memref_slice %arg3[%add3A_612] : memref<320000xi32, #tpu.memory_space<hbm>> -> memref<80xi32, #tpu.memory_space<hbm>>
        %dma_wait3A_619 = arith.constant 0 : i32
        %dma_wait3A_620 = tpu.memref_slice %arg6[%dma_wait3A_613, %dma_wait3A_614, %dma_wait3A_619] : memref<6x2x80xi32, #tpu.memory_space<vmem>> -> memref<1x1x80xi32, #tpu.memory_space<vmem>>
        %dma_wait3A_621 = tpu.memref_squeeze %dma_wait3A_620 : memref<1x1x80xi32, #tpu.memory_space<vmem>> -> memref<80xi32, #tpu.memory_space<vmem>>
        %dma_wait3A_622 = tpu.memref_slice %arg3[%add3A_612] : memref<320000xi32, #tpu.memory_space<hbm>> -> memref<80xi32, #tpu.memory_space<hbm>>
        tpu.wait_dma2 semaphore(%arg11 : memref<!tpu.dma_semaphore, #tpu.memory_space<semaphore_mem>>) src(%dma_wait3A_622 : memref<80xi32, #tpu.memory_space<hbm>>) dst(%dma_wait3A_621 : memref<80xi32, #tpu.memory_space<vmem>>)
        %dma_wait3A_623 = arith.constant 2 : i32
        %dma_wait3A_624 = arith.constant 1 : i32
        %dma_wait3A_625 = arith.constant 0 : i32
        %dma_wait3A_626 = tpu.memref_slice %arg6[%dma_wait3A_623, %dma_wait3A_624, %dma_wait3A_625] : memref<6x2x80xi32, #tpu.memory_space<vmem>> -> memref<1x1x80xi32, #tpu.memory_space<vmem>>
        %dma_wait3A_627 = tpu.memref_squeeze %dma_wait3A_626 : memref<1x1x80xi32, #tpu.memory_space<vmem>> -> memref<80xi32, #tpu.memory_space<vmem>>
        %dma_wait3A_628 = tpu.memref_slice %arg4[%add3A_612] : memref<320000xi32, #tpu.memory_space<hbm>> -> memref<80xi32, #tpu.memory_space<hbm>>
        %dma_wait3A_629 = arith.constant 0 : i32
        %dma_wait3A_630 = tpu.memref_slice %arg6[%dma_wait3A_623, %dma_wait3A_624, %dma_wait3A_629] : memref<6x2x80xi32, #tpu.memory_space<vmem>> -> memref<1x1x80xi32, #tpu.memory_space<vmem>>
        %dma_wait3A_631 = tpu.memref_squeeze %dma_wait3A_630 : memref<1x1x80xi32, #tpu.memory_space<vmem>> -> memref<80xi32, #tpu.memory_space<vmem>>
        %dma_wait3A_632 = tpu.memref_slice %arg4[%add3A_612] : memref<320000xi32, #tpu.memory_space<hbm>> -> memref<80xi32, #tpu.memory_space<hbm>>
        tpu.wait_dma2 semaphore(%arg11 : memref<!tpu.dma_semaphore, #tpu.memory_space<semaphore_mem>>) src(%dma_wait3A_632 : memref<80xi32, #tpu.memory_space<hbm>>) dst(%dma_wait3A_631 : memref<80xi32, #tpu.memory_space<vmem>>)
        %dma_start3A_633 = arith.constant 2 : i32
        %dma_start3A_634 = arith.constant 0 : i32
        %dma_start3A_635 = arith.constant 2 : i32
        %dma_start3A_636 = arith.constant 0 : i32
        %dma_start3A_637 = arith.constant 0 : i32
        %dma_start3A_638 = tpu.memref_slice %arg7[%dma_start3A_635, %dma_start3A_636, %dma_start3A_637] : memref<3x80x128xf32, #tpu.memory_space<vmem>> -> memref<1x80x128xf32, #tpu.memory_space<vmem>>
        %dma_start3A_639 = tpu.memref_squeeze %dma_start3A_638 : memref<1x80x128xf32, #tpu.memory_space<vmem>> -> memref<80x128xf32, #tpu.memory_space<vmem>>
        %dma_start3A_640 = arith.constant 0 : i32
        %dma_start3A_641 = tpu.memref_slice %arg6[%dma_start3A_633, %dma_start3A_634, %dma_start3A_640] : memref<6x2x80xi32, #tpu.memory_space<vmem>> -> memref<1x1x80xi32, #tpu.memory_space<vmem>>
        %dma_start3A_642 = tpu.memref_squeeze %dma_start3A_641 : memref<1x1x80xi32, #tpu.memory_space<vmem>> -> memref<80xi32, #tpu.memory_space<vmem>>
        %dma_start3A_643 = arith.constant 0 : i32
        %dma_start3A_644 = arith.constant 0 : i32
        %dma_start3A_645 = tpu.memref_slice %arg2[%dma_start3A_643, %dma_start3A_644] : memref<10000x128xf32, #tpu.memory_space<hbm>> -> memref<10000x128xf32, #tpu.memory_space<hbm>>
        tpu.enqueue_indirect_dma source(%dma_start3A_645 : memref<10000x128xf32, #tpu.memory_space<hbm>>) target(%dma_start3A_639 : memref<80x128xf32, #tpu.memory_space<vmem>>) offsets(%dma_start3A_642 : memref<80xi32, #tpu.memory_space<vmem>>) semaphore(%arg17 : memref<!tpu.dma_semaphore, #tpu.memory_space<semaphore_mem>>)
      } else {
      }
      %add3A_564 = arith.constant 6 : i32
      %add3A_565 = arith.addi %add3A_541, %add3A_564 : i32
      %sub3A_566 = arith.constant 2 : i32
      %sub3A_567 = arith.subi %add3A_565, %sub3A_566 : i32
      %lt3A_568 = arith.constant 125 : i32
      %lt3A_569 = arith.cmpi slt, %sub3A_567, %lt3A_568 : i32
      %convert_element_type3A_570 = arith.extui %lt3A_569 : i1 to i32
      %cond3A_571 = arith.constant 0 : i32
      %cond3A_572 = arith.cmpi ne, %convert_element_type3A_570, %cond3A_571 : i32
      scf.if %cond3A_572 {
        %add3A_606 = arith.constant 6 : i32
        %add3A_607 = arith.addi %add3A_541, %add3A_606 : i32
        %sub3A_608 = arith.constant 2 : i32
        %sub3A_609 = arith.subi %add3A_607, %sub3A_608 : i32
        %mul3A_610 = arith.constant 80 : i32
        %mul3A_611 = arith.muli %sub3A_609, %mul3A_610 : i32
        %add3A_612 = arith.addi %mul3A_2, %mul3A_611 : i32
        %dma_start3A_613 = arith.constant 4 : i32
        %dma_start3A_614 = arith.constant 0 : i32
        %dma_start3A_615 = arith.constant 0 : i32
        %dma_start3A_616 = tpu.memref_slice %arg6[%dma_start3A_613, %dma_start3A_614, %dma_start3A_615] : memref<6x2x80xi32, #tpu.memory_space<vmem>> -> memref<1x1x80xi32, #tpu.memory_space<vmem>>
        %dma_start3A_617 = tpu.memref_squeeze %dma_start3A_616 : memref<1x1x80xi32, #tpu.memory_space<vmem>> -> memref<80xi32, #tpu.memory_space<vmem>>
        %dma_start3A_618 = tpu.memref_slice %arg3[%add3A_612] : memref<320000xi32, #tpu.memory_space<hbm>> -> memref<80xi32, #tpu.memory_space<hbm>>
        %dma_start3A_619 = arith.constant 0 : i32
        %dma_start3A_620 = tpu.memref_slice %arg6[%dma_start3A_613, %dma_start3A_614, %dma_start3A_619] : memref<6x2x80xi32, #tpu.memory_space<vmem>> -> memref<1x1x80xi32, #tpu.memory_space<vmem>>
        %dma_start3A_621 = tpu.memref_squeeze %dma_start3A_620 : memref<1x1x80xi32, #tpu.memory_space<vmem>> -> memref<80xi32, #tpu.memory_space<vmem>>
        %dma_start3A_622 = tpu.memref_slice %arg3[%add3A_612] : memref<320000xi32, #tpu.memory_space<hbm>> -> memref<80xi32, #tpu.memory_space<hbm>>
        tpu.enqueue_dma source(%dma_start3A_622 : memref<80xi32, #tpu.memory_space<hbm>>) target(%dma_start3A_621 : memref<80xi32, #tpu.memory_space<vmem>>) target_semaphore(%arg13 : memref<!tpu.dma_semaphore, #tpu.memory_space<semaphore_mem>>)
        %dma_start3A_623 = arith.constant 4 : i32
        %dma_start3A_624 = arith.constant 1 : i32
        %dma_start3A_625 = arith.constant 0 : i32
        %dma_start3A_626 = tpu.memref_slice %arg6[%dma_start3A_623, %dma_start3A_624, %dma_start3A_625] : memref<6x2x80xi32, #tpu.memory_space<vmem>> -> memref<1x1x80xi32, #tpu.memory_space<vmem>>
        %dma_start3A_627 = tpu.memref_squeeze %dma_start3A_626 : memref<1x1x80xi32, #tpu.memory_space<vmem>> -> memref<80xi32, #tpu.memory_space<vmem>>
        %dma_start3A_628 = tpu.memref_slice %arg4[%add3A_612] : memref<320000xi32, #tpu.memory_space<hbm>> -> memref<80xi32, #tpu.memory_space<hbm>>
        %dma_start3A_629 = arith.constant 0 : i32
        %dma_start3A_630 = tpu.memref_slice %arg6[%dma_start3A_623, %dma_start3A_624, %dma_start3A_629] : memref<6x2x80xi32, #tpu.memory_space<vmem>> -> memref<1x1x80xi32, #tpu.memory_space<vmem>>
        %dma_start3A_631 = tpu.memref_squeeze %dma_start3A_630 : memref<1x1x80xi32, #tpu.memory_space<vmem>> -> memref<80xi32, #tpu.memory_space<vmem>>
        %dma_start3A_632 = tpu.memref_slice %arg4[%add3A_612] : memref<320000xi32, #tpu.memory_space<hbm>> -> memref<80xi32, #tpu.memory_space<hbm>>
        tpu.enqueue_dma source(%dma_start3A_632 : memref<80xi32, #tpu.memory_space<hbm>>) target(%dma_start3A_631 : memref<80xi32, #tpu.memory_space<vmem>>) target_semaphore(%arg13 : memref<!tpu.dma_semaphore, #tpu.memory_space<semaphore_mem>>)
      } else {
      }
      %add3A_573 = arith.constant 5 : i32
      %add3A_574 = arith.addi %add3A_410, %add3A_573 : i32
      %dma_wait3A_575 = arith.constant 1 : i32
      %dma_wait3A_576 = arith.constant 0 : i32
      %dma_wait3A_577 = arith.constant 1 : i32
      %dma_wait3A_578 = arith.constant 0 : i32
      %dma_wait3A_579 = arith.constant 0 : i32
      %dma_wait3A_580 = tpu.memref_slice %arg7[%dma_wait3A_577, %dma_wait3A_578, %dma_wait3A_579] : memref<3x80x128xf32, #tpu.memory_space<vmem>> -> memref<1x80x128xf32, #tpu.memory_space<vmem>>
      %dma_wait3A_581 = tpu.memref_squeeze %dma_wait3A_580 : memref<1x80x128xf32, #tpu.memory_space<vmem>> -> memref<80x128xf32, #tpu.memory_space<vmem>>
      %dma_wait3A_582 = arith.constant 0 : i32
      %dma_wait3A_583 = tpu.memref_slice %arg6[%dma_wait3A_575, %dma_wait3A_576, %dma_wait3A_582] : memref<6x2x80xi32, #tpu.memory_space<vmem>> -> memref<1x1x80xi32, #tpu.memory_space<vmem>>
      %dma_wait3A_584 = tpu.memref_squeeze %dma_wait3A_583 : memref<1x1x80xi32, #tpu.memory_space<vmem>> -> memref<80xi32, #tpu.memory_space<vmem>>
      %dma_wait3A_585 = arith.constant 0 : i32
      %dma_wait3A_586 = arith.constant 0 : i32
      %dma_wait3A_587 = tpu.memref_slice %arg2[%dma_wait3A_585, %dma_wait3A_586] : memref<10000x128xf32, #tpu.memory_space<hbm>> -> memref<10000x128xf32, #tpu.memory_space<hbm>>
      tpu.wait_indirect_dma semaphore(%arg16 : memref<!tpu.dma_semaphore, #tpu.memory_space<semaphore_mem>>) src(%dma_wait3A_587 : memref<10000x128xf32, #tpu.memory_space<hbm>>) dst(%dma_wait3A_581 : memref<80x128xf32, #tpu.memory_space<vmem>>)
      %add3A_588 = arith.constant 3 : i32
      %add3A_589 = arith.addi %add3A_574, %add3A_588 : i32
      %sub3A_590 = arith.constant 1 : i32
      %sub3A_591 = arith.subi %add3A_589, %sub3A_590 : i32
      %lt3A_592 = arith.constant 125 : i32
      %lt3A_593 = arith.cmpi slt, %sub3A_591, %lt3A_592 : i32
      %convert_element_type3A_594 = arith.extui %lt3A_593 : i1 to i32
      %cond3A_595 = arith.constant 0 : i32
      %cond3A_596 = arith.cmpi ne, %convert_element_type3A_594, %cond3A_595 : i32
      scf.if %cond3A_596 {
        %add3A_606 = arith.constant 3 : i32
        %add3A_607 = arith.addi %add3A_574, %add3A_606 : i32
        %sub3A_608 = arith.constant 1 : i32
        %sub3A_609 = arith.subi %add3A_607, %sub3A_608 : i32
        %mul3A_610 = arith.constant 80 : i32
        %mul3A_611 = arith.muli %sub3A_609, %mul3A_610 : i32
        %add3A_612 = arith.addi %mul3A_2, %mul3A_611 : i32
        %dma_wait3A_613 = arith.constant 3 : i32
        %dma_wait3A_614 = arith.constant 0 : i32
        %dma_wait3A_615 = arith.constant 0 : i32
        %dma_wait3A_616 = tpu.memref_slice %arg6[%dma_wait3A_613, %dma_wait3A_614, %dma_wait3A_615] : memref<6x2x80xi32, #tpu.memory_space<vmem>> -> memref<1x1x80xi32, #tpu.memory_space<vmem>>
        %dma_wait3A_617 = tpu.memref_squeeze %dma_wait3A_616 : memref<1x1x80xi32, #tpu.memory_space<vmem>> -> memref<80xi32, #tpu.memory_space<vmem>>
        %dma_wait3A_618 = tpu.memref_slice %arg3[%add3A_612] : memref<320000xi32, #tpu.memory_space<hbm>> -> memref<80xi32, #tpu.memory_space<hbm>>
        %dma_wait3A_619 = arith.constant 0 : i32
        %dma_wait3A_620 = tpu.memref_slice %arg6[%dma_wait3A_613, %dma_wait3A_614, %dma_wait3A_619] : memref<6x2x80xi32, #tpu.memory_space<vmem>> -> memref<1x1x80xi32, #tpu.memory_space<vmem>>
        %dma_wait3A_621 = tpu.memref_squeeze %dma_wait3A_620 : memref<1x1x80xi32, #tpu.memory_space<vmem>> -> memref<80xi32, #tpu.memory_space<vmem>>
        %dma_wait3A_622 = tpu.memref_slice %arg3[%add3A_612] : memref<320000xi32, #tpu.memory_space<hbm>> -> memref<80xi32, #tpu.memory_space<hbm>>
        tpu.wait_dma2 semaphore(%arg12 : memref<!tpu.dma_semaphore, #tpu.memory_space<semaphore_mem>>) src(%dma_wait3A_622 : memref<80xi32, #tpu.memory_space<hbm>>) dst(%dma_wait3A_621 : memref<80xi32, #tpu.memory_space<vmem>>)
        %dma_wait3A_623 = arith.constant 3 : i32
        %dma_wait3A_624 = arith.constant 1 : i32
        %dma_wait3A_625 = arith.constant 0 : i32
        %dma_wait3A_626 = tpu.memref_slice %arg6[%dma_wait3A_623, %dma_wait3A_624, %dma_wait3A_625] : memref<6x2x80xi32, #tpu.memory_space<vmem>> -> memref<1x1x80xi32, #tpu.memory_space<vmem>>
        %dma_wait3A_627 = tpu.memref_squeeze %dma_wait3A_626 : memref<1x1x80xi32, #tpu.memory_space<vmem>> -> memref<80xi32, #tpu.memory_space<vmem>>
        %dma_wait3A_628 = tpu.memref_slice %arg4[%add3A_612] : memref<320000xi32, #tpu.memory_space<hbm>> -> memref<80xi32, #tpu.memory_space<hbm>>
        %dma_wait3A_629 = arith.constant 0 : i32
        %dma_wait3A_630 = tpu.memref_slice %arg6[%dma_wait3A_623, %dma_wait3A_624, %dma_wait3A_629] : memref<6x2x80xi32, #tpu.memory_space<vmem>> -> memref<1x1x80xi32, #tpu.memory_space<vmem>>
        %dma_wait3A_631 = tpu.memref_squeeze %dma_wait3A_630 : memref<1x1x80xi32, #tpu.memory_space<vmem>> -> memref<80xi32, #tpu.memory_space<vmem>>
        %dma_wait3A_632 = tpu.memref_slice %arg4[%add3A_612] : memref<320000xi32, #tpu.memory_space<hbm>> -> memref<80xi32, #tpu.memory_space<hbm>>
        tpu.wait_dma2 semaphore(%arg12 : memref<!tpu.dma_semaphore, #tpu.memory_space<semaphore_mem>>) src(%dma_wait3A_632 : memref<80xi32, #tpu.memory_space<hbm>>) dst(%dma_wait3A_631 : memref<80xi32, #tpu.memory_space<vmem>>)
        %dma_start3A_633 = arith.constant 3 : i32
        %dma_start3A_634 = arith.constant 0 : i32
        %dma_start3A_635 = arith.constant 0 : i32
        %dma_start3A_636 = arith.constant 0 : i32
        %dma_start3A_637 = arith.constant 0 : i32
        %dma_start3A_638 = tpu.memref_slice %arg7[%dma_start3A_635, %dma_start3A_636, %dma_start3A_637] : memref<3x80x128xf32, #tpu.memory_space<vmem>> -> memref<1x80x128xf32, #tpu.memory_space<vmem>>
        %dma_start3A_639 = tpu.memref_squeeze %dma_start3A_638 : memref<1x80x128xf32, #tpu.memory_space<vmem>> -> memref<80x128xf32, #tpu.memory_space<vmem>>
        %dma_start3A_640 = arith.constant 0 : i32
        %dma_start3A_641 = tpu.memref_slice %arg6[%dma_start3A_633, %dma_start3A_634, %dma_start3A_640] : memref<6x2x80xi32, #tpu.memory_space<vmem>> -> memref<1x1x80xi32, #tpu.memory_space<vmem>>
        %dma_start3A_642 = tpu.memref_squeeze %dma_start3A_641 : memref<1x1x80xi32, #tpu.memory_space<vmem>> -> memref<80xi32, #tpu.memory_space<vmem>>
        %dma_start3A_643 = arith.constant 0 : i32
        %dma_start3A_644 = arith.constant 0 : i32
        %dma_start3A_645 = tpu.memref_slice %arg2[%dma_start3A_643, %dma_start3A_644] : memref<10000x128xf32, #tpu.memory_space<hbm>> -> memref<10000x128xf32, #tpu.memory_space<hbm>>
        tpu.enqueue_indirect_dma source(%dma_start3A_645 : memref<10000x128xf32, #tpu.memory_space<hbm>>) target(%dma_start3A_639 : memref<80x128xf32, #tpu.memory_space<vmem>>) offsets(%dma_start3A_642 : memref<80xi32, #tpu.memory_space<vmem>>) semaphore(%arg15 : memref<!tpu.dma_semaphore, #tpu.memory_space<semaphore_mem>>)
      } else {
      }
      %add3A_597 = arith.constant 6 : i32
      %add3A_598 = arith.addi %add3A_574, %add3A_597 : i32
      %sub3A_599 = arith.constant 2 : i32
      %sub3A_600 = arith.subi %add3A_598, %sub3A_599 : i32
      %lt3A_601 = arith.constant 125 : i32
      %lt3A_602 = arith.cmpi slt, %sub3A_600, %lt3A_601 : i32
      %convert_element_type3A_603 = arith.extui %lt3A_602 : i1 to i32
      %cond3A_604 = arith.constant 0 : i32
      %cond3A_605 = arith.cmpi ne, %convert_element_type3A_603, %cond3A_604 : i32
      scf.if %cond3A_605 {
        %add3A_606 = arith.constant 6 : i32
        %add3A_607 = arith.addi %add3A_574, %add3A_606 : i32
        %sub3A_608 = arith.constant 2 : i32
        %sub3A_609 = arith.subi %add3A_607, %sub3A_608 : i32
        %mul3A_610 = arith.constant 80 : i32
        %mul3A_611 = arith.muli %sub3A_609, %mul3A_610 : i32
        %add3A_612 = arith.addi %mul3A_2, %mul3A_611 : i32
        %dma_start3A_613 = arith.constant 5 : i32
        %dma_start3A_614 = arith.constant 0 : i32
        %dma_start3A_615 = arith.constant 0 : i32
        %dma_start3A_616 = tpu.memref_slice %arg6[%dma_start3A_613, %dma_start3A_614, %dma_start3A_615] : memref<6x2x80xi32, #tpu.memory_space<vmem>> -> memref<1x1x80xi32, #tpu.memory_space<vmem>>
        %dma_start3A_617 = tpu.memref_squeeze %dma_start3A_616 : memref<1x1x80xi32, #tpu.memory_space<vmem>> -> memref<80xi32, #tpu.memory_space<vmem>>
        %dma_start3A_618 = tpu.memref_slice %arg3[%add3A_612] : memref<320000xi32, #tpu.memory_space<hbm>> -> memref<80xi32, #tpu.memory_space<hbm>>
        %dma_start3A_619 = arith.constant 0 : i32
        %dma_start3A_620 = tpu.memref_slice %arg6[%dma_start3A_613, %dma_start3A_614, %dma_start3A_619] : memref<6x2x80xi32, #tpu.memory_space<vmem>> -> memref<1x1x80xi32, #tpu.memory_space<vmem>>
        %dma_start3A_621 = tpu.memref_squeeze %dma_start3A_620 : memref<1x1x80xi32, #tpu.memory_space<vmem>> -> memref<80xi32, #tpu.memory_space<vmem>>
        %dma_start3A_622 = tpu.memref_slice %arg3[%add3A_612] : memref<320000xi32, #tpu.memory_space<hbm>> -> memref<80xi32, #tpu.memory_space<hbm>>
        tpu.enqueue_dma source(%dma_start3A_622 : memref<80xi32, #tpu.memory_space<hbm>>) target(%dma_start3A_621 : memref<80xi32, #tpu.memory_space<vmem>>) target_semaphore(%arg14 : memref<!tpu.dma_semaphore, #tpu.memory_space<semaphore_mem>>)
        %dma_start3A_623 = arith.constant 5 : i32
        %dma_start3A_624 = arith.constant 1 : i32
        %dma_start3A_625 = arith.constant 0 : i32
        %dma_start3A_626 = tpu.memref_slice %arg6[%dma_start3A_623, %dma_start3A_624, %dma_start3A_625] : memref<6x2x80xi32, #tpu.memory_space<vmem>> -> memref<1x1x80xi32, #tpu.memory_space<vmem>>
        %dma_start3A_627 = tpu.memref_squeeze %dma_start3A_626 : memref<1x1x80xi32, #tpu.memory_space<vmem>> -> memref<80xi32, #tpu.memory_space<vmem>>
        %dma_start3A_628 = tpu.memref_slice %arg4[%add3A_612] : memref<320000xi32, #tpu.memory_space<hbm>> -> memref<80xi32, #tpu.memory_space<hbm>>
        %dma_start3A_629 = arith.constant 0 : i32
        %dma_start3A_630 = tpu.memref_slice %arg6[%dma_start3A_623, %dma_start3A_624, %dma_start3A_629] : memref<6x2x80xi32, #tpu.memory_space<vmem>> -> memref<1x1x80xi32, #tpu.memory_space<vmem>>
        %dma_start3A_631 = tpu.memref_squeeze %dma_start3A_630 : memref<1x1x80xi32, #tpu.memory_space<vmem>> -> memref<80xi32, #tpu.memory_space<vmem>>
        %dma_start3A_632 = tpu.memref_slice %arg4[%add3A_612] : memref<320000xi32, #tpu.memory_space<hbm>> -> memref<80xi32, #tpu.memory_space<hbm>>
        tpu.enqueue_dma source(%dma_start3A_632 : memref<80xi32, #tpu.memory_space<hbm>>) target(%dma_start3A_631 : memref<80xi32, #tpu.memory_space<vmem>>) target_semaphore(%arg14 : memref<!tpu.dma_semaphore, #tpu.memory_space<semaphore_mem>>)
      } else {
      }
    }
    %scan3A_320 = arith.constant 20 : i32
    %dma_wait3A_321 = arith.constant 2 : i32
    %dma_wait3A_322 = arith.constant 0 : i32
    %dma_wait3A_323 = arith.constant 2 : i32
    %dma_wait3A_324 = arith.constant 0 : i32
    %dma_wait3A_325 = arith.constant 0 : i32
    %dma_wait3A_326 = tpu.memref_slice %arg7[%dma_wait3A_323, %dma_wait3A_324, %dma_wait3A_325] : memref<3x80x128xf32, #tpu.memory_space<vmem>> -> memref<1x80x128xf32, #tpu.memory_space<vmem>>
    %dma_wait3A_327 = tpu.memref_squeeze %dma_wait3A_326 : memref<1x80x128xf32, #tpu.memory_space<vmem>> -> memref<80x128xf32, #tpu.memory_space<vmem>>
    %dma_wait3A_328 = arith.constant 0 : i32
    %dma_wait3A_329 = tpu.memref_slice %arg6[%dma_wait3A_321, %dma_wait3A_322, %dma_wait3A_328] : memref<6x2x80xi32, #tpu.memory_space<vmem>> -> memref<1x1x80xi32, #tpu.memory_space<vmem>>
    %dma_wait3A_330 = tpu.memref_squeeze %dma_wait3A_329 : memref<1x1x80xi32, #tpu.memory_space<vmem>> -> memref<80xi32, #tpu.memory_space<vmem>>
    %dma_wait3A_331 = arith.constant 0 : i32
    %dma_wait3A_332 = arith.constant 0 : i32
    %dma_wait3A_333 = tpu.memref_slice %arg2[%dma_wait3A_331, %dma_wait3A_332] : memref<10000x128xf32, #tpu.memory_space<hbm>> -> memref<10000x128xf32, #tpu.memory_space<hbm>>
    tpu.wait_indirect_dma semaphore(%arg17 : memref<!tpu.dma_semaphore, #tpu.memory_space<semaphore_mem>>) src(%dma_wait3A_333 : memref<10000x128xf32, #tpu.memory_space<hbm>>) dst(%dma_wait3A_327 : memref<80x128xf32, #tpu.memory_space<vmem>>)
    %add3A_334 = arith.constant 9920 : i32
    %add3A_335 = arith.addi %mul3A_2, %add3A_334 : i32
    %dma_wait3A_336 = arith.constant 4 : i32
    %dma_wait3A_337 = arith.constant 0 : i32
    %dma_wait3A_338 = arith.constant 0 : i32
    %dma_wait3A_339 = tpu.memref_slice %arg6[%dma_wait3A_336, %dma_wait3A_337, %dma_wait3A_338] : memref<6x2x80xi32, #tpu.memory_space<vmem>> -> memref<1x1x80xi32, #tpu.memory_space<vmem>>
    %dma_wait3A_340 = tpu.memref_squeeze %dma_wait3A_339 : memref<1x1x80xi32, #tpu.memory_space<vmem>> -> memref<80xi32, #tpu.memory_space<vmem>>
    %dma_wait3A_341 = tpu.memref_slice %arg3[%add3A_335] : memref<320000xi32, #tpu.memory_space<hbm>> -> memref<80xi32, #tpu.memory_space<hbm>>
    %dma_wait3A_342 = arith.constant 0 : i32
    %dma_wait3A_343 = tpu.memref_slice %arg6[%dma_wait3A_336, %dma_wait3A_337, %dma_wait3A_342] : memref<6x2x80xi32, #tpu.memory_space<vmem>> -> memref<1x1x80xi32, #tpu.memory_space<vmem>>
    %dma_wait3A_344 = tpu.memref_squeeze %dma_wait3A_343 : memref<1x1x80xi32, #tpu.memory_space<vmem>> -> memref<80xi32, #tpu.memory_space<vmem>>
    %dma_wait3A_345 = tpu.memref_slice %arg3[%add3A_335] : memref<320000xi32, #tpu.memory_space<hbm>> -> memref<80xi32, #tpu.memory_space<hbm>>
    tpu.wait_dma2 semaphore(%arg13 : memref<!tpu.dma_semaphore, #tpu.memory_space<semaphore_mem>>) src(%dma_wait3A_345 : memref<80xi32, #tpu.memory_space<hbm>>) dst(%dma_wait3A_344 : memref<80xi32, #tpu.memory_space<vmem>>)
    %dma_wait3A_346 = arith.constant 4 : i32
    %dma_wait3A_347 = arith.constant 1 : i32
    %dma_wait3A_348 = arith.constant 0 : i32
    %dma_wait3A_349 = tpu.memref_slice %arg6[%dma_wait3A_346, %dma_wait3A_347, %dma_wait3A_348] : memref<6x2x80xi32, #tpu.memory_space<vmem>> -> memref<1x1x80xi32, #tpu.memory_space<vmem>>
    %dma_wait3A_350 = tpu.memref_squeeze %dma_wait3A_349 : memref<1x1x80xi32, #tpu.memory_space<vmem>> -> memref<80xi32, #tpu.memory_space<vmem>>
    %dma_wait3A_351 = tpu.memref_slice %arg4[%add3A_335] : memref<320000xi32, #tpu.memory_space<hbm>> -> memref<80xi32, #tpu.memory_space<hbm>>
    %dma_wait3A_352 = arith.constant 0 : i32
    %dma_wait3A_353 = tpu.memref_slice %arg6[%dma_wait3A_346, %dma_wait3A_347, %dma_wait3A_352] : memref<6x2x80xi32, #tpu.memory_space<vmem>> -> memref<1x1x80xi32, #tpu.memory_space<vmem>>
    %dma_wait3A_354 = tpu.memref_squeeze %dma_wait3A_353 : memref<1x1x80xi32, #tpu.memory_space<vmem>> -> memref<80xi32, #tpu.memory_space<vmem>>
    %dma_wait3A_355 = tpu.memref_slice %arg4[%add3A_335] : memref<320000xi32, #tpu.memory_space<hbm>> -> memref<80xi32, #tpu.memory_space<hbm>>
    tpu.wait_dma2 semaphore(%arg13 : memref<!tpu.dma_semaphore, #tpu.memory_space<semaphore_mem>>) src(%dma_wait3A_355 : memref<80xi32, #tpu.memory_space<hbm>>) dst(%dma_wait3A_354 : memref<80xi32, #tpu.memory_space<vmem>>)
    %dma_start3A_356 = arith.constant 4 : i32
    %dma_start3A_357 = arith.constant 0 : i32
    %dma_start3A_358 = arith.constant 1 : i32
    %dma_start3A_359 = arith.constant 0 : i32
    %dma_start3A_360 = arith.constant 0 : i32
    %dma_start3A_361 = tpu.memref_slice %arg7[%dma_start3A_358, %dma_start3A_359, %dma_start3A_360] : memref<3x80x128xf32, #tpu.memory_space<vmem>> -> memref<1x80x128xf32, #tpu.memory_space<vmem>>
    %dma_start3A_362 = tpu.memref_squeeze %dma_start3A_361 : memref<1x80x128xf32, #tpu.memory_space<vmem>> -> memref<80x128xf32, #tpu.memory_space<vmem>>
    %dma_start3A_363 = arith.constant 0 : i32
    %dma_start3A_364 = tpu.memref_slice %arg6[%dma_start3A_356, %dma_start3A_357, %dma_start3A_363] : memref<6x2x80xi32, #tpu.memory_space<vmem>> -> memref<1x1x80xi32, #tpu.memory_space<vmem>>
    %dma_start3A_365 = tpu.memref_squeeze %dma_start3A_364 : memref<1x1x80xi32, #tpu.memory_space<vmem>> -> memref<80xi32, #tpu.memory_space<vmem>>
    %dma_start3A_366 = arith.constant 0 : i32
    %dma_start3A_367 = arith.constant 0 : i32
    %dma_start3A_368 = tpu.memref_slice %arg2[%dma_start3A_366, %dma_start3A_367] : memref<10000x128xf32, #tpu.memory_space<hbm>> -> memref<10000x128xf32, #tpu.memory_space<hbm>>
    tpu.enqueue_indirect_dma source(%dma_start3A_368 : memref<10000x128xf32, #tpu.memory_space<hbm>>) target(%dma_start3A_362 : memref<80x128xf32, #tpu.memory_space<vmem>>) offsets(%dma_start3A_365 : memref<80xi32, #tpu.memory_space<vmem>>) semaphore(%arg16 : memref<!tpu.dma_semaphore, #tpu.memory_space<semaphore_mem>>)
    %dma_wait3A_369 = arith.constant 3 : i32
    %dma_wait3A_370 = arith.constant 0 : i32
    %dma_wait3A_371 = arith.constant 0 : i32
    %dma_wait3A_372 = arith.constant 0 : i32
    %dma_wait3A_373 = arith.constant 0 : i32
    %dma_wait3A_374 = tpu.memref_slice %arg7[%dma_wait3A_371, %dma_wait3A_372, %dma_wait3A_373] : memref<3x80x128xf32, #tpu.memory_space<vmem>> -> memref<1x80x128xf32, #tpu.memory_space<vmem>>
    %dma_wait3A_375 = tpu.memref_squeeze %dma_wait3A_374 : memref<1x80x128xf32, #tpu.memory_space<vmem>> -> memref<80x128xf32, #tpu.memory_space<vmem>>
    %dma_wait3A_376 = arith.constant 0 : i32
    %dma_wait3A_377 = tpu.memref_slice %arg6[%dma_wait3A_369, %dma_wait3A_370, %dma_wait3A_376] : memref<6x2x80xi32, #tpu.memory_space<vmem>> -> memref<1x1x80xi32, #tpu.memory_space<vmem>>
    %dma_wait3A_378 = tpu.memref_squeeze %dma_wait3A_377 : memref<1x1x80xi32, #tpu.memory_space<vmem>> -> memref<80xi32, #tpu.memory_space<vmem>>
    %dma_wait3A_379 = arith.constant 0 : i32
    %dma_wait3A_380 = arith.constant 0 : i32
    %dma_wait3A_381 = tpu.memref_slice %arg2[%dma_wait3A_379, %dma_wait3A_380] : memref<10000x128xf32, #tpu.memory_space<hbm>> -> memref<10000x128xf32, #tpu.memory_space<hbm>>
    tpu.wait_indirect_dma semaphore(%arg15 : memref<!tpu.dma_semaphore, #tpu.memory_space<semaphore_mem>>) src(%dma_wait3A_381 : memref<10000x128xf32, #tpu.memory_space<hbm>>) dst(%dma_wait3A_375 : memref<80x128xf32, #tpu.memory_space<vmem>>)
    %dma_wait3A_382 = arith.constant 4 : i32
    %dma_wait3A_383 = arith.constant 0 : i32
    %dma_wait3A_384 = arith.constant 1 : i32
    %dma_wait3A_385 = arith.constant 0 : i32
    %dma_wait3A_386 = arith.constant 0 : i32
    %dma_wait3A_387 = tpu.memref_slice %arg7[%dma_wait3A_384, %dma_wait3A_385, %dma_wait3A_386] : memref<3x80x128xf32, #tpu.memory_space<vmem>> -> memref<1x80x128xf32, #tpu.memory_space<vmem>>
    %dma_wait3A_388 = tpu.memref_squeeze %dma_wait3A_387 : memref<1x80x128xf32, #tpu.memory_space<vmem>> -> memref<80x128xf32, #tpu.memory_space<vmem>>
    %dma_wait3A_389 = arith.constant 0 : i32
    %dma_wait3A_390 = tpu.memref_slice %arg6[%dma_wait3A_382, %dma_wait3A_383, %dma_wait3A_389] : memref<6x2x80xi32, #tpu.memory_space<vmem>> -> memref<1x1x80xi32, #tpu.memory_space<vmem>>
    %dma_wait3A_391 = tpu.memref_squeeze %dma_wait3A_390 : memref<1x1x80xi32, #tpu.memory_space<vmem>> -> memref<80xi32, #tpu.memory_space<vmem>>
    %dma_wait3A_392 = arith.constant 0 : i32
    %dma_wait3A_393 = arith.constant 0 : i32
    %dma_wait3A_394 = tpu.memref_slice %arg2[%dma_wait3A_392, %dma_wait3A_393] : memref<10000x128xf32, #tpu.memory_space<hbm>> -> memref<10000x128xf32, #tpu.memory_space<hbm>>
    tpu.wait_indirect_dma semaphore(%arg16 : memref<!tpu.dma_semaphore, #tpu.memory_space<semaphore_mem>>) src(%dma_wait3A_394 : memref<10000x128xf32, #tpu.memory_space<hbm>>) dst(%dma_wait3A_388 : memref<80x128xf32, #tpu.memory_space<vmem>>)
    %barrier3A_395 = arith.constant 0 : index
    tpu.barrier barrier_id(%barrier3A_395)
    %while3A_396 = arith.constant 0 : i32
    %while3A_397 = arith.constant 0 : i32
    %while3A_398 = arith.subi %select_n3A, %while3A_397 : i32
    %while3A_399 = arith.addi %while3A_397, %while3A_398 : i32
    %while3A_400 = arith.constant 1 : i32
    %while3A_401 = arith.divsi %while3A_398, %while3A_400 : i32
    %while3A_402 = arith.muli %while3A_401, %while3A_400 : i32
    %while3A_403 = arith.addi %while3A_397, %while3A_402 : i32
    %while3A_404 = arith.constant 1 : i32
    scf.for %while3A_406 = %while3A_397 to %while3A_403 step %while3A_404  : i32 {
      %mul3A_407 = arith.constant 16 : i32
      %mul3A_408 = arith.muli %mul3A_407, %while3A_406 : i32
      %add3A_409 = arith.addi %arg1, %mul3A_408 : i32
      %mul3A_410 = arith.constant 80 : i32
      %mul3A_411 = arith.muli %add3A_409, %mul3A_410 : i32
      "tpu.region"() ({
        %run_scoped3A = tpu.sem_alloc : memref<!tpu.dma_semaphore, #tpu.memory_space<semaphore_mem>>
        %dma_start3A_412 = arith.constant 0 : i32
        %dma_start3A_413 = tpu.memref_slice %arg5[%arg0, %mul3A_411, %dma_start3A_412] : memref<2x10000x128xf32, #tpu.memory_space<hbm>> -> memref<1x80x128xf32, #tpu.memory_space<hbm>>
        %dma_start3A_414 = tpu.memref_squeeze %dma_start3A_413 : memref<1x80x128xf32, #tpu.memory_space<hbm>> -> memref<80x128xf32, #tpu.memory_space<hbm>>
        %dma_start3A_415 = arith.constant 0 : i32
        %dma_start3A_416 = tpu.memref_slice %arg8[%mul3A_411, %dma_start3A_415] : memref<10000x128xf32, #tpu.memory_space<vmem_shared>> -> memref<80x128xf32, #tpu.memory_space<vmem_shared>>
        tpu.enqueue_dma source(%dma_start3A_416 : memref<80x128xf32, #tpu.memory_space<vmem_shared>>) target(%dma_start3A_414 : memref<80x128xf32, #tpu.memory_space<hbm>>) target_semaphore(%run_scoped3A : memref<!tpu.dma_semaphore, #tpu.memory_space<semaphore_mem>>)
        %dma_wait3A_417 = arith.constant 0 : i32
        %dma_wait3A_418 = tpu.memref_slice %arg5[%arg0, %mul3A_411, %dma_wait3A_417] : memref<2x10000x128xf32, #tpu.memory_space<hbm>> -> memref<1x80x128xf32, #tpu.memory_space<hbm>>
        %dma_wait3A_419 = tpu.memref_squeeze %dma_wait3A_418 : memref<1x80x128xf32, #tpu.memory_space<hbm>> -> memref<80x128xf32, #tpu.memory_space<hbm>>
        %dma_wait3A_420 = arith.constant 0 : i32
        %dma_wait3A_421 = tpu.memref_slice %arg8[%mul3A_411, %dma_wait3A_420] : memref<10000x128xf32, #tpu.memory_space<vmem_shared>> -> memref<80x128xf32, #tpu.memory_space<vmem_shared>>
        tpu.wait_dma2 semaphore(%run_scoped3A : memref<!tpu.dma_semaphore, #tpu.memory_space<semaphore_mem>>) src(%dma_wait3A_421 : memref<80x128xf32, #tpu.memory_space<vmem_shared>>) dst(%dma_wait3A_419 : memref<80x128xf32, #tpu.memory_space<hbm>>)
        tpu.yield
      }) : () -> ()
    }
    %while3A_405 = arith.constant 1 : i32
    scf.for %while3A_406 = %while3A_403 to %while3A_399 step %while3A_405  : i32 {
      %mul3A_407 = arith.constant 16 : i32
      %mul3A_408 = arith.muli %mul3A_407, %while3A_406 : i32
      %add3A_409 = arith.addi %arg1, %mul3A_408 : i32
      %mul3A_410 = arith.constant 80 : i32
      %mul3A_411 = arith.muli %add3A_409, %mul3A_410 : i32
      "tpu.region"() ({
        %run_scoped3A = tpu.sem_alloc : memref<!tpu.dma_semaphore, #tpu.memory_space<semaphore_mem>>
        %dma_start3A_412 = arith.constant 0 : i32
        %dma_start3A_413 = tpu.memref_slice %arg5[%arg0, %mul3A_411, %dma_start3A_412] : memref<2x10000x128xf32, #tpu.memory_space<hbm>> -> memref<1x80x128xf32, #tpu.memory_space<hbm>>
        %dma_start3A_414 = tpu.memref_squeeze %dma_start3A_413 : memref<1x80x128xf32, #tpu.memory_space<hbm>> -> memref<80x128xf32, #tpu.memory_space<hbm>>
        %dma_start3A_415 = arith.constant 0 : i32
        %dma_start3A_416 = tpu.memref_slice %arg8[%mul3A_411, %dma_start3A_415] : memref<10000x128xf32, #tpu.memory_space<vmem_shared>> -> memref<80x128xf32, #tpu.memory_space<vmem_shared>>
        tpu.enqueue_dma source(%dma_start3A_416 : memref<80x128xf32, #tpu.memory_space<vmem_shared>>) target(%dma_start3A_414 : memref<80x128xf32, #tpu.memory_space<hbm>>) target_semaphore(%run_scoped3A : memref<!tpu.dma_semaphore, #tpu.memory_space<semaphore_mem>>)
        %dma_wait3A_417 = arith.constant 0 : i32
        %dma_wait3A_418 = tpu.memref_slice %arg5[%arg0, %mul3A_411, %dma_wait3A_417] : memref<2x10000x128xf32, #tpu.memory_space<hbm>> -> memref<1x80x128xf32, #tpu.memory_space<hbm>>
        %dma_wait3A_419 = tpu.memref_squeeze %dma_wait3A_418 : memref<1x80x128xf32, #tpu.memory_space<hbm>> -> memref<80x128xf32, #tpu.memory_space<hbm>>
        %dma_wait3A_420 = arith.constant 0 : i32
        %dma_wait3A_421 = tpu.memref_slice %arg8[%mul3A_411, %dma_wait3A_420] : memref<10000x128xf32, #tpu.memory_space<vmem_shared>> -> memref<80x128xf32, #tpu.memory_space<vmem_shared>>
        tpu.wait_dma2 semaphore(%run_scoped3A : memref<!tpu.dma_semaphore, #tpu.memory_space<semaphore_mem>>) src(%dma_wait3A_421 : memref<80x128xf32, #tpu.memory_space<vmem_shared>>) dst(%dma_wait3A_419 : memref<80x128xf32, #tpu.memory_space<hbm>>)
        tpu.yield
      }) : () -> ()
    }
    return
  }
}

module attributes {stable_mosaic.version = 14 : i64} {
  func.func @_gru_body(%arg0: i32, %arg1: memref<2x1000x128xf32, #tpu.memory_space<vmem>>, %arg2: memref<1000x128xf32, #tpu.memory_space<vmem>>, %arg3: memref<384x128xf32, #tpu.memory_space<vmem>>, %arg4: memref<384x128xf32, #tpu.memory_space<vmem>>, %arg5: memref<1x384xf32, #tpu.memory_space<vmem>>, %arg6: memref<1x384xf32, #tpu.memory_space<vmem>>, %arg7: memref<128x128xf32, #tpu.memory_space<vmem>>, %arg8: memref<1000x128xf32, #tpu.memory_space<vmem>>, %arg9: memref<1000x128xf32, #tpu.memory_space<vmem>>) attributes {dimension_semantics = [#tpu.dimension_semantics<arbitrary>], iteration_bounds = array<i64: 10>, scalar_prefetch = 0 : i64, scratch_operands = 0 : i64, tpu.core_type = #tpu.core_type<tc>, window_params = [{transform_indices = @transform_0, window_bounds = array<i64: 2, 1000, 128>}, {transform_indices = @transform_1, window_bounds = array<i64: 1000, 128>}, {pipeline_mode = #tpu.pipeline_mode<synchronous>, transform_indices = @transform_2, window_bounds = array<i64: 384, 128>}, {pipeline_mode = #tpu.pipeline_mode<synchronous>, transform_indices = @transform_3, window_bounds = array<i64: 384, 128>}, {pipeline_mode = #tpu.pipeline_mode<synchronous>, transform_indices = @transform_4, window_bounds = array<i64: 1, 384>}, {pipeline_mode = #tpu.pipeline_mode<synchronous>, transform_indices = @transform_5, window_bounds = array<i64: 1, 384>}, {pipeline_mode = #tpu.pipeline_mode<synchronous>, transform_indices = @transform_6, window_bounds = array<i64: 128, 128>}, {transform_indices = @transform_7, window_bounds = array<i64: 1000, 128>}, {transform_indices = @transform_8, window_bounds = array<i64: 1000, 128>}]} {
    %get3A = arith.constant 0 : index
    %get3A_0 = arith.constant 0 : index
    %get3A_1 = arith.constant 0 : index
    %get3A_2 = vector.load %arg1[%get3A, %get3A_0, %get3A_1] : memref<2x1000x128xf32, #tpu.memory_space<vmem>>, vector<1x1000x128xf32>
    %get3A_3 = vector.shape_cast %get3A_2 : vector<1x1000x128xf32> to vector<1000x128xf32>
    %get3A_4 = arith.constant 1 : index
    %get3A_5 = arith.constant 0 : index
    %get3A_6 = arith.constant 0 : index
    %get3A_7 = vector.load %arg1[%get3A_4, %get3A_5, %get3A_6] : memref<2x1000x128xf32, #tpu.memory_space<vmem>>, vector<1x1000x128xf32>
    %get3A_8 = vector.shape_cast %get3A_7 : vector<1x1000x128xf32> to vector<1000x128xf32>
    %add3A = arith.addf %get3A_3, %get3A_8 : vector<1000x128xf32>
    %get3A_9 = arith.constant 0 : index
    %get3A_10 = arith.constant 0 : index
    %get3A_11 = vector.load %arg2[%get3A_9, %get3A_10] : memref<1000x128xf32, #tpu.memory_space<vmem>>, vector<1000x128xf32>
    %get3A_12 = arith.constant 0 : index
    %get3A_13 = arith.constant 0 : index
    %get3A_14 = vector.load %arg3[%get3A_12, %get3A_13] : memref<384x128xf32, #tpu.memory_space<vmem>>, vector<384x128xf32>
    %dot_general3A = arith.constant dense<0.000000e+00> : vector<1000x384xf32>
    %dot_general3A_15 = tpu.matmul %add3A, %get3A_14, %dot_general3A {dimension_numbers = #tpu.dot_dimension_numbers<[1], [1], [0], [0], [0, 0, 1, 0], [], []>, transpose_lhs_hint = false} : vector<1000x128xf32>, vector<384x128xf32>, vector<1000x384xf32> -> vector<1000x384xf32>
    %get3A_16 = arith.constant 0 : index
    %get3A_17 = arith.constant 0 : index
    %get3A_18 = vector.load %arg5[%get3A_16, %get3A_17] : memref<1x384xf32, #tpu.memory_space<vmem>>, vector<1x384xf32>
    %add3A_19 = vector.broadcast %get3A_18 : vector<1x384xf32> to vector<1000x384xf32>
    %add3A_20 = arith.addf %dot_general3A_15, %add3A_19 : vector<1000x384xf32>
    %get3A_21 = arith.constant 0 : index
    %get3A_22 = arith.constant 0 : index
    %get3A_23 = vector.load %arg4[%get3A_21, %get3A_22] : memref<384x128xf32, #tpu.memory_space<vmem>>, vector<384x128xf32>
    %dot_general3A_24 = arith.constant dense<0.000000e+00> : vector<1000x384xf32>
    %dot_general3A_25 = tpu.matmul %get3A_11, %get3A_23, %dot_general3A_24 {dimension_numbers = #tpu.dot_dimension_numbers<[1], [1], [0], [0], [0, 0, 1, 0], [], []>, transpose_lhs_hint = false} : vector<1000x128xf32>, vector<384x128xf32>, vector<1000x384xf32> -> vector<1000x384xf32>
    %get3A_26 = arith.constant 0 : index
    %get3A_27 = arith.constant 0 : index
    %get3A_28 = vector.load %arg6[%get3A_26, %get3A_27] : memref<1x384xf32, #tpu.memory_space<vmem>>, vector<1x384xf32>
    %add3A_29 = vector.broadcast %get3A_28 : vector<1x384xf32> to vector<1000x384xf32>
    %add3A_30 = arith.addf %dot_general3A_25, %add3A_29 : vector<1000x384xf32>
    %slice3A = vector.extract_strided_slice %add3A_20 {offsets = [0, 0], sizes = [1000, 128], strides = [1, 1]} : vector<1000x384xf32> to vector<1000x128xf32>
    %slice3A_31 = vector.extract_strided_slice %add3A_30 {offsets = [0, 0], sizes = [1000, 128], strides = [1, 1]} : vector<1000x384xf32> to vector<1000x128xf32>
    %add3A_32 = arith.addf %slice3A, %slice3A_31 : vector<1000x128xf32>
    %logistic3A = arith.negf %add3A_32 : vector<1000x128xf32>
    %logistic3A_33 = math.exp %logistic3A : vector<1000x128xf32>
    %logistic3A_34 = arith.constant 1.000000e+00 : f32
    %logistic3A_35 = vector.broadcast %logistic3A_34 : f32 to vector<1000x128xf32>
    %logistic3A_36 = arith.addf %logistic3A_35, %logistic3A_33 : vector<1000x128xf32>
    %logistic3A_37 = arith.divf %logistic3A_35, %logistic3A_36 : vector<1000x128xf32>
    %slice3A_38 = vector.extract_strided_slice %add3A_20 {offsets = [0, 128], sizes = [1000, 128], strides = [1, 1]} : vector<1000x384xf32> to vector<1000x128xf32>
    %slice3A_39 = vector.extract_strided_slice %add3A_30 {offsets = [0, 128], sizes = [1000, 128], strides = [1, 1]} : vector<1000x384xf32> to vector<1000x128xf32>
    %add3A_40 = arith.addf %slice3A_38, %slice3A_39 : vector<1000x128xf32>
    %logistic3A_41 = arith.negf %add3A_40 : vector<1000x128xf32>
    %logistic3A_42 = math.exp %logistic3A_41 : vector<1000x128xf32>
    %logistic3A_43 = arith.constant 1.000000e+00 : f32
    %logistic3A_44 = vector.broadcast %logistic3A_43 : f32 to vector<1000x128xf32>
    %logistic3A_45 = arith.addf %logistic3A_44, %logistic3A_42 : vector<1000x128xf32>
    %logistic3A_46 = arith.divf %logistic3A_44, %logistic3A_45 : vector<1000x128xf32>
    %slice3A_47 = vector.extract_strided_slice %add3A_20 {offsets = [0, 256], sizes = [1000, 128], strides = [1, 1]} : vector<1000x384xf32> to vector<1000x128xf32>
    %slice3A_48 = vector.extract_strided_slice %add3A_30 {offsets = [0, 256], sizes = [1000, 128], strides = [1, 1]} : vector<1000x384xf32> to vector<1000x128xf32>
    %mul3A = arith.mulf %logistic3A_37, %slice3A_48 : vector<1000x128xf32>
    %add3A_49 = arith.addf %slice3A_47, %mul3A : vector<1000x128xf32>
    %tanh3A = math.tanh %add3A_49 : vector<1000x128xf32>
    %sub3A = arith.constant 1.000000e+00 : f32
    %sub3A_50 = vector.broadcast %sub3A : f32 to vector<1000x128xf32>
    %sub3A_51 = arith.subf %sub3A_50, %logistic3A_46 : vector<1000x128xf32>
    %mul3A_52 = arith.mulf %sub3A_51, %tanh3A : vector<1000x128xf32>
    %mul3A_53 = arith.mulf %logistic3A_46, %get3A_11 : vector<1000x128xf32>
    %add3A_54 = arith.addf %mul3A_52, %mul3A_53 : vector<1000x128xf32>
    %swap3A = arith.constant 0 : index
    %swap3A_55 = arith.constant 0 : index
    %swap3A_56 = vector.load %arg8[%swap3A, %swap3A_55] : memref<1000x128xf32, #tpu.memory_space<vmem>>, vector<1000x128xf32>
    tpu.vector_store %arg8[%swap3A, %swap3A_55], %add3A_54 {strides = array<i32>} : memref<1000x128xf32, #tpu.memory_space<vmem>>, vector<1000x128xf32>,
    %get3A_57 = arith.constant 0 : index
    %get3A_58 = arith.constant 0 : index
    %get3A_59 = vector.load %arg7[%get3A_57, %get3A_58] : memref<128x128xf32, #tpu.memory_space<vmem>>, vector<128x128xf32>
    %dot_general3A_60 = arith.constant dense<0.000000e+00> : vector<1000x128xf32>
    %dot_general3A_61 = tpu.matmul %add3A_54, %get3A_59, %dot_general3A_60 {dimension_numbers = #tpu.dot_dimension_numbers<[1], [0], [0], [1], [0, 0, 1, 1], [], []>, transpose_lhs_hint = false} : vector<1000x128xf32>, vector<128x128xf32>, vector<1000x128xf32> -> vector<1000x128xf32>
    %swap3A_62 = arith.constant 0 : index
    %swap3A_63 = arith.constant 0 : index
    %swap3A_64 = vector.load %arg9[%swap3A_62, %swap3A_63] : memref<1000x128xf32, #tpu.memory_space<vmem>>, vector<1000x128xf32>
    tpu.vector_store %arg9[%swap3A_62, %swap3A_63], %dot_general3A_61 {strides = array<i32>} : memref<1000x128xf32, #tpu.memory_space<vmem>>, vector<1000x128xf32>,
    return
  }
  func.func @transform_0(%arg0: i32) -> (i32, i32, i32) {
    %c0_i32 = arith.constant 0 : i32
    %c0_i32_0 = arith.constant 0 : i32
    %c0_i32_1 = arith.constant 0 : i32
    return %c0_i32, %arg0, %c0_i32_0 : i32, i32, i32
  }
  func.func @transform_1(%arg0: i32) -> (i32, i32) {
    %c0_i32 = arith.constant 0 : i32
    %c0_i32_0 = arith.constant 0 : i32
    return %arg0, %c0_i32 : i32, i32
  }
  func.func @transform_2(%arg0: i32) -> (i32, i32) {
    %c0_i32 = arith.constant 0 : i32
    %c0_i32_0 = arith.constant 0 : i32
    %c0_i32_1 = arith.constant 0 : i32
    return %c0_i32, %c0_i32_0 : i32, i32
  }
  func.func @transform_3(%arg0: i32) -> (i32, i32) {
    %c0_i32 = arith.constant 0 : i32
    %c0_i32_0 = arith.constant 0 : i32
    %c0_i32_1 = arith.constant 0 : i32
    return %c0_i32, %c0_i32_0 : i32, i32
  }
  func.func @transform_4(%arg0: i32) -> (i32, i32) {
    %c0_i32 = arith.constant 0 : i32
    %c0_i32_0 = arith.constant 0 : i32
    %c0_i32_1 = arith.constant 0 : i32
    return %c0_i32, %c0_i32_0 : i32, i32
  }
  func.func @transform_5(%arg0: i32) -> (i32, i32) {
    %c0_i32 = arith.constant 0 : i32
    %c0_i32_0 = arith.constant 0 : i32
    %c0_i32_1 = arith.constant 0 : i32
    return %c0_i32, %c0_i32_0 : i32, i32
  }
  func.func @transform_6(%arg0: i32) -> (i32, i32) {
    %c0_i32 = arith.constant 0 : i32
    %c0_i32_0 = arith.constant 0 : i32
    %c0_i32_1 = arith.constant 0 : i32
    return %c0_i32, %c0_i32_0 : i32, i32
  }
  func.func @transform_7(%arg0: i32) -> (i32, i32) {
    %c0_i32 = arith.constant 0 : i32
    %c0_i32_0 = arith.constant 0 : i32
    return %arg0, %c0_i32 : i32, i32
  }
  func.func @transform_8(%arg0: i32) -> (i32, i32) {
    %c0_i32 = arith.constant 0 : i32
    %c0_i32_0 = arith.constant 0 : i32
    return %arg0, %c0_i32 : i32, i32
  }
}

module attributes {stable_mosaic.version = 14 : i64} {
  func.func @_mm_body(%arg0: i32, %arg1: memref<1000x128xf32, #tpu.memory_space<vmem>>, %arg2: memref<128x128xf32, #tpu.memory_space<vmem>>, %arg3: memref<1000x128xf32, #tpu.memory_space<vmem>>) attributes {dimension_semantics = [#tpu.dimension_semantics<arbitrary>], iteration_bounds = array<i64: 10>, scalar_prefetch = 0 : i64, scratch_operands = 0 : i64, tpu.core_type = #tpu.core_type<tc>, window_params = [{transform_indices = @transform_0, window_bounds = array<i64: 1000, 128>}, {pipeline_mode = #tpu.pipeline_mode<synchronous>, transform_indices = @transform_1, window_bounds = array<i64: 128, 128>}, {transform_indices = @transform_2, window_bounds = array<i64: 1000, 128>}]} {
    %get3A = arith.constant 0 : index
    %get3A_0 = arith.constant 0 : index
    %get3A_1 = vector.load %arg1[%get3A, %get3A_0] : memref<1000x128xf32, #tpu.memory_space<vmem>>, vector<1000x128xf32>
    %get3A_2 = arith.constant 0 : index
    %get3A_3 = arith.constant 0 : index
    %get3A_4 = vector.load %arg2[%get3A_2, %get3A_3] : memref<128x128xf32, #tpu.memory_space<vmem>>, vector<128x128xf32>
    %dot_general3A = arith.constant dense<0.000000e+00> : vector<1000x128xf32>
    %dot_general3A_5 = tpu.matmul %get3A_1, %get3A_4, %dot_general3A {dimension_numbers = #tpu.dot_dimension_numbers<[1], [0], [0], [1], [0, 0, 1, 1], [], []>, transpose_lhs_hint = false} : vector<1000x128xf32>, vector<128x128xf32>, vector<1000x128xf32> -> vector<1000x128xf32>
    %swap3A = arith.constant 0 : index
    %swap3A_6 = arith.constant 0 : index
    %swap3A_7 = vector.load %arg3[%swap3A, %swap3A_6] : memref<1000x128xf32, #tpu.memory_space<vmem>>, vector<1000x128xf32>
    tpu.vector_store %arg3[%swap3A, %swap3A_6], %dot_general3A_5 {strides = array<i32>} : memref<1000x128xf32, #tpu.memory_space<vmem>>, vector<1000x128xf32>,
    return
  }
  func.func @transform_0(%arg0: i32) -> (i32, i32) {
    %c0_i32 = arith.constant 0 : i32
    %c0_i32_0 = arith.constant 0 : i32
    return %arg0, %c0_i32 : i32, i32
  }
  func.func @transform_1(%arg0: i32) -> (i32, i32) {
    %c0_i32 = arith.constant 0 : i32
    %c0_i32_0 = arith.constant 0 : i32
    %c0_i32_1 = arith.constant 0 : i32
    return %c0_i32, %c0_i32_0 : i32, i32
  }
  func.func @transform_2(%arg0: i32) -> (i32, i32) {
    %c0_i32 = arith.constant 0 : i32
    %c0_i32_0 = arith.constant 0 : i32
    return %arg0, %c0_i32 : i32, i32
  }
}

module attributes {stable_mosaic.version = 14 : i64} {
  func.func @_gru_body(%arg0: i32, %arg1: memref<2x1000x128xf32, #tpu.memory_space<vmem>>, %arg2: memref<1000x128xf32, #tpu.memory_space<vmem>>, %arg3: memref<384x128xf32, #tpu.memory_space<vmem>>, %arg4: memref<384x128xf32, #tpu.memory_space<vmem>>, %arg5: memref<1x384xf32, #tpu.memory_space<vmem>>, %arg6: memref<1x384xf32, #tpu.memory_space<vmem>>, %arg7: memref<128x128xf32, #tpu.memory_space<vmem>>, %arg8: memref<1000x128xf32, #tpu.memory_space<vmem>>, %arg9: memref<1000x128xf32, #tpu.memory_space<vmem>>) attributes {dimension_semantics = [#tpu.dimension_semantics<arbitrary>], iteration_bounds = array<i64: 10>, scalar_prefetch = 0 : i64, scratch_operands = 0 : i64, tpu.core_type = #tpu.core_type<tc>, window_params = [{transform_indices = @transform_0, window_bounds = array<i64: 2, 1000, 128>}, {transform_indices = @transform_1, window_bounds = array<i64: 1000, 128>}, {pipeline_mode = #tpu.pipeline_mode<synchronous>, transform_indices = @transform_2, window_bounds = array<i64: 384, 128>}, {pipeline_mode = #tpu.pipeline_mode<synchronous>, transform_indices = @transform_3, window_bounds = array<i64: 384, 128>}, {pipeline_mode = #tpu.pipeline_mode<synchronous>, transform_indices = @transform_4, window_bounds = array<i64: 1, 384>}, {pipeline_mode = #tpu.pipeline_mode<synchronous>, transform_indices = @transform_5, window_bounds = array<i64: 1, 384>}, {pipeline_mode = #tpu.pipeline_mode<synchronous>, transform_indices = @transform_6, window_bounds = array<i64: 128, 128>}, {transform_indices = @transform_7, window_bounds = array<i64: 1000, 128>}, {transform_indices = @transform_8, window_bounds = array<i64: 1000, 128>}]} {
    %get3A = arith.constant 0 : index
    %get3A_0 = arith.constant 0 : index
    %get3A_1 = arith.constant 0 : index
    %get3A_2 = vector.load %arg1[%get3A, %get3A_0, %get3A_1] : memref<2x1000x128xf32, #tpu.memory_space<vmem>>, vector<1x1000x128xf32>
    %get3A_3 = vector.shape_cast %get3A_2 : vector<1x1000x128xf32> to vector<1000x128xf32>
    %get3A_4 = arith.constant 1 : index
    %get3A_5 = arith.constant 0 : index
    %get3A_6 = arith.constant 0 : index
    %get3A_7 = vector.load %arg1[%get3A_4, %get3A_5, %get3A_6] : memref<2x1000x128xf32, #tpu.memory_space<vmem>>, vector<1x1000x128xf32>
    %get3A_8 = vector.shape_cast %get3A_7 : vector<1x1000x128xf32> to vector<1000x128xf32>
    %add3A = arith.addf %get3A_3, %get3A_8 : vector<1000x128xf32>
    %get3A_9 = arith.constant 0 : index
    %get3A_10 = arith.constant 0 : index
    %get3A_11 = vector.load %arg2[%get3A_9, %get3A_10] : memref<1000x128xf32, #tpu.memory_space<vmem>>, vector<1000x128xf32>
    %get3A_12 = arith.constant 0 : index
    %get3A_13 = arith.constant 0 : index
    %get3A_14 = vector.load %arg3[%get3A_12, %get3A_13] : memref<384x128xf32, #tpu.memory_space<vmem>>, vector<384x128xf32>
    %dot_general3A = arith.constant dense<0.000000e+00> : vector<1000x384xf32>
    %dot_general3A_15 = tpu.matmul %add3A, %get3A_14, %dot_general3A {dimension_numbers = #tpu.dot_dimension_numbers<[1], [1], [0], [0], [0, 0, 1, 0], [], []>, transpose_lhs_hint = false} : vector<1000x128xf32>, vector<384x128xf32>, vector<1000x384xf32> -> vector<1000x384xf32>
    %get3A_16 = arith.constant 0 : index
    %get3A_17 = arith.constant 0 : index
    %get3A_18 = vector.load %arg5[%get3A_16, %get3A_17] : memref<1x384xf32, #tpu.memory_space<vmem>>, vector<1x384xf32>
    %add3A_19 = vector.broadcast %get3A_18 : vector<1x384xf32> to vector<1000x384xf32>
    %add3A_20 = arith.addf %dot_general3A_15, %add3A_19 : vector<1000x384xf32>
    %get3A_21 = arith.constant 0 : index
    %get3A_22 = arith.constant 0 : index
    %get3A_23 = vector.load %arg4[%get3A_21, %get3A_22] : memref<384x128xf32, #tpu.memory_space<vmem>>, vector<384x128xf32>
    %dot_general3A_24 = arith.constant dense<0.000000e+00> : vector<1000x384xf32>
    %dot_general3A_25 = tpu.matmul %get3A_11, %get3A_23, %dot_general3A_24 {dimension_numbers = #tpu.dot_dimension_numbers<[1], [1], [0], [0], [0, 0, 1, 0], [], []>, transpose_lhs_hint = false} : vector<1000x128xf32>, vector<384x128xf32>, vector<1000x384xf32> -> vector<1000x384xf32>
    %get3A_26 = arith.constant 0 : index
    %get3A_27 = arith.constant 0 : index
    %get3A_28 = vector.load %arg6[%get3A_26, %get3A_27] : memref<1x384xf32, #tpu.memory_space<vmem>>, vector<1x384xf32>
    %add3A_29 = vector.broadcast %get3A_28 : vector<1x384xf32> to vector<1000x384xf32>
    %add3A_30 = arith.addf %dot_general3A_25, %add3A_29 : vector<1000x384xf32>
    %slice3A = vector.extract_strided_slice %add3A_20 {offsets = [0, 0], sizes = [1000, 128], strides = [1, 1]} : vector<1000x384xf32> to vector<1000x128xf32>
    %slice3A_31 = vector.extract_strided_slice %add3A_30 {offsets = [0, 0], sizes = [1000, 128], strides = [1, 1]} : vector<1000x384xf32> to vector<1000x128xf32>
    %add3A_32 = arith.addf %slice3A, %slice3A_31 : vector<1000x128xf32>
    %logistic3A = arith.negf %add3A_32 : vector<1000x128xf32>
    %logistic3A_33 = math.exp %logistic3A : vector<1000x128xf32>
    %logistic3A_34 = arith.constant 1.000000e+00 : f32
    %logistic3A_35 = vector.broadcast %logistic3A_34 : f32 to vector<1000x128xf32>
    %logistic3A_36 = arith.addf %logistic3A_35, %logistic3A_33 : vector<1000x128xf32>
    %logistic3A_37 = arith.divf %logistic3A_35, %logistic3A_36 : vector<1000x128xf32>
    %slice3A_38 = vector.extract_strided_slice %add3A_20 {offsets = [0, 128], sizes = [1000, 128], strides = [1, 1]} : vector<1000x384xf32> to vector<1000x128xf32>
    %slice3A_39 = vector.extract_strided_slice %add3A_30 {offsets = [0, 128], sizes = [1000, 128], strides = [1, 1]} : vector<1000x384xf32> to vector<1000x128xf32>
    %add3A_40 = arith.addf %slice3A_38, %slice3A_39 : vector<1000x128xf32>
    %logistic3A_41 = arith.negf %add3A_40 : vector<1000x128xf32>
    %logistic3A_42 = math.exp %logistic3A_41 : vector<1000x128xf32>
    %logistic3A_43 = arith.constant 1.000000e+00 : f32
    %logistic3A_44 = vector.broadcast %logistic3A_43 : f32 to vector<1000x128xf32>
    %logistic3A_45 = arith.addf %logistic3A_44, %logistic3A_42 : vector<1000x128xf32>
    %logistic3A_46 = arith.divf %logistic3A_44, %logistic3A_45 : vector<1000x128xf32>
    %slice3A_47 = vector.extract_strided_slice %add3A_20 {offsets = [0, 256], sizes = [1000, 128], strides = [1, 1]} : vector<1000x384xf32> to vector<1000x128xf32>
    %slice3A_48 = vector.extract_strided_slice %add3A_30 {offsets = [0, 256], sizes = [1000, 128], strides = [1, 1]} : vector<1000x384xf32> to vector<1000x128xf32>
    %mul3A = arith.mulf %logistic3A_37, %slice3A_48 : vector<1000x128xf32>
    %add3A_49 = arith.addf %slice3A_47, %mul3A : vector<1000x128xf32>
    %tanh3A = math.tanh %add3A_49 : vector<1000x128xf32>
    %sub3A = arith.constant 1.000000e+00 : f32
    %sub3A_50 = vector.broadcast %sub3A : f32 to vector<1000x128xf32>
    %sub3A_51 = arith.subf %sub3A_50, %logistic3A_46 : vector<1000x128xf32>
    %mul3A_52 = arith.mulf %sub3A_51, %tanh3A : vector<1000x128xf32>
    %mul3A_53 = arith.mulf %logistic3A_46, %get3A_11 : vector<1000x128xf32>
    %add3A_54 = arith.addf %mul3A_52, %mul3A_53 : vector<1000x128xf32>
    %swap3A = arith.constant 0 : index
    %swap3A_55 = arith.constant 0 : index
    %swap3A_56 = vector.load %arg8[%swap3A, %swap3A_55] : memref<1000x128xf32, #tpu.memory_space<vmem>>, vector<1000x128xf32>
    tpu.vector_store %arg8[%swap3A, %swap3A_55], %add3A_54 {strides = array<i32>} : memref<1000x128xf32, #tpu.memory_space<vmem>>, vector<1000x128xf32>,
    %get3A_57 = arith.constant 0 : index
    %get3A_58 = arith.constant 0 : index
    %get3A_59 = vector.load %arg7[%get3A_57, %get3A_58] : memref<128x128xf32, #tpu.memory_space<vmem>>, vector<128x128xf32>
    %dot_general3A_60 = arith.constant dense<0.000000e+00> : vector<1000x128xf32>
    %dot_general3A_61 = tpu.matmul %add3A_54, %get3A_59, %dot_general3A_60 {dimension_numbers = #tpu.dot_dimension_numbers<[1], [0], [0], [1], [0, 0, 1, 1], [], []>, transpose_lhs_hint = false} : vector<1000x128xf32>, vector<128x128xf32>, vector<1000x128xf32> -> vector<1000x128xf32>
    %swap3A_62 = arith.constant 0 : index
    %swap3A_63 = arith.constant 0 : index
    %swap3A_64 = vector.load %arg9[%swap3A_62, %swap3A_63] : memref<1000x128xf32, #tpu.memory_space<vmem>>, vector<1000x128xf32>
    tpu.vector_store %arg9[%swap3A_62, %swap3A_63], %dot_general3A_61 {strides = array<i32>} : memref<1000x128xf32, #tpu.memory_space<vmem>>, vector<1000x128xf32>,
    return
  }
  func.func @transform_0(%arg0: i32) -> (i32, i32, i32) {
    %c0_i32 = arith.constant 0 : i32
    %c0_i32_0 = arith.constant 0 : i32
    %c0_i32_1 = arith.constant 0 : i32
    return %c0_i32, %arg0, %c0_i32_0 : i32, i32, i32
  }
  func.func @transform_1(%arg0: i32) -> (i32, i32) {
    %c0_i32 = arith.constant 0 : i32
    %c0_i32_0 = arith.constant 0 : i32
    return %arg0, %c0_i32 : i32, i32
  }
  func.func @transform_2(%arg0: i32) -> (i32, i32) {
    %c0_i32 = arith.constant 0 : i32
    %c0_i32_0 = arith.constant 0 : i32
    %c0_i32_1 = arith.constant 0 : i32
    return %c0_i32, %c0_i32_0 : i32, i32
  }
  func.func @transform_3(%arg0: i32) -> (i32, i32) {
    %c0_i32 = arith.constant 0 : i32
    %c0_i32_0 = arith.constant 0 : i32
    %c0_i32_1 = arith.constant 0 : i32
    return %c0_i32, %c0_i32_0 : i32, i32
  }
  func.func @transform_4(%arg0: i32) -> (i32, i32) {
    %c0_i32 = arith.constant 0 : i32
    %c0_i32_0 = arith.constant 0 : i32
    %c0_i32_1 = arith.constant 0 : i32
    return %c0_i32, %c0_i32_0 : i32, i32
  }
  func.func @transform_5(%arg0: i32) -> (i32, i32) {
    %c0_i32 = arith.constant 0 : i32
    %c0_i32_0 = arith.constant 0 : i32
    %c0_i32_1 = arith.constant 0 : i32
    return %c0_i32, %c0_i32_0 : i32, i32
  }
  func.func @transform_6(%arg0: i32) -> (i32, i32) {
    %c0_i32 = arith.constant 0 : i32
    %c0_i32_0 = arith.constant 0 : i32
    %c0_i32_1 = arith.constant 0 : i32
    return %c0_i32, %c0_i32_0 : i32, i32
  }
  func.func @transform_7(%arg0: i32) -> (i32, i32) {
    %c0_i32 = arith.constant 0 : i32
    %c0_i32_0 = arith.constant 0 : i32
    return %arg0, %c0_i32 : i32, i32
  }
  func.func @transform_8(%arg0: i32) -> (i32, i32) {
    %c0_i32 = arith.constant 0 : i32
    %c0_i32_0 = arith.constant 0 : i32
    return %arg0, %c0_i32 : i32, i32
  }
}

</mosaic_0001>

<sc_bundles>
// kernel: kernel.12.cloned.1.call-start
scs
__scs_entry_jumppad:
0x0: {  	(pc) =	sbr.rel $0x88, $3  }
0x1: {  	(tag) =	ssettag $0x0;
	lr =	simm.s32 $0x1  }
0x2: {  	[smem:$0x3F9A] =	sst lr;
	_ =	strace $0xD0000000  }
0x3: {  	_ = 	snop  }
0x4: {  	_ = 	snop  }
0x5: {  	_ = 	snop  }
0x6: {  	_ = 	snop  }
0x7: {  	_ = 	snop  }
__scs_overlays_trampoline_lowered:
0x8: {  	[smem:$0x3FA9] =	sst s0  }
0x9: {  	[smem:$0x3FAA] =	sst s1  }
0xa: {  	[smem:$0x3FAB] =	sst s2  }
0xb: {  	[smem:$0x3FAC] =	sst s3  }
0xc: {  	[smem:$0x3FAD] =	sst s4  }
0xd: {  	[smem:$0x3FAE] =	sst s5  }
0xe: {  	[smem:$0x3FAF] =	sst s6  }
0xf: {  	[smem:$0x3FB0] =	sst s7  }
0x10: {  	[smem:$0x3FB1] =	sst s8  }
0x11: {  	[smem:$0x3FB2] =	sst s9;
	s0 =	simm.s32 @!p0 $0x0  }
0x12: {  	s1 =	sld [smem:$0x3F98];
	s0 =	simm.s32 @p0 $0x1  }
0x13: {  	[smem:$0x3FB3] =	sst s0;
	s0 =	simm.s32 @!p1 $0x0  }
0x14: {  	s2 =	sld [smem:$0x3F97];
	s0 =	simm.s32 @p1 $0x1  }
0x15: {  	[smem:$0x3FB4] =	sst s0;
	s0 =	simm.s32 @!p2 $0x0  }
0x16: {  	s3 =	sld [smem:$0x3FDB];
	s0 =	simm.s32 @p2 $0x1  }
0x17: {  	s4 =	simm.s32 $0x1BF5;
	[smem:$0x3FB6] =	sst s0  }
0x18: {  	s0 =	sld [smem:$0x3F99];
	_ =	swait.ge [sflag:s4], $0x0  }
0x19: {  	s7 =	sld [smem:$0x3F9A]  }
0x1a: {  	s8 =	sadd.s32 $0xFFFFE003, lr  }
0x1b: {  	s9 =	sadd.s32 $0xFFFFFEF7, lr;
	s5 =	simm.s32 $0xFFFFFFFF;
	p2 =	slt.u32 s8, $0xFFFFF086  }
0x1c: {  	p1 =	slt.u32 s9, $0xF7A;
	s5 =	simm.s32 @!p2 $0x0  }
0x1d: {  	s5 =	simm.s32 @p1 $0x1;
	p0 =	seq.s32 s7, s2  }
0x1e: {  	s7 =	smul.u32 @!p0 $0xF7A, s2;
	p2 =	seq.s32 @!p0 s5, $0x0  }
0x1f: {  	s9 =	smul.u32 $0xF7A, s1;
	s8 =	simm.s32 @!p0 $0x1BF5;
	p2 =	por !p2, p0  }
0x20: {  	[sflag:s8] =	ssyncset.s32 @!p0 $0xFFFFF086;
	s6 =	sadd.s32 @!p0 s3, s7;
	s7 =	simm.s32 @!p0 $0x108  }
0x21: {  	s3 =	sadd.s32 s3, s9;
	s6 =	sadd.s32 @!p0 $0x88, s6;
	s7 =	simm.s32 @p2 $0x1082  }
0x22: {  	[simem:s7], [sflag:s8] =	dma.local @!p0 [hbm:s6], $0xF7A  }
0x23: {  	s9 =	sor.u32 $0xD0000000, s2;
	s6 =	simm.s32 $0x108;
	_ =	swait.ge @!p0 [sflag:s8], $0x0  }
0x24: {  	s3 =	sadd.s32 $0x88, s3;
	s6 =	simm.s32 @!p1 $0x1082;
	[sflag:s4] =	ssyncset.s32 $0xFFFFF086  }
0x25: {  	[simem:s6], [sflag:s4] =	dma.local [hbm:s3], $0xF7A  }
0x26: {  	[smem:$0x3F9A] =	sst s1;
	(tag) =	ssettag s2;
	_ =	strace s9  }
0x27: {  	s1 =	sld [smem:$0x3FAA]  }
0x28: {  	s2 =	sld [smem:$0x3FAB]  }
0x29: {  	s4 =	sld [smem:$0x3FAD]  }
0x2a: {  	p0 =	seq.s32 s5, $0x0;
	s5 =	sld [smem:$0x3FAE]  }
0x2b: {  	s6 =	sld [smem:$0x3FAF]  }
0x2c: {  	s7 =	sld [smem:$0x3FB0]  }
0x2d: {  	s3 =	simm.s32 $0x108;
	s8 =	sld [smem:$0x3FB1]  }
0x2e: {  	s3 =	simm.s32 @!p0 $0x1082;
	s9 =	sld [smem:$0x3FB2]  }
0x2f: {  	lr =	sadd.s32 s0, s3;
	s0 =	sld [smem:$0x3FA9]  }
0x30: {  	s3 =	sld [smem:$0x3FAC]  }
0x31: {  	[smem:$0x3FB5] =	sst s10  }
0x32: {  	s10 =	sld [smem:$0x3FB3];
	_ =	sdelay $0x3  }
0x33: {  	p0 =	seq.s32 s10, $0x1;
	s10 =	sld [smem:$0x3FB5];
	_ =	sdelay $0x3  }
0x34: {  	[smem:$0x3FB5] =	sst s10  }
0x35: {  	s10 =	sld [smem:$0x3FB4];
	_ =	sdelay $0x3  }
0x36: {  	p1 =	seq.s32 s10, $0x1;
	s10 =	sld [smem:$0x3FB5];
	_ =	sdelay $0x3  }
0x37: {  	[smem:$0x3FB5] =	sst s10  }
0x38: {  	s10 =	sld [smem:$0x3FB6]  }
0x39: {  	_ = 	snop;
	(pc) =	sbr.ind lr, $3  }
0x3a: {  	_ = 	snop  }
0x3b: {  	_ = 	snop  }
0x3c: {  	p2 =	seq.s32 s10, $0x1;
	s10 =	sld [smem:$0x3FB5]  }
0x3d: {  	_ =	shalt  }
0x3e: {  	_ =	shalt  }
0x3f: {  	_ =	shalt  }
0x40: {  	_ =	shalt  }
0x41: {  	_ =	shalt  }
0x42: {  	_ =	shalt  }
0x43: {  	_ =	shalt  }
0x44: {  	_ =	shalt  }
0x45: {  	_ =	shalt  }
0x46: {  	_ =	shalt  }
0x47: {  	_ =	shalt  }
0x48: {  	_ =	shalt  }
0x49: {  	_ =	shalt  }
0x4a: {  	_ =	shalt  }
0x4b: {  	_ =	shalt  }
0x4c: {  	_ =	shalt  }
0x4d: {  	_ =	shalt  }
0x4e: {  	_ =	shalt  }
0x4f: {  	_ =	shalt  }
0x50: {  	_ =	shalt  }
0x51: {  	_ =	shalt  }
0x52: {  	_ =	shalt  }
0x53: {  	_ =	shalt  }
0x54: {  	_ =	shalt  }
0x55: {  	_ =	shalt  }
0x56: {  	_ =	shalt  }
0x57: {  	_ =	shalt  }
0x58: {  	_ =	shalt  }
0x59: {  	_ =	shalt  }
0x5a: {  	_ =	shalt  }
0x5b: {  	_ =	shalt  }
0x5c: {  	_ =	shalt  }
0x5d: {  	_ =	shalt  }
0x5e: {  	_ =	shalt  }
0x5f: {  	_ =	shalt  }
0x60: {  	_ =	shalt  }
0x61: {  	_ =	shalt  }
0x62: {  	_ =	shalt  }
0x63: {  	_ =	shalt  }
0x64: {  	_ =	shalt  }
0x65: {  	_ =	shalt  }
0x66: {  	_ =	shalt  }
0x67: {  	_ =	shalt  }
0x68: {  	_ =	shalt  }
0x69: {  	_ =	shalt  }
0x6a: {  	_ =	shalt  }
0x6b: {  	_ =	shalt  }
0x6c: {  	_ =	shalt  }
0x6d: {  	_ =	shalt  }
0x6e: {  	_ =	shalt  }
0x6f: {  	_ =	shalt  }
0x70: {  	_ =	shalt  }
0x71: {  	_ =	shalt  }
0x72: {  	_ =	shalt  }
0x73: {  	_ =	shalt  }
0x74: {  	_ =	shalt  }
0x75: {  	_ =	shalt  }
0x76: {  	_ =	shalt  }
0x77: {  	_ =	shalt  }
0x78: {  	_ =	shalt  }
0x79: {  	_ =	shalt  }
0x7a: {  	_ =	shalt  }
0x7b: {  	_ =	shalt  }
0x7c: {  	_ =	shalt  }
0x7d: {  	_ =	shalt  }
0x7e: {  	_ =	shalt  }
0x7f: {  	_ =	shalt  }
0x80: {  	_ =	shalt  }
0x81: {  	_ =	shalt  }
0x82: {  	_ =	shalt  }
0x83: {  	_ =	shalt  }
0x84: {  	_ =	shalt  }
0x85: {  	_ =	shalt  }
0x86: {  	_ =	shalt  }
0x87: {  	_ =	shalt  }
.Lfunc_end0:
.L_simem_size_0:
called_computation.1_lowered:
.L_overlay_start_0:
0x88: {  	s2 =	sld [smem:$0x3FD9]  }
0x89: {  	s3 =	sld [smem:$0x3FFE];
	_ =	sdelay $0x1  }
0x8a: {  	s1 =	srdreg.scid  }
0x8b: {  	s0 =	sand.u32 $0x1, s1  }
0x8c: {  	s17 =	sshll.u32 s0, $0xA;
	s2 =	sadd.s32 s3, s2  }
0x8d: {  	s2 =	sadd.s32 s2, s17  }
0x8e: {  	[smem:$0x3FC1] =	sst s2  }
0x8f: {  	_ = 	snop  }
0x90: {  	s2 =	sld [smem:$0x3FD0];
	(tm) =	ssettm $0x1  }
0x91: {  	s18 =	sld [smem:$0x3FFB];
	_ =	sdelay $0x3  }
0x92: {  	_ =	strace s18  }
0x93: {  	s3 =	sld [smem:$0x3FFC];
	_ =	sdelay $0x3  }
0x94: {  	_ =	strace s3  }
0x95: {  	s3 =	sld [smem:$0x3FFD];
	_ =	sdelay $0x3  }
0x96: {  	_ =	strace s3  }
0x97: {  	_ =	strace $0x8FFFFFFF  }
0x98: {  	s19 =	sld [smem:$0x3FDB];
	_ =	sdelay $0x1  }
0x99: {  	s4 =	simm.s32 $_scs_section_size  }
0x9a: {  	s5 =	simm.s32 $_size__tile_overlayer_lowered;
	s6 =	simm.s32 $_tile_overlayer_lowered  }
0x9b: {  	s22 =	simm.s32 $0x1BFF;
	s21 =	sshll.u32 s6, $0x1;
	s3 =	sadd.s32 s4, s19  }
0x9c: {  	s7 =	simm.s32 $0x0;
	s20 =	sshll.u32 s5, $0x1;
	s5 =	sadd.s32 s21, s3  }
0x9d: {  	[timem:s7], [sflag:s22] =	dma.local [hbm:s5], s20  }
0x9e: {  	_ =	swait.ge [sflag:s22], s20  }
0x9f: {  	s4 =	ssub.s32 $0x0, s20;
	[sflag:s22] =	ssyncset.done $0x0  }
0xa0: {  	[sflag:s22] =	ssyncadd.s32 s4;
	_ =	sdelay $0x1  }
0xa1: {  	s23 =	simm.s32 $0x1B8B  }
0xa2: {  	_ =	swait.ge [sflag:s23], $0x1  }
0xa3: {  	[sflag:s23] =	ssyncset.done $0x0  }
0xa4: {  	s25 =	simm.s32 $0x1B8E;
	s24 =	sld [smem:$0x3FFE];
	[sflag:s23] =	ssyncadd.s32 $0xFFFFFFFF  }
0xa5: {  	s26 =	simm.s32 $execute0_lowered;
	[smem:$0x3FD2] =	sst s25  }
0xa6: {  	s5 =	sshll.u32 s26, $0x1;
	_ =	strace $0x80000049;
	[dreg:$0x1] =	wrdreg $0xFFFFFFFF  }
0xa7: {  	s28 =	simm.s32 $_size_execute0_lowered;
	s3 =	sadd.s32 s3, s5;
	[dreg:$0x0] =	wrdreg $0x0  }
0xa8: {  	s5 =	sshll.u32 s28, $0x1;
	[dreg:$0x2] =	wrdreg s3  }
0xa9: {  	[dreg:$0x3] =	wrdreg s5  }
0xaa: {  	[dreg:$0x4] =	wrdreg $0xC0  }
0xab: {  	_ =	task [dreg:s7], $0x5FFFF  }
0xac: {  	[dreg:$0x1] =	wrdreg $0xFFFFFFFF  }
0xad: {  	[dreg:$0x0] =	wrdreg $0x60  }
0xae: {  	[dreg:$0x2] =	wrdreg s2  }
0xaf: {  	[dreg:$0x3] =	wrdreg s24  }
0xb0: {  	[dreg:$0x4] =	wrdreg $0x7E000  }
0xb1: {  	[dreg:$0x5] =	wrdreg $0x9  }
0xb2: {  	_ =	task.clear_ibuf [dreg:s7], $0x6FFFF;
	_ =	strace $0x90000049  }
0xb3: {  	s29 =	simm.s32 $0x9;
	_ =	strace $0x8000004B  }
0xb4: {  	_ =	swait.ge [sflag:s29], $0x1  }
0xb5: {  	[sflag:s29] =	ssyncadd.s32 $0xFFFFFFFF  }
0xb6: {  	_ =	strace $0x9000004B  }
0xb7: {  	_ =	sfence  }
0xb8: {  	s30 =	sld [smem:$0x0];
	_ =	sdelay $0x2  }
0xb9: {  	s31 =	sshll.u32 s1, $0xD;
	s1 =	sshrl.u32 s1, $0x2  }
0xba: {  	s3 =	sand.u32 $0x4000, s31;
	s1 =	sadd.s32 s1, s30  }
0xbb: {  	s0 =	sor.u32 s3, s0;
	s1 =	sshll.u32 s1, $0x11  }
0xbc: {  	s0 =	sor.u32 s1, s0  }
0xbd: {  	s0 =	sadd.s32 $0x8F2B, s0  }
0xbe: {  	[sflag:s0] =	ssyncadd.remote.s32 $0x1  }
0xbf: {  	_ =	sfence.sel $0xFFFF  }
0xc0: {  	[dreg:$0x0] =	wrdreg $0xFFFFFFFF;
	(pc) =	sbr.abs _section_cstart, $3  }
0xc1: {  	[dreg:$0x1] =	wrdreg $0xFFFFFFFF  }
0xc2: {  	_ =	task.clear_ibuf [dreg:s7], $0x2FFFF;
	_ =	strace $0x9FFFFFFF  }
0xc3: {  	(tm) =	ssettm $0x7FFFFFFF  }
tec
execute0_lowered:
.L_overlay_start_1:
0x0: {  	(tag) =	ssettag $0x1  }
0x1: {  	s1 =	rddreg [dreg:$0x0]  }
0x2: {  	s0 =	rddreg [dreg:$0x1]  }
0x3: {  	s2 =	rddreg [dreg:$0x2];
	s4 =	srdreg.scid;
	s3 =	simm.s32 $0x0  }
0x4: {  	s11 =	stileid.u32;
	s4 =	sand.u32 $0x1, s4;
	[smem:$0x7FF] =	sst s3  }
0x5: {  	s29 =	sadd.s32 $0xBC00, s0;
	s30 =	sadd.s32 $0x1E00, s0;
	s25 =	smul.u32 $0xA000, s11  }
0x6: {  	s6 =	sadd.s32 $0x15A00, s0;
	p0 =	slt.u32 s11, $0xD;
	s28 =	smul.u32 $0x2710, s11  }
0x7: {  	s15 =	smul.u32 $0x2800, s11;
	s5 =	sshll.u32 s4, $0x4;
	_ =	strace $0x8000004A  }
0x8: {  	s7 =	ssub.s32 $0x2, s4;
	s9 =	smul.u32 $0x27100, s4;
	[dreg:$0x4] =	wrdreg s29  }
0x9: {  	s4 =	smul.u32 $0x138800, s4;
	[dreg:$0x5] =	wrdreg s30;
	s5 =	sor.u32 s11, s5  }
0xa: {  	s8 =	sshrl.u32 s7, $0x1;
	s13 =	sshrl.u32 s25, $0x2;
	s11 =	simm.s32 $0xA  }
0xb: {  	s5 =	smul.u32 $0x2710, s5;
	s0 =	ssub.s32 s7, s8;
	s7 =	simm.s32 $0x8  }
0xc: {  	s14 =	sadd.s32 s28, s9;
	s2 =	sadd.s32 s13, s2;
	s4 =	sadd.s32 s15, s4  }
0xd: {  	s9 =	simm.s32 $0x8;
	s13 =	simm.s32 $0x100;
	[dreg:$0x13] =	wrdreg s2  }
0xe: {  	s15 =	simm.s32 $0x200;
	s7 =	simm.s32 @!p0 $0x7;
	[dreg:$0x14] =	wrdreg s4  }
0xf: {  	s16 =	sadd.s32 $0x370, s14;
	s0 =	smax.u32 s0, $0x1;
	[dreg:$0x6] =	wrdreg s7  }
0x10: {  	s28 =	sadd.s32 $0x1E0, s14;
	s5 =	sshrl.u32 s5, $0x3;
	[dreg:$0x15] =	wrdreg s0  }
0x11: {  	s25 =	sadd.s32 $0x230, s14;
	[dreg:$0x1d] =	wrdreg s28;
	s17 =	sadd.s32 s29, s5  }
0x12: {  	s18 =	sadd.s32 $0xA, s5;
	s19 =	sadd.s32 s30, s5;
	[dreg:$0x7] =	wrdreg s17  }
0x13: {  	s2 =	sshrl.u32 s16, $0x3;
	[dreg:$0x8] =	wrdreg s19;
	s20 =	sadd.s32 s29, s18  }
0x14: {  	s21 =	sadd.s32 $0x14, s5;
	s7 =	sadd.s32 s30, s18;
	[dreg:$0x9] =	wrdreg s20  }
0x15: {  	s4 =	sshrl.u32 s25, $0x3;
	s22 =	sadd.s32 s29, s21;
	[dreg:$0xa] =	wrdreg s7  }
0x16: {  	s23 =	sadd.s32 $0x1E, s5;
	s8 =	sadd.s32 s30, s21;
	[dreg:$0xb] =	wrdreg s22  }
0x17: {  	s26 =	sadd.s32 $0x28, s5;
	s24 =	sadd.s32 s29, s23;
	[dreg:$0xc] =	wrdreg s8  }
0x18: {  	s5 =	sadd.s32 $0x32, s5;
	s10 =	sadd.s32 s29, s26;
	[dreg:$0xd] =	wrdreg s24  }
0x19: {  	s16 =	simm.s32 $0x500;
	s12 =	sadd.s32 s29, s5;
	[dreg:$0xf] =	wrdreg s10  }
0x1a: {  	s25 =	simm.s32 $0x0;
	s5 =	sadd.s32 s30, s5;
	[dreg:$0x11] =	wrdreg s12  }
0x1b: {  	s17 =	sadd.s32 $0x320, s14;
	s19 =	sadd.s32 s2, s30;
	[dreg:$0x12] =	wrdreg s5  }
0x1c: {  	s2 =	sadd.s32 s2, s29;
	s21 =	sadd.s32 $0x2D0, s14;
	[dreg:$0x16] =	wrdreg s19  }
0x1d: {  	s7 =	sadd.s32 s30, s23;
	s18 =	sshrl.u32 s17, $0x3;
	[dreg:$0x17] =	wrdreg s2  }
0x1e: {  	s22 =	sshrl.u32 s21, $0x3;
	s23 =	sadd.s32 $0x280, s14;
	s10 =	simm.s32 $0x600  }
0x1f: {  	s17 =	simm.s32 $0x300;
	s19 =	simm.s32 $0x1;
	s8 =	simm.s32 $0x2  }
0x20: {  	s21 =	simm.s32 $0x2E00;
	s12 =	simm.s32 $0x5600;
	s14 =	simm.s32 $0x400  }
0x21: {  	s5 =	simm.s32 $0x5;
	[dreg:$0xe] =	wrdreg s7;
	s7 =	sadd.s32 s30, s26  }
0x22: {  	s20 =	sadd.s32 s18, s30;
	s0 =	sadd.s32 s18, s29;
	[dreg:$0x10] =	wrdreg s7  }
0x23: {  	s2 =	sshrl.u32 s23, $0x3;
	s24 =	sadd.s32 s22, s30;
	[dreg:$0x18] =	wrdreg s20  }
0x24: {  	s18 =	simm.s32 $0x4;
	s23 =	simm.s32 $0x6;
	[dreg:$0x19] =	wrdreg s0  }
0x25: {  	[dreg:$0x1a] =	wrdreg s24;
	s0 =	sadd.s32 s22, s29;
	s26 =	sadd.s32 s2, s30  }
0x26: {  	s31 =	sadd.s32 s2, s29;
	s2 =	sadd.s32 s4, s29;
	s22 =	simm.s32 $0x50  }
0x27: {  	s7 =	simm.s32 $0x7;
	s20 =	simm.s32 $0x3;
	[dreg:$0x1b] =	wrdreg s0  }
0x28: {  	v0 =	vimm.f32 $0.0e+00;
	[dreg:$0x1c] =	wrdreg s26;
	s0 =	sadd.s32 s4, s30;
	s4 =	simm.s32 $0x9  }
.LBB2_1:
0x29: {  	[dreg:$0x1e] =	wrdreg s25;
	s24 =	simm.s32 $0x0;
	s25 =	simm.s32 $0x200  }
.LBB2_2:
0x2a: {  	p0 =	sne.s32 s25, $0x9E00;
	[tilespmem:s24+$0x670] =	vst v0  }
0x2b: {  	[tilespmem:s24+$0x600] =	vst v0  }
0x2c: {  	[tilespmem:s24+$0x610] =	vst v0  }
.Ltmp0:
0x2d: {  	[tilespmem:s24+$0x620] =	vst v0;
	(pc) =	sbr.rel @p0 .LBB2_2-.Ltmp0, $4  }
0x2e: {  	[tilespmem:s24+$0x630] =	vst v0  }
0x2f: {  	[tilespmem:s24+$0x640] =	vst v0  }
0x30: {  	[tilespmem:s24+$0x650] =	vst v0  }
0x31: {  	[tilespmem:s24+$0x660] =	vst v0;
	s24 =	sshra.s32 s25, $0x2;
	s25 =	sadd.s32 $0x200, s25  }
0x32: {  	[tilespmem:s24+$0x670] =	vst v0  }
0x33: {  	[tilespmem:s24+$0x600] =	vst v0  }
0x34: {  	[tilespmem:s24+$0x610] =	vst v0  }
0x35: {  	[tilespmem:s24+$0x620] =	vst v0  }
0x36: {  	[tilespmem:s24+$0x630] =	vst v0;
	s28 =	rddreg [dreg:$0x6]  }
0x37: {  	[tilespmem:s24+$0x640] =	vst v0;
	p0 =	sne.s32 s28, $0x1  }
.Ltmp1:
0x38: {  	[tilespmem:s24+$0x650] =	vst v0;
	(pc) =	sbr.rel @!p0 .LBB2_5-.Ltmp1, $4  }
0x39: {  	[tilespmem:s24+$0x660] =	vst v0;
	s25 =	rddreg [dreg:$0x13]  }
0x3a: {  	[spmem:s25] =	stream.linear.scatter [tilespmem:s10], [sflag:$0xA], $0x2800, $0x38;
	[tilespmem:$0x1B680] =	vst v63  }
0x3b: {  	_ =	swait.ge [sflag:s11], $0x2800  }
0x3c: {  	s24 =	sadd.s32 $0xFFFFFFFF, s28;
	[sflag:s11] =	ssyncset.done $0x0  }
.LBB2_4:
0x3d: {  	p1 =	sne.s32 s24, $0x1;
	[sflag:s11] =	ssyncadd.s32 $0xFFFFD800;
	s25 =	sadd.s32 $0x28000, s25  }
.Ltmp2:
0x3e: {  	s24 =	sadd.s32 $0xFFFFFFFF, s24;
	(pc) =	sbr.rel @p1 .LBB2_4-.Ltmp2, $4  }
0x3f: {  	_ = 	snop  }
0x40: {  	[spmem:s25] =	stream.linear.scatter [tilespmem:s10], [sflag:$0xA], $0x2800, $0x38;
	[tilespmem:$0x1B680] =	vst v63  }
0x41: {  	_ =	swait.ge [sflag:s11], $0x2800  }
0x42: {  	[sflag:s11] =	ssyncset.done $0x0  }
.LBB2_5:
0x43: {  	[sflag:s11] =	ssyncadd.s32 $0xFFFFD800  }
0x44: {  	[bflag:$0x0] =	sbarrier.arrive $0xFFFF  }
0x45: {  	s24 =	simm.s32 $0x0;
	s25 =	rddreg [dreg:$0x7]  }
0x46: {  	[tilespmem:s24], [sflag:$0x1] =	stream.linear.gather [hbm4b:s25+s24], $0x50, $0x38;
	[tilespmem:$0x1B680] =	vst v63  }
0x47: {  	s26 =	simm.s32 $0x80;
	s28 =	rddreg [dreg:$0x8]  }
0x48: {  	[tilespmem:s26], [sflag:$0x1] =	stream.linear.gather [hbm4b:s28+s24], $0x50, $0x38;
	[tilespmem:$0x1B680] =	vst v63  }
0x49: {  	s28 =	rddreg [dreg:$0x9]  }
0x4a: {  	[tilespmem:s13], [sflag:$0x2] =	stream.linear.gather [hbm4b:s28+s24], $0x50, $0x38;
	[tilespmem:$0x1B680] =	vst v63  }
0x4b: {  	s26 =	rddreg [dreg:$0xa];
	s28 =	simm.s32 $0x180  }
0x4c: {  	[tilespmem:s28], [sflag:$0x2] =	stream.linear.gather [hbm4b:s26+s24], $0x50, $0x38;
	[tilespmem:$0x1B680] =	vst v63  }
0x4d: {  	s28 =	rddreg [dreg:$0xb]  }
0x4e: {  	[tilespmem:s15], [sflag:$0x3] =	stream.linear.gather [hbm4b:s28+s24], $0x50, $0x38;
	[tilespmem:$0x1B680] =	vst v63  }
0x4f: {  	s26 =	rddreg [dreg:$0xc];
	s28 =	simm.s32 $0x280  }
0x50: {  	[tilespmem:s28], [sflag:$0x3] =	stream.linear.gather [hbm4b:s26+s24], $0x50, $0x38;
	[tilespmem:$0x1B680] =	vst v63  }
0x51: {  	s28 =	rddreg [dreg:$0xd]  }
0x52: {  	[tilespmem:s17], [sflag:$0x4] =	stream.linear.gather [hbm4b:s28+s24], $0x50, $0x38;
	[tilespmem:$0x1B680] =	vst v63  }
0x53: {  	s26 =	rddreg [dreg:$0xe];
	s28 =	simm.s32 $0x380  }
0x54: {  	[tilespmem:s28], [sflag:$0x4] =	stream.linear.gather [hbm4b:s26+s24], $0x50, $0x38;
	[tilespmem:$0x1B680] =	vst v63  }
0x55: {  	_ =	swait.ge [sflag:s19], $0x50  }
0x56: {  	[sflag:s19] =	ssyncset.done $0x0  }
0x57: {  	[sflag:s19] =	ssyncadd.s32 $0xFFFFFFB0  }
0x58: {  	_ =	swait.ge [sflag:s19], $0x50  }
0x59: {  	[sflag:s19] =	ssyncset.done $0x0  }
0x5a: {  	[sflag:s19] =	ssyncadd.s32 $0xFFFFFFB0  }
0x5b: {  	[tilespmem:s10], [sflag:$0x7] =	stream.indirect.gather [hbm4b:s1+s22], $0x80, s24, s22, $0xb8;
	[tilespmem:$0x1B680] =	vst v63  }
0x5c: {  	_ =	swait.ge [sflag:s8], $0x50  }
0x5d: {  	[sflag:s8] =	ssyncset.done $0x0  }
0x5e: {  	[sflag:s8] =	ssyncadd.s32 $0xFFFFFFB0  }
0x5f: {  	_ =	swait.ge [sflag:s8], $0x50  }
0x60: {  	[sflag:s8] =	ssyncset.done $0x0  }
0x61: {  	[sflag:s8] =	ssyncadd.s32 $0xFFFFFFB0  }
0x62: {  	[tilespmem:s21], [sflag:$0x8] =	stream.indirect.gather [hbm4b:s1+s22], $0x80, s13, s22, $0xb8;
	[tilespmem:$0x1B680] =	vst v63  }
0x63: {  	_ =	swait.ge [sflag:s7], $0x2800  }
0x64: {  	[sflag:s7] =	ssyncset.done $0x0  }
0x65: {  	[sflag:s7] =	ssyncadd.s32 $0xFFFFD800  }
0x66: {  	_ =	swait.ge [sflag:s20], $0x50  }
0x67: {  	[sflag:s20] =	ssyncset.done $0x0  }
0x68: {  	[sflag:s20] =	ssyncadd.s32 $0xFFFFFFB0  }
0x69: {  	_ =	swait.ge [sflag:s20], $0x50  }
0x6a: {  	[sflag:s20] =	ssyncset.done $0x0  }
0x6b: {  	[sflag:s20] =	ssyncadd.s32 $0xFFFFFFB0  }
0x6c: {  	[tilespmem:s12], [sflag:$0x9] =	stream.indirect.gather [hbm4b:s1+s22], $0x80, s15, s22, $0xb8;
	[tilespmem:$0x1B680] =	vst v63  }
0x6d: {  	s28 =	rddreg [dreg:$0xf]  }
0x6e: {  	[tilespmem:s14], [sflag:$0x5] =	stream.linear.gather [hbm4b:s28+s24], $0x50, $0x38;
	[tilespmem:$0x1B680] =	vst v63  }
0x6f: {  	s26 =	rddreg [dreg:$0x10];
	s28 =	simm.s32 $0x480  }
0x70: {  	[tilespmem:s28], [sflag:$0x5] =	stream.linear.gather [hbm4b:s26+s24], $0x50, $0x38;
	[tilespmem:$0x1B680] =	vst v63  }
0x71: {  	_ =	swait.ge [sflag:s9], $0x2800  }
0x72: {  	[sflag:s9] =	ssyncset.done $0x0  }
0x73: {  	[sflag:s9] =	ssyncadd.s32 $0xFFFFD800  }
0x74: {  	_ =	swait.ge [sflag:s18], $0x50  }
0x75: {  	[sflag:s18] =	ssyncset.done $0x0  }
0x76: {  	[sflag:s18] =	ssyncadd.s32 $0xFFFFFFB0  }
0x77: {  	_ =	swait.ge [sflag:s18], $0x50  }
0x78: {  	[sflag:s18] =	ssyncset.done $0x0  }
0x79: {  	s28 =	rddreg [dreg:$0x11];
	[sflag:s18] =	ssyncadd.s32 $0xFFFFFFB0  }
0x7a: {  	[tilespmem:s10], [sflag:$0x7] =	stream.indirect.gather [hbm4b:s1+s22], $0x80, s17, s22, $0xb8;
	[tilespmem:$0x1B680] =	vst v63  }
0x7b: {  	s26 =	rddreg [dreg:$0x12]  }
0x7c: {  	[tilespmem:s16], [sflag:$0x6] =	stream.linear.gather [hbm4b:s28+s24], $0x50, $0x38;
	[tilespmem:$0x1B680] =	vst v63  }
0x7d: {  	s25 =	rddreg [dreg:$0x1d];
	s28 =	simm.s32 $0x580  }
0x7e: {  	[tilespmem:s28], [sflag:$0x6] =	stream.linear.gather [hbm4b:s26+s24], $0x50, $0x38;
	[tilespmem:$0x1B680] =	vst v63  }
.LBB2_6:
0x7f: {  	_ =	swait.ge [sflag:s4], $0x2800  }
0x80: {  	[sflag:s4] =	ssyncset.done $0x0  }
0x81: {  	[sflag:s4] =	ssyncadd.s32 $0xFFFFD800  }
0x82: {  	_ =	swait.ge [sflag:s5], $0x50  }
0x83: {  	[sflag:s5] =	ssyncset.done $0x0  }
0x84: {  	[sflag:s5] =	ssyncadd.s32 $0xFFFFFFB0  }
0x85: {  	_ =	swait.ge [sflag:s5], $0x50  }
0x86: {  	[sflag:s5] =	ssyncset.done $0x0  }
0x87: {  	s26 =	sshrl.u32 s25, $0x3;
	[sflag:s5] =	ssyncadd.s32 $0xFFFFFFB0  }
0x88: {  	[tilespmem:s21], [sflag:$0x8] =	stream.indirect.gather [hbm4b:s1+s22], $0x80, s14, s22, $0xb8;
	[tilespmem:$0x1B680] =	vst v63  }
0x89: {  	s28 =	sadd.s32 s29, s26  }
0x8a: {  	[tilespmem:s3], [sflag:$0x1] =	stream.linear.gather [hbm4b:s28+s3], $0x50, $0x38;
	[tilespmem:$0x1B680] =	vst v63  }
0x8b: {  	s26 =	sadd.s32 s30, s26;
	s28 =	simm.s32 $0x80  }
0x8c: {  	[tilespmem:s28], [sflag:$0x1] =	stream.linear.gather [hbm4b:s26+s3], $0x50, $0x38;
	[tilespmem:$0x1B680] =	vst v63  }
0x8d: {  	_ =	swait.ge [sflag:s7], $0x2800  }
0x8e: {  	[sflag:s7] =	ssyncset.done $0x0  }
0x8f: {  	[sflag:s7] =	ssyncadd.s32 $0xFFFFD800  }
0x90: {  	_ =	swait.ge [sflag:s23], $0x50  }
0x91: {  	[sflag:s23] =	ssyncset.done $0x0  }
0x92: {  	[sflag:s23] =	ssyncadd.s32 $0xFFFFFFB0  }
0x93: {  	_ =	swait.ge [sflag:s23], $0x50  }
0x94: {  	[sflag:s23] =	ssyncset.done $0x0  }
0x95: {  	[sflag:s23] =	ssyncadd.s32 $0xFFFFFFB0  }
0x96: {  	[tilespmem:s12], [sflag:$0x9] =	stream.indirect.gather [hbm4b:s1+s22], $0x80, s16, s22, $0xb8;
	[tilespmem:$0x1B680] =	vst v63  }
0x97: {  	s28 =	sadd.s32 s24, s2  }
0x98: {  	[tilespmem:s13], [sflag:$0x2] =	stream.linear.gather [hbm4b:s28+s3], $0x50, $0x38;
	[tilespmem:$0x1B680] =	vst v63  }
0x99: {  	s26 =	sadd.s32 s24, s0;
	s28 =	simm.s32 $0x180  }
0x9a: {  	[tilespmem:s28], [sflag:$0x2] =	stream.linear.gather [hbm4b:s26+s3], $0x50, $0x38;
	[tilespmem:$0x1B680] =	vst v63  }
0x9b: {  	_ =	swait.ge [sflag:s9], $0x2800  }
0x9c: {  	[sflag:s9] =	ssyncset.done $0x0  }
0x9d: {  	[sflag:s9] =	ssyncadd.s32 $0xFFFFD800  }
0x9e: {  	_ =	swait.ge [sflag:s19], $0x50  }
0x9f: {  	[sflag:s19] =	ssyncset.done $0x0  }
0xa0: {  	[sflag:s19] =	ssyncadd.s32 $0xFFFFFFB0  }
0xa1: {  	_ =	swait.ge [sflag:s19], $0x50  }
0xa2: {  	[sflag:s19] =	ssyncset.done $0x0  }
0xa3: {  	[sflag:s19] =	ssyncadd.s32 $0xFFFFFFB0  }
0xa4: {  	[tilespmem:s10], [sflag:$0x7] =	stream.indirect.gather [hbm4b:s1+s22], $0x80, s3, s22, $0xb8;
	[tilespmem:$0x1B680] =	vst v63  }
0xa5: {  	s28 =	sadd.s32 s24, s31  }
0xa6: {  	[tilespmem:s15], [sflag:$0x3] =	stream.linear.gather [hbm4b:s28+s3], $0x50, $0x38;
	[tilespmem:$0x1B680] =	vst v63  }
0xa7: {  	s28 =	rddreg [dreg:$0x1c]  }
0xa8: {  	s26 =	sadd.s32 s24, s28;
	s28 =	simm.s32 $0x280  }
0xa9: {  	[tilespmem:s28], [sflag:$0x3] =	stream.linear.gather [hbm4b:s26+s3], $0x50, $0x38;
	[tilespmem:$0x1B680] =	vst v63  }
0xaa: {  	_ =	swait.ge [sflag:s4], $0x2800  }
0xab: {  	[sflag:s4] =	ssyncset.done $0x0  }
0xac: {  	[sflag:s4] =	ssyncadd.s32 $0xFFFFD800  }
0xad: {  	_ =	swait.ge [sflag:s8], $0x50  }
0xae: {  	[sflag:s8] =	ssyncset.done $0x0  }
0xaf: {  	[sflag:s8] =	ssyncadd.s32 $0xFFFFFFB0  }
0xb0: {  	_ =	swait.ge [sflag:s8], $0x50  }
0xb1: {  	[sflag:s8] =	ssyncset.done $0x0  }
0xb2: {  	s28 =	rddreg [dreg:$0x1b];
	[sflag:s8] =	ssyncadd.s32 $0xFFFFFFB0  }
0xb3: {  	[tilespmem:s21], [sflag:$0x8] =	stream.indirect.gather [hbm4b:s1+s22], $0x80, s13, s22, $0xb8;
	[tilespmem:$0x1B680] =	vst v63  }
0xb4: {  	s26 =	sadd.s32 s24, s28;
	s28 =	rddreg [dreg:$0x1a]  }
0xb5: {  	[tilespmem:s17], [sflag:$0x4] =	stream.linear.gather [hbm4b:s26+s3], $0x50, $0x38;
	[tilespmem:$0x1B680] =	vst v63  }
0xb6: {  	s26 =	sadd.s32 s24, s28;
	s28 =	simm.s32 $0x380  }
0xb7: {  	[tilespmem:s28], [sflag:$0x4] =	stream.linear.gather [hbm4b:s26+s3], $0x50, $0x38;
	[tilespmem:$0x1B680] =	vst v63  }
0xb8: {  	_ =	swait.ge [sflag:s7], $0x2800  }
0xb9: {  	[sflag:s7] =	ssyncset.done $0x0  }
0xba: {  	[sflag:s7] =	ssyncadd.s32 $0xFFFFD800  }
0xbb: {  	_ =	swait.ge [sflag:s20], $0x50  }
0xbc: {  	[sflag:s20] =	ssyncset.done $0x0  }
0xbd: {  	[sflag:s20] =	ssyncadd.s32 $0xFFFFFFB0  }
0xbe: {  	_ =	swait.ge [sflag:s20], $0x50  }
0xbf: {  	[sflag:s20] =	ssyncset.done $0x0  }
0xc0: {  	s28 =	rddreg [dreg:$0x19];
	[sflag:s20] =	ssyncadd.s32 $0xFFFFFFB0  }
0xc1: {  	[tilespmem:s12], [sflag:$0x9] =	stream.indirect.gather [hbm4b:s1+s22], $0x80, s15, s22, $0xb8;
	[tilespmem:$0x1B680] =	vst v63  }
0xc2: {  	s26 =	sadd.s32 s24, s28;
	s28 =	rddreg [dreg:$0x18]  }
0xc3: {  	[tilespmem:s14], [sflag:$0x5] =	stream.linear.gather [hbm4b:s26+s3], $0x50, $0x38;
	[tilespmem:$0x1B680] =	vst v63  }
0xc4: {  	s26 =	sadd.s32 s24, s28;
	s28 =	simm.s32 $0x480  }
0xc5: {  	[tilespmem:s28], [sflag:$0x5] =	stream.linear.gather [hbm4b:s26+s3], $0x50, $0x38;
	[tilespmem:$0x1B680] =	vst v63  }
0xc6: {  	_ =	swait.ge [sflag:s9], $0x2800  }
0xc7: {  	[sflag:s9] =	ssyncset.done $0x0  }
0xc8: {  	[sflag:s9] =	ssyncadd.s32 $0xFFFFD800  }
0xc9: {  	_ =	swait.ge [sflag:s18], $0x50  }
0xca: {  	p1 =	seq.s32 s24, $0x474;
	[sflag:s18] =	ssyncset.done $0x0  }
.Ltmp3:
0xcb: {  	[sflag:s18] =	ssyncadd.s32 $0xFFFFFFB0;
	(pc) =	sbr.rel @p1 .LBB2_8-.Ltmp3, $4  }
0xcc: {  	_ =	swait.ge [sflag:s18], $0x50  }
0xcd: {  	[sflag:s18] =	ssyncset.done $0x0  }
0xce: {  	[sflag:s18] =	ssyncadd.s32 $0xFFFFFFB0  }
0xcf: {  	[tilespmem:s10], [sflag:$0x7] =	stream.indirect.gather [hbm4b:s1+s22], $0x80, s17, s22, $0xb8;
	[tilespmem:$0x1B680] =	vst v63  }
.Ltmp4:
0xd0: {  	s26 =	rddreg [dreg:$0x17];
	(pc) =	sbr.rel .LBB2_6-.Ltmp4, $4  }
0xd1: {  	s28 =	rddreg [dreg:$0x16];
	s25 =	sadd.s32 $0x1E0, s25;
	s26 =	sadd.s32 s24, s26  }
0xd2: {  	[tilespmem:s16], [sflag:$0x6] =	stream.linear.gather [hbm4b:s26+s3], $0x50, $0x38;
	[tilespmem:$0x1B680] =	vst v63  }
0xd3: {  	s26 =	sadd.s32 s24, s28;
	s28 =	simm.s32 $0x580;
	s24 =	sadd.s32 $0x3C, s24  }
0xd4: {  	[tilespmem:s28], [sflag:$0x6] =	stream.linear.gather [hbm4b:s26+s3], $0x50, $0x38;
	[tilespmem:$0x1B680] =	vst v63  }
.LBB2_8:
0xd5: {  	_ =	swait.ge [sflag:s4], $0x2800  }
0xd6: {  	[sflag:s4] =	ssyncset.done $0x0  }
0xd7: {  	[sflag:s4] =	ssyncadd.s32 $0xFFFFD800  }
0xd8: {  	_ =	swait.ge [sflag:s5], $0x50  }
0xd9: {  	[sflag:s5] =	ssyncset.done $0x0  }
0xda: {  	[sflag:s5] =	ssyncadd.s32 $0xFFFFFFB0  }
0xdb: {  	_ =	swait.ge [sflag:s5], $0x50  }
0xdc: {  	[sflag:s5] =	ssyncset.done $0x0  }
0xdd: {  	[sflag:s5] =	ssyncadd.s32 $0xFFFFFFB0  }
0xde: {  	[tilespmem:s21], [sflag:$0x8] =	stream.indirect.gather [hbm4b:s1+s22], $0x80, s14, s22, $0xb8;
	[tilespmem:$0x1B680] =	vst v63  }
0xdf: {  	_ =	swait.ge [sflag:s7], $0x2800  }
0xe0: {  	[sflag:s7] =	ssyncset.done $0x0  }
0xe1: {  	[sflag:s7] =	ssyncadd.s32 $0xFFFFD800  }
0xe2: {  	_ =	swait.ge [sflag:s9], $0x2800  }
0xe3: {  	[sflag:s9] =	ssyncset.done $0x0  }
0xe4: {  	[sflag:s9] =	ssyncadd.s32 $0xFFFFD800  }
0xe5: {  	s24 =	stileid.u32;
	[bflag:$0x0] =	sbarrier.arrive $0xFFFF  }
0xe6: {  	s24 =	sshll.u32 s24, $0x6;
	s29 =	rddreg [dreg:$0x14]  }
.Ltmp5:
0xe7: {  	s28 =	rddreg [dreg:$0x13];
	s25 =	sshrl.u32 s29, $0x3;
	(pc) =	sbr.rel @!p0 .LBB2_10-.Ltmp5, $4  }
0xe8: {  	s24 =	sor.u32 $0x1C0A, s24;
	s26 =	sshrl.u32 s28, $0x3;
	s25 =	sadd.s32 s6, s25  }
0xe9: {  	[hbm:s25], [sflag:s24] =	dma.local [spmem:s26], $0x500  }
0xea: {  	s25 =	rddreg [dreg:$0x6]  }
0xeb: {  	s26 =	sadd.s32 $0x28000, s29;
	s25 =	sadd.s32 $0xFFFFFFFF, s25  }
.LBB2_9:
0xec: {  	_ =	swait.ge [sflag:s11], $0x500  }
0xed: {  	s28 =	sadd.s32 $0x28000, s28;
	s29 =	sshrl.u32 s26, $0x3;
	p0 =	sne.s32 s25, $0x1  }
.Ltmp6:
0xee: {  	s30 =	sshrl.u32 s28, $0x3;
	[sflag:s11] =	ssyncset.done $0x0;
	(pc) =	sbr.rel @p0 .LBB2_9-.Ltmp6, $4  }
0xef: {  	s29 =	sadd.s32 s6, s29;
	[sflag:s11] =	ssyncadd.s32 $0xFFFFFB00  }
0xf0: {  	[hbm:s29], [sflag:s24] =	dma.local [spmem:s30], $0x500  }
0xf1: {  	s25 =	sadd.s32 $0xFFFFFFFF, s25  }
0xf2: {  	s26 =	sadd.s32 $0x28000, s26  }
.LBB2_10:
0xf3: {  	_ =	swait.ge [sflag:s11], $0x500  }
0xf4: {  	s25 =	rddreg [dreg:$0x1e]  }
0xf5: {  	s24 =	rddreg [dreg:$0x15];
	s25 =	sadd.s32 $0x1, s25  }
0xf6: {  	p0 =	sne.s32 s25, s24  }
.Ltmp7:
0xf7: {  	_ = 	snop;
	(pc) =	sbr.rel @p0 .LBB2_1-.Ltmp7, $3  }
0xf8: {  	_ =	sdelay $0x1  }
0xf9: {  	[sflag:s11] =	ssyncset.done $0x0;
	s29 =	rddreg [dreg:$0x4]  }
0xfa: {  	s30 =	rddreg [dreg:$0x5];
	[sflag:s11] =	ssyncadd.s32 $0xFFFFFB00  }
0xfb: {  	_ =	sfence.sel $0x180000  }
0xfc: {  	[bflag:$0x0] =	sbarrier.arrive $0xFFFF  }
0xfd: {  	_ =	strace $0x9000004A  }
0xfe: {  	s0 =	stileid.u32;
	[bflag:$0x2] =	sbarrier.arrive $0xFFFF  }
0xff: {  	p0 =	sne.s32 s0, $0x0;
	s0 =	rddreg [dreg:$0x3]  }
0x100: {  	s0 =	sadd.s32 @!p0 $0x100000, s0  }
0x101: {  	[sflag:s0] =	ssyncadd.tile.s32 @!p0 $0x1;
	_ =	shalt  }
.Lfunc_end2:
_tile_overlayer_lowered:
.L_overlay_start_2:
0x102: {  	(tag) =	ssettag $0x2  }
0x103: {  	s0 =	rddreg [dreg:$0x0];
	s2 =	stileid.u32  }
0x104: {  	s1 =	rddreg [dreg:$0x1];
	p0 =	sne.s32 s2, $0x0  }
0x105: {  	s3 =	rddreg [dreg:$0x2];
	[bflag:$0x3] =	sbarrier.arrive $0xFFFF;
	s2 =	simm.s32 @!p0 $0x1C0A  }
0x106: {  	[timem:s3], [sflag:s2] =	dma.local @!p0 [hbm:s0], s1  }
0x107: {  	s0 =	simm.s32 @!p0 $0xA  }
0x108: {  	_ =	swait.ge @!p0 [sflag:s0], s1  }
0x109: {  	s1 =	ssub.s32 @!p0 $0x0, s1;
	[sflag:s0] =	ssyncset.done @!p0 $0x0  }
0x10a: {  	[sflag:s0] =	ssyncadd.s32 @!p0 s1  }
0x10b: {  	[bflag:$0x3] =	sbarrier.arrive $0xFFFF  }
0x10c: {  	_ =	shalt  }

// kernel: kernel.15.cloned.1.call-start
scs
__scs_entry_jumppad:
0x0: {  	(pc) =	sbr.rel $0x88, $3  }
0x1: {  	(tag) =	ssettag $0x0;
	lr =	simm.s32 $0x1  }
0x2: {  	[smem:$0x3F9A] =	sst lr;
	_ =	strace $0xD0000000  }
0x3: {  	_ = 	snop  }
0x4: {  	_ = 	snop  }
0x5: {  	_ = 	snop  }
0x6: {  	_ = 	snop  }
0x7: {  	_ = 	snop  }
__scs_overlays_trampoline_lowered:
0x8: {  	[smem:$0x3FA9] =	sst s0  }
0x9: {  	[smem:$0x3FAA] =	sst s1  }
0xa: {  	[smem:$0x3FAB] =	sst s2  }
0xb: {  	[smem:$0x3FAC] =	sst s3  }
0xc: {  	[smem:$0x3FAD] =	sst s4  }
0xd: {  	[smem:$0x3FAE] =	sst s5  }
0xe: {  	[smem:$0x3FAF] =	sst s6  }
0xf: {  	[smem:$0x3FB0] =	sst s7  }
0x10: {  	[smem:$0x3FB1] =	sst s8  }
0x11: {  	[smem:$0x3FB2] =	sst s9;
	s0 =	simm.s32 @!p0 $0x0  }
0x12: {  	s1 =	sld [smem:$0x3F98];
	s0 =	simm.s32 @p0 $0x1  }
0x13: {  	[smem:$0x3FB3] =	sst s0;
	s0 =	simm.s32 @!p1 $0x0  }
0x14: {  	s2 =	sld [smem:$0x3F97];
	s0 =	simm.s32 @p1 $0x1  }
0x15: {  	[smem:$0x3FB4] =	sst s0;
	s0 =	simm.s32 @!p2 $0x0  }
0x16: {  	s3 =	sld [smem:$0x3FDB];
	s0 =	simm.s32 @p2 $0x1  }
0x17: {  	s4 =	simm.s32 $0x1BF5;
	[smem:$0x3FB6] =	sst s0  }
0x18: {  	s0 =	sld [smem:$0x3F99];
	_ =	swait.ge [sflag:s4], $0x0  }
0x19: {  	s7 =	sld [smem:$0x3F9A]  }
0x1a: {  	s8 =	sadd.s32 $0xFFFFE003, lr  }
0x1b: {  	s9 =	sadd.s32 $0xFFFFFEF7, lr;
	s5 =	simm.s32 $0xFFFFFFFF;
	p2 =	slt.u32 s8, $0xFFFFF086  }
0x1c: {  	p1 =	slt.u32 s9, $0xF7A;
	s5 =	simm.s32 @!p2 $0x0  }
0x1d: {  	s5 =	simm.s32 @p1 $0x1;
	p0 =	seq.s32 s7, s2  }
0x1e: {  	s7 =	smul.u32 @!p0 $0xF7A, s2;
	p2 =	seq.s32 @!p0 s5, $0x0  }
0x1f: {  	s9 =	smul.u32 $0xF7A, s1;
	s8 =	simm.s32 @!p0 $0x1BF5;
	p2 =	por !p2, p0  }
0x20: {  	[sflag:s8] =	ssyncset.s32 @!p0 $0xFFFFF086;
	s6 =	sadd.s32 @!p0 s3, s7;
	s7 =	simm.s32 @!p0 $0x108  }
0x21: {  	s3 =	sadd.s32 s3, s9;
	s6 =	sadd.s32 @!p0 $0x88, s6;
	s7 =	simm.s32 @p2 $0x1082  }
0x22: {  	[simem:s7], [sflag:s8] =	dma.local @!p0 [hbm:s6], $0xF7A  }
0x23: {  	s9 =	sor.u32 $0xD0000000, s2;
	s6 =	simm.s32 $0x108;
	_ =	swait.ge @!p0 [sflag:s8], $0x0  }
0x24: {  	s3 =	sadd.s32 $0x88, s3;
	s6 =	simm.s32 @!p1 $0x1082;
	[sflag:s4] =	ssyncset.s32 $0xFFFFF086  }
0x25: {  	[simem:s6], [sflag:s4] =	dma.local [hbm:s3], $0xF7A  }
0x26: {  	[smem:$0x3F9A] =	sst s1;
	(tag) =	ssettag s2;
	_ =	strace s9  }
0x27: {  	s1 =	sld [smem:$0x3FAA]  }
0x28: {  	s2 =	sld [smem:$0x3FAB]  }
0x29: {  	s4 =	sld [smem:$0x3FAD]  }
0x2a: {  	p0 =	seq.s32 s5, $0x0;
	s5 =	sld [smem:$0x3FAE]  }
0x2b: {  	s6 =	sld [smem:$0x3FAF]  }
0x2c: {  	s7 =	sld [smem:$0x3FB0]  }
0x2d: {  	s3 =	simm.s32 $0x108;
	s8 =	sld [smem:$0x3FB1]  }
0x2e: {  	s3 =	simm.s32 @!p0 $0x1082;
	s9 =	sld [smem:$0x3FB2]  }
0x2f: {  	lr =	sadd.s32 s0, s3;
	s0 =	sld [smem:$0x3FA9]  }
0x30: {  	s3 =	sld [smem:$0x3FAC]  }
0x31: {  	[smem:$0x3FB5] =	sst s10  }
0x32: {  	s10 =	sld [smem:$0x3FB3];
	_ =	sdelay $0x3  }
0x33: {  	p0 =	seq.s32 s10, $0x1;
	s10 =	sld [smem:$0x3FB5];
	_ =	sdelay $0x3  }
0x34: {  	[smem:$0x3FB5] =	sst s10  }
0x35: {  	s10 =	sld [smem:$0x3FB4];
	_ =	sdelay $0x3  }
0x36: {  	p1 =	seq.s32 s10, $0x1;
	s10 =	sld [smem:$0x3FB5];
	_ =	sdelay $0x3  }
0x37: {  	[smem:$0x3FB5] =	sst s10  }
0x38: {  	s10 =	sld [smem:$0x3FB6]  }
0x39: {  	_ = 	snop;
	(pc) =	sbr.ind lr, $3  }
0x3a: {  	_ = 	snop  }
0x3b: {  	_ = 	snop  }
0x3c: {  	p2 =	seq.s32 s10, $0x1;
	s10 =	sld [smem:$0x3FB5]  }
0x3d: {  	_ =	shalt  }
0x3e: {  	_ =	shalt  }
0x3f: {  	_ =	shalt  }
0x40: {  	_ =	shalt  }
0x41: {  	_ =	shalt  }
0x42: {  	_ =	shalt  }
0x43: {  	_ =	shalt  }
0x44: {  	_ =	shalt  }
0x45: {  	_ =	shalt  }
0x46: {  	_ =	shalt  }
0x47: {  	_ =	shalt  }
0x48: {  	_ =	shalt  }
0x49: {  	_ =	shalt  }
0x4a: {  	_ =	shalt  }
0x4b: {  	_ =	shalt  }
0x4c: {  	_ =	shalt  }
0x4d: {  	_ =	shalt  }
0x4e: {  	_ =	shalt  }
0x4f: {  	_ =	shalt  }
0x50: {  	_ =	shalt  }
0x51: {  	_ =	shalt  }
0x52: {  	_ =	shalt  }
0x53: {  	_ =	shalt  }
0x54: {  	_ =	shalt  }
0x55: {  	_ =	shalt  }
0x56: {  	_ =	shalt  }
0x57: {  	_ =	shalt  }
0x58: {  	_ =	shalt  }
0x59: {  	_ =	shalt  }
0x5a: {  	_ =	shalt  }
0x5b: {  	_ =	shalt  }
0x5c: {  	_ =	shalt  }
0x5d: {  	_ =	shalt  }
0x5e: {  	_ =	shalt  }
0x5f: {  	_ =	shalt  }
0x60: {  	_ =	shalt  }
0x61: {  	_ =	shalt  }
0x62: {  	_ =	shalt  }
0x63: {  	_ =	shalt  }
0x64: {  	_ =	shalt  }
0x65: {  	_ =	shalt  }
0x66: {  	_ =	shalt  }
0x67: {  	_ =	shalt  }
0x68: {  	_ =	shalt  }
0x69: {  	_ =	shalt  }
0x6a: {  	_ =	shalt  }
0x6b: {  	_ =	shalt  }
0x6c: {  	_ =	shalt  }
0x6d: {  	_ =	shalt  }
0x6e: {  	_ =	shalt  }
0x6f: {  	_ =	shalt  }
0x70: {  	_ =	shalt  }
0x71: {  	_ =	shalt  }
0x72: {  	_ =	shalt  }
0x73: {  	_ =	shalt  }
0x74: {  	_ =	shalt  }
0x75: {  	_ =	shalt  }
0x76: {  	_ =	shalt  }
0x77: {  	_ =	shalt  }
0x78: {  	_ =	shalt  }
0x79: {  	_ =	shalt  }
0x7a: {  	_ =	shalt  }
0x7b: {  	_ =	shalt  }
0x7c: {  	_ =	shalt  }
0x7d: {  	_ =	shalt  }
0x7e: {  	_ =	shalt  }
0x7f: {  	_ =	shalt  }
0x80: {  	_ =	shalt  }
0x81: {  	_ =	shalt  }
0x82: {  	_ =	shalt  }
0x83: {  	_ =	shalt  }
0x84: {  	_ =	shalt  }
0x85: {  	_ =	shalt  }
0x86: {  	_ =	shalt  }
0x87: {  	_ =	shalt  }
.Lfunc_end0:
.L_simem_size_0:
called_computation.2_lowered:
.L_overlay_start_0:
0x88: {  	s2 =	sld [smem:$0x3FD9]  }
0x89: {  	s3 =	sld [smem:$0x3FFE];
	_ =	sdelay $0x1  }
0x8a: {  	s1 =	srdreg.scid  }
0x8b: {  	s0 =	sand.u32 $0x1, s1  }
0x8c: {  	s17 =	sshll.u32 s0, $0xA;
	s2 =	sadd.s32 s3, s2  }
0x8d: {  	s2 =	sadd.s32 s2, s17  }
0x8e: {  	[smem:$0x3FC1] =	sst s2  }
0x8f: {  	_ = 	snop  }
0x90: {  	s2 =	sld [smem:$0x3FD0];
	(tm) =	ssettm $0x1  }
0x91: {  	s18 =	sld [smem:$0x3FFB];
	_ =	sdelay $0x3  }
0x92: {  	_ =	strace s18  }
0x93: {  	s3 =	sld [smem:$0x3FFC];
	_ =	sdelay $0x3  }
0x94: {  	_ =	strace s3  }
0x95: {  	s3 =	sld [smem:$0x3FFD];
	_ =	sdelay $0x3  }
0x96: {  	_ =	strace s3  }
0x97: {  	_ =	strace $0x8FFFFFFF  }
0x98: {  	s19 =	sld [smem:$0x3FDB];
	_ =	sdelay $0x1  }
0x99: {  	s4 =	simm.s32 $_scs_section_size  }
0x9a: {  	s5 =	simm.s32 $_size__tile_overlayer_lowered;
	s6 =	simm.s32 $_tile_overlayer_lowered  }
0x9b: {  	s22 =	simm.s32 $0x1BFF;
	s21 =	sshll.u32 s6, $0x1;
	s3 =	sadd.s32 s4, s19  }
0x9c: {  	s7 =	simm.s32 $0x0;
	s20 =	sshll.u32 s5, $0x1;
	s5 =	sadd.s32 s21, s3  }
0x9d: {  	[timem:s7], [sflag:s22] =	dma.local [hbm:s5], s20  }
0x9e: {  	_ =	swait.ge [sflag:s22], s20  }
0x9f: {  	s4 =	ssub.s32 $0x0, s20;
	[sflag:s22] =	ssyncset.done $0x0  }
0xa0: {  	[sflag:s22] =	ssyncadd.s32 s4;
	_ =	sdelay $0x1  }
0xa1: {  	s23 =	simm.s32 $0x1B8B  }
0xa2: {  	_ =	swait.ge [sflag:s23], $0x1  }
0xa3: {  	[sflag:s23] =	ssyncset.done $0x0  }
0xa4: {  	s25 =	simm.s32 $0x1B8E;
	s24 =	sld [smem:$0x3FFE];
	[sflag:s23] =	ssyncadd.s32 $0xFFFFFFFF  }
0xa5: {  	s26 =	simm.s32 $execute0_lowered;
	[smem:$0x3FD2] =	sst s25  }
0xa6: {  	s5 =	sshll.u32 s26, $0x1;
	_ =	strace $0x8000004C;
	[dreg:$0x1] =	wrdreg $0xFFFFFFFF  }
0xa7: {  	s28 =	simm.s32 $_size_execute0_lowered;
	s3 =	sadd.s32 s3, s5;
	[dreg:$0x0] =	wrdreg $0x0  }
0xa8: {  	s5 =	sshll.u32 s28, $0x1;
	[dreg:$0x2] =	wrdreg s3  }
0xa9: {  	[dreg:$0x3] =	wrdreg s5  }
0xaa: {  	[dreg:$0x4] =	wrdreg $0xC0  }
0xab: {  	_ =	task [dreg:s7], $0x5FFFF  }
0xac: {  	[dreg:$0x1] =	wrdreg $0xFFFFFFFF  }
0xad: {  	[dreg:$0x0] =	wrdreg $0x60  }
0xae: {  	[dreg:$0x2] =	wrdreg s2  }
0xaf: {  	[dreg:$0x3] =	wrdreg s24  }
0xb0: {  	[dreg:$0x4] =	wrdreg $0x7E000  }
0xb1: {  	[dreg:$0x5] =	wrdreg $0x9  }
0xb2: {  	_ =	task.clear_ibuf [dreg:s7], $0x6FFFF;
	_ =	strace $0x9000004C  }
0xb3: {  	s29 =	simm.s32 $0x9;
	_ =	strace $0x8000004E  }
0xb4: {  	_ =	swait.ge [sflag:s29], $0x1  }
0xb5: {  	[sflag:s29] =	ssyncadd.s32 $0xFFFFFFFF  }
0xb6: {  	_ =	strace $0x9000004E  }
0xb7: {  	_ =	sfence  }
0xb8: {  	s30 =	sld [smem:$0x0];
	_ =	sdelay $0x2  }
0xb9: {  	s31 =	sshll.u32 s1, $0xD;
	s1 =	sshrl.u32 s1, $0x2  }
0xba: {  	s3 =	sand.u32 $0x4000, s31;
	s1 =	sadd.s32 s1, s30  }
0xbb: {  	s0 =	sor.u32 s3, s0;
	s1 =	sshll.u32 s1, $0x11  }
0xbc: {  	s0 =	sor.u32 s1, s0  }
0xbd: {  	s0 =	sadd.s32 $0x8F2B, s0  }
0xbe: {  	[sflag:s0] =	ssyncadd.remote.s32 $0x1  }
0xbf: {  	_ =	sfence.sel $0xFFFF  }
0xc0: {  	[dreg:$0x0] =	wrdreg $0xFFFFFFFF;
	(pc) =	sbr.abs _section_cstart, $3  }
0xc1: {  	[dreg:$0x1] =	wrdreg $0xFFFFFFFF  }
0xc2: {  	_ =	task.clear_ibuf [dreg:s7], $0x2FFFF;
	_ =	strace $0x9FFFFFFF  }
0xc3: {  	(tm) =	ssettm $0x7FFFFFFF  }
tec
execute0_lowered:
.L_overlay_start_1:
0x0: {  	(tag) =	ssettag $0x1  }
0x1: {  	s1 =	rddreg [dreg:$0x0]  }
0x2: {  	s0 =	rddreg [dreg:$0x1]  }
0x3: {  	s2 =	rddreg [dreg:$0x2];
	s4 =	srdreg.scid;
	s3 =	simm.s32 $0x0  }
0x4: {  	s11 =	stileid.u32;
	s4 =	sand.u32 $0x1, s4;
	[smem:$0x7FF] =	sst s3  }
0x5: {  	s29 =	sadd.s32 $0xBC00, s0;
	s30 =	sadd.s32 $0x1E00, s0;
	s25 =	smul.u32 $0xA000, s11  }
0x6: {  	s6 =	sadd.s32 $0x15A00, s0;
	p0 =	slt.u32 s11, $0xD;
	s28 =	smul.u32 $0x2710, s11  }
0x7: {  	s15 =	smul.u32 $0x2800, s11;
	s5 =	sshll.u32 s4, $0x4;
	_ =	strace $0x8000004D  }
0x8: {  	s7 =	ssub.s32 $0x2, s4;
	s9 =	smul.u32 $0x27100, s4;
	[dreg:$0x4] =	wrdreg s29  }
0x9: {  	s4 =	smul.u32 $0x138800, s4;
	[dreg:$0x5] =	wrdreg s30;
	s5 =	sor.u32 s11, s5  }
0xa: {  	s8 =	sshrl.u32 s7, $0x1;
	s13 =	sshrl.u32 s25, $0x2;
	s11 =	simm.s32 $0xA  }
0xb: {  	s5 =	smul.u32 $0x2710, s5;
	s0 =	ssub.s32 s7, s8;
	s7 =	simm.s32 $0x8  }
0xc: {  	s14 =	sadd.s32 s28, s9;
	s2 =	sadd.s32 s13, s2;
	s4 =	sadd.s32 s15, s4  }
0xd: {  	s9 =	simm.s32 $0x8;
	s13 =	simm.s32 $0x100;
	[dreg:$0x13] =	wrdreg s2  }
0xe: {  	s15 =	simm.s32 $0x200;
	s7 =	simm.s32 @!p0 $0x7;
	[dreg:$0x14] =	wrdreg s4  }
0xf: {  	s16 =	sadd.s32 $0x370, s14;
	s0 =	smax.u32 s0, $0x1;
	[dreg:$0x6] =	wrdreg s7  }
0x10: {  	s28 =	sadd.s32 $0x1E0, s14;
	s5 =	sshrl.u32 s5, $0x3;
	[dreg:$0x15] =	wrdreg s0  }
0x11: {  	s25 =	sadd.s32 $0x230, s14;
	[dreg:$0x1d] =	wrdreg s28;
	s17 =	sadd.s32 s29, s5  }
0x12: {  	s18 =	sadd.s32 $0xA, s5;
	s19 =	sadd.s32 s30, s5;
	[dreg:$0x7] =	wrdreg s17  }
0x13: {  	s2 =	sshrl.u32 s16, $0x3;
	[dreg:$0x8] =	wrdreg s19;
	s20 =	sadd.s32 s29, s18  }
0x14: {  	s21 =	sadd.s32 $0x14, s5;
	s7 =	sadd.s32 s30, s18;
	[dreg:$0x9] =	wrdreg s20  }
0x15: {  	s4 =	sshrl.u32 s25, $0x3;
	s22 =	sadd.s32 s29, s21;
	[dreg:$0xa] =	wrdreg s7  }
0x16: {  	s23 =	sadd.s32 $0x1E, s5;
	s8 =	sadd.s32 s30, s21;
	[dreg:$0xb] =	wrdreg s22  }
0x17: {  	s26 =	sadd.s32 $0x28, s5;
	s24 =	sadd.s32 s29, s23;
	[dreg:$0xc] =	wrdreg s8  }
0x18: {  	s5 =	sadd.s32 $0x32, s5;
	s10 =	sadd.s32 s29, s26;
	[dreg:$0xd] =	wrdreg s24  }
0x19: {  	s16 =	simm.s32 $0x500;
	s12 =	sadd.s32 s29, s5;
	[dreg:$0xf] =	wrdreg s10  }
0x1a: {  	s25 =	simm.s32 $0x0;
	s5 =	sadd.s32 s30, s5;
	[dreg:$0x11] =	wrdreg s12  }
0x1b: {  	s17 =	sadd.s32 $0x320, s14;
	s19 =	sadd.s32 s2, s30;
	[dreg:$0x12] =	wrdreg s5  }
0x1c: {  	s2 =	sadd.s32 s2, s29;
	s21 =	sadd.s32 $0x2D0, s14;
	[dreg:$0x16] =	wrdreg s19  }
0x1d: {  	s7 =	sadd.s32 s30, s23;
	s18 =	sshrl.u32 s17, $0x3;
	[dreg:$0x17] =	wrdreg s2  }
0x1e: {  	s22 =	sshrl.u32 s21, $0x3;
	s23 =	sadd.s32 $0x280, s14;
	s10 =	simm.s32 $0x600  }
0x1f: {  	s17 =	simm.s32 $0x300;
	s19 =	simm.s32 $0x1;
	s8 =	simm.s32 $0x2  }
0x20: {  	s21 =	simm.s32 $0x2E00;
	s12 =	simm.s32 $0x5600;
	s14 =	simm.s32 $0x400  }
0x21: {  	s5 =	simm.s32 $0x5;
	[dreg:$0xe] =	wrdreg s7;
	s7 =	sadd.s32 s30, s26  }
0x22: {  	s20 =	sadd.s32 s18, s30;
	s0 =	sadd.s32 s18, s29;
	[dreg:$0x10] =	wrdreg s7  }
0x23: {  	s2 =	sshrl.u32 s23, $0x3;
	s24 =	sadd.s32 s22, s30;
	[dreg:$0x18] =	wrdreg s20  }
0x24: {  	s18 =	simm.s32 $0x4;
	s23 =	simm.s32 $0x6;
	[dreg:$0x19] =	wrdreg s0  }
0x25: {  	[dreg:$0x1a] =	wrdreg s24;
	s0 =	sadd.s32 s22, s29;
	s26 =	sadd.s32 s2, s30  }
0x26: {  	s31 =	sadd.s32 s2, s29;
	s2 =	sadd.s32 s4, s29;
	s22 =	simm.s32 $0x50  }
0x27: {  	s7 =	simm.s32 $0x7;
	s20 =	simm.s32 $0x3;
	[dreg:$0x1b] =	wrdreg s0  }
0x28: {  	v0 =	vimm.f32 $0.0e+00;
	[dreg:$0x1c] =	wrdreg s26;
	s0 =	sadd.s32 s4, s30;
	s4 =	simm.s32 $0x9  }
.LBB2_1:
0x29: {  	[dreg:$0x1e] =	wrdreg s25;
	s24 =	simm.s32 $0x0;
	s25 =	simm.s32 $0x200  }
.LBB2_2:
0x2a: {  	p0 =	sne.s32 s25, $0x9E00;
	[tilespmem:s24+$0x670] =	vst v0  }
0x2b: {  	[tilespmem:s24+$0x600] =	vst v0  }
0x2c: {  	[tilespmem:s24+$0x610] =	vst v0  }
.Ltmp0:
0x2d: {  	[tilespmem:s24+$0x620] =	vst v0;
	(pc) =	sbr.rel @p0 .LBB2_2-.Ltmp0, $4  }
0x2e: {  	[tilespmem:s24+$0x630] =	vst v0  }
0x2f: {  	[tilespmem:s24+$0x640] =	vst v0  }
0x30: {  	[tilespmem:s24+$0x650] =	vst v0  }
0x31: {  	[tilespmem:s24+$0x660] =	vst v0;
	s24 =	sshra.s32 s25, $0x2;
	s25 =	sadd.s32 $0x200, s25  }
0x32: {  	[tilespmem:s24+$0x670] =	vst v0  }
0x33: {  	[tilespmem:s24+$0x600] =	vst v0  }
0x34: {  	[tilespmem:s24+$0x610] =	vst v0  }
0x35: {  	[tilespmem:s24+$0x620] =	vst v0  }
0x36: {  	[tilespmem:s24+$0x630] =	vst v0;
	s28 =	rddreg [dreg:$0x6]  }
0x37: {  	[tilespmem:s24+$0x640] =	vst v0;
	p0 =	sne.s32 s28, $0x1  }
.Ltmp1:
0x38: {  	[tilespmem:s24+$0x650] =	vst v0;
	(pc) =	sbr.rel @!p0 .LBB2_5-.Ltmp1, $4  }
0x39: {  	[tilespmem:s24+$0x660] =	vst v0;
	s25 =	rddreg [dreg:$0x13]  }
0x3a: {  	[spmem:s25] =	stream.linear.scatter [tilespmem:s10], [sflag:$0xA], $0x2800, $0x38;
	[tilespmem:$0x1B680] =	vst v63  }
0x3b: {  	_ =	swait.ge [sflag:s11], $0x2800  }
0x3c: {  	s24 =	sadd.s32 $0xFFFFFFFF, s28;
	[sflag:s11] =	ssyncset.done $0x0  }
.LBB2_4:
0x3d: {  	p1 =	sne.s32 s24, $0x1;
	[sflag:s11] =	ssyncadd.s32 $0xFFFFD800;
	s25 =	sadd.s32 $0x28000, s25  }
.Ltmp2:
0x3e: {  	s24 =	sadd.s32 $0xFFFFFFFF, s24;
	(pc) =	sbr.rel @p1 .LBB2_4-.Ltmp2, $4  }
0x3f: {  	_ = 	snop  }
0x40: {  	[spmem:s25] =	stream.linear.scatter [tilespmem:s10], [sflag:$0xA], $0x2800, $0x38;
	[tilespmem:$0x1B680] =	vst v63  }
0x41: {  	_ =	swait.ge [sflag:s11], $0x2800  }
0x42: {  	[sflag:s11] =	ssyncset.done $0x0  }
.LBB2_5:
0x43: {  	[sflag:s11] =	ssyncadd.s32 $0xFFFFD800  }
0x44: {  	[bflag:$0x0] =	sbarrier.arrive $0xFFFF  }
0x45: {  	s24 =	simm.s32 $0x0;
	s25 =	rddreg [dreg:$0x7]  }
0x46: {  	[tilespmem:s24], [sflag:$0x1] =	stream.linear.gather [hbm4b:s25+s24], $0x50, $0x38;
	[tilespmem:$0x1B680] =	vst v63  }
0x47: {  	s26 =	simm.s32 $0x80;
	s28 =	rddreg [dreg:$0x8]  }
0x48: {  	[tilespmem:s26], [sflag:$0x1] =	stream.linear.gather [hbm4b:s28+s24], $0x50, $0x38;
	[tilespmem:$0x1B680] =	vst v63  }
0x49: {  	s28 =	rddreg [dreg:$0x9]  }
0x4a: {  	[tilespmem:s13], [sflag:$0x2] =	stream.linear.gather [hbm4b:s28+s24], $0x50, $0x38;
	[tilespmem:$0x1B680] =	vst v63  }
0x4b: {  	s26 =	rddreg [dreg:$0xa];
	s28 =	simm.s32 $0x180  }
0x4c: {  	[tilespmem:s28], [sflag:$0x2] =	stream.linear.gather [hbm4b:s26+s24], $0x50, $0x38;
	[tilespmem:$0x1B680] =	vst v63  }
0x4d: {  	s28 =	rddreg [dreg:$0xb]  }
0x4e: {  	[tilespmem:s15], [sflag:$0x3] =	stream.linear.gather [hbm4b:s28+s24], $0x50, $0x38;
	[tilespmem:$0x1B680] =	vst v63  }
0x4f: {  	s26 =	rddreg [dreg:$0xc];
	s28 =	simm.s32 $0x280  }
0x50: {  	[tilespmem:s28], [sflag:$0x3] =	stream.linear.gather [hbm4b:s26+s24], $0x50, $0x38;
	[tilespmem:$0x1B680] =	vst v63  }
0x51: {  	s28 =	rddreg [dreg:$0xd]  }
0x52: {  	[tilespmem:s17], [sflag:$0x4] =	stream.linear.gather [hbm4b:s28+s24], $0x50, $0x38;
	[tilespmem:$0x1B680] =	vst v63  }
0x53: {  	s26 =	rddreg [dreg:$0xe];
	s28 =	simm.s32 $0x380  }
0x54: {  	[tilespmem:s28], [sflag:$0x4] =	stream.linear.gather [hbm4b:s26+s24], $0x50, $0x38;
	[tilespmem:$0x1B680] =	vst v63  }
0x55: {  	_ =	swait.ge [sflag:s19], $0x50  }
0x56: {  	[sflag:s19] =	ssyncset.done $0x0  }
0x57: {  	[sflag:s19] =	ssyncadd.s32 $0xFFFFFFB0  }
0x58: {  	_ =	swait.ge [sflag:s19], $0x50  }
0x59: {  	[sflag:s19] =	ssyncset.done $0x0  }
0x5a: {  	[sflag:s19] =	ssyncadd.s32 $0xFFFFFFB0  }
0x5b: {  	[tilespmem:s10], [sflag:$0x7] =	stream.indirect.gather [hbm4b:s1+s22], $0x80, s24, s22, $0xb8;
	[tilespmem:$0x1B680] =	vst v63  }
0x5c: {  	_ =	swait.ge [sflag:s8], $0x50  }
0x5d: {  	[sflag:s8] =	ssyncset.done $0x0  }
0x5e: {  	[sflag:s8] =	ssyncadd.s32 $0xFFFFFFB0  }
0x5f: {  	_ =	swait.ge [sflag:s8], $0x50  }
0x60: {  	[sflag:s8] =	ssyncset.done $0x0  }
0x61: {  	[sflag:s8] =	ssyncadd.s32 $0xFFFFFFB0  }
0x62: {  	[tilespmem:s21], [sflag:$0x8] =	stream.indirect.gather [hbm4b:s1+s22], $0x80, s13, s22, $0xb8;
	[tilespmem:$0x1B680] =	vst v63  }
0x63: {  	_ =	swait.ge [sflag:s7], $0x2800  }
0x64: {  	[sflag:s7] =	ssyncset.done $0x0  }
0x65: {  	[sflag:s7] =	ssyncadd.s32 $0xFFFFD800  }
0x66: {  	_ =	swait.ge [sflag:s20], $0x50  }
0x67: {  	[sflag:s20] =	ssyncset.done $0x0  }
0x68: {  	[sflag:s20] =	ssyncadd.s32 $0xFFFFFFB0  }
0x69: {  	_ =	swait.ge [sflag:s20], $0x50  }
0x6a: {  	[sflag:s20] =	ssyncset.done $0x0  }
0x6b: {  	[sflag:s20] =	ssyncadd.s32 $0xFFFFFFB0  }
0x6c: {  	[tilespmem:s12], [sflag:$0x9] =	stream.indirect.gather [hbm4b:s1+s22], $0x80, s15, s22, $0xb8;
	[tilespmem:$0x1B680] =	vst v63  }
0x6d: {  	s28 =	rddreg [dreg:$0xf]  }
0x6e: {  	[tilespmem:s14], [sflag:$0x5] =	stream.linear.gather [hbm4b:s28+s24], $0x50, $0x38;
	[tilespmem:$0x1B680] =	vst v63  }
0x6f: {  	s26 =	rddreg [dreg:$0x10];
	s28 =	simm.s32 $0x480  }
0x70: {  	[tilespmem:s28], [sflag:$0x5] =	stream.linear.gather [hbm4b:s26+s24], $0x50, $0x38;
	[tilespmem:$0x1B680] =	vst v63  }
0x71: {  	_ =	swait.ge [sflag:s9], $0x2800  }
0x72: {  	[sflag:s9] =	ssyncset.done $0x0  }
0x73: {  	[sflag:s9] =	ssyncadd.s32 $0xFFFFD800  }
0x74: {  	_ =	swait.ge [sflag:s18], $0x50  }
0x75: {  	[sflag:s18] =	ssyncset.done $0x0  }
0x76: {  	[sflag:s18] =	ssyncadd.s32 $0xFFFFFFB0  }
0x77: {  	_ =	swait.ge [sflag:s18], $0x50  }
0x78: {  	[sflag:s18] =	ssyncset.done $0x0  }
0x79: {  	s28 =	rddreg [dreg:$0x11];
	[sflag:s18] =	ssyncadd.s32 $0xFFFFFFB0  }
0x7a: {  	[tilespmem:s10], [sflag:$0x7] =	stream.indirect.gather [hbm4b:s1+s22], $0x80, s17, s22, $0xb8;
	[tilespmem:$0x1B680] =	vst v63  }
0x7b: {  	s26 =	rddreg [dreg:$0x12]  }
0x7c: {  	[tilespmem:s16], [sflag:$0x6] =	stream.linear.gather [hbm4b:s28+s24], $0x50, $0x38;
	[tilespmem:$0x1B680] =	vst v63  }
0x7d: {  	s25 =	rddreg [dreg:$0x1d];
	s28 =	simm.s32 $0x580  }
0x7e: {  	[tilespmem:s28], [sflag:$0x6] =	stream.linear.gather [hbm4b:s26+s24], $0x50, $0x38;
	[tilespmem:$0x1B680] =	vst v63  }
.LBB2_6:
0x7f: {  	_ =	swait.ge [sflag:s4], $0x2800  }
0x80: {  	[sflag:s4] =	ssyncset.done $0x0  }
0x81: {  	[sflag:s4] =	ssyncadd.s32 $0xFFFFD800  }
0x82: {  	_ =	swait.ge [sflag:s5], $0x50  }
0x83: {  	[sflag:s5] =	ssyncset.done $0x0  }
0x84: {  	[sflag:s5] =	ssyncadd.s32 $0xFFFFFFB0  }
0x85: {  	_ =	swait.ge [sflag:s5], $0x50  }
0x86: {  	[sflag:s5] =	ssyncset.done $0x0  }
0x87: {  	s26 =	sshrl.u32 s25, $0x3;
	[sflag:s5] =	ssyncadd.s32 $0xFFFFFFB0  }
0x88: {  	[tilespmem:s21], [sflag:$0x8] =	stream.indirect.gather [hbm4b:s1+s22], $0x80, s14, s22, $0xb8;
	[tilespmem:$0x1B680] =	vst v63  }
0x89: {  	s28 =	sadd.s32 s29, s26  }
0x8a: {  	[tilespmem:s3], [sflag:$0x1] =	stream.linear.gather [hbm4b:s28+s3], $0x50, $0x38;
	[tilespmem:$0x1B680] =	vst v63  }
0x8b: {  	s26 =	sadd.s32 s30, s26;
	s28 =	simm.s32 $0x80  }
0x8c: {  	[tilespmem:s28], [sflag:$0x1] =	stream.linear.gather [hbm4b:s26+s3], $0x50, $0x38;
	[tilespmem:$0x1B680] =	vst v63  }
0x8d: {  	_ =	swait.ge [sflag:s7], $0x2800  }
0x8e: {  	[sflag:s7] =	ssyncset.done $0x0  }
0x8f: {  	[sflag:s7] =	ssyncadd.s32 $0xFFFFD800  }
0x90: {  	_ =	swait.ge [sflag:s23], $0x50  }
0x91: {  	[sflag:s23] =	ssyncset.done $0x0  }
0x92: {  	[sflag:s23] =	ssyncadd.s32 $0xFFFFFFB0  }
0x93: {  	_ =	swait.ge [sflag:s23], $0x50  }
0x94: {  	[sflag:s23] =	ssyncset.done $0x0  }
0x95: {  	[sflag:s23] =	ssyncadd.s32 $0xFFFFFFB0  }
0x96: {  	[tilespmem:s12], [sflag:$0x9] =	stream.indirect.gather [hbm4b:s1+s22], $0x80, s16, s22, $0xb8;
	[tilespmem:$0x1B680] =	vst v63  }
0x97: {  	s28 =	sadd.s32 s24, s2  }
0x98: {  	[tilespmem:s13], [sflag:$0x2] =	stream.linear.gather [hbm4b:s28+s3], $0x50, $0x38;
	[tilespmem:$0x1B680] =	vst v63  }
0x99: {  	s26 =	sadd.s32 s24, s0;
	s28 =	simm.s32 $0x180  }
0x9a: {  	[tilespmem:s28], [sflag:$0x2] =	stream.linear.gather [hbm4b:s26+s3], $0x50, $0x38;
	[tilespmem:$0x1B680] =	vst v63  }
0x9b: {  	_ =	swait.ge [sflag:s9], $0x2800  }
0x9c: {  	[sflag:s9] =	ssyncset.done $0x0  }
0x9d: {  	[sflag:s9] =	ssyncadd.s32 $0xFFFFD800  }
0x9e: {  	_ =	swait.ge [sflag:s19], $0x50  }
0x9f: {  	[sflag:s19] =	ssyncset.done $0x0  }
0xa0: {  	[sflag:s19] =	ssyncadd.s32 $0xFFFFFFB0  }
0xa1: {  	_ =	swait.ge [sflag:s19], $0x50  }
0xa2: {  	[sflag:s19] =	ssyncset.done $0x0  }
0xa3: {  	[sflag:s19] =	ssyncadd.s32 $0xFFFFFFB0  }
0xa4: {  	[tilespmem:s10], [sflag:$0x7] =	stream.indirect.gather [hbm4b:s1+s22], $0x80, s3, s22, $0xb8;
	[tilespmem:$0x1B680] =	vst v63  }
0xa5: {  	s28 =	sadd.s32 s24, s31  }
0xa6: {  	[tilespmem:s15], [sflag:$0x3] =	stream.linear.gather [hbm4b:s28+s3], $0x50, $0x38;
	[tilespmem:$0x1B680] =	vst v63  }
0xa7: {  	s28 =	rddreg [dreg:$0x1c]  }
0xa8: {  	s26 =	sadd.s32 s24, s28;
	s28 =	simm.s32 $0x280  }
0xa9: {  	[tilespmem:s28], [sflag:$0x3] =	stream.linear.gather [hbm4b:s26+s3], $0x50, $0x38;
	[tilespmem:$0x1B680] =	vst v63  }
0xaa: {  	_ =	swait.ge [sflag:s4], $0x2800  }
0xab: {  	[sflag:s4] =	ssyncset.done $0x0  }
0xac: {  	[sflag:s4] =	ssyncadd.s32 $0xFFFFD800  }
0xad: {  	_ =	swait.ge [sflag:s8], $0x50  }
0xae: {  	[sflag:s8] =	ssyncset.done $0x0  }
0xaf: {  	[sflag:s8] =	ssyncadd.s32 $0xFFFFFFB0  }
0xb0: {  	_ =	swait.ge [sflag:s8], $0x50  }
0xb1: {  	[sflag:s8] =	ssyncset.done $0x0  }
0xb2: {  	s28 =	rddreg [dreg:$0x1b];
	[sflag:s8] =	ssyncadd.s32 $0xFFFFFFB0  }
0xb3: {  	[tilespmem:s21], [sflag:$0x8] =	stream.indirect.gather [hbm4b:s1+s22], $0x80, s13, s22, $0xb8;
	[tilespmem:$0x1B680] =	vst v63  }
0xb4: {  	s26 =	sadd.s32 s24, s28;
	s28 =	rddreg [dreg:$0x1a]  }
0xb5: {  	[tilespmem:s17], [sflag:$0x4] =	stream.linear.gather [hbm4b:s26+s3], $0x50, $0x38;
	[tilespmem:$0x1B680] =	vst v63  }
0xb6: {  	s26 =	sadd.s32 s24, s28;
	s28 =	simm.s32 $0x380  }
0xb7: {  	[tilespmem:s28], [sflag:$0x4] =	stream.linear.gather [hbm4b:s26+s3], $0x50, $0x38;
	[tilespmem:$0x1B680] =	vst v63  }
0xb8: {  	_ =	swait.ge [sflag:s7], $0x2800  }
0xb9: {  	[sflag:s7] =	ssyncset.done $0x0  }
0xba: {  	[sflag:s7] =	ssyncadd.s32 $0xFFFFD800  }
0xbb: {  	_ =	swait.ge [sflag:s20], $0x50  }
0xbc: {  	[sflag:s20] =	ssyncset.done $0x0  }
0xbd: {  	[sflag:s20] =	ssyncadd.s32 $0xFFFFFFB0  }
0xbe: {  	_ =	swait.ge [sflag:s20], $0x50  }
0xbf: {  	[sflag:s20] =	ssyncset.done $0x0  }
0xc0: {  	s28 =	rddreg [dreg:$0x19];
	[sflag:s20] =	ssyncadd.s32 $0xFFFFFFB0  }
0xc1: {  	[tilespmem:s12], [sflag:$0x9] =	stream.indirect.gather [hbm4b:s1+s22], $0x80, s15, s22, $0xb8;
	[tilespmem:$0x1B680] =	vst v63  }
0xc2: {  	s26 =	sadd.s32 s24, s28;
	s28 =	rddreg [dreg:$0x18]  }
0xc3: {  	[tilespmem:s14], [sflag:$0x5] =	stream.linear.gather [hbm4b:s26+s3], $0x50, $0x38;
	[tilespmem:$0x1B680] =	vst v63  }
0xc4: {  	s26 =	sadd.s32 s24, s28;
	s28 =	simm.s32 $0x480  }
0xc5: {  	[tilespmem:s28], [sflag:$0x5] =	stream.linear.gather [hbm4b:s26+s3], $0x50, $0x38;
	[tilespmem:$0x1B680] =	vst v63  }
0xc6: {  	_ =	swait.ge [sflag:s9], $0x2800  }
0xc7: {  	[sflag:s9] =	ssyncset.done $0x0  }
0xc8: {  	[sflag:s9] =	ssyncadd.s32 $0xFFFFD800  }
0xc9: {  	_ =	swait.ge [sflag:s18], $0x50  }
0xca: {  	p1 =	seq.s32 s24, $0x474;
	[sflag:s18] =	ssyncset.done $0x0  }
.Ltmp3:
0xcb: {  	[sflag:s18] =	ssyncadd.s32 $0xFFFFFFB0;
	(pc) =	sbr.rel @p1 .LBB2_8-.Ltmp3, $4  }
0xcc: {  	_ =	swait.ge [sflag:s18], $0x50  }
0xcd: {  	[sflag:s18] =	ssyncset.done $0x0  }
0xce: {  	[sflag:s18] =	ssyncadd.s32 $0xFFFFFFB0  }
0xcf: {  	[tilespmem:s10], [sflag:$0x7] =	stream.indirect.gather [hbm4b:s1+s22], $0x80, s17, s22, $0xb8;
	[tilespmem:$0x1B680] =	vst v63  }
.Ltmp4:
0xd0: {  	s26 =	rddreg [dreg:$0x17];
	(pc) =	sbr.rel .LBB2_6-.Ltmp4, $4  }
0xd1: {  	s28 =	rddreg [dreg:$0x16];
	s25 =	sadd.s32 $0x1E0, s25;
	s26 =	sadd.s32 s24, s26  }
0xd2: {  	[tilespmem:s16], [sflag:$0x6] =	stream.linear.gather [hbm4b:s26+s3], $0x50, $0x38;
	[tilespmem:$0x1B680] =	vst v63  }
0xd3: {  	s26 =	sadd.s32 s24, s28;
	s28 =	simm.s32 $0x580;
	s24 =	sadd.s32 $0x3C, s24  }
0xd4: {  	[tilespmem:s28], [sflag:$0x6] =	stream.linear.gather [hbm4b:s26+s3], $0x50, $0x38;
	[tilespmem:$0x1B680] =	vst v63  }
.LBB2_8:
0xd5: {  	_ =	swait.ge [sflag:s4], $0x2800  }
0xd6: {  	[sflag:s4] =	ssyncset.done $0x0  }
0xd7: {  	[sflag:s4] =	ssyncadd.s32 $0xFFFFD800  }
0xd8: {  	_ =	swait.ge [sflag:s5], $0x50  }
0xd9: {  	[sflag:s5] =	ssyncset.done $0x0  }
0xda: {  	[sflag:s5] =	ssyncadd.s32 $0xFFFFFFB0  }
0xdb: {  	_ =	swait.ge [sflag:s5], $0x50  }
0xdc: {  	[sflag:s5] =	ssyncset.done $0x0  }
0xdd: {  	[sflag:s5] =	ssyncadd.s32 $0xFFFFFFB0  }
0xde: {  	[tilespmem:s21], [sflag:$0x8] =	stream.indirect.gather [hbm4b:s1+s22], $0x80, s14, s22, $0xb8;
	[tilespmem:$0x1B680] =	vst v63  }
0xdf: {  	_ =	swait.ge [sflag:s7], $0x2800  }
0xe0: {  	[sflag:s7] =	ssyncset.done $0x0  }
0xe1: {  	[sflag:s7] =	ssyncadd.s32 $0xFFFFD800  }
0xe2: {  	_ =	swait.ge [sflag:s9], $0x2800  }
0xe3: {  	[sflag:s9] =	ssyncset.done $0x0  }
0xe4: {  	[sflag:s9] =	ssyncadd.s32 $0xFFFFD800  }
0xe5: {  	s24 =	stileid.u32;
	[bflag:$0x0] =	sbarrier.arrive $0xFFFF  }
0xe6: {  	s24 =	sshll.u32 s24, $0x6;
	s29 =	rddreg [dreg:$0x14]  }
.Ltmp5:
0xe7: {  	s28 =	rddreg [dreg:$0x13];
	s25 =	sshrl.u32 s29, $0x3;
	(pc) =	sbr.rel @!p0 .LBB2_10-.Ltmp5, $4  }
0xe8: {  	s24 =	sor.u32 $0x1C0A, s24;
	s26 =	sshrl.u32 s28, $0x3;
	s25 =	sadd.s32 s6, s25  }
0xe9: {  	[hbm:s25], [sflag:s24] =	dma.local [spmem:s26], $0x500  }
0xea: {  	s25 =	rddreg [dreg:$0x6]  }
0xeb: {  	s26 =	sadd.s32 $0x28000, s29;
	s25 =	sadd.s32 $0xFFFFFFFF, s25  }
.LBB2_9:
0xec: {  	_ =	swait.ge [sflag:s11], $0x500  }
0xed: {  	s28 =	sadd.s32 $0x28000, s28;
	s29 =	sshrl.u32 s26, $0x3;
	p0 =	sne.s32 s25, $0x1  }
.Ltmp6:
0xee: {  	s30 =	sshrl.u32 s28, $0x3;
	[sflag:s11] =	ssyncset.done $0x0;
	(pc) =	sbr.rel @p0 .LBB2_9-.Ltmp6, $4  }
0xef: {  	s29 =	sadd.s32 s6, s29;
	[sflag:s11] =	ssyncadd.s32 $0xFFFFFB00  }
0xf0: {  	[hbm:s29], [sflag:s24] =	dma.local [spmem:s30], $0x500  }
0xf1: {  	s25 =	sadd.s32 $0xFFFFFFFF, s25  }
0xf2: {  	s26 =	sadd.s32 $0x28000, s26  }
.LBB2_10:
0xf3: {  	_ =	swait.ge [sflag:s11], $0x500  }
0xf4: {  	s25 =	rddreg [dreg:$0x1e]  }
0xf5: {  	s24 =	rddreg [dreg:$0x15];
	s25 =	sadd.s32 $0x1, s25  }
0xf6: {  	p0 =	sne.s32 s25, s24  }
.Ltmp7:
0xf7: {  	_ = 	snop;
	(pc) =	sbr.rel @p0 .LBB2_1-.Ltmp7, $3  }
0xf8: {  	_ =	sdelay $0x1  }
0xf9: {  	[sflag:s11] =	ssyncset.done $0x0;
	s29 =	rddreg [dreg:$0x4]  }
0xfa: {  	s30 =	rddreg [dreg:$0x5];
	[sflag:s11] =	ssyncadd.s32 $0xFFFFFB00  }
0xfb: {  	_ =	sfence.sel $0x180000  }
0xfc: {  	[bflag:$0x0] =	sbarrier.arrive $0xFFFF  }
0xfd: {  	_ =	strace $0x9000004D  }
0xfe: {  	s0 =	stileid.u32;
	[bflag:$0x2] =	sbarrier.arrive $0xFFFF  }
0xff: {  	p0 =	sne.s32 s0, $0x0;
	s0 =	rddreg [dreg:$0x3]  }
0x100: {  	s0 =	sadd.s32 @!p0 $0x100000, s0  }
0x101: {  	[sflag:s0] =	ssyncadd.tile.s32 @!p0 $0x1;
	_ =	shalt  }
.Lfunc_end2:
_tile_overlayer_lowered:
.L_overlay_start_2:
0x102: {  	(tag) =	ssettag $0x2  }
0x103: {  	s0 =	rddreg [dreg:$0x0];
	s2 =	stileid.u32  }
0x104: {  	s1 =	rddreg [dreg:$0x1];
	p0 =	sne.s32 s2, $0x0  }
0x105: {  	s3 =	rddreg [dreg:$0x2];
	[bflag:$0x3] =	sbarrier.arrive $0xFFFF;
	s2 =	simm.s32 @!p0 $0x1C0A  }
0x106: {  	[timem:s3], [sflag:s2] =	dma.local @!p0 [hbm:s0], s1  }
0x107: {  	s0 =	simm.s32 @!p0 $0xA  }
0x108: {  	_ =	swait.ge @!p0 [sflag:s0], s1  }
0x109: {  	s1 =	ssub.s32 @!p0 $0x0, s1;
	[sflag:s0] =	ssyncset.done @!p0 $0x0  }
0x10a: {  	[sflag:s0] =	ssyncadd.s32 @!p0 s1  }
0x10b: {  	[bflag:$0x3] =	sbarrier.arrive $0xFFFF  }
0x10c: {  	_ =	shalt  }

// kernel: kernel.9.cloned.1.call-start
scs
__scs_entry_jumppad:
0x0: {  	(pc) =	sbr.rel $0x88, $3  }
0x1: {  	(tag) =	ssettag $0x0;
	lr =	simm.s32 $0x1  }
0x2: {  	[smem:$0x3F9A] =	sst lr;
	_ =	strace $0xD0000000  }
0x3: {  	_ = 	snop  }
0x4: {  	_ = 	snop  }
0x5: {  	_ = 	snop  }
0x6: {  	_ = 	snop  }
0x7: {  	_ = 	snop  }
__scs_overlays_trampoline_lowered:
0x8: {  	[smem:$0x3FA9] =	sst s0  }
0x9: {  	[smem:$0x3FAA] =	sst s1  }
0xa: {  	[smem:$0x3FAB] =	sst s2  }
0xb: {  	[smem:$0x3FAC] =	sst s3  }
0xc: {  	[smem:$0x3FAD] =	sst s4  }
0xd: {  	[smem:$0x3FAE] =	sst s5  }
0xe: {  	[smem:$0x3FAF] =	sst s6  }
0xf: {  	[smem:$0x3FB0] =	sst s7  }
0x10: {  	[smem:$0x3FB1] =	sst s8  }
0x11: {  	[smem:$0x3FB2] =	sst s9;
	s0 =	simm.s32 @!p0 $0x0  }
0x12: {  	s1 =	sld [smem:$0x3F98];
	s0 =	simm.s32 @p0 $0x1  }
0x13: {  	[smem:$0x3FB3] =	sst s0;
	s0 =	simm.s32 @!p1 $0x0  }
0x14: {  	s2 =	sld [smem:$0x3F97];
	s0 =	simm.s32 @p1 $0x1  }
0x15: {  	[smem:$0x3FB4] =	sst s0;
	s0 =	simm.s32 @!p2 $0x0  }
0x16: {  	s3 =	sld [smem:$0x3FDB];
	s0 =	simm.s32 @p2 $0x1  }
0x17: {  	s4 =	simm.s32 $0x1BF5;
	[smem:$0x3FB6] =	sst s0  }
0x18: {  	s0 =	sld [smem:$0x3F99];
	_ =	swait.ge [sflag:s4], $0x0  }
0x19: {  	s7 =	sld [smem:$0x3F9A]  }
0x1a: {  	s8 =	sadd.s32 $0xFFFFE003, lr  }
0x1b: {  	s9 =	sadd.s32 $0xFFFFFEF7, lr;
	s5 =	simm.s32 $0xFFFFFFFF;
	p2 =	slt.u32 s8, $0xFFFFF086  }
0x1c: {  	p1 =	slt.u32 s9, $0xF7A;
	s5 =	simm.s32 @!p2 $0x0  }
0x1d: {  	s5 =	simm.s32 @p1 $0x1;
	p0 =	seq.s32 s7, s2  }
0x1e: {  	s7 =	smul.u32 @!p0 $0xF7A, s2;
	p2 =	seq.s32 @!p0 s5, $0x0  }
0x1f: {  	s9 =	smul.u32 $0xF7A, s1;
	s8 =	simm.s32 @!p0 $0x1BF5;
	p2 =	por !p2, p0  }
0x20: {  	[sflag:s8] =	ssyncset.s32 @!p0 $0xFFFFF086;
	s6 =	sadd.s32 @!p0 s3, s7;
	s7 =	simm.s32 @!p0 $0x108  }
0x21: {  	s3 =	sadd.s32 s3, s9;
	s6 =	sadd.s32 @!p0 $0x88, s6;
	s7 =	simm.s32 @p2 $0x1082  }
0x22: {  	[simem:s7], [sflag:s8] =	dma.local @!p0 [hbm:s6], $0xF7A  }
0x23: {  	s9 =	sor.u32 $0xD0000000, s2;
	s6 =	simm.s32 $0x108;
	_ =	swait.ge @!p0 [sflag:s8], $0x0  }
0x24: {  	s3 =	sadd.s32 $0x88, s3;
	s6 =	simm.s32 @!p1 $0x1082;
	[sflag:s4] =	ssyncset.s32 $0xFFFFF086  }
0x25: {  	[simem:s6], [sflag:s4] =	dma.local [hbm:s3], $0xF7A  }
0x26: {  	[smem:$0x3F9A] =	sst s1;
	(tag) =	ssettag s2;
	_ =	strace s9  }
0x27: {  	s1 =	sld [smem:$0x3FAA]  }
0x28: {  	s2 =	sld [smem:$0x3FAB]  }
0x29: {  	s4 =	sld [smem:$0x3FAD]  }
0x2a: {  	p0 =	seq.s32 s5, $0x0;
	s5 =	sld [smem:$0x3FAE]  }
0x2b: {  	s6 =	sld [smem:$0x3FAF]  }
0x2c: {  	s7 =	sld [smem:$0x3FB0]  }
0x2d: {  	s3 =	simm.s32 $0x108;
	s8 =	sld [smem:$0x3FB1]  }
0x2e: {  	s3 =	simm.s32 @!p0 $0x1082;
	s9 =	sld [smem:$0x3FB2]  }
0x2f: {  	lr =	sadd.s32 s0, s3;
	s0 =	sld [smem:$0x3FA9]  }
0x30: {  	s3 =	sld [smem:$0x3FAC]  }
0x31: {  	[smem:$0x3FB5] =	sst s10  }
0x32: {  	s10 =	sld [smem:$0x3FB3];
	_ =	sdelay $0x3  }
0x33: {  	p0 =	seq.s32 s10, $0x1;
	s10 =	sld [smem:$0x3FB5];
	_ =	sdelay $0x3  }
0x34: {  	[smem:$0x3FB5] =	sst s10  }
0x35: {  	s10 =	sld [smem:$0x3FB4];
	_ =	sdelay $0x3  }
0x36: {  	p1 =	seq.s32 s10, $0x1;
	s10 =	sld [smem:$0x3FB5];
	_ =	sdelay $0x3  }
0x37: {  	[smem:$0x3FB5] =	sst s10  }
0x38: {  	s10 =	sld [smem:$0x3FB6]  }
0x39: {  	_ = 	snop;
	(pc) =	sbr.ind lr, $3  }
0x3a: {  	_ = 	snop  }
0x3b: {  	_ = 	snop  }
0x3c: {  	p2 =	seq.s32 s10, $0x1;
	s10 =	sld [smem:$0x3FB5]  }
0x3d: {  	_ =	shalt  }
0x3e: {  	_ =	shalt  }
0x3f: {  	_ =	shalt  }
0x40: {  	_ =	shalt  }
0x41: {  	_ =	shalt  }
0x42: {  	_ =	shalt  }
0x43: {  	_ =	shalt  }
0x44: {  	_ =	shalt  }
0x45: {  	_ =	shalt  }
0x46: {  	_ =	shalt  }
0x47: {  	_ =	shalt  }
0x48: {  	_ =	shalt  }
0x49: {  	_ =	shalt  }
0x4a: {  	_ =	shalt  }
0x4b: {  	_ =	shalt  }
0x4c: {  	_ =	shalt  }
0x4d: {  	_ =	shalt  }
0x4e: {  	_ =	shalt  }
0x4f: {  	_ =	shalt  }
0x50: {  	_ =	shalt  }
0x51: {  	_ =	shalt  }
0x52: {  	_ =	shalt  }
0x53: {  	_ =	shalt  }
0x54: {  	_ =	shalt  }
0x55: {  	_ =	shalt  }
0x56: {  	_ =	shalt  }
0x57: {  	_ =	shalt  }
0x58: {  	_ =	shalt  }
0x59: {  	_ =	shalt  }
0x5a: {  	_ =	shalt  }
0x5b: {  	_ =	shalt  }
0x5c: {  	_ =	shalt  }
0x5d: {  	_ =	shalt  }
0x5e: {  	_ =	shalt  }
0x5f: {  	_ =	shalt  }
0x60: {  	_ =	shalt  }
0x61: {  	_ =	shalt  }
0x62: {  	_ =	shalt  }
0x63: {  	_ =	shalt  }
0x64: {  	_ =	shalt  }
0x65: {  	_ =	shalt  }
0x66: {  	_ =	shalt  }
0x67: {  	_ =	shalt  }
0x68: {  	_ =	shalt  }
0x69: {  	_ =	shalt  }
0x6a: {  	_ =	shalt  }
0x6b: {  	_ =	shalt  }
0x6c: {  	_ =	shalt  }
0x6d: {  	_ =	shalt  }
0x6e: {  	_ =	shalt  }
0x6f: {  	_ =	shalt  }
0x70: {  	_ =	shalt  }
0x71: {  	_ =	shalt  }
0x72: {  	_ =	shalt  }
0x73: {  	_ =	shalt  }
0x74: {  	_ =	shalt  }
0x75: {  	_ =	shalt  }
0x76: {  	_ =	shalt  }
0x77: {  	_ =	shalt  }
0x78: {  	_ =	shalt  }
0x79: {  	_ =	shalt  }
0x7a: {  	_ =	shalt  }
0x7b: {  	_ =	shalt  }
0x7c: {  	_ =	shalt  }
0x7d: {  	_ =	shalt  }
0x7e: {  	_ =	shalt  }
0x7f: {  	_ =	shalt  }
0x80: {  	_ =	shalt  }
0x81: {  	_ =	shalt  }
0x82: {  	_ =	shalt  }
0x83: {  	_ =	shalt  }
0x84: {  	_ =	shalt  }
0x85: {  	_ =	shalt  }
0x86: {  	_ =	shalt  }
0x87: {  	_ =	shalt  }
.Lfunc_end0:
.L_simem_size_0:
called_computation_lowered:
.L_overlay_start_0:
0x88: {  	s2 =	sld [smem:$0x3FD9]  }
0x89: {  	s3 =	sld [smem:$0x3FFE];
	_ =	sdelay $0x1  }
0x8a: {  	s1 =	srdreg.scid  }
0x8b: {  	s0 =	sand.u32 $0x1, s1  }
0x8c: {  	s17 =	sshll.u32 s0, $0xA;
	s2 =	sadd.s32 s3, s2  }
0x8d: {  	s2 =	sadd.s32 s2, s17  }
0x8e: {  	[smem:$0x3FC1] =	sst s2  }
0x8f: {  	_ = 	snop  }
0x90: {  	s2 =	sld [smem:$0x3FD0];
	(tm) =	ssettm $0x1  }
0x91: {  	s18 =	sld [smem:$0x3FFB];
	_ =	sdelay $0x3  }
0x92: {  	_ =	strace s18  }
0x93: {  	s3 =	sld [smem:$0x3FFC];
	_ =	sdelay $0x3  }
0x94: {  	_ =	strace s3  }
0x95: {  	s3 =	sld [smem:$0x3FFD];
	_ =	sdelay $0x3  }
0x96: {  	_ =	strace s3  }
0x97: {  	_ =	strace $0x8FFFFFFF  }
0x98: {  	s19 =	sld [smem:$0x3FDB];
	_ =	sdelay $0x1  }
0x99: {  	s4 =	simm.s32 $_scs_section_size  }
0x9a: {  	s5 =	simm.s32 $_size__tile_overlayer_lowered;
	s6 =	simm.s32 $_tile_overlayer_lowered  }
0x9b: {  	s22 =	simm.s32 $0x1BFF;
	s21 =	sshll.u32 s6, $0x1;
	s3 =	sadd.s32 s4, s19  }
0x9c: {  	s7 =	simm.s32 $0x0;
	s20 =	sshll.u32 s5, $0x1;
	s5 =	sadd.s32 s21, s3  }
0x9d: {  	[timem:s7], [sflag:s22] =	dma.local [hbm:s5], s20  }
0x9e: {  	_ =	swait.ge [sflag:s22], s20  }
0x9f: {  	s4 =	ssub.s32 $0x0, s20;
	[sflag:s22] =	ssyncset.done $0x0  }
0xa0: {  	[sflag:s22] =	ssyncadd.s32 s4;
	_ =	sdelay $0x1  }
0xa1: {  	s23 =	simm.s32 $0x1B8B  }
0xa2: {  	_ =	swait.ge [sflag:s23], $0x1  }
0xa3: {  	[sflag:s23] =	ssyncset.done $0x0  }
0xa4: {  	s25 =	simm.s32 $0x1B8E;
	s24 =	sld [smem:$0x3FFE];
	[sflag:s23] =	ssyncadd.s32 $0xFFFFFFFF  }
0xa5: {  	s26 =	simm.s32 $execute0_lowered;
	[smem:$0x3FD2] =	sst s25  }
0xa6: {  	s5 =	sshll.u32 s26, $0x1;
	_ =	strace $0x80000046;
	[dreg:$0x1] =	wrdreg $0xFFFFFFFF  }
0xa7: {  	s28 =	simm.s32 $_size_execute0_lowered;
	s3 =	sadd.s32 s3, s5;
	[dreg:$0x0] =	wrdreg $0x0  }
0xa8: {  	s5 =	sshll.u32 s28, $0x1;
	[dreg:$0x2] =	wrdreg s3  }
0xa9: {  	[dreg:$0x3] =	wrdreg s5  }
0xaa: {  	[dreg:$0x4] =	wrdreg $0xC0  }
0xab: {  	_ =	task [dreg:s7], $0x5FFFF  }
0xac: {  	[dreg:$0x1] =	wrdreg $0xFFFFFFFF  }
0xad: {  	[dreg:$0x0] =	wrdreg $0x60  }
0xae: {  	[dreg:$0x2] =	wrdreg s2  }
0xaf: {  	[dreg:$0x3] =	wrdreg s24  }
0xb0: {  	[dreg:$0x4] =	wrdreg $0x7E000  }
0xb1: {  	[dreg:$0x5] =	wrdreg $0x9  }
0xb2: {  	_ =	task.clear_ibuf [dreg:s7], $0x6FFFF;
	_ =	strace $0x90000046  }
0xb3: {  	s29 =	simm.s32 $0x9;
	_ =	strace $0x80000048  }
0xb4: {  	_ =	swait.ge [sflag:s29], $0x1  }
0xb5: {  	[sflag:s29] =	ssyncadd.s32 $0xFFFFFFFF  }
0xb6: {  	_ =	strace $0x90000048  }
0xb7: {  	_ =	sfence  }
0xb8: {  	s30 =	sld [smem:$0x0];
	_ =	sdelay $0x2  }
0xb9: {  	s31 =	sshll.u32 s1, $0xD;
	s1 =	sshrl.u32 s1, $0x2  }
0xba: {  	s3 =	sand.u32 $0x4000, s31;
	s1 =	sadd.s32 s1, s30  }
0xbb: {  	s0 =	sor.u32 s3, s0;
	s1 =	sshll.u32 s1, $0x11  }
0xbc: {  	s0 =	sor.u32 s1, s0  }
0xbd: {  	s0 =	sadd.s32 $0x8F2B, s0  }
0xbe: {  	[sflag:s0] =	ssyncadd.remote.s32 $0x1  }
0xbf: {  	_ =	sfence.sel $0xFFFF  }
0xc0: {  	[dreg:$0x0] =	wrdreg $0xFFFFFFFF;
	(pc) =	sbr.abs _section_cstart, $3  }
0xc1: {  	[dreg:$0x1] =	wrdreg $0xFFFFFFFF  }
0xc2: {  	_ =	task.clear_ibuf [dreg:s7], $0x2FFFF;
	_ =	strace $0x9FFFFFFF  }
0xc3: {  	(tm) =	ssettm $0x7FFFFFFF  }
tec
execute0_lowered:
.L_overlay_start_1:
0x0: {  	(tag) =	ssettag $0x1  }
0x1: {  	s1 =	rddreg [dreg:$0x0]  }
0x2: {  	s0 =	rddreg [dreg:$0x1]  }
0x3: {  	s2 =	rddreg [dreg:$0x2];
	s4 =	srdreg.scid;
	s3 =	simm.s32 $0x0  }
0x4: {  	s11 =	stileid.u32;
	s4 =	sand.u32 $0x1, s4;
	[smem:$0x7FF] =	sst s3  }
0x5: {  	s29 =	sadd.s32 $0xBC00, s0;
	s30 =	sadd.s32 $0x1E00, s0;
	s25 =	smul.u32 $0xA000, s11  }
0x6: {  	s6 =	sadd.s32 $0x15A00, s0;
	p0 =	slt.u32 s11, $0xD;
	s28 =	smul.u32 $0x2710, s11  }
0x7: {  	s15 =	smul.u32 $0x2800, s11;
	s5 =	sshll.u32 s4, $0x4;
	_ =	strace $0x80000047  }
0x8: {  	s7 =	ssub.s32 $0x2, s4;
	s9 =	smul.u32 $0x27100, s4;
	[dreg:$0x4] =	wrdreg s29  }
0x9: {  	s4 =	smul.u32 $0x138800, s4;
	[dreg:$0x5] =	wrdreg s30;
	s5 =	sor.u32 s11, s5  }
0xa: {  	s8 =	sshrl.u32 s7, $0x1;
	s13 =	sshrl.u32 s25, $0x2;
	s11 =	simm.s32 $0xA  }
0xb: {  	s5 =	smul.u32 $0x2710, s5;
	s0 =	ssub.s32 s7, s8;
	s7 =	simm.s32 $0x8  }
0xc: {  	s14 =	sadd.s32 s28, s9;
	s2 =	sadd.s32 s13, s2;
	s4 =	sadd.s32 s15, s4  }
0xd: {  	s9 =	simm.s32 $0x8;
	s13 =	simm.s32 $0x100;
	[dreg:$0x13] =	wrdreg s2  }
0xe: {  	s15 =	simm.s32 $0x200;
	s7 =	simm.s32 @!p0 $0x7;
	[dreg:$0x14] =	wrdreg s4  }
0xf: {  	s16 =	sadd.s32 $0x370, s14;
	s0 =	smax.u32 s0, $0x1;
	[dreg:$0x6] =	wrdreg s7  }
0x10: {  	s28 =	sadd.s32 $0x1E0, s14;
	s5 =	sshrl.u32 s5, $0x3;
	[dreg:$0x15] =	wrdreg s0  }
0x11: {  	s25 =	sadd.s32 $0x230, s14;
	[dreg:$0x1d] =	wrdreg s28;
	s17 =	sadd.s32 s29, s5  }
0x12: {  	s18 =	sadd.s32 $0xA, s5;
	s19 =	sadd.s32 s30, s5;
	[dreg:$0x7] =	wrdreg s17  }
0x13: {  	s2 =	sshrl.u32 s16, $0x3;
	[dreg:$0x8] =	wrdreg s19;
	s20 =	sadd.s32 s29, s18  }
0x14: {  	s21 =	sadd.s32 $0x14, s5;
	s7 =	sadd.s32 s30, s18;
	[dreg:$0x9] =	wrdreg s20  }
0x15: {  	s4 =	sshrl.u32 s25, $0x3;
	s22 =	sadd.s32 s29, s21;
	[dreg:$0xa] =	wrdreg s7  }
0x16: {  	s23 =	sadd.s32 $0x1E, s5;
	s8 =	sadd.s32 s30, s21;
	[dreg:$0xb] =	wrdreg s22  }
0x17: {  	s26 =	sadd.s32 $0x28, s5;
	s24 =	sadd.s32 s29, s23;
	[dreg:$0xc] =	wrdreg s8  }
0x18: {  	s5 =	sadd.s32 $0x32, s5;
	s10 =	sadd.s32 s29, s26;
	[dreg:$0xd] =	wrdreg s24  }
0x19: {  	s16 =	simm.s32 $0x500;
	s12 =	sadd.s32 s29, s5;
	[dreg:$0xf] =	wrdreg s10  }
0x1a: {  	s25 =	simm.s32 $0x0;
	s5 =	sadd.s32 s30, s5;
	[dreg:$0x11] =	wrdreg s12  }
0x1b: {  	s17 =	sadd.s32 $0x320, s14;
	s19 =	sadd.s32 s2, s30;
	[dreg:$0x12] =	wrdreg s5  }
0x1c: {  	s2 =	sadd.s32 s2, s29;
	s21 =	sadd.s32 $0x2D0, s14;
	[dreg:$0x16] =	wrdreg s19  }
0x1d: {  	s7 =	sadd.s32 s30, s23;
	s18 =	sshrl.u32 s17, $0x3;
	[dreg:$0x17] =	wrdreg s2  }
0x1e: {  	s22 =	sshrl.u32 s21, $0x3;
	s23 =	sadd.s32 $0x280, s14;
	s10 =	simm.s32 $0x600  }
0x1f: {  	s17 =	simm.s32 $0x300;
	s19 =	simm.s32 $0x1;
	s8 =	simm.s32 $0x2  }
0x20: {  	s21 =	simm.s32 $0x2E00;
	s12 =	simm.s32 $0x5600;
	s14 =	simm.s32 $0x400  }
0x21: {  	s5 =	simm.s32 $0x5;
	[dreg:$0xe] =	wrdreg s7;
	s7 =	sadd.s32 s30, s26  }
0x22: {  	s20 =	sadd.s32 s18, s30;
	s0 =	sadd.s32 s18, s29;
	[dreg:$0x10] =	wrdreg s7  }
0x23: {  	s2 =	sshrl.u32 s23, $0x3;
	s24 =	sadd.s32 s22, s30;
	[dreg:$0x18] =	wrdreg s20  }
0x24: {  	s18 =	simm.s32 $0x4;
	s23 =	simm.s32 $0x6;
	[dreg:$0x19] =	wrdreg s0  }
0x25: {  	[dreg:$0x1a] =	wrdreg s24;
	s0 =	sadd.s32 s22, s29;
	s26 =	sadd.s32 s2, s30  }
0x26: {  	s31 =	sadd.s32 s2, s29;
	s2 =	sadd.s32 s4, s29;
	s22 =	simm.s32 $0x50  }
0x27: {  	s7 =	simm.s32 $0x7;
	s20 =	simm.s32 $0x3;
	[dreg:$0x1b] =	wrdreg s0  }
0x28: {  	v0 =	vimm.f32 $0.0e+00;
	[dreg:$0x1c] =	wrdreg s26;
	s0 =	sadd.s32 s4, s30;
	s4 =	simm.s32 $0x9  }
.LBB2_1:
0x29: {  	[dreg:$0x1e] =	wrdreg s25;
	s24 =	simm.s32 $0x0;
	s25 =	simm.s32 $0x200  }
.LBB2_2:
0x2a: {  	p0 =	sne.s32 s25, $0x9E00;
	[tilespmem:s24+$0x670] =	vst v0  }
0x2b: {  	[tilespmem:s24+$0x600] =	vst v0  }
0x2c: {  	[tilespmem:s24+$0x610] =	vst v0  }
.Ltmp0:
0x2d: {  	[tilespmem:s24+$0x620] =	vst v0;
	(pc) =	sbr.rel @p0 .LBB2_2-.Ltmp0, $4  }
0x2e: {  	[tilespmem:s24+$0x630] =	vst v0  }
0x2f: {  	[tilespmem:s24+$0x640] =	vst v0  }
0x30: {  	[tilespmem:s24+$0x650] =	vst v0  }
0x31: {  	[tilespmem:s24+$0x660] =	vst v0;
	s24 =	sshra.s32 s25, $0x2;
	s25 =	sadd.s32 $0x200, s25  }
0x32: {  	[tilespmem:s24+$0x670] =	vst v0  }
0x33: {  	[tilespmem:s24+$0x600] =	vst v0  }
0x34: {  	[tilespmem:s24+$0x610] =	vst v0  }
0x35: {  	[tilespmem:s24+$0x620] =	vst v0  }
0x36: {  	[tilespmem:s24+$0x630] =	vst v0;
	s28 =	rddreg [dreg:$0x6]  }
0x37: {  	[tilespmem:s24+$0x640] =	vst v0;
	p0 =	sne.s32 s28, $0x1  }
.Ltmp1:
0x38: {  	[tilespmem:s24+$0x650] =	vst v0;
	(pc) =	sbr.rel @!p0 .LBB2_5-.Ltmp1, $4  }
0x39: {  	[tilespmem:s24+$0x660] =	vst v0;
	s25 =	rddreg [dreg:$0x13]  }
0x3a: {  	[spmem:s25] =	stream.linear.scatter [tilespmem:s10], [sflag:$0xA], $0x2800, $0x38;
	[tilespmem:$0x1B680] =	vst v63  }
0x3b: {  	_ =	swait.ge [sflag:s11], $0x2800  }
0x3c: {  	s24 =	sadd.s32 $0xFFFFFFFF, s28;
	[sflag:s11] =	ssyncset.done $0x0  }
.LBB2_4:
0x3d: {  	p1 =	sne.s32 s24, $0x1;
	[sflag:s11] =	ssyncadd.s32 $0xFFFFD800;
	s25 =	sadd.s32 $0x28000, s25  }
.Ltmp2:
0x3e: {  	s24 =	sadd.s32 $0xFFFFFFFF, s24;
	(pc) =	sbr.rel @p1 .LBB2_4-.Ltmp2, $4  }
0x3f: {  	_ = 	snop  }
0x40: {  	[spmem:s25] =	stream.linear.scatter [tilespmem:s10], [sflag:$0xA], $0x2800, $0x38;
	[tilespmem:$0x1B680] =	vst v63  }
0x41: {  	_ =	swait.ge [sflag:s11], $0x2800  }
0x42: {  	[sflag:s11] =	ssyncset.done $0x0  }
.LBB2_5:
0x43: {  	[sflag:s11] =	ssyncadd.s32 $0xFFFFD800  }
0x44: {  	[bflag:$0x0] =	sbarrier.arrive $0xFFFF  }
0x45: {  	s24 =	simm.s32 $0x0;
	s25 =	rddreg [dreg:$0x7]  }
0x46: {  	[tilespmem:s24], [sflag:$0x1] =	stream.linear.gather [hbm4b:s25+s24], $0x50, $0x38;
	[tilespmem:$0x1B680] =	vst v63  }
0x47: {  	s26 =	simm.s32 $0x80;
	s28 =	rddreg [dreg:$0x8]  }
0x48: {  	[tilespmem:s26], [sflag:$0x1] =	stream.linear.gather [hbm4b:s28+s24], $0x50, $0x38;
	[tilespmem:$0x1B680] =	vst v63  }
0x49: {  	s28 =	rddreg [dreg:$0x9]  }
0x4a: {  	[tilespmem:s13], [sflag:$0x2] =	stream.linear.gather [hbm4b:s28+s24], $0x50, $0x38;
	[tilespmem:$0x1B680] =	vst v63  }
0x4b: {  	s26 =	rddreg [dreg:$0xa];
	s28 =	simm.s32 $0x180  }
0x4c: {  	[tilespmem:s28], [sflag:$0x2] =	stream.linear.gather [hbm4b:s26+s24], $0x50, $0x38;
	[tilespmem:$0x1B680] =	vst v63  }
0x4d: {  	s28 =	rddreg [dreg:$0xb]  }
0x4e: {  	[tilespmem:s15], [sflag:$0x3] =	stream.linear.gather [hbm4b:s28+s24], $0x50, $0x38;
	[tilespmem:$0x1B680] =	vst v63  }
0x4f: {  	s26 =	rddreg [dreg:$0xc];
	s28 =	simm.s32 $0x280  }
0x50: {  	[tilespmem:s28], [sflag:$0x3] =	stream.linear.gather [hbm4b:s26+s24], $0x50, $0x38;
	[tilespmem:$0x1B680] =	vst v63  }
0x51: {  	s28 =	rddreg [dreg:$0xd]  }
0x52: {  	[tilespmem:s17], [sflag:$0x4] =	stream.linear.gather [hbm4b:s28+s24], $0x50, $0x38;
	[tilespmem:$0x1B680] =	vst v63  }
0x53: {  	s26 =	rddreg [dreg:$0xe];
	s28 =	simm.s32 $0x380  }
0x54: {  	[tilespmem:s28], [sflag:$0x4] =	stream.linear.gather [hbm4b:s26+s24], $0x50, $0x38;
	[tilespmem:$0x1B680] =	vst v63  }
0x55: {  	_ =	swait.ge [sflag:s19], $0x50  }
0x56: {  	[sflag:s19] =	ssyncset.done $0x0  }
0x57: {  	[sflag:s19] =	ssyncadd.s32 $0xFFFFFFB0  }
0x58: {  	_ =	swait.ge [sflag:s19], $0x50  }
0x59: {  	[sflag:s19] =	ssyncset.done $0x0  }
0x5a: {  	[sflag:s19] =	ssyncadd.s32 $0xFFFFFFB0  }
0x5b: {  	[tilespmem:s10], [sflag:$0x7] =	stream.indirect.gather [hbm4b:s1+s22], $0x80, s24, s22, $0xb8;
	[tilespmem:$0x1B680] =	vst v63  }
0x5c: {  	_ =	swait.ge [sflag:s8], $0x50  }
0x5d: {  	[sflag:s8] =	ssyncset.done $0x0  }
0x5e: {  	[sflag:s8] =	ssyncadd.s32 $0xFFFFFFB0  }
0x5f: {  	_ =	swait.ge [sflag:s8], $0x50  }
0x60: {  	[sflag:s8] =	ssyncset.done $0x0  }
0x61: {  	[sflag:s8] =	ssyncadd.s32 $0xFFFFFFB0  }
0x62: {  	[tilespmem:s21], [sflag:$0x8] =	stream.indirect.gather [hbm4b:s1+s22], $0x80, s13, s22, $0xb8;
	[tilespmem:$0x1B680] =	vst v63  }
0x63: {  	_ =	swait.ge [sflag:s7], $0x2800  }
0x64: {  	[sflag:s7] =	ssyncset.done $0x0  }
0x65: {  	[sflag:s7] =	ssyncadd.s32 $0xFFFFD800  }
0x66: {  	_ =	swait.ge [sflag:s20], $0x50  }
0x67: {  	[sflag:s20] =	ssyncset.done $0x0  }
0x68: {  	[sflag:s20] =	ssyncadd.s32 $0xFFFFFFB0  }
0x69: {  	_ =	swait.ge [sflag:s20], $0x50  }
0x6a: {  	[sflag:s20] =	ssyncset.done $0x0  }
0x6b: {  	[sflag:s20] =	ssyncadd.s32 $0xFFFFFFB0  }
0x6c: {  	[tilespmem:s12], [sflag:$0x9] =	stream.indirect.gather [hbm4b:s1+s22], $0x80, s15, s22, $0xb8;
	[tilespmem:$0x1B680] =	vst v63  }
0x6d: {  	s28 =	rddreg [dreg:$0xf]  }
0x6e: {  	[tilespmem:s14], [sflag:$0x5] =	stream.linear.gather [hbm4b:s28+s24], $0x50, $0x38;
	[tilespmem:$0x1B680] =	vst v63  }
0x6f: {  	s26 =	rddreg [dreg:$0x10];
	s28 =	simm.s32 $0x480  }
0x70: {  	[tilespmem:s28], [sflag:$0x5] =	stream.linear.gather [hbm4b:s26+s24], $0x50, $0x38;
	[tilespmem:$0x1B680] =	vst v63  }
0x71: {  	_ =	swait.ge [sflag:s9], $0x2800  }
0x72: {  	[sflag:s9] =	ssyncset.done $0x0  }
0x73: {  	[sflag:s9] =	ssyncadd.s32 $0xFFFFD800  }
0x74: {  	_ =	swait.ge [sflag:s18], $0x50  }
0x75: {  	[sflag:s18] =	ssyncset.done $0x0  }
0x76: {  	[sflag:s18] =	ssyncadd.s32 $0xFFFFFFB0  }
0x77: {  	_ =	swait.ge [sflag:s18], $0x50  }
0x78: {  	[sflag:s18] =	ssyncset.done $0x0  }
0x79: {  	s28 =	rddreg [dreg:$0x11];
	[sflag:s18] =	ssyncadd.s32 $0xFFFFFFB0  }
0x7a: {  	[tilespmem:s10], [sflag:$0x7] =	stream.indirect.gather [hbm4b:s1+s22], $0x80, s17, s22, $0xb8;
	[tilespmem:$0x1B680] =	vst v63  }
0x7b: {  	s26 =	rddreg [dreg:$0x12]  }
0x7c: {  	[tilespmem:s16], [sflag:$0x6] =	stream.linear.gather [hbm4b:s28+s24], $0x50, $0x38;
	[tilespmem:$0x1B680] =	vst v63  }
0x7d: {  	s25 =	rddreg [dreg:$0x1d];
	s28 =	simm.s32 $0x580  }
0x7e: {  	[tilespmem:s28], [sflag:$0x6] =	stream.linear.gather [hbm4b:s26+s24], $0x50, $0x38;
	[tilespmem:$0x1B680] =	vst v63  }
.LBB2_6:
0x7f: {  	_ =	swait.ge [sflag:s4], $0x2800  }
0x80: {  	[sflag:s4] =	ssyncset.done $0x0  }
0x81: {  	[sflag:s4] =	ssyncadd.s32 $0xFFFFD800  }
0x82: {  	_ =	swait.ge [sflag:s5], $0x50  }
0x83: {  	[sflag:s5] =	ssyncset.done $0x0  }
0x84: {  	[sflag:s5] =	ssyncadd.s32 $0xFFFFFFB0  }
0x85: {  	_ =	swait.ge [sflag:s5], $0x50  }
0x86: {  	[sflag:s5] =	ssyncset.done $0x0  }
0x87: {  	s26 =	sshrl.u32 s25, $0x3;
	[sflag:s5] =	ssyncadd.s32 $0xFFFFFFB0  }
0x88: {  	[tilespmem:s21], [sflag:$0x8] =	stream.indirect.gather [hbm4b:s1+s22], $0x80, s14, s22, $0xb8;
	[tilespmem:$0x1B680] =	vst v63  }
0x89: {  	s28 =	sadd.s32 s29, s26  }
0x8a: {  	[tilespmem:s3], [sflag:$0x1] =	stream.linear.gather [hbm4b:s28+s3], $0x50, $0x38;
	[tilespmem:$0x1B680] =	vst v63  }
0x8b: {  	s26 =	sadd.s32 s30, s26;
	s28 =	simm.s32 $0x80  }
0x8c: {  	[tilespmem:s28], [sflag:$0x1] =	stream.linear.gather [hbm4b:s26+s3], $0x50, $0x38;
	[tilespmem:$0x1B680] =	vst v63  }
0x8d: {  	_ =	swait.ge [sflag:s7], $0x2800  }
0x8e: {  	[sflag:s7] =	ssyncset.done $0x0  }
0x8f: {  	[sflag:s7] =	ssyncadd.s32 $0xFFFFD800  }
0x90: {  	_ =	swait.ge [sflag:s23], $0x50  }
0x91: {  	[sflag:s23] =	ssyncset.done $0x0  }
0x92: {  	[sflag:s23] =	ssyncadd.s32 $0xFFFFFFB0  }
0x93: {  	_ =	swait.ge [sflag:s23], $0x50  }
0x94: {  	[sflag:s23] =	ssyncset.done $0x0  }
0x95: {  	[sflag:s23] =	ssyncadd.s32 $0xFFFFFFB0  }
0x96: {  	[tilespmem:s12], [sflag:$0x9] =	stream.indirect.gather [hbm4b:s1+s22], $0x80, s16, s22, $0xb8;
	[tilespmem:$0x1B680] =	vst v63  }
0x97: {  	s28 =	sadd.s32 s24, s2  }
0x98: {  	[tilespmem:s13], [sflag:$0x2] =	stream.linear.gather [hbm4b:s28+s3], $0x50, $0x38;
	[tilespmem:$0x1B680] =	vst v63  }
0x99: {  	s26 =	sadd.s32 s24, s0;
	s28 =	simm.s32 $0x180  }
0x9a: {  	[tilespmem:s28], [sflag:$0x2] =	stream.linear.gather [hbm4b:s26+s3], $0x50, $0x38;
	[tilespmem:$0x1B680] =	vst v63  }
0x9b: {  	_ =	swait.ge [sflag:s9], $0x2800  }
0x9c: {  	[sflag:s9] =	ssyncset.done $0x0  }
0x9d: {  	[sflag:s9] =	ssyncadd.s32 $0xFFFFD800  }
0x9e: {  	_ =	swait.ge [sflag:s19], $0x50  }
0x9f: {  	[sflag:s19] =	ssyncset.done $0x0  }
0xa0: {  	[sflag:s19] =	ssyncadd.s32 $0xFFFFFFB0  }
0xa1: {  	_ =	swait.ge [sflag:s19], $0x50  }
0xa2: {  	[sflag:s19] =	ssyncset.done $0x0  }
0xa3: {  	[sflag:s19] =	ssyncadd.s32 $0xFFFFFFB0  }
0xa4: {  	[tilespmem:s10], [sflag:$0x7] =	stream.indirect.gather [hbm4b:s1+s22], $0x80, s3, s22, $0xb8;
	[tilespmem:$0x1B680] =	vst v63  }
0xa5: {  	s28 =	sadd.s32 s24, s31  }
0xa6: {  	[tilespmem:s15], [sflag:$0x3] =	stream.linear.gather [hbm4b:s28+s3], $0x50, $0x38;
	[tilespmem:$0x1B680] =	vst v63  }
0xa7: {  	s28 =	rddreg [dreg:$0x1c]  }
0xa8: {  	s26 =	sadd.s32 s24, s28;
	s28 =	simm.s32 $0x280  }
0xa9: {  	[tilespmem:s28], [sflag:$0x3] =	stream.linear.gather [hbm4b:s26+s3], $0x50, $0x38;
	[tilespmem:$0x1B680] =	vst v63  }
0xaa: {  	_ =	swait.ge [sflag:s4], $0x2800  }
0xab: {  	[sflag:s4] =	ssyncset.done $0x0  }
0xac: {  	[sflag:s4] =	ssyncadd.s32 $0xFFFFD800  }
0xad: {  	_ =	swait.ge [sflag:s8], $0x50  }
0xae: {  	[sflag:s8] =	ssyncset.done $0x0  }
0xaf: {  	[sflag:s8] =	ssyncadd.s32 $0xFFFFFFB0  }
0xb0: {  	_ =	swait.ge [sflag:s8], $0x50  }
0xb1: {  	[sflag:s8] =	ssyncset.done $0x0  }
0xb2: {  	s28 =	rddreg [dreg:$0x1b];
	[sflag:s8] =	ssyncadd.s32 $0xFFFFFFB0  }
0xb3: {  	[tilespmem:s21], [sflag:$0x8] =	stream.indirect.gather [hbm4b:s1+s22], $0x80, s13, s22, $0xb8;
	[tilespmem:$0x1B680] =	vst v63  }
0xb4: {  	s26 =	sadd.s32 s24, s28;
	s28 =	rddreg [dreg:$0x1a]  }
0xb5: {  	[tilespmem:s17], [sflag:$0x4] =	stream.linear.gather [hbm4b:s26+s3], $0x50, $0x38;
	[tilespmem:$0x1B680] =	vst v63  }
0xb6: {  	s26 =	sadd.s32 s24, s28;
	s28 =	simm.s32 $0x380  }
0xb7: {  	[tilespmem:s28], [sflag:$0x4] =	stream.linear.gather [hbm4b:s26+s3], $0x50, $0x38;
	[tilespmem:$0x1B680] =	vst v63  }
0xb8: {  	_ =	swait.ge [sflag:s7], $0x2800  }
0xb9: {  	[sflag:s7] =	ssyncset.done $0x0  }
0xba: {  	[sflag:s7] =	ssyncadd.s32 $0xFFFFD800  }
0xbb: {  	_ =	swait.ge [sflag:s20], $0x50  }
0xbc: {  	[sflag:s20] =	ssyncset.done $0x0  }
0xbd: {  	[sflag:s20] =	ssyncadd.s32 $0xFFFFFFB0  }
0xbe: {  	_ =	swait.ge [sflag:s20], $0x50  }
0xbf: {  	[sflag:s20] =	ssyncset.done $0x0  }
0xc0: {  	s28 =	rddreg [dreg:$0x19];
	[sflag:s20] =	ssyncadd.s32 $0xFFFFFFB0  }
0xc1: {  	[tilespmem:s12], [sflag:$0x9] =	stream.indirect.gather [hbm4b:s1+s22], $0x80, s15, s22, $0xb8;
	[tilespmem:$0x1B680] =	vst v63  }
0xc2: {  	s26 =	sadd.s32 s24, s28;
	s28 =	rddreg [dreg:$0x18]  }
0xc3: {  	[tilespmem:s14], [sflag:$0x5] =	stream.linear.gather [hbm4b:s26+s3], $0x50, $0x38;
	[tilespmem:$0x1B680] =	vst v63  }
0xc4: {  	s26 =	sadd.s32 s24, s28;
	s28 =	simm.s32 $0x480  }
0xc5: {  	[tilespmem:s28], [sflag:$0x5] =	stream.linear.gather [hbm4b:s26+s3], $0x50, $0x38;
	[tilespmem:$0x1B680] =	vst v63  }
0xc6: {  	_ =	swait.ge [sflag:s9], $0x2800  }
0xc7: {  	[sflag:s9] =	ssyncset.done $0x0  }
0xc8: {  	[sflag:s9] =	ssyncadd.s32 $0xFFFFD800  }
0xc9: {  	_ =	swait.ge [sflag:s18], $0x50  }
0xca: {  	p1 =	seq.s32 s24, $0x474;
	[sflag:s18] =	ssyncset.done $0x0  }
.Ltmp3:
0xcb: {  	[sflag:s18] =	ssyncadd.s32 $0xFFFFFFB0;
	(pc) =	sbr.rel @p1 .LBB2_8-.Ltmp3, $4  }
0xcc: {  	_ =	swait.ge [sflag:s18], $0x50  }
0xcd: {  	[sflag:s18] =	ssyncset.done $0x0  }
0xce: {  	[sflag:s18] =	ssyncadd.s32 $0xFFFFFFB0  }
0xcf: {  	[tilespmem:s10], [sflag:$0x7] =	stream.indirect.gather [hbm4b:s1+s22], $0x80, s17, s22, $0xb8;
	[tilespmem:$0x1B680] =	vst v63  }
.Ltmp4:
0xd0: {  	s26 =	rddreg [dreg:$0x17];
	(pc) =	sbr.rel .LBB2_6-.Ltmp4, $4  }
0xd1: {  	s28 =	rddreg [dreg:$0x16];
	s25 =	sadd.s32 $0x1E0, s25;
	s26 =	sadd.s32 s24, s26  }
0xd2: {  	[tilespmem:s16], [sflag:$0x6] =	stream.linear.gather [hbm4b:s26+s3], $0x50, $0x38;
	[tilespmem:$0x1B680] =	vst v63  }
0xd3: {  	s26 =	sadd.s32 s24, s28;
	s28 =	simm.s32 $0x580;
	s24 =	sadd.s32 $0x3C, s24  }
0xd4: {  	[tilespmem:s28], [sflag:$0x6] =	stream.linear.gather [hbm4b:s26+s3], $0x50, $0x38;
	[tilespmem:$0x1B680] =	vst v63  }
.LBB2_8:
0xd5: {  	_ =	swait.ge [sflag:s4], $0x2800  }
0xd6: {  	[sflag:s4] =	ssyncset.done $0x0  }
0xd7: {  	[sflag:s4] =	ssyncadd.s32 $0xFFFFD800  }
0xd8: {  	_ =	swait.ge [sflag:s5], $0x50  }
0xd9: {  	[sflag:s5] =	ssyncset.done $0x0  }
0xda: {  	[sflag:s5] =	ssyncadd.s32 $0xFFFFFFB0  }
0xdb: {  	_ =	swait.ge [sflag:s5], $0x50  }
0xdc: {  	[sflag:s5] =	ssyncset.done $0x0  }
0xdd: {  	[sflag:s5] =	ssyncadd.s32 $0xFFFFFFB0  }
0xde: {  	[tilespmem:s21], [sflag:$0x8] =	stream.indirect.gather [hbm4b:s1+s22], $0x80, s14, s22, $0xb8;
	[tilespmem:$0x1B680] =	vst v63  }
0xdf: {  	_ =	swait.ge [sflag:s7], $0x2800  }
0xe0: {  	[sflag:s7] =	ssyncset.done $0x0  }
0xe1: {  	[sflag:s7] =	ssyncadd.s32 $0xFFFFD800  }
0xe2: {  	_ =	swait.ge [sflag:s9], $0x2800  }
0xe3: {  	[sflag:s9] =	ssyncset.done $0x0  }
0xe4: {  	[sflag:s9] =	ssyncadd.s32 $0xFFFFD800  }
0xe5: {  	s24 =	stileid.u32;
	[bflag:$0x0] =	sbarrier.arrive $0xFFFF  }
0xe6: {  	s24 =	sshll.u32 s24, $0x6;
	s29 =	rddreg [dreg:$0x14]  }
.Ltmp5:
0xe7: {  	s28 =	rddreg [dreg:$0x13];
	s25 =	sshrl.u32 s29, $0x3;
	(pc) =	sbr.rel @!p0 .LBB2_10-.Ltmp5, $4  }
0xe8: {  	s24 =	sor.u32 $0x1C0A, s24;
	s26 =	sshrl.u32 s28, $0x3;
	s25 =	sadd.s32 s6, s25  }
0xe9: {  	[hbm:s25], [sflag:s24] =	dma.local [spmem:s26], $0x500  }
0xea: {  	s25 =	rddreg [dreg:$0x6]  }
0xeb: {  	s26 =	sadd.s32 $0x28000, s29;
	s25 =	sadd.s32 $0xFFFFFFFF, s25  }
.LBB2_9:
0xec: {  	_ =	swait.ge [sflag:s11], $0x500  }
0xed: {  	s28 =	sadd.s32 $0x28000, s28;
	s29 =	sshrl.u32 s26, $0x3;
	p0 =	sne.s32 s25, $0x1  }
.Ltmp6:
0xee: {  	s30 =	sshrl.u32 s28, $0x3;
	[sflag:s11] =	ssyncset.done $0x0;
	(pc) =	sbr.rel @p0 .LBB2_9-.Ltmp6, $4  }
0xef: {  	s29 =	sadd.s32 s6, s29;
	[sflag:s11] =	ssyncadd.s32 $0xFFFFFB00  }
0xf0: {  	[hbm:s29], [sflag:s24] =	dma.local [spmem:s30], $0x500  }
0xf1: {  	s25 =	sadd.s32 $0xFFFFFFFF, s25  }
0xf2: {  	s26 =	sadd.s32 $0x28000, s26  }
.LBB2_10:
0xf3: {  	_ =	swait.ge [sflag:s11], $0x500  }
0xf4: {  	s25 =	rddreg [dreg:$0x1e]  }
0xf5: {  	s24 =	rddreg [dreg:$0x15];
	s25 =	sadd.s32 $0x1, s25  }
0xf6: {  	p0 =	sne.s32 s25, s24  }
.Ltmp7:
0xf7: {  	_ = 	snop;
	(pc) =	sbr.rel @p0 .LBB2_1-.Ltmp7, $3  }
0xf8: {  	_ =	sdelay $0x1  }
0xf9: {  	[sflag:s11] =	ssyncset.done $0x0;
	s29 =	rddreg [dreg:$0x4]  }
0xfa: {  	s30 =	rddreg [dreg:$0x5];
	[sflag:s11] =	ssyncadd.s32 $0xFFFFFB00  }
0xfb: {  	_ =	sfence.sel $0x180000  }
0xfc: {  	[bflag:$0x0] =	sbarrier.arrive $0xFFFF  }
0xfd: {  	_ =	strace $0x90000047  }
0xfe: {  	s0 =	stileid.u32;
	[bflag:$0x2] =	sbarrier.arrive $0xFFFF  }
0xff: {  	p0 =	sne.s32 s0, $0x0;
	s0 =	rddreg [dreg:$0x3]  }
0x100: {  	s0 =	sadd.s32 @!p0 $0x100000, s0  }
0x101: {  	[sflag:s0] =	ssyncadd.tile.s32 @!p0 $0x1;
	_ =	shalt  }
.Lfunc_end2:
_tile_overlayer_lowered:
.L_overlay_start_2:
0x102: {  	(tag) =	ssettag $0x2  }
0x103: {  	s0 =	rddreg [dreg:$0x0];
	s2 =	stileid.u32  }
0x104: {  	s1 =	rddreg [dreg:$0x1];
	p0 =	sne.s32 s2, $0x0  }
0x105: {  	s3 =	rddreg [dreg:$0x2];
	[bflag:$0x3] =	sbarrier.arrive $0xFFFF;
	s2 =	simm.s32 @!p0 $0x1C0A  }
0x106: {  	[timem:s3], [sflag:s2] =	dma.local @!p0 [hbm:s0], s1  }
0x107: {  	s0 =	simm.s32 @!p0 $0xA  }
0x108: {  	_ =	swait.ge @!p0 [sflag:s0], s1  }
0x109: {  	s1 =	ssub.s32 @!p0 $0x0, s1;
	[sflag:s0] =	ssyncset.done @!p0 $0x0  }
0x10a: {  	[sflag:s0] =	ssyncadd.s32 @!p0 s1  }
0x10b: {  	[bflag:$0x3] =	sbarrier.arrive $0xFFFF  }
0x10c: {  	_ =	shalt  }

</sc_bundles>
